<compile_context>
chip_gen: v7x
topology: tpu7x:2x2x1
jax: 0.10.2.dev20260603
libtpu: 0.0.44.dev20260713+nightly
codegen_flags: <defaults>
</compile_context>

<pallas_src>
import functools

import jax
import jax.numpy as jnp
from jax import lax
from jax.experimental import pallas as pl
from jax.experimental.pallas import tpu as pltpu
from jax.experimental.pallas import tpu_sc as plsc

VOCAB = 1000000
N_WORD = 64
B = 4096
L = 50

_NC = 2
_NS = 16
_NW = _NC * _NS

_TOTAL = B * L
_PER_W = _TOTAL // _NW
_BCHUNK = 16
_CHUNK = _BCHUNK * L
_NSTEP = _PER_W // _CHUNK


def _make_gather():
  mesh = plsc.VectorSubcoreMesh(core_axis_name="c", subcore_axis_name="s")

  @functools.partial(
      pl.kernel,
      mesh=mesh,
      out_type=jax.ShapeDtypeStruct((_TOTAL, N_WORD), jnp.float32),
      scratch_types=[
          pltpu.VMEM((_CHUNK,), jnp.int32),
          pltpu.VMEM((_CHUNK, N_WORD), jnp.float32),
          pltpu.SemaphoreType.DMA,
      ],
  )
  def emb_gather(idx_hbm, table_hbm, out_hbm, idx_v, rows_v, sem):
    wid = lax.axis_index("s") * _NC + lax.axis_index("c")
    row_base = wid * _PER_W

    for j in range(_NSTEP):
      off = row_base + j * _CHUNK
      pltpu.sync_copy(idx_hbm.at[pl.ds(off, _CHUNK)], idx_v)

      def issue_group(g, _):
        v = idx_v[pl.ds(g * 16, 16)]
        for k in range(16):
          pltpu.async_copy(
              table_hbm.at[pl.ds(v[k], 1)],
              rows_v.at[pl.ds(g * 16 + k, 1)],
              sem,
          )
        return _
      lax.fori_loop(0, _CHUNK // 16, issue_group, 0)

      pltpu.make_async_copy(
          out_hbm.at[pl.ds(off, _CHUNK)], rows_v, sem).wait()
      pltpu.sync_copy(rows_v, out_hbm.at[pl.ds(off, _CHUNK)])

  return emb_gather


_gather = _make_gather()


@jax.jit
def kernel(val_tok, embedding_weight):
  idx = val_tok.reshape(-1).astype(jnp.int32)
  out = _gather(idx, embedding_weight)
  return out.reshape(B, L, N_WORD)

# --- scband reference (transcript-rebuilt; emitter-appended) ---
"""Pipeline reference for scband-word-embedding-32641751450075 (READ-ONLY COPY).

The authoritative reference and input builder live on the scoring server;
editing this copy changes nothing except your own understanding.
"""

import jax, jax.numpy as jnp
import numpy as np

VOCAB = 1000000
N_WORD = 64
B = 4096
L = 50

def setup_inputs(seed: int = 0) -> dict:
    key = jax.random.key(seed)
    k_idx, k_tab = jax.random.split(key)
    val_tok = jax.random.randint(k_idx, (B, L), 0, VOCAB, dtype=jnp.int64 if jax.config.jax_enable_x64 else jnp.int32)
    embedding_weight = jax.random.normal(k_tab, (VOCAB, N_WORD), dtype=jnp.float32) * 0.1
    return {"val_tok": val_tok, "embedding_weight": embedding_weight}

def reference(val_tok, embedding_weight):
    # Core of WordEmbedding.gen_x_batch (trainable path):
    #   val_inp_var = self.embedding(val_tok_var)
    # i.e. an embedding-table gather: out[b, t, :] = W[val_tok[b, t], :]
    val_inp = jnp.take(embedding_weight, val_tok, axis=0)
    return val_inp

if __name__ == "__main__":
    import jax
    _d = setup_inputs()
    print(jax.jit(kernel)(*tuple(_d.values())))

</pallas_src>

<mosaic_0001>
#map = affine_map<(d0, d1) -> (0)>
#map1 = affine_map<(d0, d1) -> (0, 0)>
module attributes {stable_mosaic.version = 14 : i64} {
  func.func @emb_gather(%arg0: i32, %arg1: i32, %arg2: memref<204800xi32, #tpu.memory_space<hbm>>, %arg3: memref<1000000x64xf32, #tpu.memory_space<hbm>>, %arg4: memref<204800x64xf32, #tpu.memory_space<hbm>>, %arg5: memref<800xi32, #tpu.memory_space<vmem>>, %arg6: memref<800x64xf32, #tpu.memory_space<vmem>>, %arg7: memref<!tpu.dma_semaphore, #tpu.memory_space<semaphore_mem>>) attributes {dimension_semantics = [#tpu.dimension_semantics<core_parallel>, #tpu.dimension_semantics<subcore_parallel>], iteration_bounds = array<i64: 2, 16>, scalar_prefetch = 0 : i64, scratch_operands = 3 : i64, tpu.core_type = #tpu.core_type<sc_vector_subcore>, window_params = [{transform_indices = #map}, {transform_indices = #map1}, {transform_indices = #map1}]} {
    %mul3A = arith.constant 2 : i32
    %mul3A_0 = arith.muli %arg1, %mul3A : i32
    %add3A = arith.addi %mul3A_0, %arg0 : i32
    %mul3A_1 = arith.constant 6400 : i32
    %mul3A_2 = arith.muli %add3A, %mul3A_1 : i32
    %add3A_3 = arith.constant 0 : i32
    %add3A_4 = arith.addi %mul3A_2, %add3A_3 : i32
    "tpu.region"() ({
      %run_scoped3A = tpu.sem_alloc : memref<!tpu.dma_semaphore, #tpu.memory_space<semaphore_mem>>
      %dma_start3A = tpu.memref_slice %arg2[%add3A_4] : memref<204800xi32, #tpu.memory_space<hbm>> -> memref<800xi32, #tpu.memory_space<hbm>>
      %dma_start3A_97 = tpu.memref_slice %arg2[%add3A_4] : memref<204800xi32, #tpu.memory_space<hbm>> -> memref<800xi32, #tpu.memory_space<hbm>>
      tpu.enqueue_dma source(%dma_start3A_97 : memref<800xi32, #tpu.memory_space<hbm>>) target(%arg5 : memref<800xi32, #tpu.memory_space<vmem>>) target_semaphore(%run_scoped3A : memref<!tpu.dma_semaphore, #tpu.memory_space<semaphore_mem>>)
      %dma_wait3A_98 = tpu.memref_slice %arg2[%add3A_4] : memref<204800xi32, #tpu.memory_space<hbm>> -> memref<800xi32, #tpu.memory_space<hbm>>
      %dma_wait3A_99 = tpu.memref_slice %arg2[%add3A_4] : memref<204800xi32, #tpu.memory_space<hbm>> -> memref<800xi32, #tpu.memory_space<hbm>>
      tpu.wait_dma2 semaphore(%run_scoped3A : memref<!tpu.dma_semaphore, #tpu.memory_space<semaphore_mem>>) src(%dma_wait3A_99 : memref<800xi32, #tpu.memory_space<hbm>>) dst(%arg5 : memref<800xi32, #tpu.memory_space<vmem>>)
      tpu.yield
    }) : () -> ()
    %scan3A = arith.constant 0 : i32
    %scan3A_5 = arith.constant 0 : i32
    %scan3A_6 = arith.constant 50 : i32
    %scan3A_7 = arith.addi %scan3A_5, %scan3A_6 : i32
    %scan3A_8 = arith.constant 1 : i32
    scf.for %scan3A_97 = %scan3A_5 to %scan3A_7 step %scan3A_8  : i32 {
      %mul3A_98 = arith.constant 16 : i32
      %mul3A_99 = arith.muli %scan3A_97, %mul3A_98 : i32
      %get3A = arith.index_cast %mul3A_99 : i32 to index
      %get3A_100 = tpu.vector_load %arg5[%get3A] {strides = array<i32>} : memref<800xi32, #tpu.memory_space<vmem>>, vector<16xi32>,
      %get3A_101 = vector.shape_cast %get3A_100 : vector<16xi32> to vector<16xi32>
      %slice3A = vector.extract_strided_slice %get3A_101 {offsets = [0], sizes = [1], strides = [1]} : vector<16xi32> to vector<1xi32>
      %squeeze3A = vector.extract %slice3A[0] : i32 from vector<1xi32>
      %mul3A_102 = arith.constant 16 : i32
      %mul3A_103 = arith.muli %scan3A_97, %mul3A_102 : i32
      %add3A_104 = arith.constant 0 : i32
      %add3A_105 = arith.addi %mul3A_103, %add3A_104 : i32
      %dma_start3A = arith.constant 0 : i32
      %dma_start3A_106 = tpu.memref_slice %arg6[%add3A_105, %dma_start3A] : memref<800x64xf32, #tpu.memory_space<vmem>> -> memref<1x64xf32, #tpu.memory_space<vmem>>
      %dma_start3A_107 = arith.constant 0 : i32
      %dma_start3A_108 = tpu.memref_slice %arg3[%squeeze3A, %dma_start3A_107] : memref<1000000x64xf32, #tpu.memory_space<hbm>> -> memref<1x64xf32, #tpu.memory_space<hbm>>
      %dma_start3A_109 = arith.constant 0 : i32
      %dma_start3A_110 = tpu.memref_slice %arg6[%add3A_105, %dma_start3A_109] : memref<800x64xf32, #tpu.memory_space<vmem>> -> memref<1x64xf32, #tpu.memory_space<vmem>>
      %dma_start3A_111 = arith.constant 0 : i32
      %dma_start3A_112 = tpu.memref_slice %arg3[%squeeze3A, %dma_start3A_111] : memref<1000000x64xf32, #tpu.memory_space<hbm>> -> memref<1x64xf32, #tpu.memory_space<hbm>>
      tpu.enqueue_dma source(%dma_start3A_112 : memref<1x64xf32, #tpu.memory_space<hbm>>) target(%dma_start3A_110 : memref<1x64xf32, #tpu.memory_space<vmem>>) target_semaphore(%arg7 : memref<!tpu.dma_semaphore, #tpu.memory_space<semaphore_mem>>)
      %slice3A_113 = vector.extract_strided_slice %get3A_101 {offsets = [1], sizes = [1], strides = [1]} : vector<16xi32> to vector<1xi32>
      %squeeze3A_114 = vector.extract %slice3A_113[0] : i32 from vector<1xi32>
      %mul3A_115 = arith.constant 16 : i32
      %mul3A_116 = arith.muli %scan3A_97, %mul3A_115 : i32
      %add3A_117 = arith.constant 1 : i32
      %add3A_118 = arith.addi %mul3A_116, %add3A_117 : i32
      %dma_start3A_119 = arith.constant 0 : i32
      %dma_start3A_120 = tpu.memref_slice %arg6[%add3A_118, %dma_start3A_119] : memref<800x64xf32, #tpu.memory_space<vmem>> -> memref<1x64xf32, #tpu.memory_space<vmem>>
      %dma_start3A_121 = arith.constant 0 : i32
      %dma_start3A_122 = tpu.memref_slice %arg3[%squeeze3A_114, %dma_start3A_121] : memref<1000000x64xf32, #tpu.memory_space<hbm>> -> memref<1x64xf32, #tpu.memory_space<hbm>>
      %dma_start3A_123 = arith.constant 0 : i32
      %dma_start3A_124 = tpu.memref_slice %arg6[%add3A_118, %dma_start3A_123] : memref<800x64xf32, #tpu.memory_space<vmem>> -> memref<1x64xf32, #tpu.memory_space<vmem>>
      %dma_start3A_125 = arith.constant 0 : i32
      %dma_start3A_126 = tpu.memref_slice %arg3[%squeeze3A_114, %dma_start3A_125] : memref<1000000x64xf32, #tpu.memory_space<hbm>> -> memref<1x64xf32, #tpu.memory_space<hbm>>
      tpu.enqueue_dma source(%dma_start3A_126 : memref<1x64xf32, #tpu.memory_space<hbm>>) target(%dma_start3A_124 : memref<1x64xf32, #tpu.memory_space<vmem>>) target_semaphore(%arg7 : memref<!tpu.dma_semaphore, #tpu.memory_space<semaphore_mem>>)
      %slice3A_127 = vector.extract_strided_slice %get3A_101 {offsets = [2], sizes = [1], strides = [1]} : vector<16xi32> to vector<1xi32>
      %squeeze3A_128 = vector.extract %slice3A_127[0] : i32 from vector<1xi32>
      %mul3A_129 = arith.constant 16 : i32
      %mul3A_130 = arith.muli %scan3A_97, %mul3A_129 : i32
      %add3A_131 = arith.constant 2 : i32
      %add3A_132 = arith.addi %mul3A_130, %add3A_131 : i32
      %dma_start3A_133 = arith.constant 0 : i32
      %dma_start3A_134 = tpu.memref_slice %arg6[%add3A_132, %dma_start3A_133] : memref<800x64xf32, #tpu.memory_space<vmem>> -> memref<1x64xf32, #tpu.memory_space<vmem>>
      %dma_start3A_135 = arith.constant 0 : i32
      %dma_start3A_136 = tpu.memref_slice %arg3[%squeeze3A_128, %dma_start3A_135] : memref<1000000x64xf32, #tpu.memory_space<hbm>> -> memref<1x64xf32, #tpu.memory_space<hbm>>
      %dma_start3A_137 = arith.constant 0 : i32
      %dma_start3A_138 = tpu.memref_slice %arg6[%add3A_132, %dma_start3A_137] : memref<800x64xf32, #tpu.memory_space<vmem>> -> memref<1x64xf32, #tpu.memory_space<vmem>>
      %dma_start3A_139 = arith.constant 0 : i32
      %dma_start3A_140 = tpu.memref_slice %arg3[%squeeze3A_128, %dma_start3A_139] : memref<1000000x64xf32, #tpu.memory_space<hbm>> -> memref<1x64xf32, #tpu.memory_space<hbm>>
      tpu.enqueue_dma source(%dma_start3A_140 : memref<1x64xf32, #tpu.memory_space<hbm>>) target(%dma_start3A_138 : memref<1x64xf32, #tpu.memory_space<vmem>>) target_semaphore(%arg7 : memref<!tpu.dma_semaphore, #tpu.memory_space<semaphore_mem>>)
      %slice3A_141 = vector.extract_strided_slice %get3A_101 {offsets = [3], sizes = [1], strides = [1]} : vector<16xi32> to vector<1xi32>
      %squeeze3A_142 = vector.extract %slice3A_141[0] : i32 from vector<1xi32>
      %mul3A_143 = arith.constant 16 : i32
      %mul3A_144 = arith.muli %scan3A_97, %mul3A_143 : i32
      %add3A_145 = arith.constant 3 : i32
      %add3A_146 = arith.addi %mul3A_144, %add3A_145 : i32
      %dma_start3A_147 = arith.constant 0 : i32
      %dma_start3A_148 = tpu.memref_slice %arg6[%add3A_146, %dma_start3A_147] : memref<800x64xf32, #tpu.memory_space<vmem>> -> memref<1x64xf32, #tpu.memory_space<vmem>>
      %dma_start3A_149 = arith.constant 0 : i32
      %dma_start3A_150 = tpu.memref_slice %arg3[%squeeze3A_142, %dma_start3A_149] : memref<1000000x64xf32, #tpu.memory_space<hbm>> -> memref<1x64xf32, #tpu.memory_space<hbm>>
      %dma_start3A_151 = arith.constant 0 : i32
      %dma_start3A_152 = tpu.memref_slice %arg6[%add3A_146, %dma_start3A_151] : memref<800x64xf32, #tpu.memory_space<vmem>> -> memref<1x64xf32, #tpu.memory_space<vmem>>
      %dma_start3A_153 = arith.constant 0 : i32
      %dma_start3A_154 = tpu.memref_slice %arg3[%squeeze3A_142, %dma_start3A_153] : memref<1000000x64xf32, #tpu.memory_space<hbm>> -> memref<1x64xf32, #tpu.memory_space<hbm>>
      tpu.enqueue_dma source(%dma_start3A_154 : memref<1x64xf32, #tpu.memory_space<hbm>>) target(%dma_start3A_152 : memref<1x64xf32, #tpu.memory_space<vmem>>) target_semaphore(%arg7 : memref<!tpu.dma_semaphore, #tpu.memory_space<semaphore_mem>>)
      %slice3A_155 = vector.extract_strided_slice %get3A_101 {offsets = [4], sizes = [1], strides = [1]} : vector<16xi32> to vector<1xi32>
      %squeeze3A_156 = vector.extract %slice3A_155[0] : i32 from vector<1xi32>
      %mul3A_157 = arith.constant 16 : i32
      %mul3A_158 = arith.muli %scan3A_97, %mul3A_157 : i32
      %add3A_159 = arith.constant 4 : i32
      %add3A_160 = arith.addi %mul3A_158, %add3A_159 : i32
      %dma_start3A_161 = arith.constant 0 : i32
      %dma_start3A_162 = tpu.memref_slice %arg6[%add3A_160, %dma_start3A_161] : memref<800x64xf32, #tpu.memory_space<vmem>> -> memref<1x64xf32, #tpu.memory_space<vmem>>
      %dma_start3A_163 = arith.constant 0 : i32
      %dma_start3A_164 = tpu.memref_slice %arg3[%squeeze3A_156, %dma_start3A_163] : memref<1000000x64xf32, #tpu.memory_space<hbm>> -> memref<1x64xf32, #tpu.memory_space<hbm>>
      %dma_start3A_165 = arith.constant 0 : i32
      %dma_start3A_166 = tpu.memref_slice %arg6[%add3A_160, %dma_start3A_165] : memref<800x64xf32, #tpu.memory_space<vmem>> -> memref<1x64xf32, #tpu.memory_space<vmem>>
      %dma_start3A_167 = arith.constant 0 : i32
      %dma_start3A_168 = tpu.memref_slice %arg3[%squeeze3A_156, %dma_start3A_167] : memref<1000000x64xf32, #tpu.memory_space<hbm>> -> memref<1x64xf32, #tpu.memory_space<hbm>>
      tpu.enqueue_dma source(%dma_start3A_168 : memref<1x64xf32, #tpu.memory_space<hbm>>) target(%dma_start3A_166 : memref<1x64xf32, #tpu.memory_space<vmem>>) target_semaphore(%arg7 : memref<!tpu.dma_semaphore, #tpu.memory_space<semaphore_mem>>)
      %slice3A_169 = vector.extract_strided_slice %get3A_101 {offsets = [5], sizes = [1], strides = [1]} : vector<16xi32> to vector<1xi32>
      %squeeze3A_170 = vector.extract %slice3A_169[0] : i32 from vector<1xi32>
      %mul3A_171 = arith.constant 16 : i32
      %mul3A_172 = arith.muli %scan3A_97, %mul3A_171 : i32
      %add3A_173 = arith.constant 5 : i32
      %add3A_174 = arith.addi %mul3A_172, %add3A_173 : i32
      %dma_start3A_175 = arith.constant 0 : i32
      %dma_start3A_176 = tpu.memref_slice %arg6[%add3A_174, %dma_start3A_175] : memref<800x64xf32, #tpu.memory_space<vmem>> -> memref<1x64xf32, #tpu.memory_space<vmem>>
      %dma_start3A_177 = arith.constant 0 : i32
      %dma_start3A_178 = tpu.memref_slice %arg3[%squeeze3A_170, %dma_start3A_177] : memref<1000000x64xf32, #tpu.memory_space<hbm>> -> memref<1x64xf32, #tpu.memory_space<hbm>>
      %dma_start3A_179 = arith.constant 0 : i32
      %dma_start3A_180 = tpu.memref_slice %arg6[%add3A_174, %dma_start3A_179] : memref<800x64xf32, #tpu.memory_space<vmem>> -> memref<1x64xf32, #tpu.memory_space<vmem>>
      %dma_start3A_181 = arith.constant 0 : i32
      %dma_start3A_182 = tpu.memref_slice %arg3[%squeeze3A_170, %dma_start3A_181] : memref<1000000x64xf32, #tpu.memory_space<hbm>> -> memref<1x64xf32, #tpu.memory_space<hbm>>
      tpu.enqueue_dma source(%dma_start3A_182 : memref<1x64xf32, #tpu.memory_space<hbm>>) target(%dma_start3A_180 : memref<1x64xf32, #tpu.memory_space<vmem>>) target_semaphore(%arg7 : memref<!tpu.dma_semaphore, #tpu.memory_space<semaphore_mem>>)
      %slice3A_183 = vector.extract_strided_slice %get3A_101 {offsets = [6], sizes = [1], strides = [1]} : vector<16xi32> to vector<1xi32>
      %squeeze3A_184 = vector.extract %slice3A_183[0] : i32 from vector<1xi32>
      %mul3A_185 = arith.constant 16 : i32
      %mul3A_186 = arith.muli %scan3A_97, %mul3A_185 : i32
      %add3A_187 = arith.constant 6 : i32
      %add3A_188 = arith.addi %mul3A_186, %add3A_187 : i32
      %dma_start3A_189 = arith.constant 0 : i32
      %dma_start3A_190 = tpu.memref_slice %arg6[%add3A_188, %dma_start3A_189] : memref<800x64xf32, #tpu.memory_space<vmem>> -> memref<1x64xf32, #tpu.memory_space<vmem>>
      %dma_start3A_191 = arith.constant 0 : i32
      %dma_start3A_192 = tpu.memref_slice %arg3[%squeeze3A_184, %dma_start3A_191] : memref<1000000x64xf32, #tpu.memory_space<hbm>> -> memref<1x64xf32, #tpu.memory_space<hbm>>
      %dma_start3A_193 = arith.constant 0 : i32
      %dma_start3A_194 = tpu.memref_slice %arg6[%add3A_188, %dma_start3A_193] : memref<800x64xf32, #tpu.memory_space<vmem>> -> memref<1x64xf32, #tpu.memory_space<vmem>>
      %dma_start3A_195 = arith.constant 0 : i32
      %dma_start3A_196 = tpu.memref_slice %arg3[%squeeze3A_184, %dma_start3A_195] : memref<1000000x64xf32, #tpu.memory_space<hbm>> -> memref<1x64xf32, #tpu.memory_space<hbm>>
      tpu.enqueue_dma source(%dma_start3A_196 : memref<1x64xf32, #tpu.memory_space<hbm>>) target(%dma_start3A_194 : memref<1x64xf32, #tpu.memory_space<vmem>>) target_semaphore(%arg7 : memref<!tpu.dma_semaphore, #tpu.memory_space<semaphore_mem>>)
      %slice3A_197 = vector.extract_strided_slice %get3A_101 {offsets = [7], sizes = [1], strides = [1]} : vector<16xi32> to vector<1xi32>
      %squeeze3A_198 = vector.extract %slice3A_197[0] : i32 from vector<1xi32>
      %mul3A_199 = arith.constant 16 : i32
      %mul3A_200 = arith.muli %scan3A_97, %mul3A_199 : i32
      %add3A_201 = arith.constant 7 : i32
      %add3A_202 = arith.addi %mul3A_200, %add3A_201 : i32
      %dma_start3A_203 = arith.constant 0 : i32
      %dma_start3A_204 = tpu.memref_slice %arg6[%add3A_202, %dma_start3A_203] : memref<800x64xf32, #tpu.memory_space<vmem>> -> memref<1x64xf32, #tpu.memory_space<vmem>>
      %dma_start3A_205 = arith.constant 0 : i32
      %dma_start3A_206 = tpu.memref_slice %arg3[%squeeze3A_198, %dma_start3A_205] : memref<1000000x64xf32, #tpu.memory_space<hbm>> -> memref<1x64xf32, #tpu.memory_space<hbm>>
      %dma_start3A_207 = arith.constant 0 : i32
      %dma_start3A_208 = tpu.memref_slice %arg6[%add3A_202, %dma_start3A_207] : memref<800x64xf32, #tpu.memory_space<vmem>> -> memref<1x64xf32, #tpu.memory_space<vmem>>
      %dma_start3A_209 = arith.constant 0 : i32
      %dma_start3A_210 = tpu.memref_slice %arg3[%squeeze3A_198, %dma_start3A_209] : memref<1000000x64xf32, #tpu.memory_space<hbm>> -> memref<1x64xf32, #tpu.memory_space<hbm>>
      tpu.enqueue_dma source(%dma_start3A_210 : memref<1x64xf32, #tpu.memory_space<hbm>>) target(%dma_start3A_208 : memref<1x64xf32, #tpu.memory_space<vmem>>) target_semaphore(%arg7 : memref<!tpu.dma_semaphore, #tpu.memory_space<semaphore_mem>>)
      %slice3A_211 = vector.extract_strided_slice %get3A_101 {offsets = [8], sizes = [1], strides = [1]} : vector<16xi32> to vector<1xi32>
      %squeeze3A_212 = vector.extract %slice3A_211[0] : i32 from vector<1xi32>
      %mul3A_213 = arith.constant 16 : i32
      %mul3A_214 = arith.muli %scan3A_97, %mul3A_213 : i32
      %add3A_215 = arith.constant 8 : i32
      %add3A_216 = arith.addi %mul3A_214, %add3A_215 : i32
      %dma_start3A_217 = arith.constant 0 : i32
      %dma_start3A_218 = tpu.memref_slice %arg6[%add3A_216, %dma_start3A_217] : memref<800x64xf32, #tpu.memory_space<vmem>> -> memref<1x64xf32, #tpu.memory_space<vmem>>
      %dma_start3A_219 = arith.constant 0 : i32
      %dma_start3A_220 = tpu.memref_slice %arg3[%squeeze3A_212, %dma_start3A_219] : memref<1000000x64xf32, #tpu.memory_space<hbm>> -> memref<1x64xf32, #tpu.memory_space<hbm>>
      %dma_start3A_221 = arith.constant 0 : i32
      %dma_start3A_222 = tpu.memref_slice %arg6[%add3A_216, %dma_start3A_221] : memref<800x64xf32, #tpu.memory_space<vmem>> -> memref<1x64xf32, #tpu.memory_space<vmem>>
      %dma_start3A_223 = arith.constant 0 : i32
      %dma_start3A_224 = tpu.memref_slice %arg3[%squeeze3A_212, %dma_start3A_223] : memref<1000000x64xf32, #tpu.memory_space<hbm>> -> memref<1x64xf32, #tpu.memory_space<hbm>>
      tpu.enqueue_dma source(%dma_start3A_224 : memref<1x64xf32, #tpu.memory_space<hbm>>) target(%dma_start3A_222 : memref<1x64xf32, #tpu.memory_space<vmem>>) target_semaphore(%arg7 : memref<!tpu.dma_semaphore, #tpu.memory_space<semaphore_mem>>)
      %slice3A_225 = vector.extract_strided_slice %get3A_101 {offsets = [9], sizes = [1], strides = [1]} : vector<16xi32> to vector<1xi32>
      %squeeze3A_226 = vector.extract %slice3A_225[0] : i32 from vector<1xi32>
      %mul3A_227 = arith.constant 16 : i32
      %mul3A_228 = arith.muli %scan3A_97, %mul3A_227 : i32
      %add3A_229 = arith.constant 9 : i32
      %add3A_230 = arith.addi %mul3A_228, %add3A_229 : i32
      %dma_start3A_231 = arith.constant 0 : i32
      %dma_start3A_232 = tpu.memref_slice %arg6[%add3A_230, %dma_start3A_231] : memref<800x64xf32, #tpu.memory_space<vmem>> -> memref<1x64xf32, #tpu.memory_space<vmem>>
      %dma_start3A_233 = arith.constant 0 : i32
      %dma_start3A_234 = tpu.memref_slice %arg3[%squeeze3A_226, %dma_start3A_233] : memref<1000000x64xf32, #tpu.memory_space<hbm>> -> memref<1x64xf32, #tpu.memory_space<hbm>>
      %dma_start3A_235 = arith.constant 0 : i32
      %dma_start3A_236 = tpu.memref_slice %arg6[%add3A_230, %dma_start3A_235] : memref<800x64xf32, #tpu.memory_space<vmem>> -> memref<1x64xf32, #tpu.memory_space<vmem>>
      %dma_start3A_237 = arith.constant 0 : i32
      %dma_start3A_238 = tpu.memref_slice %arg3[%squeeze3A_226, %dma_start3A_237] : memref<1000000x64xf32, #tpu.memory_space<hbm>> -> memref<1x64xf32, #tpu.memory_space<hbm>>
      tpu.enqueue_dma source(%dma_start3A_238 : memref<1x64xf32, #tpu.memory_space<hbm>>) target(%dma_start3A_236 : memref<1x64xf32, #tpu.memory_space<vmem>>) target_semaphore(%arg7 : memref<!tpu.dma_semaphore, #tpu.memory_space<semaphore_mem>>)
      %slice3A_239 = vector.extract_strided_slice %get3A_101 {offsets = [10], sizes = [1], strides = [1]} : vector<16xi32> to vector<1xi32>
      %squeeze3A_240 = vector.extract %slice3A_239[0] : i32 from vector<1xi32>
      %mul3A_241 = arith.constant 16 : i32
      %mul3A_242 = arith.muli %scan3A_97, %mul3A_241 : i32
      %add3A_243 = arith.constant 10 : i32
      %add3A_244 = arith.addi %mul3A_242, %add3A_243 : i32
      %dma_start3A_245 = arith.constant 0 : i32
      %dma_start3A_246 = tpu.memref_slice %arg6[%add3A_244, %dma_start3A_245] : memref<800x64xf32, #tpu.memory_space<vmem>> -> memref<1x64xf32, #tpu.memory_space<vmem>>
      %dma_start3A_247 = arith.constant 0 : i32
      %dma_start3A_248 = tpu.memref_slice %arg3[%squeeze3A_240, %dma_start3A_247] : memref<1000000x64xf32, #tpu.memory_space<hbm>> -> memref<1x64xf32, #tpu.memory_space<hbm>>
      %dma_start3A_249 = arith.constant 0 : i32
      %dma_start3A_250 = tpu.memref_slice %arg6[%add3A_244, %dma_start3A_249] : memref<800x64xf32, #tpu.memory_space<vmem>> -> memref<1x64xf32, #tpu.memory_space<vmem>>
      %dma_start3A_251 = arith.constant 0 : i32
      %dma_start3A_252 = tpu.memref_slice %arg3[%squeeze3A_240, %dma_start3A_251] : memref<1000000x64xf32, #tpu.memory_space<hbm>> -> memref<1x64xf32, #tpu.memory_space<hbm>>
      tpu.enqueue_dma source(%dma_start3A_252 : memref<1x64xf32, #tpu.memory_space<hbm>>) target(%dma_start3A_250 : memref<1x64xf32, #tpu.memory_space<vmem>>) target_semaphore(%arg7 : memref<!tpu.dma_semaphore, #tpu.memory_space<semaphore_mem>>)
      %slice3A_253 = vector.extract_strided_slice %get3A_101 {offsets = [11], sizes = [1], strides = [1]} : vector<16xi32> to vector<1xi32>
      %squeeze3A_254 = vector.extract %slice3A_253[0] : i32 from vector<1xi32>
      %mul3A_255 = arith.constant 16 : i32
      %mul3A_256 = arith.muli %scan3A_97, %mul3A_255 : i32
      %add3A_257 = arith.constant 11 : i32
      %add3A_258 = arith.addi %mul3A_256, %add3A_257 : i32
      %dma_start3A_259 = arith.constant 0 : i32
      %dma_start3A_260 = tpu.memref_slice %arg6[%add3A_258, %dma_start3A_259] : memref<800x64xf32, #tpu.memory_space<vmem>> -> memref<1x64xf32, #tpu.memory_space<vmem>>
      %dma_start3A_261 = arith.constant 0 : i32
      %dma_start3A_262 = tpu.memref_slice %arg3[%squeeze3A_254, %dma_start3A_261] : memref<1000000x64xf32, #tpu.memory_space<hbm>> -> memref<1x64xf32, #tpu.memory_space<hbm>>
      %dma_start3A_263 = arith.constant 0 : i32
      %dma_start3A_264 = tpu.memref_slice %arg6[%add3A_258, %dma_start3A_263] : memref<800x64xf32, #tpu.memory_space<vmem>> -> memref<1x64xf32, #tpu.memory_space<vmem>>
      %dma_start3A_265 = arith.constant 0 : i32
      %dma_start3A_266 = tpu.memref_slice %arg3[%squeeze3A_254, %dma_start3A_265] : memref<1000000x64xf32, #tpu.memory_space<hbm>> -> memref<1x64xf32, #tpu.memory_space<hbm>>
      tpu.enqueue_dma source(%dma_start3A_266 : memref<1x64xf32, #tpu.memory_space<hbm>>) target(%dma_start3A_264 : memref<1x64xf32, #tpu.memory_space<vmem>>) target_semaphore(%arg7 : memref<!tpu.dma_semaphore, #tpu.memory_space<semaphore_mem>>)
      %slice3A_267 = vector.extract_strided_slice %get3A_101 {offsets = [12], sizes = [1], strides = [1]} : vector<16xi32> to vector<1xi32>
      %squeeze3A_268 = vector.extract %slice3A_267[0] : i32 from vector<1xi32>
      %mul3A_269 = arith.constant 16 : i32
      %mul3A_270 = arith.muli %scan3A_97, %mul3A_269 : i32
      %add3A_271 = arith.constant 12 : i32
      %add3A_272 = arith.addi %mul3A_270, %add3A_271 : i32
      %dma_start3A_273 = arith.constant 0 : i32
      %dma_start3A_274 = tpu.memref_slice %arg6[%add3A_272, %dma_start3A_273] : memref<800x64xf32, #tpu.memory_space<vmem>> -> memref<1x64xf32, #tpu.memory_space<vmem>>
      %dma_start3A_275 = arith.constant 0 : i32
      %dma_start3A_276 = tpu.memref_slice %arg3[%squeeze3A_268, %dma_start3A_275] : memref<1000000x64xf32, #tpu.memory_space<hbm>> -> memref<1x64xf32, #tpu.memory_space<hbm>>
      %dma_start3A_277 = arith.constant 0 : i32
      %dma_start3A_278 = tpu.memref_slice %arg6[%add3A_272, %dma_start3A_277] : memref<800x64xf32, #tpu.memory_space<vmem>> -> memref<1x64xf32, #tpu.memory_space<vmem>>
      %dma_start3A_279 = arith.constant 0 : i32
      %dma_start3A_280 = tpu.memref_slice %arg3[%squeeze3A_268, %dma_start3A_279] : memref<1000000x64xf32, #tpu.memory_space<hbm>> -> memref<1x64xf32, #tpu.memory_space<hbm>>
      tpu.enqueue_dma source(%dma_start3A_280 : memref<1x64xf32, #tpu.memory_space<hbm>>) target(%dma_start3A_278 : memref<1x64xf32, #tpu.memory_space<vmem>>) target_semaphore(%arg7 : memref<!tpu.dma_semaphore, #tpu.memory_space<semaphore_mem>>)
      %slice3A_281 = vector.extract_strided_slice %get3A_101 {offsets = [13], sizes = [1], strides = [1]} : vector<16xi32> to vector<1xi32>
      %squeeze3A_282 = vector.extract %slice3A_281[0] : i32 from vector<1xi32>
      %mul3A_283 = arith.constant 16 : i32
      %mul3A_284 = arith.muli %scan3A_97, %mul3A_283 : i32
      %add3A_285 = arith.constant 13 : i32
      %add3A_286 = arith.addi %mul3A_284, %add3A_285 : i32
      %dma_start3A_287 = arith.constant 0 : i32
      %dma_start3A_288 = tpu.memref_slice %arg6[%add3A_286, %dma_start3A_287] : memref<800x64xf32, #tpu.memory_space<vmem>> -> memref<1x64xf32, #tpu.memory_space<vmem>>
      %dma_start3A_289 = arith.constant 0 : i32
      %dma_start3A_290 = tpu.memref_slice %arg3[%squeeze3A_282, %dma_start3A_289] : memref<1000000x64xf32, #tpu.memory_space<hbm>> -> memref<1x64xf32, #tpu.memory_space<hbm>>
      %dma_start3A_291 = arith.constant 0 : i32
      %dma_start3A_292 = tpu.memref_slice %arg6[%add3A_286, %dma_start3A_291] : memref<800x64xf32, #tpu.memory_space<vmem>> -> memref<1x64xf32, #tpu.memory_space<vmem>>
      %dma_start3A_293 = arith.constant 0 : i32
      %dma_start3A_294 = tpu.memref_slice %arg3[%squeeze3A_282, %dma_start3A_293] : memref<1000000x64xf32, #tpu.memory_space<hbm>> -> memref<1x64xf32, #tpu.memory_space<hbm>>
      tpu.enqueue_dma source(%dma_start3A_294 : memref<1x64xf32, #tpu.memory_space<hbm>>) target(%dma_start3A_292 : memref<1x64xf32, #tpu.memory_space<vmem>>) target_semaphore(%arg7 : memref<!tpu.dma_semaphore, #tpu.memory_space<semaphore_mem>>)
      %slice3A_295 = vector.extract_strided_slice %get3A_101 {offsets = [14], sizes = [1], strides = [1]} : vector<16xi32> to vector<1xi32>
      %squeeze3A_296 = vector.extract %slice3A_295[0] : i32 from vector<1xi32>
      %mul3A_297 = arith.constant 16 : i32
      %mul3A_298 = arith.muli %scan3A_97, %mul3A_297 : i32
      %add3A_299 = arith.constant 14 : i32
      %add3A_300 = arith.addi %mul3A_298, %add3A_299 : i32
      %dma_start3A_301 = arith.constant 0 : i32
      %dma_start3A_302 = tpu.memref_slice %arg6[%add3A_300, %dma_start3A_301] : memref<800x64xf32, #tpu.memory_space<vmem>> -> memref<1x64xf32, #tpu.memory_space<vmem>>
      %dma_start3A_303 = arith.constant 0 : i32
      %dma_start3A_304 = tpu.memref_slice %arg3[%squeeze3A_296, %dma_start3A_303] : memref<1000000x64xf32, #tpu.memory_space<hbm>> -> memref<1x64xf32, #tpu.memory_space<hbm>>
      %dma_start3A_305 = arith.constant 0 : i32
      %dma_start3A_306 = tpu.memref_slice %arg6[%add3A_300, %dma_start3A_305] : memref<800x64xf32, #tpu.memory_space<vmem>> -> memref<1x64xf32, #tpu.memory_space<vmem>>
      %dma_start3A_307 = arith.constant 0 : i32
      %dma_start3A_308 = tpu.memref_slice %arg3[%squeeze3A_296, %dma_start3A_307] : memref<1000000x64xf32, #tpu.memory_space<hbm>> -> memref<1x64xf32, #tpu.memory_space<hbm>>
      tpu.enqueue_dma source(%dma_start3A_308 : memref<1x64xf32, #tpu.memory_space<hbm>>) target(%dma_start3A_306 : memref<1x64xf32, #tpu.memory_space<vmem>>) target_semaphore(%arg7 : memref<!tpu.dma_semaphore, #tpu.memory_space<semaphore_mem>>)
      %slice3A_309 = vector.extract_strided_slice %get3A_101 {offsets = [15], sizes = [1], strides = [1]} : vector<16xi32> to vector<1xi32>
      %squeeze3A_310 = vector.extract %slice3A_309[0] : i32 from vector<1xi32>
      %mul3A_311 = arith.constant 16 : i32
      %mul3A_312 = arith.muli %scan3A_97, %mul3A_311 : i32
      %add3A_313 = arith.constant 15 : i32
      %add3A_314 = arith.addi %mul3A_312, %add3A_313 : i32
      %dma_start3A_315 = arith.constant 0 : i32
      %dma_start3A_316 = tpu.memref_slice %arg6[%add3A_314, %dma_start3A_315] : memref<800x64xf32, #tpu.memory_space<vmem>> -> memref<1x64xf32, #tpu.memory_space<vmem>>
      %dma_start3A_317 = arith.constant 0 : i32
      %dma_start3A_318 = tpu.memref_slice %arg3[%squeeze3A_310, %dma_start3A_317] : memref<1000000x64xf32, #tpu.memory_space<hbm>> -> memref<1x64xf32, #tpu.memory_space<hbm>>
      %dma_start3A_319 = arith.constant 0 : i32
      %dma_start3A_320 = tpu.memref_slice %arg6[%add3A_314, %dma_start3A_319] : memref<800x64xf32, #tpu.memory_space<vmem>> -> memref<1x64xf32, #tpu.memory_space<vmem>>
      %dma_start3A_321 = arith.constant 0 : i32
      %dma_start3A_322 = tpu.memref_slice %arg3[%squeeze3A_310, %dma_start3A_321] : memref<1000000x64xf32, #tpu.memory_space<hbm>> -> memref<1x64xf32, #tpu.memory_space<hbm>>
      tpu.enqueue_dma source(%dma_start3A_322 : memref<1x64xf32, #tpu.memory_space<hbm>>) target(%dma_start3A_320 : memref<1x64xf32, #tpu.memory_space<vmem>>) target_semaphore(%arg7 : memref<!tpu.dma_semaphore, #tpu.memory_space<semaphore_mem>>)
    }
    %scan3A_9 = arith.constant 50 : i32
    %dma_wait3A = arith.constant 0 : i32
    %dma_wait3A_10 = tpu.memref_slice %arg4[%add3A_4, %dma_wait3A] : memref<204800x64xf32, #tpu.memory_space<hbm>> -> memref<800x64xf32, #tpu.memory_space<hbm>>
    %dma_wait3A_11 = arith.constant 0 : i32
    %dma_wait3A_12 = tpu.memref_slice %arg4[%add3A_4, %dma_wait3A_11] : memref<204800x64xf32, #tpu.memory_space<hbm>> -> memref<800x64xf32, #tpu.memory_space<hbm>>
    tpu.wait_dma2 semaphore(%arg7 : memref<!tpu.dma_semaphore, #tpu.memory_space<semaphore_mem>>) src(%dma_wait3A_12 : memref<800x64xf32, #tpu.memory_space<hbm>>) dst(%arg6 : memref<800x64xf32, #tpu.memory_space<vmem>>)
    "tpu.region"() ({
      %run_scoped3A = tpu.sem_alloc : memref<!tpu.dma_semaphore, #tpu.memory_space<semaphore_mem>>
      %dma_start3A = arith.constant 0 : i32
      %dma_start3A_97 = tpu.memref_slice %arg4[%add3A_4, %dma_start3A] : memref<204800x64xf32, #tpu.memory_space<hbm>> -> memref<800x64xf32, #tpu.memory_space<hbm>>
      %dma_start3A_98 = arith.constant 0 : i32
      %dma_start3A_99 = tpu.memref_slice %arg4[%add3A_4, %dma_start3A_98] : memref<204800x64xf32, #tpu.memory_space<hbm>> -> memref<800x64xf32, #tpu.memory_space<hbm>>
      tpu.enqueue_dma source(%arg6 : memref<800x64xf32, #tpu.memory_space<vmem>>) target(%dma_start3A_99 : memref<800x64xf32, #tpu.memory_space<hbm>>) target_semaphore(%run_scoped3A : memref<!tpu.dma_semaphore, #tpu.memory_space<semaphore_mem>>)
      %dma_wait3A_100 = arith.constant 0 : i32
      %dma_wait3A_101 = tpu.memref_slice %arg4[%add3A_4, %dma_wait3A_100] : memref<204800x64xf32, #tpu.memory_space<hbm>> -> memref<800x64xf32, #tpu.memory_space<hbm>>
      %dma_wait3A_102 = arith.constant 0 : i32
      %dma_wait3A_103 = tpu.memref_slice %arg4[%add3A_4, %dma_wait3A_102] : memref<204800x64xf32, #tpu.memory_space<hbm>> -> memref<800x64xf32, #tpu.memory_space<hbm>>
      tpu.wait_dma2 semaphore(%run_scoped3A : memref<!tpu.dma_semaphore, #tpu.memory_space<semaphore_mem>>) src(%arg6 : memref<800x64xf32, #tpu.memory_space<vmem>>) dst(%dma_wait3A_103 : memref<800x64xf32, #tpu.memory_space<hbm>>)
      tpu.yield
    }) : () -> ()
    %add3A_13 = arith.constant 800 : i32
    %add3A_14 = arith.addi %mul3A_2, %add3A_13 : i32
    "tpu.region"() ({
      %run_scoped3A = tpu.sem_alloc : memref<!tpu.dma_semaphore, #tpu.memory_space<semaphore_mem>>
      %dma_start3A = tpu.memref_slice %arg2[%add3A_14] : memref<204800xi32, #tpu.memory_space<hbm>> -> memref<800xi32, #tpu.memory_space<hbm>>
      %dma_start3A_97 = tpu.memref_slice %arg2[%add3A_14] : memref<204800xi32, #tpu.memory_space<hbm>> -> memref<800xi32, #tpu.memory_space<hbm>>
      tpu.enqueue_dma source(%dma_start3A_97 : memref<800xi32, #tpu.memory_space<hbm>>) target(%arg5 : memref<800xi32, #tpu.memory_space<vmem>>) target_semaphore(%run_scoped3A : memref<!tpu.dma_semaphore, #tpu.memory_space<semaphore_mem>>)
      %dma_wait3A_98 = tpu.memref_slice %arg2[%add3A_14] : memref<204800xi32, #tpu.memory_space<hbm>> -> memref<800xi32, #tpu.memory_space<hbm>>
      %dma_wait3A_99 = tpu.memref_slice %arg2[%add3A_14] : memref<204800xi32, #tpu.memory_space<hbm>> -> memref<800xi32, #tpu.memory_space<hbm>>
      tpu.wait_dma2 semaphore(%run_scoped3A : memref<!tpu.dma_semaphore, #tpu.memory_space<semaphore_mem>>) src(%dma_wait3A_99 : memref<800xi32, #tpu.memory_space<hbm>>) dst(%arg5 : memref<800xi32, #tpu.memory_space<vmem>>)
      tpu.yield
    }) : () -> ()
    %scan3A_15 = arith.constant 0 : i32
    %scan3A_16 = arith.constant 0 : i32
    %scan3A_17 = arith.constant 50 : i32
    %scan3A_18 = arith.addi %scan3A_16, %scan3A_17 : i32
    %scan3A_19 = arith.constant 1 : i32
    scf.for %scan3A_97 = %scan3A_16 to %scan3A_18 step %scan3A_19  : i32 {
      %mul3A_98 = arith.constant 16 : i32
      %mul3A_99 = arith.muli %scan3A_97, %mul3A_98 : i32
      %get3A = arith.index_cast %mul3A_99 : i32 to index
      %get3A_100 = tpu.vector_load %arg5[%get3A] {strides = array<i32>} : memref<800xi32, #tpu.memory_space<vmem>>, vector<16xi32>,
      %get3A_101 = vector.shape_cast %get3A_100 : vector<16xi32> to vector<16xi32>
      %slice3A = vector.extract_strided_slice %get3A_101 {offsets = [0], sizes = [1], strides = [1]} : vector<16xi32> to vector<1xi32>
      %squeeze3A = vector.extract %slice3A[0] : i32 from vector<1xi32>
      %mul3A_102 = arith.constant 16 : i32
      %mul3A_103 = arith.muli %scan3A_97, %mul3A_102 : i32
      %add3A_104 = arith.constant 0 : i32
      %add3A_105 = arith.addi %mul3A_103, %add3A_104 : i32
      %dma_start3A = arith.constant 0 : i32
      %dma_start3A_106 = tpu.memref_slice %arg6[%add3A_105, %dma_start3A] : memref<800x64xf32, #tpu.memory_space<vmem>> -> memref<1x64xf32, #tpu.memory_space<vmem>>
      %dma_start3A_107 = arith.constant 0 : i32
      %dma_start3A_108 = tpu.memref_slice %arg3[%squeeze3A, %dma_start3A_107] : memref<1000000x64xf32, #tpu.memory_space<hbm>> -> memref<1x64xf32, #tpu.memory_space<hbm>>
      %dma_start3A_109 = arith.constant 0 : i32
      %dma_start3A_110 = tpu.memref_slice %arg6[%add3A_105, %dma_start3A_109] : memref<800x64xf32, #tpu.memory_space<vmem>> -> memref<1x64xf32, #tpu.memory_space<vmem>>
      %dma_start3A_111 = arith.constant 0 : i32
      %dma_start3A_112 = tpu.memref_slice %arg3[%squeeze3A, %dma_start3A_111] : memref<1000000x64xf32, #tpu.memory_space<hbm>> -> memref<1x64xf32, #tpu.memory_space<hbm>>
      tpu.enqueue_dma source(%dma_start3A_112 : memref<1x64xf32, #tpu.memory_space<hbm>>) target(%dma_start3A_110 : memref<1x64xf32, #tpu.memory_space<vmem>>) target_semaphore(%arg7 : memref<!tpu.dma_semaphore, #tpu.memory_space<semaphore_mem>>)
      %slice3A_113 = vector.extract_strided_slice %get3A_101 {offsets = [1], sizes = [1], strides = [1]} : vector<16xi32> to vector<1xi32>
      %squeeze3A_114 = vector.extract %slice3A_113[0] : i32 from vector<1xi32>
      %mul3A_115 = arith.constant 16 : i32
      %mul3A_116 = arith.muli %scan3A_97, %mul3A_115 : i32
      %add3A_117 = arith.constant 1 : i32
      %add3A_118 = arith.addi %mul3A_116, %add3A_117 : i32
      %dma_start3A_119 = arith.constant 0 : i32
      %dma_start3A_120 = tpu.memref_slice %arg6[%add3A_118, %dma_start3A_119] : memref<800x64xf32, #tpu.memory_space<vmem>> -> memref<1x64xf32, #tpu.memory_space<vmem>>
      %dma_start3A_121 = arith.constant 0 : i32
      %dma_start3A_122 = tpu.memref_slice %arg3[%squeeze3A_114, %dma_start3A_121] : memref<1000000x64xf32, #tpu.memory_space<hbm>> -> memref<1x64xf32, #tpu.memory_space<hbm>>
      %dma_start3A_123 = arith.constant 0 : i32
      %dma_start3A_124 = tpu.memref_slice %arg6[%add3A_118, %dma_start3A_123] : memref<800x64xf32, #tpu.memory_space<vmem>> -> memref<1x64xf32, #tpu.memory_space<vmem>>
      %dma_start3A_125 = arith.constant 0 : i32
      %dma_start3A_126 = tpu.memref_slice %arg3[%squeeze3A_114, %dma_start3A_125] : memref<1000000x64xf32, #tpu.memory_space<hbm>> -> memref<1x64xf32, #tpu.memory_space<hbm>>
      tpu.enqueue_dma source(%dma_start3A_126 : memref<1x64xf32, #tpu.memory_space<hbm>>) target(%dma_start3A_124 : memref<1x64xf32, #tpu.memory_space<vmem>>) target_semaphore(%arg7 : memref<!tpu.dma_semaphore, #tpu.memory_space<semaphore_mem>>)
      %slice3A_127 = vector.extract_strided_slice %get3A_101 {offsets = [2], sizes = [1], strides = [1]} : vector<16xi32> to vector<1xi32>
      %squeeze3A_128 = vector.extract %slice3A_127[0] : i32 from vector<1xi32>
      %mul3A_129 = arith.constant 16 : i32
      %mul3A_130 = arith.muli %scan3A_97, %mul3A_129 : i32
      %add3A_131 = arith.constant 2 : i32
      %add3A_132 = arith.addi %mul3A_130, %add3A_131 : i32
      %dma_start3A_133 = arith.constant 0 : i32
      %dma_start3A_134 = tpu.memref_slice %arg6[%add3A_132, %dma_start3A_133] : memref<800x64xf32, #tpu.memory_space<vmem>> -> memref<1x64xf32, #tpu.memory_space<vmem>>
      %dma_start3A_135 = arith.constant 0 : i32
      %dma_start3A_136 = tpu.memref_slice %arg3[%squeeze3A_128, %dma_start3A_135] : memref<1000000x64xf32, #tpu.memory_space<hbm>> -> memref<1x64xf32, #tpu.memory_space<hbm>>
      %dma_start3A_137 = arith.constant 0 : i32
      %dma_start3A_138 = tpu.memref_slice %arg6[%add3A_132, %dma_start3A_137] : memref<800x64xf32, #tpu.memory_space<vmem>> -> memref<1x64xf32, #tpu.memory_space<vmem>>
      %dma_start3A_139 = arith.constant 0 : i32
      %dma_start3A_140 = tpu.memref_slice %arg3[%squeeze3A_128, %dma_start3A_139] : memref<1000000x64xf32, #tpu.memory_space<hbm>> -> memref<1x64xf32, #tpu.memory_space<hbm>>
      tpu.enqueue_dma source(%dma_start3A_140 : memref<1x64xf32, #tpu.memory_space<hbm>>) target(%dma_start3A_138 : memref<1x64xf32, #tpu.memory_space<vmem>>) target_semaphore(%arg7 : memref<!tpu.dma_semaphore, #tpu.memory_space<semaphore_mem>>)
      %slice3A_141 = vector.extract_strided_slice %get3A_101 {offsets = [3], sizes = [1], strides = [1]} : vector<16xi32> to vector<1xi32>
      %squeeze3A_142 = vector.extract %slice3A_141[0] : i32 from vector<1xi32>
      %mul3A_143 = arith.constant 16 : i32
      %mul3A_144 = arith.muli %scan3A_97, %mul3A_143 : i32
      %add3A_145 = arith.constant 3 : i32
      %add3A_146 = arith.addi %mul3A_144, %add3A_145 : i32
      %dma_start3A_147 = arith.constant 0 : i32
      %dma_start3A_148 = tpu.memref_slice %arg6[%add3A_146, %dma_start3A_147] : memref<800x64xf32, #tpu.memory_space<vmem>> -> memref<1x64xf32, #tpu.memory_space<vmem>>
      %dma_start3A_149 = arith.constant 0 : i32
      %dma_start3A_150 = tpu.memref_slice %arg3[%squeeze3A_142, %dma_start3A_149] : memref<1000000x64xf32, #tpu.memory_space<hbm>> -> memref<1x64xf32, #tpu.memory_space<hbm>>
      %dma_start3A_151 = arith.constant 0 : i32
      %dma_start3A_152 = tpu.memref_slice %arg6[%add3A_146, %dma_start3A_151] : memref<800x64xf32, #tpu.memory_space<vmem>> -> memref<1x64xf32, #tpu.memory_space<vmem>>
      %dma_start3A_153 = arith.constant 0 : i32
      %dma_start3A_154 = tpu.memref_slice %arg3[%squeeze3A_142, %dma_start3A_153] : memref<1000000x64xf32, #tpu.memory_space<hbm>> -> memref<1x64xf32, #tpu.memory_space<hbm>>
      tpu.enqueue_dma source(%dma_start3A_154 : memref<1x64xf32, #tpu.memory_space<hbm>>) target(%dma_start3A_152 : memref<1x64xf32, #tpu.memory_space<vmem>>) target_semaphore(%arg7 : memref<!tpu.dma_semaphore, #tpu.memory_space<semaphore_mem>>)
      %slice3A_155 = vector.extract_strided_slice %get3A_101 {offsets = [4], sizes = [1], strides = [1]} : vector<16xi32> to vector<1xi32>
      %squeeze3A_156 = vector.extract %slice3A_155[0] : i32 from vector<1xi32>
      %mul3A_157 = arith.constant 16 : i32
      %mul3A_158 = arith.muli %scan3A_97, %mul3A_157 : i32
      %add3A_159 = arith.constant 4 : i32
      %add3A_160 = arith.addi %mul3A_158, %add3A_159 : i32
      %dma_start3A_161 = arith.constant 0 : i32
      %dma_start3A_162 = tpu.memref_slice %arg6[%add3A_160, %dma_start3A_161] : memref<800x64xf32, #tpu.memory_space<vmem>> -> memref<1x64xf32, #tpu.memory_space<vmem>>
      %dma_start3A_163 = arith.constant 0 : i32
      %dma_start3A_164 = tpu.memref_slice %arg3[%squeeze3A_156, %dma_start3A_163] : memref<1000000x64xf32, #tpu.memory_space<hbm>> -> memref<1x64xf32, #tpu.memory_space<hbm>>
      %dma_start3A_165 = arith.constant 0 : i32
      %dma_start3A_166 = tpu.memref_slice %arg6[%add3A_160, %dma_start3A_165] : memref<800x64xf32, #tpu.memory_space<vmem>> -> memref<1x64xf32, #tpu.memory_space<vmem>>
      %dma_start3A_167 = arith.constant 0 : i32
      %dma_start3A_168 = tpu.memref_slice %arg3[%squeeze3A_156, %dma_start3A_167] : memref<1000000x64xf32, #tpu.memory_space<hbm>> -> memref<1x64xf32, #tpu.memory_space<hbm>>
      tpu.enqueue_dma source(%dma_start3A_168 : memref<1x64xf32, #tpu.memory_space<hbm>>) target(%dma_start3A_166 : memref<1x64xf32, #tpu.memory_space<vmem>>) target_semaphore(%arg7 : memref<!tpu.dma_semaphore, #tpu.memory_space<semaphore_mem>>)
      %slice3A_169 = vector.extract_strided_slice %get3A_101 {offsets = [5], sizes = [1], strides = [1]} : vector<16xi32> to vector<1xi32>
      %squeeze3A_170 = vector.extract %slice3A_169[0] : i32 from vector<1xi32>
      %mul3A_171 = arith.constant 16 : i32
      %mul3A_172 = arith.muli %scan3A_97, %mul3A_171 : i32
      %add3A_173 = arith.constant 5 : i32
      %add3A_174 = arith.addi %mul3A_172, %add3A_173 : i32
      %dma_start3A_175 = arith.constant 0 : i32
      %dma_start3A_176 = tpu.memref_slice %arg6[%add3A_174, %dma_start3A_175] : memref<800x64xf32, #tpu.memory_space<vmem>> -> memref<1x64xf32, #tpu.memory_space<vmem>>
      %dma_start3A_177 = arith.constant 0 : i32
      %dma_start3A_178 = tpu.memref_slice %arg3[%squeeze3A_170, %dma_start3A_177] : memref<1000000x64xf32, #tpu.memory_space<hbm>> -> memref<1x64xf32, #tpu.memory_space<hbm>>
      %dma_start3A_179 = arith.constant 0 : i32
      %dma_start3A_180 = tpu.memref_slice %arg6[%add3A_174, %dma_start3A_179] : memref<800x64xf32, #tpu.memory_space<vmem>> -> memref<1x64xf32, #tpu.memory_space<vmem>>
      %dma_start3A_181 = arith.constant 0 : i32
      %dma_start3A_182 = tpu.memref_slice %arg3[%squeeze3A_170, %dma_start3A_181] : memref<1000000x64xf32, #tpu.memory_space<hbm>> -> memref<1x64xf32, #tpu.memory_space<hbm>>
      tpu.enqueue_dma source(%dma_start3A_182 : memref<1x64xf32, #tpu.memory_space<hbm>>) target(%dma_start3A_180 : memref<1x64xf32, #tpu.memory_space<vmem>>) target_semaphore(%arg7 : memref<!tpu.dma_semaphore, #tpu.memory_space<semaphore_mem>>)
      %slice3A_183 = vector.extract_strided_slice %get3A_101 {offsets = [6], sizes = [1], strides = [1]} : vector<16xi32> to vector<1xi32>
      %squeeze3A_184 = vector.extract %slice3A_183[0] : i32 from vector<1xi32>
      %mul3A_185 = arith.constant 16 : i32
      %mul3A_186 = arith.muli %scan3A_97, %mul3A_185 : i32
      %add3A_187 = arith.constant 6 : i32
      %add3A_188 = arith.addi %mul3A_186, %add3A_187 : i32
      %dma_start3A_189 = arith.constant 0 : i32
      %dma_start3A_190 = tpu.memref_slice %arg6[%add3A_188, %dma_start3A_189] : memref<800x64xf32, #tpu.memory_space<vmem>> -> memref<1x64xf32, #tpu.memory_space<vmem>>
      %dma_start3A_191 = arith.constant 0 : i32
      %dma_start3A_192 = tpu.memref_slice %arg3[%squeeze3A_184, %dma_start3A_191] : memref<1000000x64xf32, #tpu.memory_space<hbm>> -> memref<1x64xf32, #tpu.memory_space<hbm>>
      %dma_start3A_193 = arith.constant 0 : i32
      %dma_start3A_194 = tpu.memref_slice %arg6[%add3A_188, %dma_start3A_193] : memref<800x64xf32, #tpu.memory_space<vmem>> -> memref<1x64xf32, #tpu.memory_space<vmem>>
      %dma_start3A_195 = arith.constant 0 : i32
      %dma_start3A_196 = tpu.memref_slice %arg3[%squeeze3A_184, %dma_start3A_195] : memref<1000000x64xf32, #tpu.memory_space<hbm>> -> memref<1x64xf32, #tpu.memory_space<hbm>>
      tpu.enqueue_dma source(%dma_start3A_196 : memref<1x64xf32, #tpu.memory_space<hbm>>) target(%dma_start3A_194 : memref<1x64xf32, #tpu.memory_space<vmem>>) target_semaphore(%arg7 : memref<!tpu.dma_semaphore, #tpu.memory_space<semaphore_mem>>)
      %slice3A_197 = vector.extract_strided_slice %get3A_101 {offsets = [7], sizes = [1], strides = [1]} : vector<16xi32> to vector<1xi32>
      %squeeze3A_198 = vector.extract %slice3A_197[0] : i32 from vector<1xi32>
      %mul3A_199 = arith.constant 16 : i32
      %mul3A_200 = arith.muli %scan3A_97, %mul3A_199 : i32
      %add3A_201 = arith.constant 7 : i32
      %add3A_202 = arith.addi %mul3A_200, %add3A_201 : i32
      %dma_start3A_203 = arith.constant 0 : i32
      %dma_start3A_204 = tpu.memref_slice %arg6[%add3A_202, %dma_start3A_203] : memref<800x64xf32, #tpu.memory_space<vmem>> -> memref<1x64xf32, #tpu.memory_space<vmem>>
      %dma_start3A_205 = arith.constant 0 : i32
      %dma_start3A_206 = tpu.memref_slice %arg3[%squeeze3A_198, %dma_start3A_205] : memref<1000000x64xf32, #tpu.memory_space<hbm>> -> memref<1x64xf32, #tpu.memory_space<hbm>>
      %dma_start3A_207 = arith.constant 0 : i32
      %dma_start3A_208 = tpu.memref_slice %arg6[%add3A_202, %dma_start3A_207] : memref<800x64xf32, #tpu.memory_space<vmem>> -> memref<1x64xf32, #tpu.memory_space<vmem>>
      %dma_start3A_209 = arith.constant 0 : i32
      %dma_start3A_210 = tpu.memref_slice %arg3[%squeeze3A_198, %dma_start3A_209] : memref<1000000x64xf32, #tpu.memory_space<hbm>> -> memref<1x64xf32, #tpu.memory_space<hbm>>
      tpu.enqueue_dma source(%dma_start3A_210 : memref<1x64xf32, #tpu.memory_space<hbm>>) target(%dma_start3A_208 : memref<1x64xf32, #tpu.memory_space<vmem>>) target_semaphore(%arg7 : memref<!tpu.dma_semaphore, #tpu.memory_space<semaphore_mem>>)
      %slice3A_211 = vector.extract_strided_slice %get3A_101 {offsets = [8], sizes = [1], strides = [1]} : vector<16xi32> to vector<1xi32>
      %squeeze3A_212 = vector.extract %slice3A_211[0] : i32 from vector<1xi32>
      %mul3A_213 = arith.constant 16 : i32
      %mul3A_214 = arith.muli %scan3A_97, %mul3A_213 : i32
      %add3A_215 = arith.constant 8 : i32
      %add3A_216 = arith.addi %mul3A_214, %add3A_215 : i32
      %dma_start3A_217 = arith.constant 0 : i32
      %dma_start3A_218 = tpu.memref_slice %arg6[%add3A_216, %dma_start3A_217] : memref<800x64xf32, #tpu.memory_space<vmem>> -> memref<1x64xf32, #tpu.memory_space<vmem>>
      %dma_start3A_219 = arith.constant 0 : i32
      %dma_start3A_220 = tpu.memref_slice %arg3[%squeeze3A_212, %dma_start3A_219] : memref<1000000x64xf32, #tpu.memory_space<hbm>> -> memref<1x64xf32, #tpu.memory_space<hbm>>
      %dma_start3A_221 = arith.constant 0 : i32
      %dma_start3A_222 = tpu.memref_slice %arg6[%add3A_216, %dma_start3A_221] : memref<800x64xf32, #tpu.memory_space<vmem>> -> memref<1x64xf32, #tpu.memory_space<vmem>>
      %dma_start3A_223 = arith.constant 0 : i32
      %dma_start3A_224 = tpu.memref_slice %arg3[%squeeze3A_212, %dma_start3A_223] : memref<1000000x64xf32, #tpu.memory_space<hbm>> -> memref<1x64xf32, #tpu.memory_space<hbm>>
      tpu.enqueue_dma source(%dma_start3A_224 : memref<1x64xf32, #tpu.memory_space<hbm>>) target(%dma_start3A_222 : memref<1x64xf32, #tpu.memory_space<vmem>>) target_semaphore(%arg7 : memref<!tpu.dma_semaphore, #tpu.memory_space<semaphore_mem>>)
      %slice3A_225 = vector.extract_strided_slice %get3A_101 {offsets = [9], sizes = [1], strides = [1]} : vector<16xi32> to vector<1xi32>
      %squeeze3A_226 = vector.extract %slice3A_225[0] : i32 from vector<1xi32>
      %mul3A_227 = arith.constant 16 : i32
      %mul3A_228 = arith.muli %scan3A_97, %mul3A_227 : i32
      %add3A_229 = arith.constant 9 : i32
      %add3A_230 = arith.addi %mul3A_228, %add3A_229 : i32
      %dma_start3A_231 = arith.constant 0 : i32
      %dma_start3A_232 = tpu.memref_slice %arg6[%add3A_230, %dma_start3A_231] : memref<800x64xf32, #tpu.memory_space<vmem>> -> memref<1x64xf32, #tpu.memory_space<vmem>>
      %dma_start3A_233 = arith.constant 0 : i32
      %dma_start3A_234 = tpu.memref_slice %arg3[%squeeze3A_226, %dma_start3A_233] : memref<1000000x64xf32, #tpu.memory_space<hbm>> -> memref<1x64xf32, #tpu.memory_space<hbm>>
      %dma_start3A_235 = arith.constant 0 : i32
      %dma_start3A_236 = tpu.memref_slice %arg6[%add3A_230, %dma_start3A_235] : memref<800x64xf32, #tpu.memory_space<vmem>> -> memref<1x64xf32, #tpu.memory_space<vmem>>
      %dma_start3A_237 = arith.constant 0 : i32
      %dma_start3A_238 = tpu.memref_slice %arg3[%squeeze3A_226, %dma_start3A_237] : memref<1000000x64xf32, #tpu.memory_space<hbm>> -> memref<1x64xf32, #tpu.memory_space<hbm>>
      tpu.enqueue_dma source(%dma_start3A_238 : memref<1x64xf32, #tpu.memory_space<hbm>>) target(%dma_start3A_236 : memref<1x64xf32, #tpu.memory_space<vmem>>) target_semaphore(%arg7 : memref<!tpu.dma_semaphore, #tpu.memory_space<semaphore_mem>>)
      %slice3A_239 = vector.extract_strided_slice %get3A_101 {offsets = [10], sizes = [1], strides = [1]} : vector<16xi32> to vector<1xi32>
      %squeeze3A_240 = vector.extract %slice3A_239[0] : i32 from vector<1xi32>
      %mul3A_241 = arith.constant 16 : i32
      %mul3A_242 = arith.muli %scan3A_97, %mul3A_241 : i32
      %add3A_243 = arith.constant 10 : i32
      %add3A_244 = arith.addi %mul3A_242, %add3A_243 : i32
      %dma_start3A_245 = arith.constant 0 : i32
      %dma_start3A_246 = tpu.memref_slice %arg6[%add3A_244, %dma_start3A_245] : memref<800x64xf32, #tpu.memory_space<vmem>> -> memref<1x64xf32, #tpu.memory_space<vmem>>
      %dma_start3A_247 = arith.constant 0 : i32
      %dma_start3A_248 = tpu.memref_slice %arg3[%squeeze3A_240, %dma_start3A_247] : memref<1000000x64xf32, #tpu.memory_space<hbm>> -> memref<1x64xf32, #tpu.memory_space<hbm>>
      %dma_start3A_249 = arith.constant 0 : i32
      %dma_start3A_250 = tpu.memref_slice %arg6[%add3A_244, %dma_start3A_249] : memref<800x64xf32, #tpu.memory_space<vmem>> -> memref<1x64xf32, #tpu.memory_space<vmem>>
      %dma_start3A_251 = arith.constant 0 : i32
      %dma_start3A_252 = tpu.memref_slice %arg3[%squeeze3A_240, %dma_start3A_251] : memref<1000000x64xf32, #tpu.memory_space<hbm>> -> memref<1x64xf32, #tpu.memory_space<hbm>>
      tpu.enqueue_dma source(%dma_start3A_252 : memref<1x64xf32, #tpu.memory_space<hbm>>) target(%dma_start3A_250 : memref<1x64xf32, #tpu.memory_space<vmem>>) target_semaphore(%arg7 : memref<!tpu.dma_semaphore, #tpu.memory_space<semaphore_mem>>)
      %slice3A_253 = vector.extract_strided_slice %get3A_101 {offsets = [11], sizes = [1], strides = [1]} : vector<16xi32> to vector<1xi32>
      %squeeze3A_254 = vector.extract %slice3A_253[0] : i32 from vector<1xi32>
      %mul3A_255 = arith.constant 16 : i32
      %mul3A_256 = arith.muli %scan3A_97, %mul3A_255 : i32
      %add3A_257 = arith.constant 11 : i32
      %add3A_258 = arith.addi %mul3A_256, %add3A_257 : i32
      %dma_start3A_259 = arith.constant 0 : i32
      %dma_start3A_260 = tpu.memref_slice %arg6[%add3A_258, %dma_start3A_259] : memref<800x64xf32, #tpu.memory_space<vmem>> -> memref<1x64xf32, #tpu.memory_space<vmem>>
      %dma_start3A_261 = arith.constant 0 : i32
      %dma_start3A_262 = tpu.memref_slice %arg3[%squeeze3A_254, %dma_start3A_261] : memref<1000000x64xf32, #tpu.memory_space<hbm>> -> memref<1x64xf32, #tpu.memory_space<hbm>>
      %dma_start3A_263 = arith.constant 0 : i32
      %dma_start3A_264 = tpu.memref_slice %arg6[%add3A_258, %dma_start3A_263] : memref<800x64xf32, #tpu.memory_space<vmem>> -> memref<1x64xf32, #tpu.memory_space<vmem>>
      %dma_start3A_265 = arith.constant 0 : i32
      %dma_start3A_266 = tpu.memref_slice %arg3[%squeeze3A_254, %dma_start3A_265] : memref<1000000x64xf32, #tpu.memory_space<hbm>> -> memref<1x64xf32, #tpu.memory_space<hbm>>
      tpu.enqueue_dma source(%dma_start3A_266 : memref<1x64xf32, #tpu.memory_space<hbm>>) target(%dma_start3A_264 : memref<1x64xf32, #tpu.memory_space<vmem>>) target_semaphore(%arg7 : memref<!tpu.dma_semaphore, #tpu.memory_space<semaphore_mem>>)
      %slice3A_267 = vector.extract_strided_slice %get3A_101 {offsets = [12], sizes = [1], strides = [1]} : vector<16xi32> to vector<1xi32>
      %squeeze3A_268 = vector.extract %slice3A_267[0] : i32 from vector<1xi32>
      %mul3A_269 = arith.constant 16 : i32
      %mul3A_270 = arith.muli %scan3A_97, %mul3A_269 : i32
      %add3A_271 = arith.constant 12 : i32
      %add3A_272 = arith.addi %mul3A_270, %add3A_271 : i32
      %dma_start3A_273 = arith.constant 0 : i32
      %dma_start3A_274 = tpu.memref_slice %arg6[%add3A_272, %dma_start3A_273] : memref<800x64xf32, #tpu.memory_space<vmem>> -> memref<1x64xf32, #tpu.memory_space<vmem>>
      %dma_start3A_275 = arith.constant 0 : i32
      %dma_start3A_276 = tpu.memref_slice %arg3[%squeeze3A_268, %dma_start3A_275] : memref<1000000x64xf32, #tpu.memory_space<hbm>> -> memref<1x64xf32, #tpu.memory_space<hbm>>
      %dma_start3A_277 = arith.constant 0 : i32
      %dma_start3A_278 = tpu.memref_slice %arg6[%add3A_272, %dma_start3A_277] : memref<800x64xf32, #tpu.memory_space<vmem>> -> memref<1x64xf32, #tpu.memory_space<vmem>>
      %dma_start3A_279 = arith.constant 0 : i32
      %dma_start3A_280 = tpu.memref_slice %arg3[%squeeze3A_268, %dma_start3A_279] : memref<1000000x64xf32, #tpu.memory_space<hbm>> -> memref<1x64xf32, #tpu.memory_space<hbm>>
      tpu.enqueue_dma source(%dma_start3A_280 : memref<1x64xf32, #tpu.memory_space<hbm>>) target(%dma_start3A_278 : memref<1x64xf32, #tpu.memory_space<vmem>>) target_semaphore(%arg7 : memref<!tpu.dma_semaphore, #tpu.memory_space<semaphore_mem>>)
      %slice3A_281 = vector.extract_strided_slice %get3A_101 {offsets = [13], sizes = [1], strides = [1]} : vector<16xi32> to vector<1xi32>
      %squeeze3A_282 = vector.extract %slice3A_281[0] : i32 from vector<1xi32>
      %mul3A_283 = arith.constant 16 : i32
      %mul3A_284 = arith.muli %scan3A_97, %mul3A_283 : i32
      %add3A_285 = arith.constant 13 : i32
      %add3A_286 = arith.addi %mul3A_284, %add3A_285 : i32
      %dma_start3A_287 = arith.constant 0 : i32
      %dma_start3A_288 = tpu.memref_slice %arg6[%add3A_286, %dma_start3A_287] : memref<800x64xf32, #tpu.memory_space<vmem>> -> memref<1x64xf32, #tpu.memory_space<vmem>>
      %dma_start3A_289 = arith.constant 0 : i32
      %dma_start3A_290 = tpu.memref_slice %arg3[%squeeze3A_282, %dma_start3A_289] : memref<1000000x64xf32, #tpu.memory_space<hbm>> -> memref<1x64xf32, #tpu.memory_space<hbm>>
      %dma_start3A_291 = arith.constant 0 : i32
      %dma_start3A_292 = tpu.memref_slice %arg6[%add3A_286, %dma_start3A_291] : memref<800x64xf32, #tpu.memory_space<vmem>> -> memref<1x64xf32, #tpu.memory_space<vmem>>
      %dma_start3A_293 = arith.constant 0 : i32
      %dma_start3A_294 = tpu.memref_slice %arg3[%squeeze3A_282, %dma_start3A_293] : memref<1000000x64xf32, #tpu.memory_space<hbm>> -> memref<1x64xf32, #tpu.memory_space<hbm>>
      tpu.enqueue_dma source(%dma_start3A_294 : memref<1x64xf32, #tpu.memory_space<hbm>>) target(%dma_start3A_292 : memref<1x64xf32, #tpu.memory_space<vmem>>) target_semaphore(%arg7 : memref<!tpu.dma_semaphore, #tpu.memory_space<semaphore_mem>>)
      %slice3A_295 = vector.extract_strided_slice %get3A_101 {offsets = [14], sizes = [1], strides = [1]} : vector<16xi32> to vector<1xi32>
      %squeeze3A_296 = vector.extract %slice3A_295[0] : i32 from vector<1xi32>
      %mul3A_297 = arith.constant 16 : i32
      %mul3A_298 = arith.muli %scan3A_97, %mul3A_297 : i32
      %add3A_299 = arith.constant 14 : i32
      %add3A_300 = arith.addi %mul3A_298, %add3A_299 : i32
      %dma_start3A_301 = arith.constant 0 : i32
      %dma_start3A_302 = tpu.memref_slice %arg6[%add3A_300, %dma_start3A_301] : memref<800x64xf32, #tpu.memory_space<vmem>> -> memref<1x64xf32, #tpu.memory_space<vmem>>
      %dma_start3A_303 = arith.constant 0 : i32
      %dma_start3A_304 = tpu.memref_slice %arg3[%squeeze3A_296, %dma_start3A_303] : memref<1000000x64xf32, #tpu.memory_space<hbm>> -> memref<1x64xf32, #tpu.memory_space<hbm>>
      %dma_start3A_305 = arith.constant 0 : i32
      %dma_start3A_306 = tpu.memref_slice %arg6[%add3A_300, %dma_start3A_305] : memref<800x64xf32, #tpu.memory_space<vmem>> -> memref<1x64xf32, #tpu.memory_space<vmem>>
      %dma_start3A_307 = arith.constant 0 : i32
      %dma_start3A_308 = tpu.memref_slice %arg3[%squeeze3A_296, %dma_start3A_307] : memref<1000000x64xf32, #tpu.memory_space<hbm>> -> memref<1x64xf32, #tpu.memory_space<hbm>>
      tpu.enqueue_dma source(%dma_start3A_308 : memref<1x64xf32, #tpu.memory_space<hbm>>) target(%dma_start3A_306 : memref<1x64xf32, #tpu.memory_space<vmem>>) target_semaphore(%arg7 : memref<!tpu.dma_semaphore, #tpu.memory_space<semaphore_mem>>)
      %slice3A_309 = vector.extract_strided_slice %get3A_101 {offsets = [15], sizes = [1], strides = [1]} : vector<16xi32> to vector<1xi32>
      %squeeze3A_310 = vector.extract %slice3A_309[0] : i32 from vector<1xi32>
      %mul3A_311 = arith.constant 16 : i32
      %mul3A_312 = arith.muli %scan3A_97, %mul3A_311 : i32
      %add3A_313 = arith.constant 15 : i32
      %add3A_314 = arith.addi %mul3A_312, %add3A_313 : i32
      %dma_start3A_315 = arith.constant 0 : i32
      %dma_start3A_316 = tpu.memref_slice %arg6[%add3A_314, %dma_start3A_315] : memref<800x64xf32, #tpu.memory_space<vmem>> -> memref<1x64xf32, #tpu.memory_space<vmem>>
      %dma_start3A_317 = arith.constant 0 : i32
      %dma_start3A_318 = tpu.memref_slice %arg3[%squeeze3A_310, %dma_start3A_317] : memref<1000000x64xf32, #tpu.memory_space<hbm>> -> memref<1x64xf32, #tpu.memory_space<hbm>>
      %dma_start3A_319 = arith.constant 0 : i32
      %dma_start3A_320 = tpu.memref_slice %arg6[%add3A_314, %dma_start3A_319] : memref<800x64xf32, #tpu.memory_space<vmem>> -> memref<1x64xf32, #tpu.memory_space<vmem>>
      %dma_start3A_321 = arith.constant 0 : i32
      %dma_start3A_322 = tpu.memref_slice %arg3[%squeeze3A_310, %dma_start3A_321] : memref<1000000x64xf32, #tpu.memory_space<hbm>> -> memref<1x64xf32, #tpu.memory_space<hbm>>
      tpu.enqueue_dma source(%dma_start3A_322 : memref<1x64xf32, #tpu.memory_space<hbm>>) target(%dma_start3A_320 : memref<1x64xf32, #tpu.memory_space<vmem>>) target_semaphore(%arg7 : memref<!tpu.dma_semaphore, #tpu.memory_space<semaphore_mem>>)
    }
    %scan3A_20 = arith.constant 50 : i32
    %dma_wait3A_21 = arith.constant 0 : i32
    %dma_wait3A_22 = tpu.memref_slice %arg4[%add3A_14, %dma_wait3A_21] : memref<204800x64xf32, #tpu.memory_space<hbm>> -> memref<800x64xf32, #tpu.memory_space<hbm>>
    %dma_wait3A_23 = arith.constant 0 : i32
    %dma_wait3A_24 = tpu.memref_slice %arg4[%add3A_14, %dma_wait3A_23] : memref<204800x64xf32, #tpu.memory_space<hbm>> -> memref<800x64xf32, #tpu.memory_space<hbm>>
    tpu.wait_dma2 semaphore(%arg7 : memref<!tpu.dma_semaphore, #tpu.memory_space<semaphore_mem>>) src(%dma_wait3A_24 : memref<800x64xf32, #tpu.memory_space<hbm>>) dst(%arg6 : memref<800x64xf32, #tpu.memory_space<vmem>>)
    "tpu.region"() ({
      %run_scoped3A = tpu.sem_alloc : memref<!tpu.dma_semaphore, #tpu.memory_space<semaphore_mem>>
      %dma_start3A = arith.constant 0 : i32
      %dma_start3A_97 = tpu.memref_slice %arg4[%add3A_14, %dma_start3A] : memref<204800x64xf32, #tpu.memory_space<hbm>> -> memref<800x64xf32, #tpu.memory_space<hbm>>
      %dma_start3A_98 = arith.constant 0 : i32
      %dma_start3A_99 = tpu.memref_slice %arg4[%add3A_14, %dma_start3A_98] : memref<204800x64xf32, #tpu.memory_space<hbm>> -> memref<800x64xf32, #tpu.memory_space<hbm>>
      tpu.enqueue_dma source(%arg6 : memref<800x64xf32, #tpu.memory_space<vmem>>) target(%dma_start3A_99 : memref<800x64xf32, #tpu.memory_space<hbm>>) target_semaphore(%run_scoped3A : memref<!tpu.dma_semaphore, #tpu.memory_space<semaphore_mem>>)
      %dma_wait3A_100 = arith.constant 0 : i32
      %dma_wait3A_101 = tpu.memref_slice %arg4[%add3A_14, %dma_wait3A_100] : memref<204800x64xf32, #tpu.memory_space<hbm>> -> memref<800x64xf32, #tpu.memory_space<hbm>>
      %dma_wait3A_102 = arith.constant 0 : i32
      %dma_wait3A_103 = tpu.memref_slice %arg4[%add3A_14, %dma_wait3A_102] : memref<204800x64xf32, #tpu.memory_space<hbm>> -> memref<800x64xf32, #tpu.memory_space<hbm>>
      tpu.wait_dma2 semaphore(%run_scoped3A : memref<!tpu.dma_semaphore, #tpu.memory_space<semaphore_mem>>) src(%arg6 : memref<800x64xf32, #tpu.memory_space<vmem>>) dst(%dma_wait3A_103 : memref<800x64xf32, #tpu.memory_space<hbm>>)
      tpu.yield
    }) : () -> ()
    %add3A_25 = arith.constant 1600 : i32
    %add3A_26 = arith.addi %mul3A_2, %add3A_25 : i32
    "tpu.region"() ({
      %run_scoped3A = tpu.sem_alloc : memref<!tpu.dma_semaphore, #tpu.memory_space<semaphore_mem>>
      %dma_start3A = tpu.memref_slice %arg2[%add3A_26] : memref<204800xi32, #tpu.memory_space<hbm>> -> memref<800xi32, #tpu.memory_space<hbm>>
      %dma_start3A_97 = tpu.memref_slice %arg2[%add3A_26] : memref<204800xi32, #tpu.memory_space<hbm>> -> memref<800xi32, #tpu.memory_space<hbm>>
      tpu.enqueue_dma source(%dma_start3A_97 : memref<800xi32, #tpu.memory_space<hbm>>) target(%arg5 : memref<800xi32, #tpu.memory_space<vmem>>) target_semaphore(%run_scoped3A : memref<!tpu.dma_semaphore, #tpu.memory_space<semaphore_mem>>)
      %dma_wait3A_98 = tpu.memref_slice %arg2[%add3A_26] : memref<204800xi32, #tpu.memory_space<hbm>> -> memref<800xi32, #tpu.memory_space<hbm>>
      %dma_wait3A_99 = tpu.memref_slice %arg2[%add3A_26] : memref<204800xi32, #tpu.memory_space<hbm>> -> memref<800xi32, #tpu.memory_space<hbm>>
      tpu.wait_dma2 semaphore(%run_scoped3A : memref<!tpu.dma_semaphore, #tpu.memory_space<semaphore_mem>>) src(%dma_wait3A_99 : memref<800xi32, #tpu.memory_space<hbm>>) dst(%arg5 : memref<800xi32, #tpu.memory_space<vmem>>)
      tpu.yield
    }) : () -> ()
    %scan3A_27 = arith.constant 0 : i32
    %scan3A_28 = arith.constant 0 : i32
    %scan3A_29 = arith.constant 50 : i32
    %scan3A_30 = arith.addi %scan3A_28, %scan3A_29 : i32
    %scan3A_31 = arith.constant 1 : i32
    scf.for %scan3A_97 = %scan3A_28 to %scan3A_30 step %scan3A_31  : i32 {
      %mul3A_98 = arith.constant 16 : i32
      %mul3A_99 = arith.muli %scan3A_97, %mul3A_98 : i32
      %get3A = arith.index_cast %mul3A_99 : i32 to index
      %get3A_100 = tpu.vector_load %arg5[%get3A] {strides = array<i32>} : memref<800xi32, #tpu.memory_space<vmem>>, vector<16xi32>,
      %get3A_101 = vector.shape_cast %get3A_100 : vector<16xi32> to vector<16xi32>
      %slice3A = vector.extract_strided_slice %get3A_101 {offsets = [0], sizes = [1], strides = [1]} : vector<16xi32> to vector<1xi32>
      %squeeze3A = vector.extract %slice3A[0] : i32 from vector<1xi32>
      %mul3A_102 = arith.constant 16 : i32
      %mul3A_103 = arith.muli %scan3A_97, %mul3A_102 : i32
      %add3A_104 = arith.constant 0 : i32
      %add3A_105 = arith.addi %mul3A_103, %add3A_104 : i32
      %dma_start3A = arith.constant 0 : i32
      %dma_start3A_106 = tpu.memref_slice %arg6[%add3A_105, %dma_start3A] : memref<800x64xf32, #tpu.memory_space<vmem>> -> memref<1x64xf32, #tpu.memory_space<vmem>>
      %dma_start3A_107 = arith.constant 0 : i32
      %dma_start3A_108 = tpu.memref_slice %arg3[%squeeze3A, %dma_start3A_107] : memref<1000000x64xf32, #tpu.memory_space<hbm>> -> memref<1x64xf32, #tpu.memory_space<hbm>>
      %dma_start3A_109 = arith.constant 0 : i32
      %dma_start3A_110 = tpu.memref_slice %arg6[%add3A_105, %dma_start3A_109] : memref<800x64xf32, #tpu.memory_space<vmem>> -> memref<1x64xf32, #tpu.memory_space<vmem>>
      %dma_start3A_111 = arith.constant 0 : i32
      %dma_start3A_112 = tpu.memref_slice %arg3[%squeeze3A, %dma_start3A_111] : memref<1000000x64xf32, #tpu.memory_space<hbm>> -> memref<1x64xf32, #tpu.memory_space<hbm>>
      tpu.enqueue_dma source(%dma_start3A_112 : memref<1x64xf32, #tpu.memory_space<hbm>>) target(%dma_start3A_110 : memref<1x64xf32, #tpu.memory_space<vmem>>) target_semaphore(%arg7 : memref<!tpu.dma_semaphore, #tpu.memory_space<semaphore_mem>>)
      %slice3A_113 = vector.extract_strided_slice %get3A_101 {offsets = [1], sizes = [1], strides = [1]} : vector<16xi32> to vector<1xi32>
      %squeeze3A_114 = vector.extract %slice3A_113[0] : i32 from vector<1xi32>
      %mul3A_115 = arith.constant 16 : i32
      %mul3A_116 = arith.muli %scan3A_97, %mul3A_115 : i32
      %add3A_117 = arith.constant 1 : i32
      %add3A_118 = arith.addi %mul3A_116, %add3A_117 : i32
      %dma_start3A_119 = arith.constant 0 : i32
      %dma_start3A_120 = tpu.memref_slice %arg6[%add3A_118, %dma_start3A_119] : memref<800x64xf32, #tpu.memory_space<vmem>> -> memref<1x64xf32, #tpu.memory_space<vmem>>
      %dma_start3A_121 = arith.constant 0 : i32
      %dma_start3A_122 = tpu.memref_slice %arg3[%squeeze3A_114, %dma_start3A_121] : memref<1000000x64xf32, #tpu.memory_space<hbm>> -> memref<1x64xf32, #tpu.memory_space<hbm>>
      %dma_start3A_123 = arith.constant 0 : i32
      %dma_start3A_124 = tpu.memref_slice %arg6[%add3A_118, %dma_start3A_123] : memref<800x64xf32, #tpu.memory_space<vmem>> -> memref<1x64xf32, #tpu.memory_space<vmem>>
      %dma_start3A_125 = arith.constant 0 : i32
      %dma_start3A_126 = tpu.memref_slice %arg3[%squeeze3A_114, %dma_start3A_125] : memref<1000000x64xf32, #tpu.memory_space<hbm>> -> memref<1x64xf32, #tpu.memory_space<hbm>>
      tpu.enqueue_dma source(%dma_start3A_126 : memref<1x64xf32, #tpu.memory_space<hbm>>) target(%dma_start3A_124 : memref<1x64xf32, #tpu.memory_space<vmem>>) target_semaphore(%arg7 : memref<!tpu.dma_semaphore, #tpu.memory_space<semaphore_mem>>)
      %slice3A_127 = vector.extract_strided_slice %get3A_101 {offsets = [2], sizes = [1], strides = [1]} : vector<16xi32> to vector<1xi32>
      %squeeze3A_128 = vector.extract %slice3A_127[0] : i32 from vector<1xi32>
      %mul3A_129 = arith.constant 16 : i32
      %mul3A_130 = arith.muli %scan3A_97, %mul3A_129 : i32
      %add3A_131 = arith.constant 2 : i32
      %add3A_132 = arith.addi %mul3A_130, %add3A_131 : i32
      %dma_start3A_133 = arith.constant 0 : i32
      %dma_start3A_134 = tpu.memref_slice %arg6[%add3A_132, %dma_start3A_133] : memref<800x64xf32, #tpu.memory_space<vmem>> -> memref<1x64xf32, #tpu.memory_space<vmem>>
      %dma_start3A_135 = arith.constant 0 : i32
      %dma_start3A_136 = tpu.memref_slice %arg3[%squeeze3A_128, %dma_start3A_135] : memref<1000000x64xf32, #tpu.memory_space<hbm>> -> memref<1x64xf32, #tpu.memory_space<hbm>>
      %dma_start3A_137 = arith.constant 0 : i32
      %dma_start3A_138 = tpu.memref_slice %arg6[%add3A_132, %dma_start3A_137] : memref<800x64xf32, #tpu.memory_space<vmem>> -> memref<1x64xf32, #tpu.memory_space<vmem>>
      %dma_start3A_139 = arith.constant 0 : i32
      %dma_start3A_140 = tpu.memref_slice %arg3[%squeeze3A_128, %dma_start3A_139] : memref<1000000x64xf32, #tpu.memory_space<hbm>> -> memref<1x64xf32, #tpu.memory_space<hbm>>
      tpu.enqueue_dma source(%dma_start3A_140 : memref<1x64xf32, #tpu.memory_space<hbm>>) target(%dma_start3A_138 : memref<1x64xf32, #tpu.memory_space<vmem>>) target_semaphore(%arg7 : memref<!tpu.dma_semaphore, #tpu.memory_space<semaphore_mem>>)
      %slice3A_141 = vector.extract_strided_slice %get3A_101 {offsets = [3], sizes = [1], strides = [1]} : vector<16xi32> to vector<1xi32>
      %squeeze3A_142 = vector.extract %slice3A_141[0] : i32 from vector<1xi32>
      %mul3A_143 = arith.constant 16 : i32
      %mul3A_144 = arith.muli %scan3A_97, %mul3A_143 : i32
      %add3A_145 = arith.constant 3 : i32
      %add3A_146 = arith.addi %mul3A_144, %add3A_145 : i32
      %dma_start3A_147 = arith.constant 0 : i32
      %dma_start3A_148 = tpu.memref_slice %arg6[%add3A_146, %dma_start3A_147] : memref<800x64xf32, #tpu.memory_space<vmem>> -> memref<1x64xf32, #tpu.memory_space<vmem>>
      %dma_start3A_149 = arith.constant 0 : i32
      %dma_start3A_150 = tpu.memref_slice %arg3[%squeeze3A_142, %dma_start3A_149] : memref<1000000x64xf32, #tpu.memory_space<hbm>> -> memref<1x64xf32, #tpu.memory_space<hbm>>
      %dma_start3A_151 = arith.constant 0 : i32
      %dma_start3A_152 = tpu.memref_slice %arg6[%add3A_146, %dma_start3A_151] : memref<800x64xf32, #tpu.memory_space<vmem>> -> memref<1x64xf32, #tpu.memory_space<vmem>>
      %dma_start3A_153 = arith.constant 0 : i32
      %dma_start3A_154 = tpu.memref_slice %arg3[%squeeze3A_142, %dma_start3A_153] : memref<1000000x64xf32, #tpu.memory_space<hbm>> -> memref<1x64xf32, #tpu.memory_space<hbm>>
      tpu.enqueue_dma source(%dma_start3A_154 : memref<1x64xf32, #tpu.memory_space<hbm>>) target(%dma_start3A_152 : memref<1x64xf32, #tpu.memory_space<vmem>>) target_semaphore(%arg7 : memref<!tpu.dma_semaphore, #tpu.memory_space<semaphore_mem>>)
      %slice3A_155 = vector.extract_strided_slice %get3A_101 {offsets = [4], sizes = [1], strides = [1]} : vector<16xi32> to vector<1xi32>
      %squeeze3A_156 = vector.extract %slice3A_155[0] : i32 from vector<1xi32>
      %mul3A_157 = arith.constant 16 : i32
      %mul3A_158 = arith.muli %scan3A_97, %mul3A_157 : i32
      %add3A_159 = arith.constant 4 : i32
      %add3A_160 = arith.addi %mul3A_158, %add3A_159 : i32
      %dma_start3A_161 = arith.constant 0 : i32
      %dma_start3A_162 = tpu.memref_slice %arg6[%add3A_160, %dma_start3A_161] : memref<800x64xf32, #tpu.memory_space<vmem>> -> memref<1x64xf32, #tpu.memory_space<vmem>>
      %dma_start3A_163 = arith.constant 0 : i32
      %dma_start3A_164 = tpu.memref_slice %arg3[%squeeze3A_156, %dma_start3A_163] : memref<1000000x64xf32, #tpu.memory_space<hbm>> -> memref<1x64xf32, #tpu.memory_space<hbm>>
      %dma_start3A_165 = arith.constant 0 : i32
      %dma_start3A_166 = tpu.memref_slice %arg6[%add3A_160, %dma_start3A_165] : memref<800x64xf32, #tpu.memory_space<vmem>> -> memref<1x64xf32, #tpu.memory_space<vmem>>
      %dma_start3A_167 = arith.constant 0 : i32
      %dma_start3A_168 = tpu.memref_slice %arg3[%squeeze3A_156, %dma_start3A_167] : memref<1000000x64xf32, #tpu.memory_space<hbm>> -> memref<1x64xf32, #tpu.memory_space<hbm>>
      tpu.enqueue_dma source(%dma_start3A_168 : memref<1x64xf32, #tpu.memory_space<hbm>>) target(%dma_start3A_166 : memref<1x64xf32, #tpu.memory_space<vmem>>) target_semaphore(%arg7 : memref<!tpu.dma_semaphore, #tpu.memory_space<semaphore_mem>>)
      %slice3A_169 = vector.extract_strided_slice %get3A_101 {offsets = [5], sizes = [1], strides = [1]} : vector<16xi32> to vector<1xi32>
      %squeeze3A_170 = vector.extract %slice3A_169[0] : i32 from vector<1xi32>
      %mul3A_171 = arith.constant 16 : i32
      %mul3A_172 = arith.muli %scan3A_97, %mul3A_171 : i32
      %add3A_173 = arith.constant 5 : i32
      %add3A_174 = arith.addi %mul3A_172, %add3A_173 : i32
      %dma_start3A_175 = arith.constant 0 : i32
      %dma_start3A_176 = tpu.memref_slice %arg6[%add3A_174, %dma_start3A_175] : memref<800x64xf32, #tpu.memory_space<vmem>> -> memref<1x64xf32, #tpu.memory_space<vmem>>
      %dma_start3A_177 = arith.constant 0 : i32
      %dma_start3A_178 = tpu.memref_slice %arg3[%squeeze3A_170, %dma_start3A_177] : memref<1000000x64xf32, #tpu.memory_space<hbm>> -> memref<1x64xf32, #tpu.memory_space<hbm>>
      %dma_start3A_179 = arith.constant 0 : i32
      %dma_start3A_180 = tpu.memref_slice %arg6[%add3A_174, %dma_start3A_179] : memref<800x64xf32, #tpu.memory_space<vmem>> -> memref<1x64xf32, #tpu.memory_space<vmem>>
      %dma_start3A_181 = arith.constant 0 : i32
      %dma_start3A_182 = tpu.memref_slice %arg3[%squeeze3A_170, %dma_start3A_181] : memref<1000000x64xf32, #tpu.memory_space<hbm>> -> memref<1x64xf32, #tpu.memory_space<hbm>>
      tpu.enqueue_dma source(%dma_start3A_182 : memref<1x64xf32, #tpu.memory_space<hbm>>) target(%dma_start3A_180 : memref<1x64xf32, #tpu.memory_space<vmem>>) target_semaphore(%arg7 : memref<!tpu.dma_semaphore, #tpu.memory_space<semaphore_mem>>)
      %slice3A_183 = vector.extract_strided_slice %get3A_101 {offsets = [6], sizes = [1], strides = [1]} : vector<16xi32> to vector<1xi32>
      %squeeze3A_184 = vector.extract %slice3A_183[0] : i32 from vector<1xi32>
      %mul3A_185 = arith.constant 16 : i32
      %mul3A_186 = arith.muli %scan3A_97, %mul3A_185 : i32
      %add3A_187 = arith.constant 6 : i32
      %add3A_188 = arith.addi %mul3A_186, %add3A_187 : i32
      %dma_start3A_189 = arith.constant 0 : i32
      %dma_start3A_190 = tpu.memref_slice %arg6[%add3A_188, %dma_start3A_189] : memref<800x64xf32, #tpu.memory_space<vmem>> -> memref<1x64xf32, #tpu.memory_space<vmem>>
      %dma_start3A_191 = arith.constant 0 : i32
      %dma_start3A_192 = tpu.memref_slice %arg3[%squeeze3A_184, %dma_start3A_191] : memref<1000000x64xf32, #tpu.memory_space<hbm>> -> memref<1x64xf32, #tpu.memory_space<hbm>>
      %dma_start3A_193 = arith.constant 0 : i32
      %dma_start3A_194 = tpu.memref_slice %arg6[%add3A_188, %dma_start3A_193] : memref<800x64xf32, #tpu.memory_space<vmem>> -> memref<1x64xf32, #tpu.memory_space<vmem>>
      %dma_start3A_195 = arith.constant 0 : i32
      %dma_start3A_196 = tpu.memref_slice %arg3[%squeeze3A_184, %dma_start3A_195] : memref<1000000x64xf32, #tpu.memory_space<hbm>> -> memref<1x64xf32, #tpu.memory_space<hbm>>
      tpu.enqueue_dma source(%dma_start3A_196 : memref<1x64xf32, #tpu.memory_space<hbm>>) target(%dma_start3A_194 : memref<1x64xf32, #tpu.memory_space<vmem>>) target_semaphore(%arg7 : memref<!tpu.dma_semaphore, #tpu.memory_space<semaphore_mem>>)
      %slice3A_197 = vector.extract_strided_slice %get3A_101 {offsets = [7], sizes = [1], strides = [1]} : vector<16xi32> to vector<1xi32>
      %squeeze3A_198 = vector.extract %slice3A_197[0] : i32 from vector<1xi32>
      %mul3A_199 = arith.constant 16 : i32
      %mul3A_200 = arith.muli %scan3A_97, %mul3A_199 : i32
      %add3A_201 = arith.constant 7 : i32
      %add3A_202 = arith.addi %mul3A_200, %add3A_201 : i32
      %dma_start3A_203 = arith.constant 0 : i32
      %dma_start3A_204 = tpu.memref_slice %arg6[%add3A_202, %dma_start3A_203] : memref<800x64xf32, #tpu.memory_space<vmem>> -> memref<1x64xf32, #tpu.memory_space<vmem>>
      %dma_start3A_205 = arith.constant 0 : i32
      %dma_start3A_206 = tpu.memref_slice %arg3[%squeeze3A_198, %dma_start3A_205] : memref<1000000x64xf32, #tpu.memory_space<hbm>> -> memref<1x64xf32, #tpu.memory_space<hbm>>
      %dma_start3A_207 = arith.constant 0 : i32
      %dma_start3A_208 = tpu.memref_slice %arg6[%add3A_202, %dma_start3A_207] : memref<800x64xf32, #tpu.memory_space<vmem>> -> memref<1x64xf32, #tpu.memory_space<vmem>>
      %dma_start3A_209 = arith.constant 0 : i32
      %dma_start3A_210 = tpu.memref_slice %arg3[%squeeze3A_198, %dma_start3A_209] : memref<1000000x64xf32, #tpu.memory_space<hbm>> -> memref<1x64xf32, #tpu.memory_space<hbm>>
      tpu.enqueue_dma source(%dma_start3A_210 : memref<1x64xf32, #tpu.memory_space<hbm>>) target(%dma_start3A_208 : memref<1x64xf32, #tpu.memory_space<vmem>>) target_semaphore(%arg7 : memref<!tpu.dma_semaphore, #tpu.memory_space<semaphore_mem>>)
      %slice3A_211 = vector.extract_strided_slice %get3A_101 {offsets = [8], sizes = [1], strides = [1]} : vector<16xi32> to vector<1xi32>
      %squeeze3A_212 = vector.extract %slice3A_211[0] : i32 from vector<1xi32>
      %mul3A_213 = arith.constant 16 : i32
      %mul3A_214 = arith.muli %scan3A_97, %mul3A_213 : i32
      %add3A_215 = arith.constant 8 : i32
      %add3A_216 = arith.addi %mul3A_214, %add3A_215 : i32
      %dma_start3A_217 = arith.constant 0 : i32
      %dma_start3A_218 = tpu.memref_slice %arg6[%add3A_216, %dma_start3A_217] : memref<800x64xf32, #tpu.memory_space<vmem>> -> memref<1x64xf32, #tpu.memory_space<vmem>>
      %dma_start3A_219 = arith.constant 0 : i32
      %dma_start3A_220 = tpu.memref_slice %arg3[%squeeze3A_212, %dma_start3A_219] : memref<1000000x64xf32, #tpu.memory_space<hbm>> -> memref<1x64xf32, #tpu.memory_space<hbm>>
      %dma_start3A_221 = arith.constant 0 : i32
      %dma_start3A_222 = tpu.memref_slice %arg6[%add3A_216, %dma_start3A_221] : memref<800x64xf32, #tpu.memory_space<vmem>> -> memref<1x64xf32, #tpu.memory_space<vmem>>
      %dma_start3A_223 = arith.constant 0 : i32
      %dma_start3A_224 = tpu.memref_slice %arg3[%squeeze3A_212, %dma_start3A_223] : memref<1000000x64xf32, #tpu.memory_space<hbm>> -> memref<1x64xf32, #tpu.memory_space<hbm>>
      tpu.enqueue_dma source(%dma_start3A_224 : memref<1x64xf32, #tpu.memory_space<hbm>>) target(%dma_start3A_222 : memref<1x64xf32, #tpu.memory_space<vmem>>) target_semaphore(%arg7 : memref<!tpu.dma_semaphore, #tpu.memory_space<semaphore_mem>>)
      %slice3A_225 = vector.extract_strided_slice %get3A_101 {offsets = [9], sizes = [1], strides = [1]} : vector<16xi32> to vector<1xi32>
      %squeeze3A_226 = vector.extract %slice3A_225[0] : i32 from vector<1xi32>
      %mul3A_227 = arith.constant 16 : i32
      %mul3A_228 = arith.muli %scan3A_97, %mul3A_227 : i32
      %add3A_229 = arith.constant 9 : i32
      %add3A_230 = arith.addi %mul3A_228, %add3A_229 : i32
      %dma_start3A_231 = arith.constant 0 : i32
      %dma_start3A_232 = tpu.memref_slice %arg6[%add3A_230, %dma_start3A_231] : memref<800x64xf32, #tpu.memory_space<vmem>> -> memref<1x64xf32, #tpu.memory_space<vmem>>
      %dma_start3A_233 = arith.constant 0 : i32
      %dma_start3A_234 = tpu.memref_slice %arg3[%squeeze3A_226, %dma_start3A_233] : memref<1000000x64xf32, #tpu.memory_space<hbm>> -> memref<1x64xf32, #tpu.memory_space<hbm>>
      %dma_start3A_235 = arith.constant 0 : i32
      %dma_start3A_236 = tpu.memref_slice %arg6[%add3A_230, %dma_start3A_235] : memref<800x64xf32, #tpu.memory_space<vmem>> -> memref<1x64xf32, #tpu.memory_space<vmem>>
      %dma_start3A_237 = arith.constant 0 : i32
      %dma_start3A_238 = tpu.memref_slice %arg3[%squeeze3A_226, %dma_start3A_237] : memref<1000000x64xf32, #tpu.memory_space<hbm>> -> memref<1x64xf32, #tpu.memory_space<hbm>>
      tpu.enqueue_dma source(%dma_start3A_238 : memref<1x64xf32, #tpu.memory_space<hbm>>) target(%dma_start3A_236 : memref<1x64xf32, #tpu.memory_space<vmem>>) target_semaphore(%arg7 : memref<!tpu.dma_semaphore, #tpu.memory_space<semaphore_mem>>)
      %slice3A_239 = vector.extract_strided_slice %get3A_101 {offsets = [10], sizes = [1], strides = [1]} : vector<16xi32> to vector<1xi32>
      %squeeze3A_240 = vector.extract %slice3A_239[0] : i32 from vector<1xi32>
      %mul3A_241 = arith.constant 16 : i32
      %mul3A_242 = arith.muli %scan3A_97, %mul3A_241 : i32
      %add3A_243 = arith.constant 10 : i32
      %add3A_244 = arith.addi %mul3A_242, %add3A_243 : i32
      %dma_start3A_245 = arith.constant 0 : i32
      %dma_start3A_246 = tpu.memref_slice %arg6[%add3A_244, %dma_start3A_245] : memref<800x64xf32, #tpu.memory_space<vmem>> -> memref<1x64xf32, #tpu.memory_space<vmem>>
      %dma_start3A_247 = arith.constant 0 : i32
      %dma_start3A_248 = tpu.memref_slice %arg3[%squeeze3A_240, %dma_start3A_247] : memref<1000000x64xf32, #tpu.memory_space<hbm>> -> memref<1x64xf32, #tpu.memory_space<hbm>>
      %dma_start3A_249 = arith.constant 0 : i32
      %dma_start3A_250 = tpu.memref_slice %arg6[%add3A_244, %dma_start3A_249] : memref<800x64xf32, #tpu.memory_space<vmem>> -> memref<1x64xf32, #tpu.memory_space<vmem>>
      %dma_start3A_251 = arith.constant 0 : i32
      %dma_start3A_252 = tpu.memref_slice %arg3[%squeeze3A_240, %dma_start3A_251] : memref<1000000x64xf32, #tpu.memory_space<hbm>> -> memref<1x64xf32, #tpu.memory_space<hbm>>
      tpu.enqueue_dma source(%dma_start3A_252 : memref<1x64xf32, #tpu.memory_space<hbm>>) target(%dma_start3A_250 : memref<1x64xf32, #tpu.memory_space<vmem>>) target_semaphore(%arg7 : memref<!tpu.dma_semaphore, #tpu.memory_space<semaphore_mem>>)
      %slice3A_253 = vector.extract_strided_slice %get3A_101 {offsets = [11], sizes = [1], strides = [1]} : vector<16xi32> to vector<1xi32>
      %squeeze3A_254 = vector.extract %slice3A_253[0] : i32 from vector<1xi32>
      %mul3A_255 = arith.constant 16 : i32
      %mul3A_256 = arith.muli %scan3A_97, %mul3A_255 : i32
      %add3A_257 = arith.constant 11 : i32
      %add3A_258 = arith.addi %mul3A_256, %add3A_257 : i32
      %dma_start3A_259 = arith.constant 0 : i32
      %dma_start3A_260 = tpu.memref_slice %arg6[%add3A_258, %dma_start3A_259] : memref<800x64xf32, #tpu.memory_space<vmem>> -> memref<1x64xf32, #tpu.memory_space<vmem>>
      %dma_start3A_261 = arith.constant 0 : i32
      %dma_start3A_262 = tpu.memref_slice %arg3[%squeeze3A_254, %dma_start3A_261] : memref<1000000x64xf32, #tpu.memory_space<hbm>> -> memref<1x64xf32, #tpu.memory_space<hbm>>
      %dma_start3A_263 = arith.constant 0 : i32
      %dma_start3A_264 = tpu.memref_slice %arg6[%add3A_258, %dma_start3A_263] : memref<800x64xf32, #tpu.memory_space<vmem>> -> memref<1x64xf32, #tpu.memory_space<vmem>>
      %dma_start3A_265 = arith.constant 0 : i32
      %dma_start3A_266 = tpu.memref_slice %arg3[%squeeze3A_254, %dma_start3A_265] : memref<1000000x64xf32, #tpu.memory_space<hbm>> -> memref<1x64xf32, #tpu.memory_space<hbm>>
      tpu.enqueue_dma source(%dma_start3A_266 : memref<1x64xf32, #tpu.memory_space<hbm>>) target(%dma_start3A_264 : memref<1x64xf32, #tpu.memory_space<vmem>>) target_semaphore(%arg7 : memref<!tpu.dma_semaphore, #tpu.memory_space<semaphore_mem>>)
      %slice3A_267 = vector.extract_strided_slice %get3A_101 {offsets = [12], sizes = [1], strides = [1]} : vector<16xi32> to vector<1xi32>
      %squeeze3A_268 = vector.extract %slice3A_267[0] : i32 from vector<1xi32>
      %mul3A_269 = arith.constant 16 : i32
      %mul3A_270 = arith.muli %scan3A_97, %mul3A_269 : i32
      %add3A_271 = arith.constant 12 : i32
      %add3A_272 = arith.addi %mul3A_270, %add3A_271 : i32
      %dma_start3A_273 = arith.constant 0 : i32
      %dma_start3A_274 = tpu.memref_slice %arg6[%add3A_272, %dma_start3A_273] : memref<800x64xf32, #tpu.memory_space<vmem>> -> memref<1x64xf32, #tpu.memory_space<vmem>>
      %dma_start3A_275 = arith.constant 0 : i32
      %dma_start3A_276 = tpu.memref_slice %arg3[%squeeze3A_268, %dma_start3A_275] : memref<1000000x64xf32, #tpu.memory_space<hbm>> -> memref<1x64xf32, #tpu.memory_space<hbm>>
      %dma_start3A_277 = arith.constant 0 : i32
      %dma_start3A_278 = tpu.memref_slice %arg6[%add3A_272, %dma_start3A_277] : memref<800x64xf32, #tpu.memory_space<vmem>> -> memref<1x64xf32, #tpu.memory_space<vmem>>
      %dma_start3A_279 = arith.constant 0 : i32
      %dma_start3A_280 = tpu.memref_slice %arg3[%squeeze3A_268, %dma_start3A_279] : memref<1000000x64xf32, #tpu.memory_space<hbm>> -> memref<1x64xf32, #tpu.memory_space<hbm>>
      tpu.enqueue_dma source(%dma_start3A_280 : memref<1x64xf32, #tpu.memory_space<hbm>>) target(%dma_start3A_278 : memref<1x64xf32, #tpu.memory_space<vmem>>) target_semaphore(%arg7 : memref<!tpu.dma_semaphore, #tpu.memory_space<semaphore_mem>>)
      %slice3A_281 = vector.extract_strided_slice %get3A_101 {offsets = [13], sizes = [1], strides = [1]} : vector<16xi32> to vector<1xi32>
      %squeeze3A_282 = vector.extract %slice3A_281[0] : i32 from vector<1xi32>
      %mul3A_283 = arith.constant 16 : i32
      %mul3A_284 = arith.muli %scan3A_97, %mul3A_283 : i32
      %add3A_285 = arith.constant 13 : i32
      %add3A_286 = arith.addi %mul3A_284, %add3A_285 : i32
      %dma_start3A_287 = arith.constant 0 : i32
      %dma_start3A_288 = tpu.memref_slice %arg6[%add3A_286, %dma_start3A_287] : memref<800x64xf32, #tpu.memory_space<vmem>> -> memref<1x64xf32, #tpu.memory_space<vmem>>
      %dma_start3A_289 = arith.constant 0 : i32
      %dma_start3A_290 = tpu.memref_slice %arg3[%squeeze3A_282, %dma_start3A_289] : memref<1000000x64xf32, #tpu.memory_space<hbm>> -> memref<1x64xf32, #tpu.memory_space<hbm>>
      %dma_start3A_291 = arith.constant 0 : i32
      %dma_start3A_292 = tpu.memref_slice %arg6[%add3A_286, %dma_start3A_291] : memref<800x64xf32, #tpu.memory_space<vmem>> -> memref<1x64xf32, #tpu.memory_space<vmem>>
      %dma_start3A_293 = arith.constant 0 : i32
      %dma_start3A_294 = tpu.memref_slice %arg3[%squeeze3A_282, %dma_start3A_293] : memref<1000000x64xf32, #tpu.memory_space<hbm>> -> memref<1x64xf32, #tpu.memory_space<hbm>>
      tpu.enqueue_dma source(%dma_start3A_294 : memref<1x64xf32, #tpu.memory_space<hbm>>) target(%dma_start3A_292 : memref<1x64xf32, #tpu.memory_space<vmem>>) target_semaphore(%arg7 : memref<!tpu.dma_semaphore, #tpu.memory_space<semaphore_mem>>)
      %slice3A_295 = vector.extract_strided_slice %get3A_101 {offsets = [14], sizes = [1], strides = [1]} : vector<16xi32> to vector<1xi32>
      %squeeze3A_296 = vector.extract %slice3A_295[0] : i32 from vector<1xi32>
      %mul3A_297 = arith.constant 16 : i32
      %mul3A_298 = arith.muli %scan3A_97, %mul3A_297 : i32
      %add3A_299 = arith.constant 14 : i32
      %add3A_300 = arith.addi %mul3A_298, %add3A_299 : i32
      %dma_start3A_301 = arith.constant 0 : i32
      %dma_start3A_302 = tpu.memref_slice %arg6[%add3A_300, %dma_start3A_301] : memref<800x64xf32, #tpu.memory_space<vmem>> -> memref<1x64xf32, #tpu.memory_space<vmem>>
      %dma_start3A_303 = arith.constant 0 : i32
      %dma_start3A_304 = tpu.memref_slice %arg3[%squeeze3A_296, %dma_start3A_303] : memref<1000000x64xf32, #tpu.memory_space<hbm>> -> memref<1x64xf32, #tpu.memory_space<hbm>>
      %dma_start3A_305 = arith.constant 0 : i32
      %dma_start3A_306 = tpu.memref_slice %arg6[%add3A_300, %dma_start3A_305] : memref<800x64xf32, #tpu.memory_space<vmem>> -> memref<1x64xf32, #tpu.memory_space<vmem>>
      %dma_start3A_307 = arith.constant 0 : i32
      %dma_start3A_308 = tpu.memref_slice %arg3[%squeeze3A_296, %dma_start3A_307] : memref<1000000x64xf32, #tpu.memory_space<hbm>> -> memref<1x64xf32, #tpu.memory_space<hbm>>
      tpu.enqueue_dma source(%dma_start3A_308 : memref<1x64xf32, #tpu.memory_space<hbm>>) target(%dma_start3A_306 : memref<1x64xf32, #tpu.memory_space<vmem>>) target_semaphore(%arg7 : memref<!tpu.dma_semaphore, #tpu.memory_space<semaphore_mem>>)
      %slice3A_309 = vector.extract_strided_slice %get3A_101 {offsets = [15], sizes = [1], strides = [1]} : vector<16xi32> to vector<1xi32>
      %squeeze3A_310 = vector.extract %slice3A_309[0] : i32 from vector<1xi32>
      %mul3A_311 = arith.constant 16 : i32
      %mul3A_312 = arith.muli %scan3A_97, %mul3A_311 : i32
      %add3A_313 = arith.constant 15 : i32
      %add3A_314 = arith.addi %mul3A_312, %add3A_313 : i32
      %dma_start3A_315 = arith.constant 0 : i32
      %dma_start3A_316 = tpu.memref_slice %arg6[%add3A_314, %dma_start3A_315] : memref<800x64xf32, #tpu.memory_space<vmem>> -> memref<1x64xf32, #tpu.memory_space<vmem>>
      %dma_start3A_317 = arith.constant 0 : i32
      %dma_start3A_318 = tpu.memref_slice %arg3[%squeeze3A_310, %dma_start3A_317] : memref<1000000x64xf32, #tpu.memory_space<hbm>> -> memref<1x64xf32, #tpu.memory_space<hbm>>
      %dma_start3A_319 = arith.constant 0 : i32
      %dma_start3A_320 = tpu.memref_slice %arg6[%add3A_314, %dma_start3A_319] : memref<800x64xf32, #tpu.memory_space<vmem>> -> memref<1x64xf32, #tpu.memory_space<vmem>>
      %dma_start3A_321 = arith.constant 0 : i32
      %dma_start3A_322 = tpu.memref_slice %arg3[%squeeze3A_310, %dma_start3A_321] : memref<1000000x64xf32, #tpu.memory_space<hbm>> -> memref<1x64xf32, #tpu.memory_space<hbm>>
      tpu.enqueue_dma source(%dma_start3A_322 : memref<1x64xf32, #tpu.memory_space<hbm>>) target(%dma_start3A_320 : memref<1x64xf32, #tpu.memory_space<vmem>>) target_semaphore(%arg7 : memref<!tpu.dma_semaphore, #tpu.memory_space<semaphore_mem>>)
    }
    %scan3A_32 = arith.constant 50 : i32
    %dma_wait3A_33 = arith.constant 0 : i32
    %dma_wait3A_34 = tpu.memref_slice %arg4[%add3A_26, %dma_wait3A_33] : memref<204800x64xf32, #tpu.memory_space<hbm>> -> memref<800x64xf32, #tpu.memory_space<hbm>>
    %dma_wait3A_35 = arith.constant 0 : i32
    %dma_wait3A_36 = tpu.memref_slice %arg4[%add3A_26, %dma_wait3A_35] : memref<204800x64xf32, #tpu.memory_space<hbm>> -> memref<800x64xf32, #tpu.memory_space<hbm>>
    tpu.wait_dma2 semaphore(%arg7 : memref<!tpu.dma_semaphore, #tpu.memory_space<semaphore_mem>>) src(%dma_wait3A_36 : memref<800x64xf32, #tpu.memory_space<hbm>>) dst(%arg6 : memref<800x64xf32, #tpu.memory_space<vmem>>)
    "tpu.region"() ({
      %run_scoped3A = tpu.sem_alloc : memref<!tpu.dma_semaphore, #tpu.memory_space<semaphore_mem>>
      %dma_start3A = arith.constant 0 : i32
      %dma_start3A_97 = tpu.memref_slice %arg4[%add3A_26, %dma_start3A] : memref<204800x64xf32, #tpu.memory_space<hbm>> -> memref<800x64xf32, #tpu.memory_space<hbm>>
      %dma_start3A_98 = arith.constant 0 : i32
      %dma_start3A_99 = tpu.memref_slice %arg4[%add3A_26, %dma_start3A_98] : memref<204800x64xf32, #tpu.memory_space<hbm>> -> memref<800x64xf32, #tpu.memory_space<hbm>>
      tpu.enqueue_dma source(%arg6 : memref<800x64xf32, #tpu.memory_space<vmem>>) target(%dma_start3A_99 : memref<800x64xf32, #tpu.memory_space<hbm>>) target_semaphore(%run_scoped3A : memref<!tpu.dma_semaphore, #tpu.memory_space<semaphore_mem>>)
      %dma_wait3A_100 = arith.constant 0 : i32
      %dma_wait3A_101 = tpu.memref_slice %arg4[%add3A_26, %dma_wait3A_100] : memref<204800x64xf32, #tpu.memory_space<hbm>> -> memref<800x64xf32, #tpu.memory_space<hbm>>
      %dma_wait3A_102 = arith.constant 0 : i32
      %dma_wait3A_103 = tpu.memref_slice %arg4[%add3A_26, %dma_wait3A_102] : memref<204800x64xf32, #tpu.memory_space<hbm>> -> memref<800x64xf32, #tpu.memory_space<hbm>>
      tpu.wait_dma2 semaphore(%run_scoped3A : memref<!tpu.dma_semaphore, #tpu.memory_space<semaphore_mem>>) src(%arg6 : memref<800x64xf32, #tpu.memory_space<vmem>>) dst(%dma_wait3A_103 : memref<800x64xf32, #tpu.memory_space<hbm>>)
      tpu.yield
    }) : () -> ()
    %add3A_37 = arith.constant 2400 : i32
    %add3A_38 = arith.addi %mul3A_2, %add3A_37 : i32
    "tpu.region"() ({
      %run_scoped3A = tpu.sem_alloc : memref<!tpu.dma_semaphore, #tpu.memory_space<semaphore_mem>>
      %dma_start3A = tpu.memref_slice %arg2[%add3A_38] : memref<204800xi32, #tpu.memory_space<hbm>> -> memref<800xi32, #tpu.memory_space<hbm>>
      %dma_start3A_97 = tpu.memref_slice %arg2[%add3A_38] : memref<204800xi32, #tpu.memory_space<hbm>> -> memref<800xi32, #tpu.memory_space<hbm>>
      tpu.enqueue_dma source(%dma_start3A_97 : memref<800xi32, #tpu.memory_space<hbm>>) target(%arg5 : memref<800xi32, #tpu.memory_space<vmem>>) target_semaphore(%run_scoped3A : memref<!tpu.dma_semaphore, #tpu.memory_space<semaphore_mem>>)
      %dma_wait3A_98 = tpu.memref_slice %arg2[%add3A_38] : memref<204800xi32, #tpu.memory_space<hbm>> -> memref<800xi32, #tpu.memory_space<hbm>>
      %dma_wait3A_99 = tpu.memref_slice %arg2[%add3A_38] : memref<204800xi32, #tpu.memory_space<hbm>> -> memref<800xi32, #tpu.memory_space<hbm>>
      tpu.wait_dma2 semaphore(%run_scoped3A : memref<!tpu.dma_semaphore, #tpu.memory_space<semaphore_mem>>) src(%dma_wait3A_99 : memref<800xi32, #tpu.memory_space<hbm>>) dst(%arg5 : memref<800xi32, #tpu.memory_space<vmem>>)
      tpu.yield
    }) : () -> ()
    %scan3A_39 = arith.constant 0 : i32
    %scan3A_40 = arith.constant 0 : i32
    %scan3A_41 = arith.constant 50 : i32
    %scan3A_42 = arith.addi %scan3A_40, %scan3A_41 : i32
    %scan3A_43 = arith.constant 1 : i32
    scf.for %scan3A_97 = %scan3A_40 to %scan3A_42 step %scan3A_43  : i32 {
      %mul3A_98 = arith.constant 16 : i32
      %mul3A_99 = arith.muli %scan3A_97, %mul3A_98 : i32
      %get3A = arith.index_cast %mul3A_99 : i32 to index
      %get3A_100 = tpu.vector_load %arg5[%get3A] {strides = array<i32>} : memref<800xi32, #tpu.memory_space<vmem>>, vector<16xi32>,
      %get3A_101 = vector.shape_cast %get3A_100 : vector<16xi32> to vector<16xi32>
      %slice3A = vector.extract_strided_slice %get3A_101 {offsets = [0], sizes = [1], strides = [1]} : vector<16xi32> to vector<1xi32>
      %squeeze3A = vector.extract %slice3A[0] : i32 from vector<1xi32>
      %mul3A_102 = arith.constant 16 : i32
      %mul3A_103 = arith.muli %scan3A_97, %mul3A_102 : i32
      %add3A_104 = arith.constant 0 : i32
      %add3A_105 = arith.addi %mul3A_103, %add3A_104 : i32
      %dma_start3A = arith.constant 0 : i32
      %dma_start3A_106 = tpu.memref_slice %arg6[%add3A_105, %dma_start3A] : memref<800x64xf32, #tpu.memory_space<vmem>> -> memref<1x64xf32, #tpu.memory_space<vmem>>
      %dma_start3A_107 = arith.constant 0 : i32
      %dma_start3A_108 = tpu.memref_slice %arg3[%squeeze3A, %dma_start3A_107] : memref<1000000x64xf32, #tpu.memory_space<hbm>> -> memref<1x64xf32, #tpu.memory_space<hbm>>
      %dma_start3A_109 = arith.constant 0 : i32
      %dma_start3A_110 = tpu.memref_slice %arg6[%add3A_105, %dma_start3A_109] : memref<800x64xf32, #tpu.memory_space<vmem>> -> memref<1x64xf32, #tpu.memory_space<vmem>>
      %dma_start3A_111 = arith.constant 0 : i32
      %dma_start3A_112 = tpu.memref_slice %arg3[%squeeze3A, %dma_start3A_111] : memref<1000000x64xf32, #tpu.memory_space<hbm>> -> memref<1x64xf32, #tpu.memory_space<hbm>>
      tpu.enqueue_dma source(%dma_start3A_112 : memref<1x64xf32, #tpu.memory_space<hbm>>) target(%dma_start3A_110 : memref<1x64xf32, #tpu.memory_space<vmem>>) target_semaphore(%arg7 : memref<!tpu.dma_semaphore, #tpu.memory_space<semaphore_mem>>)
      %slice3A_113 = vector.extract_strided_slice %get3A_101 {offsets = [1], sizes = [1], strides = [1]} : vector<16xi32> to vector<1xi32>
      %squeeze3A_114 = vector.extract %slice3A_113[0] : i32 from vector<1xi32>
      %mul3A_115 = arith.constant 16 : i32
      %mul3A_116 = arith.muli %scan3A_97, %mul3A_115 : i32
      %add3A_117 = arith.constant 1 : i32
      %add3A_118 = arith.addi %mul3A_116, %add3A_117 : i32
      %dma_start3A_119 = arith.constant 0 : i32
      %dma_start3A_120 = tpu.memref_slice %arg6[%add3A_118, %dma_start3A_119] : memref<800x64xf32, #tpu.memory_space<vmem>> -> memref<1x64xf32, #tpu.memory_space<vmem>>
      %dma_start3A_121 = arith.constant 0 : i32
      %dma_start3A_122 = tpu.memref_slice %arg3[%squeeze3A_114, %dma_start3A_121] : memref<1000000x64xf32, #tpu.memory_space<hbm>> -> memref<1x64xf32, #tpu.memory_space<hbm>>
      %dma_start3A_123 = arith.constant 0 : i32
      %dma_start3A_124 = tpu.memref_slice %arg6[%add3A_118, %dma_start3A_123] : memref<800x64xf32, #tpu.memory_space<vmem>> -> memref<1x64xf32, #tpu.memory_space<vmem>>
      %dma_start3A_125 = arith.constant 0 : i32
      %dma_start3A_126 = tpu.memref_slice %arg3[%squeeze3A_114, %dma_start3A_125] : memref<1000000x64xf32, #tpu.memory_space<hbm>> -> memref<1x64xf32, #tpu.memory_space<hbm>>
      tpu.enqueue_dma source(%dma_start3A_126 : memref<1x64xf32, #tpu.memory_space<hbm>>) target(%dma_start3A_124 : memref<1x64xf32, #tpu.memory_space<vmem>>) target_semaphore(%arg7 : memref<!tpu.dma_semaphore, #tpu.memory_space<semaphore_mem>>)
      %slice3A_127 = vector.extract_strided_slice %get3A_101 {offsets = [2], sizes = [1], strides = [1]} : vector<16xi32> to vector<1xi32>
      %squeeze3A_128 = vector.extract %slice3A_127[0] : i32 from vector<1xi32>
      %mul3A_129 = arith.constant 16 : i32
      %mul3A_130 = arith.muli %scan3A_97, %mul3A_129 : i32
      %add3A_131 = arith.constant 2 : i32
      %add3A_132 = arith.addi %mul3A_130, %add3A_131 : i32
      %dma_start3A_133 = arith.constant 0 : i32
      %dma_start3A_134 = tpu.memref_slice %arg6[%add3A_132, %dma_start3A_133] : memref<800x64xf32, #tpu.memory_space<vmem>> -> memref<1x64xf32, #tpu.memory_space<vmem>>
      %dma_start3A_135 = arith.constant 0 : i32
      %dma_start3A_136 = tpu.memref_slice %arg3[%squeeze3A_128, %dma_start3A_135] : memref<1000000x64xf32, #tpu.memory_space<hbm>> -> memref<1x64xf32, #tpu.memory_space<hbm>>
      %dma_start3A_137 = arith.constant 0 : i32
      %dma_start3A_138 = tpu.memref_slice %arg6[%add3A_132, %dma_start3A_137] : memref<800x64xf32, #tpu.memory_space<vmem>> -> memref<1x64xf32, #tpu.memory_space<vmem>>
      %dma_start3A_139 = arith.constant 0 : i32
      %dma_start3A_140 = tpu.memref_slice %arg3[%squeeze3A_128, %dma_start3A_139] : memref<1000000x64xf32, #tpu.memory_space<hbm>> -> memref<1x64xf32, #tpu.memory_space<hbm>>
      tpu.enqueue_dma source(%dma_start3A_140 : memref<1x64xf32, #tpu.memory_space<hbm>>) target(%dma_start3A_138 : memref<1x64xf32, #tpu.memory_space<vmem>>) target_semaphore(%arg7 : memref<!tpu.dma_semaphore, #tpu.memory_space<semaphore_mem>>)
      %slice3A_141 = vector.extract_strided_slice %get3A_101 {offsets = [3], sizes = [1], strides = [1]} : vector<16xi32> to vector<1xi32>
      %squeeze3A_142 = vector.extract %slice3A_141[0] : i32 from vector<1xi32>
      %mul3A_143 = arith.constant 16 : i32
      %mul3A_144 = arith.muli %scan3A_97, %mul3A_143 : i32
      %add3A_145 = arith.constant 3 : i32
      %add3A_146 = arith.addi %mul3A_144, %add3A_145 : i32
      %dma_start3A_147 = arith.constant 0 : i32
      %dma_start3A_148 = tpu.memref_slice %arg6[%add3A_146, %dma_start3A_147] : memref<800x64xf32, #tpu.memory_space<vmem>> -> memref<1x64xf32, #tpu.memory_space<vmem>>
      %dma_start3A_149 = arith.constant 0 : i32
      %dma_start3A_150 = tpu.memref_slice %arg3[%squeeze3A_142, %dma_start3A_149] : memref<1000000x64xf32, #tpu.memory_space<hbm>> -> memref<1x64xf32, #tpu.memory_space<hbm>>
      %dma_start3A_151 = arith.constant 0 : i32
      %dma_start3A_152 = tpu.memref_slice %arg6[%add3A_146, %dma_start3A_151] : memref<800x64xf32, #tpu.memory_space<vmem>> -> memref<1x64xf32, #tpu.memory_space<vmem>>
      %dma_start3A_153 = arith.constant 0 : i32
      %dma_start3A_154 = tpu.memref_slice %arg3[%squeeze3A_142, %dma_start3A_153] : memref<1000000x64xf32, #tpu.memory_space<hbm>> -> memref<1x64xf32, #tpu.memory_space<hbm>>
      tpu.enqueue_dma source(%dma_start3A_154 : memref<1x64xf32, #tpu.memory_space<hbm>>) target(%dma_start3A_152 : memref<1x64xf32, #tpu.memory_space<vmem>>) target_semaphore(%arg7 : memref<!tpu.dma_semaphore, #tpu.memory_space<semaphore_mem>>)
      %slice3A_155 = vector.extract_strided_slice %get3A_101 {offsets = [4], sizes = [1], strides = [1]} : vector<16xi32> to vector<1xi32>
      %squeeze3A_156 = vector.extract %slice3A_155[0] : i32 from vector<1xi32>
      %mul3A_157 = arith.constant 16 : i32
      %mul3A_158 = arith.muli %scan3A_97, %mul3A_157 : i32
      %add3A_159 = arith.constant 4 : i32
      %add3A_160 = arith.addi %mul3A_158, %add3A_159 : i32
      %dma_start3A_161 = arith.constant 0 : i32
      %dma_start3A_162 = tpu.memref_slice %arg6[%add3A_160, %dma_start3A_161] : memref<800x64xf32, #tpu.memory_space<vmem>> -> memref<1x64xf32, #tpu.memory_space<vmem>>
      %dma_start3A_163 = arith.constant 0 : i32
      %dma_start3A_164 = tpu.memref_slice %arg3[%squeeze3A_156, %dma_start3A_163] : memref<1000000x64xf32, #tpu.memory_space<hbm>> -> memref<1x64xf32, #tpu.memory_space<hbm>>
      %dma_start3A_165 = arith.constant 0 : i32
      %dma_start3A_166 = tpu.memref_slice %arg6[%add3A_160, %dma_start3A_165] : memref<800x64xf32, #tpu.memory_space<vmem>> -> memref<1x64xf32, #tpu.memory_space<vmem>>
      %dma_start3A_167 = arith.constant 0 : i32
      %dma_start3A_168 = tpu.memref_slice %arg3[%squeeze3A_156, %dma_start3A_167] : memref<1000000x64xf32, #tpu.memory_space<hbm>> -> memref<1x64xf32, #tpu.memory_space<hbm>>
      tpu.enqueue_dma source(%dma_start3A_168 : memref<1x64xf32, #tpu.memory_space<hbm>>) target(%dma_start3A_166 : memref<1x64xf32, #tpu.memory_space<vmem>>) target_semaphore(%arg7 : memref<!tpu.dma_semaphore, #tpu.memory_space<semaphore_mem>>)
      %slice3A_169 = vector.extract_strided_slice %get3A_101 {offsets = [5], sizes = [1], strides = [1]} : vector<16xi32> to vector<1xi32>
      %squeeze3A_170 = vector.extract %slice3A_169[0] : i32 from vector<1xi32>
      %mul3A_171 = arith.constant 16 : i32
      %mul3A_172 = arith.muli %scan3A_97, %mul3A_171 : i32
      %add3A_173 = arith.constant 5 : i32
      %add3A_174 = arith.addi %mul3A_172, %add3A_173 : i32
      %dma_start3A_175 = arith.constant 0 : i32
      %dma_start3A_176 = tpu.memref_slice %arg6[%add3A_174, %dma_start3A_175] : memref<800x64xf32, #tpu.memory_space<vmem>> -> memref<1x64xf32, #tpu.memory_space<vmem>>
      %dma_start3A_177 = arith.constant 0 : i32
      %dma_start3A_178 = tpu.memref_slice %arg3[%squeeze3A_170, %dma_start3A_177] : memref<1000000x64xf32, #tpu.memory_space<hbm>> -> memref<1x64xf32, #tpu.memory_space<hbm>>
      %dma_start3A_179 = arith.constant 0 : i32
      %dma_start3A_180 = tpu.memref_slice %arg6[%add3A_174, %dma_start3A_179] : memref<800x64xf32, #tpu.memory_space<vmem>> -> memref<1x64xf32, #tpu.memory_space<vmem>>
      %dma_start3A_181 = arith.constant 0 : i32
      %dma_start3A_182 = tpu.memref_slice %arg3[%squeeze3A_170, %dma_start3A_181] : memref<1000000x64xf32, #tpu.memory_space<hbm>> -> memref<1x64xf32, #tpu.memory_space<hbm>>
      tpu.enqueue_dma source(%dma_start3A_182 : memref<1x64xf32, #tpu.memory_space<hbm>>) target(%dma_start3A_180 : memref<1x64xf32, #tpu.memory_space<vmem>>) target_semaphore(%arg7 : memref<!tpu.dma_semaphore, #tpu.memory_space<semaphore_mem>>)
      %slice3A_183 = vector.extract_strided_slice %get3A_101 {offsets = [6], sizes = [1], strides = [1]} : vector<16xi32> to vector<1xi32>
      %squeeze3A_184 = vector.extract %slice3A_183[0] : i32 from vector<1xi32>
      %mul3A_185 = arith.constant 16 : i32
      %mul3A_186 = arith.muli %scan3A_97, %mul3A_185 : i32
      %add3A_187 = arith.constant 6 : i32
      %add3A_188 = arith.addi %mul3A_186, %add3A_187 : i32
      %dma_start3A_189 = arith.constant 0 : i32
      %dma_start3A_190 = tpu.memref_slice %arg6[%add3A_188, %dma_start3A_189] : memref<800x64xf32, #tpu.memory_space<vmem>> -> memref<1x64xf32, #tpu.memory_space<vmem>>
      %dma_start3A_191 = arith.constant 0 : i32
      %dma_start3A_192 = tpu.memref_slice %arg3[%squeeze3A_184, %dma_start3A_191] : memref<1000000x64xf32, #tpu.memory_space<hbm>> -> memref<1x64xf32, #tpu.memory_space<hbm>>
      %dma_start3A_193 = arith.constant 0 : i32
      %dma_start3A_194 = tpu.memref_slice %arg6[%add3A_188, %dma_start3A_193] : memref<800x64xf32, #tpu.memory_space<vmem>> -> memref<1x64xf32, #tpu.memory_space<vmem>>
      %dma_start3A_195 = arith.constant 0 : i32
      %dma_start3A_196 = tpu.memref_slice %arg3[%squeeze3A_184, %dma_start3A_195] : memref<1000000x64xf32, #tpu.memory_space<hbm>> -> memref<1x64xf32, #tpu.memory_space<hbm>>
      tpu.enqueue_dma source(%dma_start3A_196 : memref<1x64xf32, #tpu.memory_space<hbm>>) target(%dma_start3A_194 : memref<1x64xf32, #tpu.memory_space<vmem>>) target_semaphore(%arg7 : memref<!tpu.dma_semaphore, #tpu.memory_space<semaphore_mem>>)
      %slice3A_197 = vector.extract_strided_slice %get3A_101 {offsets = [7], sizes = [1], strides = [1]} : vector<16xi32> to vector<1xi32>
      %squeeze3A_198 = vector.extract %slice3A_197[0] : i32 from vector<1xi32>
      %mul3A_199 = arith.constant 16 : i32
      %mul3A_200 = arith.muli %scan3A_97, %mul3A_199 : i32
      %add3A_201 = arith.constant 7 : i32
      %add3A_202 = arith.addi %mul3A_200, %add3A_201 : i32
      %dma_start3A_203 = arith.constant 0 : i32
      %dma_start3A_204 = tpu.memref_slice %arg6[%add3A_202, %dma_start3A_203] : memref<800x64xf32, #tpu.memory_space<vmem>> -> memref<1x64xf32, #tpu.memory_space<vmem>>
      %dma_start3A_205 = arith.constant 0 : i32
      %dma_start3A_206 = tpu.memref_slice %arg3[%squeeze3A_198, %dma_start3A_205] : memref<1000000x64xf32, #tpu.memory_space<hbm>> -> memref<1x64xf32, #tpu.memory_space<hbm>>
      %dma_start3A_207 = arith.constant 0 : i32
      %dma_start3A_208 = tpu.memref_slice %arg6[%add3A_202, %dma_start3A_207] : memref<800x64xf32, #tpu.memory_space<vmem>> -> memref<1x64xf32, #tpu.memory_space<vmem>>
      %dma_start3A_209 = arith.constant 0 : i32
      %dma_start3A_210 = tpu.memref_slice %arg3[%squeeze3A_198, %dma_start3A_209] : memref<1000000x64xf32, #tpu.memory_space<hbm>> -> memref<1x64xf32, #tpu.memory_space<hbm>>
      tpu.enqueue_dma source(%dma_start3A_210 : memref<1x64xf32, #tpu.memory_space<hbm>>) target(%dma_start3A_208 : memref<1x64xf32, #tpu.memory_space<vmem>>) target_semaphore(%arg7 : memref<!tpu.dma_semaphore, #tpu.memory_space<semaphore_mem>>)
      %slice3A_211 = vector.extract_strided_slice %get3A_101 {offsets = [8], sizes = [1], strides = [1]} : vector<16xi32> to vector<1xi32>
      %squeeze3A_212 = vector.extract %slice3A_211[0] : i32 from vector<1xi32>
      %mul3A_213 = arith.constant 16 : i32
      %mul3A_214 = arith.muli %scan3A_97, %mul3A_213 : i32
      %add3A_215 = arith.constant 8 : i32
      %add3A_216 = arith.addi %mul3A_214, %add3A_215 : i32
      %dma_start3A_217 = arith.constant 0 : i32
      %dma_start3A_218 = tpu.memref_slice %arg6[%add3A_216, %dma_start3A_217] : memref<800x64xf32, #tpu.memory_space<vmem>> -> memref<1x64xf32, #tpu.memory_space<vmem>>
      %dma_start3A_219 = arith.constant 0 : i32
      %dma_start3A_220 = tpu.memref_slice %arg3[%squeeze3A_212, %dma_start3A_219] : memref<1000000x64xf32, #tpu.memory_space<hbm>> -> memref<1x64xf32, #tpu.memory_space<hbm>>
      %dma_start3A_221 = arith.constant 0 : i32
      %dma_start3A_222 = tpu.memref_slice %arg6[%add3A_216, %dma_start3A_221] : memref<800x64xf32, #tpu.memory_space<vmem>> -> memref<1x64xf32, #tpu.memory_space<vmem>>
      %dma_start3A_223 = arith.constant 0 : i32
      %dma_start3A_224 = tpu.memref_slice %arg3[%squeeze3A_212, %dma_start3A_223] : memref<1000000x64xf32, #tpu.memory_space<hbm>> -> memref<1x64xf32, #tpu.memory_space<hbm>>
      tpu.enqueue_dma source(%dma_start3A_224 : memref<1x64xf32, #tpu.memory_space<hbm>>) target(%dma_start3A_222 : memref<1x64xf32, #tpu.memory_space<vmem>>) target_semaphore(%arg7 : memref<!tpu.dma_semaphore, #tpu.memory_space<semaphore_mem>>)
      %slice3A_225 = vector.extract_strided_slice %get3A_101 {offsets = [9], sizes = [1], strides = [1]} : vector<16xi32> to vector<1xi32>
      %squeeze3A_226 = vector.extract %slice3A_225[0] : i32 from vector<1xi32>
      %mul3A_227 = arith.constant 16 : i32
      %mul3A_228 = arith.muli %scan3A_97, %mul3A_227 : i32
      %add3A_229 = arith.constant 9 : i32
      %add3A_230 = arith.addi %mul3A_228, %add3A_229 : i32
      %dma_start3A_231 = arith.constant 0 : i32
      %dma_start3A_232 = tpu.memref_slice %arg6[%add3A_230, %dma_start3A_231] : memref<800x64xf32, #tpu.memory_space<vmem>> -> memref<1x64xf32, #tpu.memory_space<vmem>>
      %dma_start3A_233 = arith.constant 0 : i32
      %dma_start3A_234 = tpu.memref_slice %arg3[%squeeze3A_226, %dma_start3A_233] : memref<1000000x64xf32, #tpu.memory_space<hbm>> -> memref<1x64xf32, #tpu.memory_space<hbm>>
      %dma_start3A_235 = arith.constant 0 : i32
      %dma_start3A_236 = tpu.memref_slice %arg6[%add3A_230, %dma_start3A_235] : memref<800x64xf32, #tpu.memory_space<vmem>> -> memref<1x64xf32, #tpu.memory_space<vmem>>
      %dma_start3A_237 = arith.constant 0 : i32
      %dma_start3A_238 = tpu.memref_slice %arg3[%squeeze3A_226, %dma_start3A_237] : memref<1000000x64xf32, #tpu.memory_space<hbm>> -> memref<1x64xf32, #tpu.memory_space<hbm>>
      tpu.enqueue_dma source(%dma_start3A_238 : memref<1x64xf32, #tpu.memory_space<hbm>>) target(%dma_start3A_236 : memref<1x64xf32, #tpu.memory_space<vmem>>) target_semaphore(%arg7 : memref<!tpu.dma_semaphore, #tpu.memory_space<semaphore_mem>>)
      %slice3A_239 = vector.extract_strided_slice %get3A_101 {offsets = [10], sizes = [1], strides = [1]} : vector<16xi32> to vector<1xi32>
      %squeeze3A_240 = vector.extract %slice3A_239[0] : i32 from vector<1xi32>
      %mul3A_241 = arith.constant 16 : i32
      %mul3A_242 = arith.muli %scan3A_97, %mul3A_241 : i32
      %add3A_243 = arith.constant 10 : i32
      %add3A_244 = arith.addi %mul3A_242, %add3A_243 : i32
      %dma_start3A_245 = arith.constant 0 : i32
      %dma_start3A_246 = tpu.memref_slice %arg6[%add3A_244, %dma_start3A_245] : memref<800x64xf32, #tpu.memory_space<vmem>> -> memref<1x64xf32, #tpu.memory_space<vmem>>
      %dma_start3A_247 = arith.constant 0 : i32
      %dma_start3A_248 = tpu.memref_slice %arg3[%squeeze3A_240, %dma_start3A_247] : memref<1000000x64xf32, #tpu.memory_space<hbm>> -> memref<1x64xf32, #tpu.memory_space<hbm>>
      %dma_start3A_249 = arith.constant 0 : i32
      %dma_start3A_250 = tpu.memref_slice %arg6[%add3A_244, %dma_start3A_249] : memref<800x64xf32, #tpu.memory_space<vmem>> -> memref<1x64xf32, #tpu.memory_space<vmem>>
      %dma_start3A_251 = arith.constant 0 : i32
      %dma_start3A_252 = tpu.memref_slice %arg3[%squeeze3A_240, %dma_start3A_251] : memref<1000000x64xf32, #tpu.memory_space<hbm>> -> memref<1x64xf32, #tpu.memory_space<hbm>>
      tpu.enqueue_dma source(%dma_start3A_252 : memref<1x64xf32, #tpu.memory_space<hbm>>) target(%dma_start3A_250 : memref<1x64xf32, #tpu.memory_space<vmem>>) target_semaphore(%arg7 : memref<!tpu.dma_semaphore, #tpu.memory_space<semaphore_mem>>)
      %slice3A_253 = vector.extract_strided_slice %get3A_101 {offsets = [11], sizes = [1], strides = [1]} : vector<16xi32> to vector<1xi32>
      %squeeze3A_254 = vector.extract %slice3A_253[0] : i32 from vector<1xi32>
      %mul3A_255 = arith.constant 16 : i32
      %mul3A_256 = arith.muli %scan3A_97, %mul3A_255 : i32
      %add3A_257 = arith.constant 11 : i32
      %add3A_258 = arith.addi %mul3A_256, %add3A_257 : i32
      %dma_start3A_259 = arith.constant 0 : i32
      %dma_start3A_260 = tpu.memref_slice %arg6[%add3A_258, %dma_start3A_259] : memref<800x64xf32, #tpu.memory_space<vmem>> -> memref<1x64xf32, #tpu.memory_space<vmem>>
      %dma_start3A_261 = arith.constant 0 : i32
      %dma_start3A_262 = tpu.memref_slice %arg3[%squeeze3A_254, %dma_start3A_261] : memref<1000000x64xf32, #tpu.memory_space<hbm>> -> memref<1x64xf32, #tpu.memory_space<hbm>>
      %dma_start3A_263 = arith.constant 0 : i32
      %dma_start3A_264 = tpu.memref_slice %arg6[%add3A_258, %dma_start3A_263] : memref<800x64xf32, #tpu.memory_space<vmem>> -> memref<1x64xf32, #tpu.memory_space<vmem>>
      %dma_start3A_265 = arith.constant 0 : i32
      %dma_start3A_266 = tpu.memref_slice %arg3[%squeeze3A_254, %dma_start3A_265] : memref<1000000x64xf32, #tpu.memory_space<hbm>> -> memref<1x64xf32, #tpu.memory_space<hbm>>
      tpu.enqueue_dma source(%dma_start3A_266 : memref<1x64xf32, #tpu.memory_space<hbm>>) target(%dma_start3A_264 : memref<1x64xf32, #tpu.memory_space<vmem>>) target_semaphore(%arg7 : memref<!tpu.dma_semaphore, #tpu.memory_space<semaphore_mem>>)
      %slice3A_267 = vector.extract_strided_slice %get3A_101 {offsets = [12], sizes = [1], strides = [1]} : vector<16xi32> to vector<1xi32>
      %squeeze3A_268 = vector.extract %slice3A_267[0] : i32 from vector<1xi32>
      %mul3A_269 = arith.constant 16 : i32
      %mul3A_270 = arith.muli %scan3A_97, %mul3A_269 : i32
      %add3A_271 = arith.constant 12 : i32
      %add3A_272 = arith.addi %mul3A_270, %add3A_271 : i32
      %dma_start3A_273 = arith.constant 0 : i32
      %dma_start3A_274 = tpu.memref_slice %arg6[%add3A_272, %dma_start3A_273] : memref<800x64xf32, #tpu.memory_space<vmem>> -> memref<1x64xf32, #tpu.memory_space<vmem>>
      %dma_start3A_275 = arith.constant 0 : i32
      %dma_start3A_276 = tpu.memref_slice %arg3[%squeeze3A_268, %dma_start3A_275] : memref<1000000x64xf32, #tpu.memory_space<hbm>> -> memref<1x64xf32, #tpu.memory_space<hbm>>
      %dma_start3A_277 = arith.constant 0 : i32
      %dma_start3A_278 = tpu.memref_slice %arg6[%add3A_272, %dma_start3A_277] : memref<800x64xf32, #tpu.memory_space<vmem>> -> memref<1x64xf32, #tpu.memory_space<vmem>>
      %dma_start3A_279 = arith.constant 0 : i32
      %dma_start3A_280 = tpu.memref_slice %arg3[%squeeze3A_268, %dma_start3A_279] : memref<1000000x64xf32, #tpu.memory_space<hbm>> -> memref<1x64xf32, #tpu.memory_space<hbm>>
      tpu.enqueue_dma source(%dma_start3A_280 : memref<1x64xf32, #tpu.memory_space<hbm>>) target(%dma_start3A_278 : memref<1x64xf32, #tpu.memory_space<vmem>>) target_semaphore(%arg7 : memref<!tpu.dma_semaphore, #tpu.memory_space<semaphore_mem>>)
      %slice3A_281 = vector.extract_strided_slice %get3A_101 {offsets = [13], sizes = [1], strides = [1]} : vector<16xi32> to vector<1xi32>
      %squeeze3A_282 = vector.extract %slice3A_281[0] : i32 from vector<1xi32>
      %mul3A_283 = arith.constant 16 : i32
      %mul3A_284 = arith.muli %scan3A_97, %mul3A_283 : i32
      %add3A_285 = arith.constant 13 : i32
      %add3A_286 = arith.addi %mul3A_284, %add3A_285 : i32
      %dma_start3A_287 = arith.constant 0 : i32
      %dma_start3A_288 = tpu.memref_slice %arg6[%add3A_286, %dma_start3A_287] : memref<800x64xf32, #tpu.memory_space<vmem>> -> memref<1x64xf32, #tpu.memory_space<vmem>>
      %dma_start3A_289 = arith.constant 0 : i32
      %dma_start3A_290 = tpu.memref_slice %arg3[%squeeze3A_282, %dma_start3A_289] : memref<1000000x64xf32, #tpu.memory_space<hbm>> -> memref<1x64xf32, #tpu.memory_space<hbm>>
      %dma_start3A_291 = arith.constant 0 : i32
      %dma_start3A_292 = tpu.memref_slice %arg6[%add3A_286, %dma_start3A_291] : memref<800x64xf32, #tpu.memory_space<vmem>> -> memref<1x64xf32, #tpu.memory_space<vmem>>
      %dma_start3A_293 = arith.constant 0 : i32
      %dma_start3A_294 = tpu.memref_slice %arg3[%squeeze3A_282, %dma_start3A_293] : memref<1000000x64xf32, #tpu.memory_space<hbm>> -> memref<1x64xf32, #tpu.memory_space<hbm>>
      tpu.enqueue_dma source(%dma_start3A_294 : memref<1x64xf32, #tpu.memory_space<hbm>>) target(%dma_start3A_292 : memref<1x64xf32, #tpu.memory_space<vmem>>) target_semaphore(%arg7 : memref<!tpu.dma_semaphore, #tpu.memory_space<semaphore_mem>>)
      %slice3A_295 = vector.extract_strided_slice %get3A_101 {offsets = [14], sizes = [1], strides = [1]} : vector<16xi32> to vector<1xi32>
      %squeeze3A_296 = vector.extract %slice3A_295[0] : i32 from vector<1xi32>
      %mul3A_297 = arith.constant 16 : i32
      %mul3A_298 = arith.muli %scan3A_97, %mul3A_297 : i32
      %add3A_299 = arith.constant 14 : i32
      %add3A_300 = arith.addi %mul3A_298, %add3A_299 : i32
      %dma_start3A_301 = arith.constant 0 : i32
      %dma_start3A_302 = tpu.memref_slice %arg6[%add3A_300, %dma_start3A_301] : memref<800x64xf32, #tpu.memory_space<vmem>> -> memref<1x64xf32, #tpu.memory_space<vmem>>
      %dma_start3A_303 = arith.constant 0 : i32
      %dma_start3A_304 = tpu.memref_slice %arg3[%squeeze3A_296, %dma_start3A_303] : memref<1000000x64xf32, #tpu.memory_space<hbm>> -> memref<1x64xf32, #tpu.memory_space<hbm>>
      %dma_start3A_305 = arith.constant 0 : i32
      %dma_start3A_306 = tpu.memref_slice %arg6[%add3A_300, %dma_start3A_305] : memref<800x64xf32, #tpu.memory_space<vmem>> -> memref<1x64xf32, #tpu.memory_space<vmem>>
      %dma_start3A_307 = arith.constant 0 : i32
      %dma_start3A_308 = tpu.memref_slice %arg3[%squeeze3A_296, %dma_start3A_307] : memref<1000000x64xf32, #tpu.memory_space<hbm>> -> memref<1x64xf32, #tpu.memory_space<hbm>>
      tpu.enqueue_dma source(%dma_start3A_308 : memref<1x64xf32, #tpu.memory_space<hbm>>) target(%dma_start3A_306 : memref<1x64xf32, #tpu.memory_space<vmem>>) target_semaphore(%arg7 : memref<!tpu.dma_semaphore, #tpu.memory_space<semaphore_mem>>)
      %slice3A_309 = vector.extract_strided_slice %get3A_101 {offsets = [15], sizes = [1], strides = [1]} : vector<16xi32> to vector<1xi32>
      %squeeze3A_310 = vector.extract %slice3A_309[0] : i32 from vector<1xi32>
      %mul3A_311 = arith.constant 16 : i32
      %mul3A_312 = arith.muli %scan3A_97, %mul3A_311 : i32
      %add3A_313 = arith.constant 15 : i32
      %add3A_314 = arith.addi %mul3A_312, %add3A_313 : i32
      %dma_start3A_315 = arith.constant 0 : i32
      %dma_start3A_316 = tpu.memref_slice %arg6[%add3A_314, %dma_start3A_315] : memref<800x64xf32, #tpu.memory_space<vmem>> -> memref<1x64xf32, #tpu.memory_space<vmem>>
      %dma_start3A_317 = arith.constant 0 : i32
      %dma_start3A_318 = tpu.memref_slice %arg3[%squeeze3A_310, %dma_start3A_317] : memref<1000000x64xf32, #tpu.memory_space<hbm>> -> memref<1x64xf32, #tpu.memory_space<hbm>>
      %dma_start3A_319 = arith.constant 0 : i32
      %dma_start3A_320 = tpu.memref_slice %arg6[%add3A_314, %dma_start3A_319] : memref<800x64xf32, #tpu.memory_space<vmem>> -> memref<1x64xf32, #tpu.memory_space<vmem>>
      %dma_start3A_321 = arith.constant 0 : i32
      %dma_start3A_322 = tpu.memref_slice %arg3[%squeeze3A_310, %dma_start3A_321] : memref<1000000x64xf32, #tpu.memory_space<hbm>> -> memref<1x64xf32, #tpu.memory_space<hbm>>
      tpu.enqueue_dma source(%dma_start3A_322 : memref<1x64xf32, #tpu.memory_space<hbm>>) target(%dma_start3A_320 : memref<1x64xf32, #tpu.memory_space<vmem>>) target_semaphore(%arg7 : memref<!tpu.dma_semaphore, #tpu.memory_space<semaphore_mem>>)
    }
    %scan3A_44 = arith.constant 50 : i32
    %dma_wait3A_45 = arith.constant 0 : i32
    %dma_wait3A_46 = tpu.memref_slice %arg4[%add3A_38, %dma_wait3A_45] : memref<204800x64xf32, #tpu.memory_space<hbm>> -> memref<800x64xf32, #tpu.memory_space<hbm>>
    %dma_wait3A_47 = arith.constant 0 : i32
    %dma_wait3A_48 = tpu.memref_slice %arg4[%add3A_38, %dma_wait3A_47] : memref<204800x64xf32, #tpu.memory_space<hbm>> -> memref<800x64xf32, #tpu.memory_space<hbm>>
    tpu.wait_dma2 semaphore(%arg7 : memref<!tpu.dma_semaphore, #tpu.memory_space<semaphore_mem>>) src(%dma_wait3A_48 : memref<800x64xf32, #tpu.memory_space<hbm>>) dst(%arg6 : memref<800x64xf32, #tpu.memory_space<vmem>>)
    "tpu.region"() ({
      %run_scoped3A = tpu.sem_alloc : memref<!tpu.dma_semaphore, #tpu.memory_space<semaphore_mem>>
      %dma_start3A = arith.constant 0 : i32
      %dma_start3A_97 = tpu.memref_slice %arg4[%add3A_38, %dma_start3A] : memref<204800x64xf32, #tpu.memory_space<hbm>> -> memref<800x64xf32, #tpu.memory_space<hbm>>
      %dma_start3A_98 = arith.constant 0 : i32
      %dma_start3A_99 = tpu.memref_slice %arg4[%add3A_38, %dma_start3A_98] : memref<204800x64xf32, #tpu.memory_space<hbm>> -> memref<800x64xf32, #tpu.memory_space<hbm>>
      tpu.enqueue_dma source(%arg6 : memref<800x64xf32, #tpu.memory_space<vmem>>) target(%dma_start3A_99 : memref<800x64xf32, #tpu.memory_space<hbm>>) target_semaphore(%run_scoped3A : memref<!tpu.dma_semaphore, #tpu.memory_space<semaphore_mem>>)
      %dma_wait3A_100 = arith.constant 0 : i32
      %dma_wait3A_101 = tpu.memref_slice %arg4[%add3A_38, %dma_wait3A_100] : memref<204800x64xf32, #tpu.memory_space<hbm>> -> memref<800x64xf32, #tpu.memory_space<hbm>>
      %dma_wait3A_102 = arith.constant 0 : i32
      %dma_wait3A_103 = tpu.memref_slice %arg4[%add3A_38, %dma_wait3A_102] : memref<204800x64xf32, #tpu.memory_space<hbm>> -> memref<800x64xf32, #tpu.memory_space<hbm>>
      tpu.wait_dma2 semaphore(%run_scoped3A : memref<!tpu.dma_semaphore, #tpu.memory_space<semaphore_mem>>) src(%arg6 : memref<800x64xf32, #tpu.memory_space<vmem>>) dst(%dma_wait3A_103 : memref<800x64xf32, #tpu.memory_space<hbm>>)
      tpu.yield
    }) : () -> ()
    %add3A_49 = arith.constant 3200 : i32
    %add3A_50 = arith.addi %mul3A_2, %add3A_49 : i32
    "tpu.region"() ({
      %run_scoped3A = tpu.sem_alloc : memref<!tpu.dma_semaphore, #tpu.memory_space<semaphore_mem>>
      %dma_start3A = tpu.memref_slice %arg2[%add3A_50] : memref<204800xi32, #tpu.memory_space<hbm>> -> memref<800xi32, #tpu.memory_space<hbm>>
      %dma_start3A_97 = tpu.memref_slice %arg2[%add3A_50] : memref<204800xi32, #tpu.memory_space<hbm>> -> memref<800xi32, #tpu.memory_space<hbm>>
      tpu.enqueue_dma source(%dma_start3A_97 : memref<800xi32, #tpu.memory_space<hbm>>) target(%arg5 : memref<800xi32, #tpu.memory_space<vmem>>) target_semaphore(%run_scoped3A : memref<!tpu.dma_semaphore, #tpu.memory_space<semaphore_mem>>)
      %dma_wait3A_98 = tpu.memref_slice %arg2[%add3A_50] : memref<204800xi32, #tpu.memory_space<hbm>> -> memref<800xi32, #tpu.memory_space<hbm>>
      %dma_wait3A_99 = tpu.memref_slice %arg2[%add3A_50] : memref<204800xi32, #tpu.memory_space<hbm>> -> memref<800xi32, #tpu.memory_space<hbm>>
      tpu.wait_dma2 semaphore(%run_scoped3A : memref<!tpu.dma_semaphore, #tpu.memory_space<semaphore_mem>>) src(%dma_wait3A_99 : memref<800xi32, #tpu.memory_space<hbm>>) dst(%arg5 : memref<800xi32, #tpu.memory_space<vmem>>)
      tpu.yield
    }) : () -> ()
    %scan3A_51 = arith.constant 0 : i32
    %scan3A_52 = arith.constant 0 : i32
    %scan3A_53 = arith.constant 50 : i32
    %scan3A_54 = arith.addi %scan3A_52, %scan3A_53 : i32
    %scan3A_55 = arith.constant 1 : i32
    scf.for %scan3A_97 = %scan3A_52 to %scan3A_54 step %scan3A_55  : i32 {
      %mul3A_98 = arith.constant 16 : i32
      %mul3A_99 = arith.muli %scan3A_97, %mul3A_98 : i32
      %get3A = arith.index_cast %mul3A_99 : i32 to index
      %get3A_100 = tpu.vector_load %arg5[%get3A] {strides = array<i32>} : memref<800xi32, #tpu.memory_space<vmem>>, vector<16xi32>,
      %get3A_101 = vector.shape_cast %get3A_100 : vector<16xi32> to vector<16xi32>
      %slice3A = vector.extract_strided_slice %get3A_101 {offsets = [0], sizes = [1], strides = [1]} : vector<16xi32> to vector<1xi32>
      %squeeze3A = vector.extract %slice3A[0] : i32 from vector<1xi32>
      %mul3A_102 = arith.constant 16 : i32
      %mul3A_103 = arith.muli %scan3A_97, %mul3A_102 : i32
      %add3A_104 = arith.constant 0 : i32
      %add3A_105 = arith.addi %mul3A_103, %add3A_104 : i32
      %dma_start3A = arith.constant 0 : i32
      %dma_start3A_106 = tpu.memref_slice %arg6[%add3A_105, %dma_start3A] : memref<800x64xf32, #tpu.memory_space<vmem>> -> memref<1x64xf32, #tpu.memory_space<vmem>>
      %dma_start3A_107 = arith.constant 0 : i32
      %dma_start3A_108 = tpu.memref_slice %arg3[%squeeze3A, %dma_start3A_107] : memref<1000000x64xf32, #tpu.memory_space<hbm>> -> memref<1x64xf32, #tpu.memory_space<hbm>>
      %dma_start3A_109 = arith.constant 0 : i32
      %dma_start3A_110 = tpu.memref_slice %arg6[%add3A_105, %dma_start3A_109] : memref<800x64xf32, #tpu.memory_space<vmem>> -> memref<1x64xf32, #tpu.memory_space<vmem>>
      %dma_start3A_111 = arith.constant 0 : i32
      %dma_start3A_112 = tpu.memref_slice %arg3[%squeeze3A, %dma_start3A_111] : memref<1000000x64xf32, #tpu.memory_space<hbm>> -> memref<1x64xf32, #tpu.memory_space<hbm>>
      tpu.enqueue_dma source(%dma_start3A_112 : memref<1x64xf32, #tpu.memory_space<hbm>>) target(%dma_start3A_110 : memref<1x64xf32, #tpu.memory_space<vmem>>) target_semaphore(%arg7 : memref<!tpu.dma_semaphore, #tpu.memory_space<semaphore_mem>>)
      %slice3A_113 = vector.extract_strided_slice %get3A_101 {offsets = [1], sizes = [1], strides = [1]} : vector<16xi32> to vector<1xi32>
      %squeeze3A_114 = vector.extract %slice3A_113[0] : i32 from vector<1xi32>
      %mul3A_115 = arith.constant 16 : i32
      %mul3A_116 = arith.muli %scan3A_97, %mul3A_115 : i32
      %add3A_117 = arith.constant 1 : i32
      %add3A_118 = arith.addi %mul3A_116, %add3A_117 : i32
      %dma_start3A_119 = arith.constant 0 : i32
      %dma_start3A_120 = tpu.memref_slice %arg6[%add3A_118, %dma_start3A_119] : memref<800x64xf32, #tpu.memory_space<vmem>> -> memref<1x64xf32, #tpu.memory_space<vmem>>
      %dma_start3A_121 = arith.constant 0 : i32
      %dma_start3A_122 = tpu.memref_slice %arg3[%squeeze3A_114, %dma_start3A_121] : memref<1000000x64xf32, #tpu.memory_space<hbm>> -> memref<1x64xf32, #tpu.memory_space<hbm>>
      %dma_start3A_123 = arith.constant 0 : i32
      %dma_start3A_124 = tpu.memref_slice %arg6[%add3A_118, %dma_start3A_123] : memref<800x64xf32, #tpu.memory_space<vmem>> -> memref<1x64xf32, #tpu.memory_space<vmem>>
      %dma_start3A_125 = arith.constant 0 : i32
      %dma_start3A_126 = tpu.memref_slice %arg3[%squeeze3A_114, %dma_start3A_125] : memref<1000000x64xf32, #tpu.memory_space<hbm>> -> memref<1x64xf32, #tpu.memory_space<hbm>>
      tpu.enqueue_dma source(%dma_start3A_126 : memref<1x64xf32, #tpu.memory_space<hbm>>) target(%dma_start3A_124 : memref<1x64xf32, #tpu.memory_space<vmem>>) target_semaphore(%arg7 : memref<!tpu.dma_semaphore, #tpu.memory_space<semaphore_mem>>)
      %slice3A_127 = vector.extract_strided_slice %get3A_101 {offsets = [2], sizes = [1], strides = [1]} : vector<16xi32> to vector<1xi32>
      %squeeze3A_128 = vector.extract %slice3A_127[0] : i32 from vector<1xi32>
      %mul3A_129 = arith.constant 16 : i32
      %mul3A_130 = arith.muli %scan3A_97, %mul3A_129 : i32
      %add3A_131 = arith.constant 2 : i32
      %add3A_132 = arith.addi %mul3A_130, %add3A_131 : i32
      %dma_start3A_133 = arith.constant 0 : i32
      %dma_start3A_134 = tpu.memref_slice %arg6[%add3A_132, %dma_start3A_133] : memref<800x64xf32, #tpu.memory_space<vmem>> -> memref<1x64xf32, #tpu.memory_space<vmem>>
      %dma_start3A_135 = arith.constant 0 : i32
      %dma_start3A_136 = tpu.memref_slice %arg3[%squeeze3A_128, %dma_start3A_135] : memref<1000000x64xf32, #tpu.memory_space<hbm>> -> memref<1x64xf32, #tpu.memory_space<hbm>>
      %dma_start3A_137 = arith.constant 0 : i32
      %dma_start3A_138 = tpu.memref_slice %arg6[%add3A_132, %dma_start3A_137] : memref<800x64xf32, #tpu.memory_space<vmem>> -> memref<1x64xf32, #tpu.memory_space<vmem>>
      %dma_start3A_139 = arith.constant 0 : i32
      %dma_start3A_140 = tpu.memref_slice %arg3[%squeeze3A_128, %dma_start3A_139] : memref<1000000x64xf32, #tpu.memory_space<hbm>> -> memref<1x64xf32, #tpu.memory_space<hbm>>
      tpu.enqueue_dma source(%dma_start3A_140 : memref<1x64xf32, #tpu.memory_space<hbm>>) target(%dma_start3A_138 : memref<1x64xf32, #tpu.memory_space<vmem>>) target_semaphore(%arg7 : memref<!tpu.dma_semaphore, #tpu.memory_space<semaphore_mem>>)
      %slice3A_141 = vector.extract_strided_slice %get3A_101 {offsets = [3], sizes = [1], strides = [1]} : vector<16xi32> to vector<1xi32>
      %squeeze3A_142 = vector.extract %slice3A_141[0] : i32 from vector<1xi32>
      %mul3A_143 = arith.constant 16 : i32
      %mul3A_144 = arith.muli %scan3A_97, %mul3A_143 : i32
      %add3A_145 = arith.constant 3 : i32
      %add3A_146 = arith.addi %mul3A_144, %add3A_145 : i32
      %dma_start3A_147 = arith.constant 0 : i32
      %dma_start3A_148 = tpu.memref_slice %arg6[%add3A_146, %dma_start3A_147] : memref<800x64xf32, #tpu.memory_space<vmem>> -> memref<1x64xf32, #tpu.memory_space<vmem>>
      %dma_start3A_149 = arith.constant 0 : i32
      %dma_start3A_150 = tpu.memref_slice %arg3[%squeeze3A_142, %dma_start3A_149] : memref<1000000x64xf32, #tpu.memory_space<hbm>> -> memref<1x64xf32, #tpu.memory_space<hbm>>
      %dma_start3A_151 = arith.constant 0 : i32
      %dma_start3A_152 = tpu.memref_slice %arg6[%add3A_146, %dma_start3A_151] : memref<800x64xf32, #tpu.memory_space<vmem>> -> memref<1x64xf32, #tpu.memory_space<vmem>>
      %dma_start3A_153 = arith.constant 0 : i32
      %dma_start3A_154 = tpu.memref_slice %arg3[%squeeze3A_142, %dma_start3A_153] : memref<1000000x64xf32, #tpu.memory_space<hbm>> -> memref<1x64xf32, #tpu.memory_space<hbm>>
      tpu.enqueue_dma source(%dma_start3A_154 : memref<1x64xf32, #tpu.memory_space<hbm>>) target(%dma_start3A_152 : memref<1x64xf32, #tpu.memory_space<vmem>>) target_semaphore(%arg7 : memref<!tpu.dma_semaphore, #tpu.memory_space<semaphore_mem>>)
      %slice3A_155 = vector.extract_strided_slice %get3A_101 {offsets = [4], sizes = [1], strides = [1]} : vector<16xi32> to vector<1xi32>
      %squeeze3A_156 = vector.extract %slice3A_155[0] : i32 from vector<1xi32>
      %mul3A_157 = arith.constant 16 : i32
      %mul3A_158 = arith.muli %scan3A_97, %mul3A_157 : i32
      %add3A_159 = arith.constant 4 : i32
      %add3A_160 = arith.addi %mul3A_158, %add3A_159 : i32
      %dma_start3A_161 = arith.constant 0 : i32
      %dma_start3A_162 = tpu.memref_slice %arg6[%add3A_160, %dma_start3A_161] : memref<800x64xf32, #tpu.memory_space<vmem>> -> memref<1x64xf32, #tpu.memory_space<vmem>>
      %dma_start3A_163 = arith.constant 0 : i32
      %dma_start3A_164 = tpu.memref_slice %arg3[%squeeze3A_156, %dma_start3A_163] : memref<1000000x64xf32, #tpu.memory_space<hbm>> -> memref<1x64xf32, #tpu.memory_space<hbm>>
      %dma_start3A_165 = arith.constant 0 : i32
      %dma_start3A_166 = tpu.memref_slice %arg6[%add3A_160, %dma_start3A_165] : memref<800x64xf32, #tpu.memory_space<vmem>> -> memref<1x64xf32, #tpu.memory_space<vmem>>
      %dma_start3A_167 = arith.constant 0 : i32
      %dma_start3A_168 = tpu.memref_slice %arg3[%squeeze3A_156, %dma_start3A_167] : memref<1000000x64xf32, #tpu.memory_space<hbm>> -> memref<1x64xf32, #tpu.memory_space<hbm>>
      tpu.enqueue_dma source(%dma_start3A_168 : memref<1x64xf32, #tpu.memory_space<hbm>>) target(%dma_start3A_166 : memref<1x64xf32, #tpu.memory_space<vmem>>) target_semaphore(%arg7 : memref<!tpu.dma_semaphore, #tpu.memory_space<semaphore_mem>>)
      %slice3A_169 = vector.extract_strided_slice %get3A_101 {offsets = [5], sizes = [1], strides = [1]} : vector<16xi32> to vector<1xi32>
      %squeeze3A_170 = vector.extract %slice3A_169[0] : i32 from vector<1xi32>
      %mul3A_171 = arith.constant 16 : i32
      %mul3A_172 = arith.muli %scan3A_97, %mul3A_171 : i32
      %add3A_173 = arith.constant 5 : i32
      %add3A_174 = arith.addi %mul3A_172, %add3A_173 : i32
      %dma_start3A_175 = arith.constant 0 : i32
      %dma_start3A_176 = tpu.memref_slice %arg6[%add3A_174, %dma_start3A_175] : memref<800x64xf32, #tpu.memory_space<vmem>> -> memref<1x64xf32, #tpu.memory_space<vmem>>
      %dma_start3A_177 = arith.constant 0 : i32
      %dma_start3A_178 = tpu.memref_slice %arg3[%squeeze3A_170, %dma_start3A_177] : memref<1000000x64xf32, #tpu.memory_space<hbm>> -> memref<1x64xf32, #tpu.memory_space<hbm>>
      %dma_start3A_179 = arith.constant 0 : i32
      %dma_start3A_180 = tpu.memref_slice %arg6[%add3A_174, %dma_start3A_179] : memref<800x64xf32, #tpu.memory_space<vmem>> -> memref<1x64xf32, #tpu.memory_space<vmem>>
      %dma_start3A_181 = arith.constant 0 : i32
      %dma_start3A_182 = tpu.memref_slice %arg3[%squeeze3A_170, %dma_start3A_181] : memref<1000000x64xf32, #tpu.memory_space<hbm>> -> memref<1x64xf32, #tpu.memory_space<hbm>>
      tpu.enqueue_dma source(%dma_start3A_182 : memref<1x64xf32, #tpu.memory_space<hbm>>) target(%dma_start3A_180 : memref<1x64xf32, #tpu.memory_space<vmem>>) target_semaphore(%arg7 : memref<!tpu.dma_semaphore, #tpu.memory_space<semaphore_mem>>)
      %slice3A_183 = vector.extract_strided_slice %get3A_101 {offsets = [6], sizes = [1], strides = [1]} : vector<16xi32> to vector<1xi32>
      %squeeze3A_184 = vector.extract %slice3A_183[0] : i32 from vector<1xi32>
      %mul3A_185 = arith.constant 16 : i32
      %mul3A_186 = arith.muli %scan3A_97, %mul3A_185 : i32
      %add3A_187 = arith.constant 6 : i32
      %add3A_188 = arith.addi %mul3A_186, %add3A_187 : i32
      %dma_start3A_189 = arith.constant 0 : i32
      %dma_start3A_190 = tpu.memref_slice %arg6[%add3A_188, %dma_start3A_189] : memref<800x64xf32, #tpu.memory_space<vmem>> -> memref<1x64xf32, #tpu.memory_space<vmem>>
      %dma_start3A_191 = arith.constant 0 : i32
      %dma_start3A_192 = tpu.memref_slice %arg3[%squeeze3A_184, %dma_start3A_191] : memref<1000000x64xf32, #tpu.memory_space<hbm>> -> memref<1x64xf32, #tpu.memory_space<hbm>>
      %dma_start3A_193 = arith.constant 0 : i32
      %dma_start3A_194 = tpu.memref_slice %arg6[%add3A_188, %dma_start3A_193] : memref<800x64xf32, #tpu.memory_space<vmem>> -> memref<1x64xf32, #tpu.memory_space<vmem>>
      %dma_start3A_195 = arith.constant 0 : i32
      %dma_start3A_196 = tpu.memref_slice %arg3[%squeeze3A_184, %dma_start3A_195] : memref<1000000x64xf32, #tpu.memory_space<hbm>> -> memref<1x64xf32, #tpu.memory_space<hbm>>
      tpu.enqueue_dma source(%dma_start3A_196 : memref<1x64xf32, #tpu.memory_space<hbm>>) target(%dma_start3A_194 : memref<1x64xf32, #tpu.memory_space<vmem>>) target_semaphore(%arg7 : memref<!tpu.dma_semaphore, #tpu.memory_space<semaphore_mem>>)
      %slice3A_197 = vector.extract_strided_slice %get3A_101 {offsets = [7], sizes = [1], strides = [1]} : vector<16xi32> to vector<1xi32>
      %squeeze3A_198 = vector.extract %slice3A_197[0] : i32 from vector<1xi32>
      %mul3A_199 = arith.constant 16 : i32
      %mul3A_200 = arith.muli %scan3A_97, %mul3A_199 : i32
      %add3A_201 = arith.constant 7 : i32
      %add3A_202 = arith.addi %mul3A_200, %add3A_201 : i32
      %dma_start3A_203 = arith.constant 0 : i32
      %dma_start3A_204 = tpu.memref_slice %arg6[%add3A_202, %dma_start3A_203] : memref<800x64xf32, #tpu.memory_space<vmem>> -> memref<1x64xf32, #tpu.memory_space<vmem>>
      %dma_start3A_205 = arith.constant 0 : i32
      %dma_start3A_206 = tpu.memref_slice %arg3[%squeeze3A_198, %dma_start3A_205] : memref<1000000x64xf32, #tpu.memory_space<hbm>> -> memref<1x64xf32, #tpu.memory_space<hbm>>
      %dma_start3A_207 = arith.constant 0 : i32
      %dma_start3A_208 = tpu.memref_slice %arg6[%add3A_202, %dma_start3A_207] : memref<800x64xf32, #tpu.memory_space<vmem>> -> memref<1x64xf32, #tpu.memory_space<vmem>>
      %dma_start3A_209 = arith.constant 0 : i32
      %dma_start3A_210 = tpu.memref_slice %arg3[%squeeze3A_198, %dma_start3A_209] : memref<1000000x64xf32, #tpu.memory_space<hbm>> -> memref<1x64xf32, #tpu.memory_space<hbm>>
      tpu.enqueue_dma source(%dma_start3A_210 : memref<1x64xf32, #tpu.memory_space<hbm>>) target(%dma_start3A_208 : memref<1x64xf32, #tpu.memory_space<vmem>>) target_semaphore(%arg7 : memref<!tpu.dma_semaphore, #tpu.memory_space<semaphore_mem>>)
      %slice3A_211 = vector.extract_strided_slice %get3A_101 {offsets = [8], sizes = [1], strides = [1]} : vector<16xi32> to vector<1xi32>
      %squeeze3A_212 = vector.extract %slice3A_211[0] : i32 from vector<1xi32>
      %mul3A_213 = arith.constant 16 : i32
      %mul3A_214 = arith.muli %scan3A_97, %mul3A_213 : i32
      %add3A_215 = arith.constant 8 : i32
      %add3A_216 = arith.addi %mul3A_214, %add3A_215 : i32
      %dma_start3A_217 = arith.constant 0 : i32
      %dma_start3A_218 = tpu.memref_slice %arg6[%add3A_216, %dma_start3A_217] : memref<800x64xf32, #tpu.memory_space<vmem>> -> memref<1x64xf32, #tpu.memory_space<vmem>>
      %dma_start3A_219 = arith.constant 0 : i32
      %dma_start3A_220 = tpu.memref_slice %arg3[%squeeze3A_212, %dma_start3A_219] : memref<1000000x64xf32, #tpu.memory_space<hbm>> -> memref<1x64xf32, #tpu.memory_space<hbm>>
      %dma_start3A_221 = arith.constant 0 : i32
      %dma_start3A_222 = tpu.memref_slice %arg6[%add3A_216, %dma_start3A_221] : memref<800x64xf32, #tpu.memory_space<vmem>> -> memref<1x64xf32, #tpu.memory_space<vmem>>
      %dma_start3A_223 = arith.constant 0 : i32
      %dma_start3A_224 = tpu.memref_slice %arg3[%squeeze3A_212, %dma_start3A_223] : memref<1000000x64xf32, #tpu.memory_space<hbm>> -> memref<1x64xf32, #tpu.memory_space<hbm>>
      tpu.enqueue_dma source(%dma_start3A_224 : memref<1x64xf32, #tpu.memory_space<hbm>>) target(%dma_start3A_222 : memref<1x64xf32, #tpu.memory_space<vmem>>) target_semaphore(%arg7 : memref<!tpu.dma_semaphore, #tpu.memory_space<semaphore_mem>>)
      %slice3A_225 = vector.extract_strided_slice %get3A_101 {offsets = [9], sizes = [1], strides = [1]} : vector<16xi32> to vector<1xi32>
      %squeeze3A_226 = vector.extract %slice3A_225[0] : i32 from vector<1xi32>
      %mul3A_227 = arith.constant 16 : i32
      %mul3A_228 = arith.muli %scan3A_97, %mul3A_227 : i32
      %add3A_229 = arith.constant 9 : i32
      %add3A_230 = arith.addi %mul3A_228, %add3A_229 : i32
      %dma_start3A_231 = arith.constant 0 : i32
      %dma_start3A_232 = tpu.memref_slice %arg6[%add3A_230, %dma_start3A_231] : memref<800x64xf32, #tpu.memory_space<vmem>> -> memref<1x64xf32, #tpu.memory_space<vmem>>
      %dma_start3A_233 = arith.constant 0 : i32
      %dma_start3A_234 = tpu.memref_slice %arg3[%squeeze3A_226, %dma_start3A_233] : memref<1000000x64xf32, #tpu.memory_space<hbm>> -> memref<1x64xf32, #tpu.memory_space<hbm>>
      %dma_start3A_235 = arith.constant 0 : i32
      %dma_start3A_236 = tpu.memref_slice %arg6[%add3A_230, %dma_start3A_235] : memref<800x64xf32, #tpu.memory_space<vmem>> -> memref<1x64xf32, #tpu.memory_space<vmem>>
      %dma_start3A_237 = arith.constant 0 : i32
      %dma_start3A_238 = tpu.memref_slice %arg3[%squeeze3A_226, %dma_start3A_237] : memref<1000000x64xf32, #tpu.memory_space<hbm>> -> memref<1x64xf32, #tpu.memory_space<hbm>>
      tpu.enqueue_dma source(%dma_start3A_238 : memref<1x64xf32, #tpu.memory_space<hbm>>) target(%dma_start3A_236 : memref<1x64xf32, #tpu.memory_space<vmem>>) target_semaphore(%arg7 : memref<!tpu.dma_semaphore, #tpu.memory_space<semaphore_mem>>)
      %slice3A_239 = vector.extract_strided_slice %get3A_101 {offsets = [10], sizes = [1], strides = [1]} : vector<16xi32> to vector<1xi32>
      %squeeze3A_240 = vector.extract %slice3A_239[0] : i32 from vector<1xi32>
      %mul3A_241 = arith.constant 16 : i32
      %mul3A_242 = arith.muli %scan3A_97, %mul3A_241 : i32
      %add3A_243 = arith.constant 10 : i32
      %add3A_244 = arith.addi %mul3A_242, %add3A_243 : i32
      %dma_start3A_245 = arith.constant 0 : i32
      %dma_start3A_246 = tpu.memref_slice %arg6[%add3A_244, %dma_start3A_245] : memref<800x64xf32, #tpu.memory_space<vmem>> -> memref<1x64xf32, #tpu.memory_space<vmem>>
      %dma_start3A_247 = arith.constant 0 : i32
      %dma_start3A_248 = tpu.memref_slice %arg3[%squeeze3A_240, %dma_start3A_247] : memref<1000000x64xf32, #tpu.memory_space<hbm>> -> memref<1x64xf32, #tpu.memory_space<hbm>>
      %dma_start3A_249 = arith.constant 0 : i32
      %dma_start3A_250 = tpu.memref_slice %arg6[%add3A_244, %dma_start3A_249] : memref<800x64xf32, #tpu.memory_space<vmem>> -> memref<1x64xf32, #tpu.memory_space<vmem>>
      %dma_start3A_251 = arith.constant 0 : i32
      %dma_start3A_252 = tpu.memref_slice %arg3[%squeeze3A_240, %dma_start3A_251] : memref<1000000x64xf32, #tpu.memory_space<hbm>> -> memref<1x64xf32, #tpu.memory_space<hbm>>
      tpu.enqueue_dma source(%dma_start3A_252 : memref<1x64xf32, #tpu.memory_space<hbm>>) target(%dma_start3A_250 : memref<1x64xf32, #tpu.memory_space<vmem>>) target_semaphore(%arg7 : memref<!tpu.dma_semaphore, #tpu.memory_space<semaphore_mem>>)
      %slice3A_253 = vector.extract_strided_slice %get3A_101 {offsets = [11], sizes = [1], strides = [1]} : vector<16xi32> to vector<1xi32>
      %squeeze3A_254 = vector.extract %slice3A_253[0] : i32 from vector<1xi32>
      %mul3A_255 = arith.constant 16 : i32
      %mul3A_256 = arith.muli %scan3A_97, %mul3A_255 : i32
      %add3A_257 = arith.constant 11 : i32
      %add3A_258 = arith.addi %mul3A_256, %add3A_257 : i32
      %dma_start3A_259 = arith.constant 0 : i32
      %dma_start3A_260 = tpu.memref_slice %arg6[%add3A_258, %dma_start3A_259] : memref<800x64xf32, #tpu.memory_space<vmem>> -> memref<1x64xf32, #tpu.memory_space<vmem>>
      %dma_start3A_261 = arith.constant 0 : i32
      %dma_start3A_262 = tpu.memref_slice %arg3[%squeeze3A_254, %dma_start3A_261] : memref<1000000x64xf32, #tpu.memory_space<hbm>> -> memref<1x64xf32, #tpu.memory_space<hbm>>
      %dma_start3A_263 = arith.constant 0 : i32
      %dma_start3A_264 = tpu.memref_slice %arg6[%add3A_258, %dma_start3A_263] : memref<800x64xf32, #tpu.memory_space<vmem>> -> memref<1x64xf32, #tpu.memory_space<vmem>>
      %dma_start3A_265 = arith.constant 0 : i32
      %dma_start3A_266 = tpu.memref_slice %arg3[%squeeze3A_254, %dma_start3A_265] : memref<1000000x64xf32, #tpu.memory_space<hbm>> -> memref<1x64xf32, #tpu.memory_space<hbm>>
      tpu.enqueue_dma source(%dma_start3A_266 : memref<1x64xf32, #tpu.memory_space<hbm>>) target(%dma_start3A_264 : memref<1x64xf32, #tpu.memory_space<vmem>>) target_semaphore(%arg7 : memref<!tpu.dma_semaphore, #tpu.memory_space<semaphore_mem>>)
      %slice3A_267 = vector.extract_strided_slice %get3A_101 {offsets = [12], sizes = [1], strides = [1]} : vector<16xi32> to vector<1xi32>
      %squeeze3A_268 = vector.extract %slice3A_267[0] : i32 from vector<1xi32>
      %mul3A_269 = arith.constant 16 : i32
      %mul3A_270 = arith.muli %scan3A_97, %mul3A_269 : i32
      %add3A_271 = arith.constant 12 : i32
      %add3A_272 = arith.addi %mul3A_270, %add3A_271 : i32
      %dma_start3A_273 = arith.constant 0 : i32
      %dma_start3A_274 = tpu.memref_slice %arg6[%add3A_272, %dma_start3A_273] : memref<800x64xf32, #tpu.memory_space<vmem>> -> memref<1x64xf32, #tpu.memory_space<vmem>>
      %dma_start3A_275 = arith.constant 0 : i32
      %dma_start3A_276 = tpu.memref_slice %arg3[%squeeze3A_268, %dma_start3A_275] : memref<1000000x64xf32, #tpu.memory_space<hbm>> -> memref<1x64xf32, #tpu.memory_space<hbm>>
      %dma_start3A_277 = arith.constant 0 : i32
      %dma_start3A_278 = tpu.memref_slice %arg6[%add3A_272, %dma_start3A_277] : memref<800x64xf32, #tpu.memory_space<vmem>> -> memref<1x64xf32, #tpu.memory_space<vmem>>
      %dma_start3A_279 = arith.constant 0 : i32
      %dma_start3A_280 = tpu.memref_slice %arg3[%squeeze3A_268, %dma_start3A_279] : memref<1000000x64xf32, #tpu.memory_space<hbm>> -> memref<1x64xf32, #tpu.memory_space<hbm>>
      tpu.enqueue_dma source(%dma_start3A_280 : memref<1x64xf32, #tpu.memory_space<hbm>>) target(%dma_start3A_278 : memref<1x64xf32, #tpu.memory_space<vmem>>) target_semaphore(%arg7 : memref<!tpu.dma_semaphore, #tpu.memory_space<semaphore_mem>>)
      %slice3A_281 = vector.extract_strided_slice %get3A_101 {offsets = [13], sizes = [1], strides = [1]} : vector<16xi32> to vector<1xi32>
      %squeeze3A_282 = vector.extract %slice3A_281[0] : i32 from vector<1xi32>
      %mul3A_283 = arith.constant 16 : i32
      %mul3A_284 = arith.muli %scan3A_97, %mul3A_283 : i32
      %add3A_285 = arith.constant 13 : i32
      %add3A_286 = arith.addi %mul3A_284, %add3A_285 : i32
      %dma_start3A_287 = arith.constant 0 : i32
      %dma_start3A_288 = tpu.memref_slice %arg6[%add3A_286, %dma_start3A_287] : memref<800x64xf32, #tpu.memory_space<vmem>> -> memref<1x64xf32, #tpu.memory_space<vmem>>
      %dma_start3A_289 = arith.constant 0 : i32
      %dma_start3A_290 = tpu.memref_slice %arg3[%squeeze3A_282, %dma_start3A_289] : memref<1000000x64xf32, #tpu.memory_space<hbm>> -> memref<1x64xf32, #tpu.memory_space<hbm>>
      %dma_start3A_291 = arith.constant 0 : i32
      %dma_start3A_292 = tpu.memref_slice %arg6[%add3A_286, %dma_start3A_291] : memref<800x64xf32, #tpu.memory_space<vmem>> -> memref<1x64xf32, #tpu.memory_space<vmem>>
      %dma_start3A_293 = arith.constant 0 : i32
      %dma_start3A_294 = tpu.memref_slice %arg3[%squeeze3A_282, %dma_start3A_293] : memref<1000000x64xf32, #tpu.memory_space<hbm>> -> memref<1x64xf32, #tpu.memory_space<hbm>>
      tpu.enqueue_dma source(%dma_start3A_294 : memref<1x64xf32, #tpu.memory_space<hbm>>) target(%dma_start3A_292 : memref<1x64xf32, #tpu.memory_space<vmem>>) target_semaphore(%arg7 : memref<!tpu.dma_semaphore, #tpu.memory_space<semaphore_mem>>)
      %slice3A_295 = vector.extract_strided_slice %get3A_101 {offsets = [14], sizes = [1], strides = [1]} : vector<16xi32> to vector<1xi32>
      %squeeze3A_296 = vector.extract %slice3A_295[0] : i32 from vector<1xi32>
      %mul3A_297 = arith.constant 16 : i32
      %mul3A_298 = arith.muli %scan3A_97, %mul3A_297 : i32
      %add3A_299 = arith.constant 14 : i32
      %add3A_300 = arith.addi %mul3A_298, %add3A_299 : i32
      %dma_start3A_301 = arith.constant 0 : i32
      %dma_start3A_302 = tpu.memref_slice %arg6[%add3A_300, %dma_start3A_301] : memref<800x64xf32, #tpu.memory_space<vmem>> -> memref<1x64xf32, #tpu.memory_space<vmem>>
      %dma_start3A_303 = arith.constant 0 : i32
      %dma_start3A_304 = tpu.memref_slice %arg3[%squeeze3A_296, %dma_start3A_303] : memref<1000000x64xf32, #tpu.memory_space<hbm>> -> memref<1x64xf32, #tpu.memory_space<hbm>>
      %dma_start3A_305 = arith.constant 0 : i32
      %dma_start3A_306 = tpu.memref_slice %arg6[%add3A_300, %dma_start3A_305] : memref<800x64xf32, #tpu.memory_space<vmem>> -> memref<1x64xf32, #tpu.memory_space<vmem>>
      %dma_start3A_307 = arith.constant 0 : i32
      %dma_start3A_308 = tpu.memref_slice %arg3[%squeeze3A_296, %dma_start3A_307] : memref<1000000x64xf32, #tpu.memory_space<hbm>> -> memref<1x64xf32, #tpu.memory_space<hbm>>
      tpu.enqueue_dma source(%dma_start3A_308 : memref<1x64xf32, #tpu.memory_space<hbm>>) target(%dma_start3A_306 : memref<1x64xf32, #tpu.memory_space<vmem>>) target_semaphore(%arg7 : memref<!tpu.dma_semaphore, #tpu.memory_space<semaphore_mem>>)
      %slice3A_309 = vector.extract_strided_slice %get3A_101 {offsets = [15], sizes = [1], strides = [1]} : vector<16xi32> to vector<1xi32>
      %squeeze3A_310 = vector.extract %slice3A_309[0] : i32 from vector<1xi32>
      %mul3A_311 = arith.constant 16 : i32
      %mul3A_312 = arith.muli %scan3A_97, %mul3A_311 : i32
      %add3A_313 = arith.constant 15 : i32
      %add3A_314 = arith.addi %mul3A_312, %add3A_313 : i32
      %dma_start3A_315 = arith.constant 0 : i32
      %dma_start3A_316 = tpu.memref_slice %arg6[%add3A_314, %dma_start3A_315] : memref<800x64xf32, #tpu.memory_space<vmem>> -> memref<1x64xf32, #tpu.memory_space<vmem>>
      %dma_start3A_317 = arith.constant 0 : i32
      %dma_start3A_318 = tpu.memref_slice %arg3[%squeeze3A_310, %dma_start3A_317] : memref<1000000x64xf32, #tpu.memory_space<hbm>> -> memref<1x64xf32, #tpu.memory_space<hbm>>
      %dma_start3A_319 = arith.constant 0 : i32
      %dma_start3A_320 = tpu.memref_slice %arg6[%add3A_314, %dma_start3A_319] : memref<800x64xf32, #tpu.memory_space<vmem>> -> memref<1x64xf32, #tpu.memory_space<vmem>>
      %dma_start3A_321 = arith.constant 0 : i32
      %dma_start3A_322 = tpu.memref_slice %arg3[%squeeze3A_310, %dma_start3A_321] : memref<1000000x64xf32, #tpu.memory_space<hbm>> -> memref<1x64xf32, #tpu.memory_space<hbm>>
      tpu.enqueue_dma source(%dma_start3A_322 : memref<1x64xf32, #tpu.memory_space<hbm>>) target(%dma_start3A_320 : memref<1x64xf32, #tpu.memory_space<vmem>>) target_semaphore(%arg7 : memref<!tpu.dma_semaphore, #tpu.memory_space<semaphore_mem>>)
    }
    %scan3A_56 = arith.constant 50 : i32
    %dma_wait3A_57 = arith.constant 0 : i32
    %dma_wait3A_58 = tpu.memref_slice %arg4[%add3A_50, %dma_wait3A_57] : memref<204800x64xf32, #tpu.memory_space<hbm>> -> memref<800x64xf32, #tpu.memory_space<hbm>>
    %dma_wait3A_59 = arith.constant 0 : i32
    %dma_wait3A_60 = tpu.memref_slice %arg4[%add3A_50, %dma_wait3A_59] : memref<204800x64xf32, #tpu.memory_space<hbm>> -> memref<800x64xf32, #tpu.memory_space<hbm>>
    tpu.wait_dma2 semaphore(%arg7 : memref<!tpu.dma_semaphore, #tpu.memory_space<semaphore_mem>>) src(%dma_wait3A_60 : memref<800x64xf32, #tpu.memory_space<hbm>>) dst(%arg6 : memref<800x64xf32, #tpu.memory_space<vmem>>)
    "tpu.region"() ({
      %run_scoped3A = tpu.sem_alloc : memref<!tpu.dma_semaphore, #tpu.memory_space<semaphore_mem>>
      %dma_start3A = arith.constant 0 : i32
      %dma_start3A_97 = tpu.memref_slice %arg4[%add3A_50, %dma_start3A] : memref<204800x64xf32, #tpu.memory_space<hbm>> -> memref<800x64xf32, #tpu.memory_space<hbm>>
      %dma_start3A_98 = arith.constant 0 : i32
      %dma_start3A_99 = tpu.memref_slice %arg4[%add3A_50, %dma_start3A_98] : memref<204800x64xf32, #tpu.memory_space<hbm>> -> memref<800x64xf32, #tpu.memory_space<hbm>>
      tpu.enqueue_dma source(%arg6 : memref<800x64xf32, #tpu.memory_space<vmem>>) target(%dma_start3A_99 : memref<800x64xf32, #tpu.memory_space<hbm>>) target_semaphore(%run_scoped3A : memref<!tpu.dma_semaphore, #tpu.memory_space<semaphore_mem>>)
      %dma_wait3A_100 = arith.constant 0 : i32
      %dma_wait3A_101 = tpu.memref_slice %arg4[%add3A_50, %dma_wait3A_100] : memref<204800x64xf32, #tpu.memory_space<hbm>> -> memref<800x64xf32, #tpu.memory_space<hbm>>
      %dma_wait3A_102 = arith.constant 0 : i32
      %dma_wait3A_103 = tpu.memref_slice %arg4[%add3A_50, %dma_wait3A_102] : memref<204800x64xf32, #tpu.memory_space<hbm>> -> memref<800x64xf32, #tpu.memory_space<hbm>>
      tpu.wait_dma2 semaphore(%run_scoped3A : memref<!tpu.dma_semaphore, #tpu.memory_space<semaphore_mem>>) src(%arg6 : memref<800x64xf32, #tpu.memory_space<vmem>>) dst(%dma_wait3A_103 : memref<800x64xf32, #tpu.memory_space<hbm>>)
      tpu.yield
    }) : () -> ()
    %add3A_61 = arith.constant 4000 : i32
    %add3A_62 = arith.addi %mul3A_2, %add3A_61 : i32
    "tpu.region"() ({
      %run_scoped3A = tpu.sem_alloc : memref<!tpu.dma_semaphore, #tpu.memory_space<semaphore_mem>>
      %dma_start3A = tpu.memref_slice %arg2[%add3A_62] : memref<204800xi32, #tpu.memory_space<hbm>> -> memref<800xi32, #tpu.memory_space<hbm>>
      %dma_start3A_97 = tpu.memref_slice %arg2[%add3A_62] : memref<204800xi32, #tpu.memory_space<hbm>> -> memref<800xi32, #tpu.memory_space<hbm>>
      tpu.enqueue_dma source(%dma_start3A_97 : memref<800xi32, #tpu.memory_space<hbm>>) target(%arg5 : memref<800xi32, #tpu.memory_space<vmem>>) target_semaphore(%run_scoped3A : memref<!tpu.dma_semaphore, #tpu.memory_space<semaphore_mem>>)
      %dma_wait3A_98 = tpu.memref_slice %arg2[%add3A_62] : memref<204800xi32, #tpu.memory_space<hbm>> -> memref<800xi32, #tpu.memory_space<hbm>>
      %dma_wait3A_99 = tpu.memref_slice %arg2[%add3A_62] : memref<204800xi32, #tpu.memory_space<hbm>> -> memref<800xi32, #tpu.memory_space<hbm>>
      tpu.wait_dma2 semaphore(%run_scoped3A : memref<!tpu.dma_semaphore, #tpu.memory_space<semaphore_mem>>) src(%dma_wait3A_99 : memref<800xi32, #tpu.memory_space<hbm>>) dst(%arg5 : memref<800xi32, #tpu.memory_space<vmem>>)
      tpu.yield
    }) : () -> ()
    %scan3A_63 = arith.constant 0 : i32
    %scan3A_64 = arith.constant 0 : i32
    %scan3A_65 = arith.constant 50 : i32
    %scan3A_66 = arith.addi %scan3A_64, %scan3A_65 : i32
    %scan3A_67 = arith.constant 1 : i32
    scf.for %scan3A_97 = %scan3A_64 to %scan3A_66 step %scan3A_67  : i32 {
      %mul3A_98 = arith.constant 16 : i32
      %mul3A_99 = arith.muli %scan3A_97, %mul3A_98 : i32
      %get3A = arith.index_cast %mul3A_99 : i32 to index
      %get3A_100 = tpu.vector_load %arg5[%get3A] {strides = array<i32>} : memref<800xi32, #tpu.memory_space<vmem>>, vector<16xi32>,
      %get3A_101 = vector.shape_cast %get3A_100 : vector<16xi32> to vector<16xi32>
      %slice3A = vector.extract_strided_slice %get3A_101 {offsets = [0], sizes = [1], strides = [1]} : vector<16xi32> to vector<1xi32>
      %squeeze3A = vector.extract %slice3A[0] : i32 from vector<1xi32>
      %mul3A_102 = arith.constant 16 : i32
      %mul3A_103 = arith.muli %scan3A_97, %mul3A_102 : i32
      %add3A_104 = arith.constant 0 : i32
      %add3A_105 = arith.addi %mul3A_103, %add3A_104 : i32
      %dma_start3A = arith.constant 0 : i32
      %dma_start3A_106 = tpu.memref_slice %arg6[%add3A_105, %dma_start3A] : memref<800x64xf32, #tpu.memory_space<vmem>> -> memref<1x64xf32, #tpu.memory_space<vmem>>
      %dma_start3A_107 = arith.constant 0 : i32
      %dma_start3A_108 = tpu.memref_slice %arg3[%squeeze3A, %dma_start3A_107] : memref<1000000x64xf32, #tpu.memory_space<hbm>> -> memref<1x64xf32, #tpu.memory_space<hbm>>
      %dma_start3A_109 = arith.constant 0 : i32
      %dma_start3A_110 = tpu.memref_slice %arg6[%add3A_105, %dma_start3A_109] : memref<800x64xf32, #tpu.memory_space<vmem>> -> memref<1x64xf32, #tpu.memory_space<vmem>>
      %dma_start3A_111 = arith.constant 0 : i32
      %dma_start3A_112 = tpu.memref_slice %arg3[%squeeze3A, %dma_start3A_111] : memref<1000000x64xf32, #tpu.memory_space<hbm>> -> memref<1x64xf32, #tpu.memory_space<hbm>>
      tpu.enqueue_dma source(%dma_start3A_112 : memref<1x64xf32, #tpu.memory_space<hbm>>) target(%dma_start3A_110 : memref<1x64xf32, #tpu.memory_space<vmem>>) target_semaphore(%arg7 : memref<!tpu.dma_semaphore, #tpu.memory_space<semaphore_mem>>)
      %slice3A_113 = vector.extract_strided_slice %get3A_101 {offsets = [1], sizes = [1], strides = [1]} : vector<16xi32> to vector<1xi32>
      %squeeze3A_114 = vector.extract %slice3A_113[0] : i32 from vector<1xi32>
      %mul3A_115 = arith.constant 16 : i32
      %mul3A_116 = arith.muli %scan3A_97, %mul3A_115 : i32
      %add3A_117 = arith.constant 1 : i32
      %add3A_118 = arith.addi %mul3A_116, %add3A_117 : i32
      %dma_start3A_119 = arith.constant 0 : i32
      %dma_start3A_120 = tpu.memref_slice %arg6[%add3A_118, %dma_start3A_119] : memref<800x64xf32, #tpu.memory_space<vmem>> -> memref<1x64xf32, #tpu.memory_space<vmem>>
      %dma_start3A_121 = arith.constant 0 : i32
      %dma_start3A_122 = tpu.memref_slice %arg3[%squeeze3A_114, %dma_start3A_121] : memref<1000000x64xf32, #tpu.memory_space<hbm>> -> memref<1x64xf32, #tpu.memory_space<hbm>>
      %dma_start3A_123 = arith.constant 0 : i32
      %dma_start3A_124 = tpu.memref_slice %arg6[%add3A_118, %dma_start3A_123] : memref<800x64xf32, #tpu.memory_space<vmem>> -> memref<1x64xf32, #tpu.memory_space<vmem>>
      %dma_start3A_125 = arith.constant 0 : i32
      %dma_start3A_126 = tpu.memref_slice %arg3[%squeeze3A_114, %dma_start3A_125] : memref<1000000x64xf32, #tpu.memory_space<hbm>> -> memref<1x64xf32, #tpu.memory_space<hbm>>
      tpu.enqueue_dma source(%dma_start3A_126 : memref<1x64xf32, #tpu.memory_space<hbm>>) target(%dma_start3A_124 : memref<1x64xf32, #tpu.memory_space<vmem>>) target_semaphore(%arg7 : memref<!tpu.dma_semaphore, #tpu.memory_space<semaphore_mem>>)
      %slice3A_127 = vector.extract_strided_slice %get3A_101 {offsets = [2], sizes = [1], strides = [1]} : vector<16xi32> to vector<1xi32>
      %squeeze3A_128 = vector.extract %slice3A_127[0] : i32 from vector<1xi32>
      %mul3A_129 = arith.constant 16 : i32
      %mul3A_130 = arith.muli %scan3A_97, %mul3A_129 : i32
      %add3A_131 = arith.constant 2 : i32
      %add3A_132 = arith.addi %mul3A_130, %add3A_131 : i32
      %dma_start3A_133 = arith.constant 0 : i32
      %dma_start3A_134 = tpu.memref_slice %arg6[%add3A_132, %dma_start3A_133] : memref<800x64xf32, #tpu.memory_space<vmem>> -> memref<1x64xf32, #tpu.memory_space<vmem>>
      %dma_start3A_135 = arith.constant 0 : i32
      %dma_start3A_136 = tpu.memref_slice %arg3[%squeeze3A_128, %dma_start3A_135] : memref<1000000x64xf32, #tpu.memory_space<hbm>> -> memref<1x64xf32, #tpu.memory_space<hbm>>
      %dma_start3A_137 = arith.constant 0 : i32
      %dma_start3A_138 = tpu.memref_slice %arg6[%add3A_132, %dma_start3A_137] : memref<800x64xf32, #tpu.memory_space<vmem>> -> memref<1x64xf32, #tpu.memory_space<vmem>>
      %dma_start3A_139 = arith.constant 0 : i32
      %dma_start3A_140 = tpu.memref_slice %arg3[%squeeze3A_128, %dma_start3A_139] : memref<1000000x64xf32, #tpu.memory_space<hbm>> -> memref<1x64xf32, #tpu.memory_space<hbm>>
      tpu.enqueue_dma source(%dma_start3A_140 : memref<1x64xf32, #tpu.memory_space<hbm>>) target(%dma_start3A_138 : memref<1x64xf32, #tpu.memory_space<vmem>>) target_semaphore(%arg7 : memref<!tpu.dma_semaphore, #tpu.memory_space<semaphore_mem>>)
      %slice3A_141 = vector.extract_strided_slice %get3A_101 {offsets = [3], sizes = [1], strides = [1]} : vector<16xi32> to vector<1xi32>
      %squeeze3A_142 = vector.extract %slice3A_141[0] : i32 from vector<1xi32>
      %mul3A_143 = arith.constant 16 : i32
      %mul3A_144 = arith.muli %scan3A_97, %mul3A_143 : i32
      %add3A_145 = arith.constant 3 : i32
      %add3A_146 = arith.addi %mul3A_144, %add3A_145 : i32
      %dma_start3A_147 = arith.constant 0 : i32
      %dma_start3A_148 = tpu.memref_slice %arg6[%add3A_146, %dma_start3A_147] : memref<800x64xf32, #tpu.memory_space<vmem>> -> memref<1x64xf32, #tpu.memory_space<vmem>>
      %dma_start3A_149 = arith.constant 0 : i32
      %dma_start3A_150 = tpu.memref_slice %arg3[%squeeze3A_142, %dma_start3A_149] : memref<1000000x64xf32, #tpu.memory_space<hbm>> -> memref<1x64xf32, #tpu.memory_space<hbm>>
      %dma_start3A_151 = arith.constant 0 : i32
      %dma_start3A_152 = tpu.memref_slice %arg6[%add3A_146, %dma_start3A_151] : memref<800x64xf32, #tpu.memory_space<vmem>> -> memref<1x64xf32, #tpu.memory_space<vmem>>
      %dma_start3A_153 = arith.constant 0 : i32
      %dma_start3A_154 = tpu.memref_slice %arg3[%squeeze3A_142, %dma_start3A_153] : memref<1000000x64xf32, #tpu.memory_space<hbm>> -> memref<1x64xf32, #tpu.memory_space<hbm>>
      tpu.enqueue_dma source(%dma_start3A_154 : memref<1x64xf32, #tpu.memory_space<hbm>>) target(%dma_start3A_152 : memref<1x64xf32, #tpu.memory_space<vmem>>) target_semaphore(%arg7 : memref<!tpu.dma_semaphore, #tpu.memory_space<semaphore_mem>>)
      %slice3A_155 = vector.extract_strided_slice %get3A_101 {offsets = [4], sizes = [1], strides = [1]} : vector<16xi32> to vector<1xi32>
      %squeeze3A_156 = vector.extract %slice3A_155[0] : i32 from vector<1xi32>
      %mul3A_157 = arith.constant 16 : i32
      %mul3A_158 = arith.muli %scan3A_97, %mul3A_157 : i32
      %add3A_159 = arith.constant 4 : i32
      %add3A_160 = arith.addi %mul3A_158, %add3A_159 : i32
      %dma_start3A_161 = arith.constant 0 : i32
      %dma_start3A_162 = tpu.memref_slice %arg6[%add3A_160, %dma_start3A_161] : memref<800x64xf32, #tpu.memory_space<vmem>> -> memref<1x64xf32, #tpu.memory_space<vmem>>
      %dma_start3A_163 = arith.constant 0 : i32
      %dma_start3A_164 = tpu.memref_slice %arg3[%squeeze3A_156, %dma_start3A_163] : memref<1000000x64xf32, #tpu.memory_space<hbm>> -> memref<1x64xf32, #tpu.memory_space<hbm>>
      %dma_start3A_165 = arith.constant 0 : i32
      %dma_start3A_166 = tpu.memref_slice %arg6[%add3A_160, %dma_start3A_165] : memref<800x64xf32, #tpu.memory_space<vmem>> -> memref<1x64xf32, #tpu.memory_space<vmem>>
      %dma_start3A_167 = arith.constant 0 : i32
      %dma_start3A_168 = tpu.memref_slice %arg3[%squeeze3A_156, %dma_start3A_167] : memref<1000000x64xf32, #tpu.memory_space<hbm>> -> memref<1x64xf32, #tpu.memory_space<hbm>>
      tpu.enqueue_dma source(%dma_start3A_168 : memref<1x64xf32, #tpu.memory_space<hbm>>) target(%dma_start3A_166 : memref<1x64xf32, #tpu.memory_space<vmem>>) target_semaphore(%arg7 : memref<!tpu.dma_semaphore, #tpu.memory_space<semaphore_mem>>)
      %slice3A_169 = vector.extract_strided_slice %get3A_101 {offsets = [5], sizes = [1], strides = [1]} : vector<16xi32> to vector<1xi32>
      %squeeze3A_170 = vector.extract %slice3A_169[0] : i32 from vector<1xi32>
      %mul3A_171 = arith.constant 16 : i32
      %mul3A_172 = arith.muli %scan3A_97, %mul3A_171 : i32
      %add3A_173 = arith.constant 5 : i32
      %add3A_174 = arith.addi %mul3A_172, %add3A_173 : i32
      %dma_start3A_175 = arith.constant 0 : i32
      %dma_start3A_176 = tpu.memref_slice %arg6[%add3A_174, %dma_start3A_175] : memref<800x64xf32, #tpu.memory_space<vmem>> -> memref<1x64xf32, #tpu.memory_space<vmem>>
      %dma_start3A_177 = arith.constant 0 : i32
      %dma_start3A_178 = tpu.memref_slice %arg3[%squeeze3A_170, %dma_start3A_177] : memref<1000000x64xf32, #tpu.memory_space<hbm>> -> memref<1x64xf32, #tpu.memory_space<hbm>>
      %dma_start3A_179 = arith.constant 0 : i32
      %dma_start3A_180 = tpu.memref_slice %arg6[%add3A_174, %dma_start3A_179] : memref<800x64xf32, #tpu.memory_space<vmem>> -> memref<1x64xf32, #tpu.memory_space<vmem>>
      %dma_start3A_181 = arith.constant 0 : i32
      %dma_start3A_182 = tpu.memref_slice %arg3[%squeeze3A_170, %dma_start3A_181] : memref<1000000x64xf32, #tpu.memory_space<hbm>> -> memref<1x64xf32, #tpu.memory_space<hbm>>
      tpu.enqueue_dma source(%dma_start3A_182 : memref<1x64xf32, #tpu.memory_space<hbm>>) target(%dma_start3A_180 : memref<1x64xf32, #tpu.memory_space<vmem>>) target_semaphore(%arg7 : memref<!tpu.dma_semaphore, #tpu.memory_space<semaphore_mem>>)
      %slice3A_183 = vector.extract_strided_slice %get3A_101 {offsets = [6], sizes = [1], strides = [1]} : vector<16xi32> to vector<1xi32>
      %squeeze3A_184 = vector.extract %slice3A_183[0] : i32 from vector<1xi32>
      %mul3A_185 = arith.constant 16 : i32
      %mul3A_186 = arith.muli %scan3A_97, %mul3A_185 : i32
      %add3A_187 = arith.constant 6 : i32
      %add3A_188 = arith.addi %mul3A_186, %add3A_187 : i32
      %dma_start3A_189 = arith.constant 0 : i32
      %dma_start3A_190 = tpu.memref_slice %arg6[%add3A_188, %dma_start3A_189] : memref<800x64xf32, #tpu.memory_space<vmem>> -> memref<1x64xf32, #tpu.memory_space<vmem>>
      %dma_start3A_191 = arith.constant 0 : i32
      %dma_start3A_192 = tpu.memref_slice %arg3[%squeeze3A_184, %dma_start3A_191] : memref<1000000x64xf32, #tpu.memory_space<hbm>> -> memref<1x64xf32, #tpu.memory_space<hbm>>
      %dma_start3A_193 = arith.constant 0 : i32
      %dma_start3A_194 = tpu.memref_slice %arg6[%add3A_188, %dma_start3A_193] : memref<800x64xf32, #tpu.memory_space<vmem>> -> memref<1x64xf32, #tpu.memory_space<vmem>>
      %dma_start3A_195 = arith.constant 0 : i32
      %dma_start3A_196 = tpu.memref_slice %arg3[%squeeze3A_184, %dma_start3A_195] : memref<1000000x64xf32, #tpu.memory_space<hbm>> -> memref<1x64xf32, #tpu.memory_space<hbm>>
      tpu.enqueue_dma source(%dma_start3A_196 : memref<1x64xf32, #tpu.memory_space<hbm>>) target(%dma_start3A_194 : memref<1x64xf32, #tpu.memory_space<vmem>>) target_semaphore(%arg7 : memref<!tpu.dma_semaphore, #tpu.memory_space<semaphore_mem>>)
      %slice3A_197 = vector.extract_strided_slice %get3A_101 {offsets = [7], sizes = [1], strides = [1]} : vector<16xi32> to vector<1xi32>
      %squeeze3A_198 = vector.extract %slice3A_197[0] : i32 from vector<1xi32>
      %mul3A_199 = arith.constant 16 : i32
      %mul3A_200 = arith.muli %scan3A_97, %mul3A_199 : i32
      %add3A_201 = arith.constant 7 : i32
      %add3A_202 = arith.addi %mul3A_200, %add3A_201 : i32
      %dma_start3A_203 = arith.constant 0 : i32
      %dma_start3A_204 = tpu.memref_slice %arg6[%add3A_202, %dma_start3A_203] : memref<800x64xf32, #tpu.memory_space<vmem>> -> memref<1x64xf32, #tpu.memory_space<vmem>>
      %dma_start3A_205 = arith.constant 0 : i32
      %dma_start3A_206 = tpu.memref_slice %arg3[%squeeze3A_198, %dma_start3A_205] : memref<1000000x64xf32, #tpu.memory_space<hbm>> -> memref<1x64xf32, #tpu.memory_space<hbm>>
      %dma_start3A_207 = arith.constant 0 : i32
      %dma_start3A_208 = tpu.memref_slice %arg6[%add3A_202, %dma_start3A_207] : memref<800x64xf32, #tpu.memory_space<vmem>> -> memref<1x64xf32, #tpu.memory_space<vmem>>
      %dma_start3A_209 = arith.constant 0 : i32
      %dma_start3A_210 = tpu.memref_slice %arg3[%squeeze3A_198, %dma_start3A_209] : memref<1000000x64xf32, #tpu.memory_space<hbm>> -> memref<1x64xf32, #tpu.memory_space<hbm>>
      tpu.enqueue_dma source(%dma_start3A_210 : memref<1x64xf32, #tpu.memory_space<hbm>>) target(%dma_start3A_208 : memref<1x64xf32, #tpu.memory_space<vmem>>) target_semaphore(%arg7 : memref<!tpu.dma_semaphore, #tpu.memory_space<semaphore_mem>>)
      %slice3A_211 = vector.extract_strided_slice %get3A_101 {offsets = [8], sizes = [1], strides = [1]} : vector<16xi32> to vector<1xi32>
      %squeeze3A_212 = vector.extract %slice3A_211[0] : i32 from vector<1xi32>
      %mul3A_213 = arith.constant 16 : i32
      %mul3A_214 = arith.muli %scan3A_97, %mul3A_213 : i32
      %add3A_215 = arith.constant 8 : i32
      %add3A_216 = arith.addi %mul3A_214, %add3A_215 : i32
      %dma_start3A_217 = arith.constant 0 : i32
      %dma_start3A_218 = tpu.memref_slice %arg6[%add3A_216, %dma_start3A_217] : memref<800x64xf32, #tpu.memory_space<vmem>> -> memref<1x64xf32, #tpu.memory_space<vmem>>
      %dma_start3A_219 = arith.constant 0 : i32
      %dma_start3A_220 = tpu.memref_slice %arg3[%squeeze3A_212, %dma_start3A_219] : memref<1000000x64xf32, #tpu.memory_space<hbm>> -> memref<1x64xf32, #tpu.memory_space<hbm>>
      %dma_start3A_221 = arith.constant 0 : i32
      %dma_start3A_222 = tpu.memref_slice %arg6[%add3A_216, %dma_start3A_221] : memref<800x64xf32, #tpu.memory_space<vmem>> -> memref<1x64xf32, #tpu.memory_space<vmem>>
      %dma_start3A_223 = arith.constant 0 : i32
      %dma_start3A_224 = tpu.memref_slice %arg3[%squeeze3A_212, %dma_start3A_223] : memref<1000000x64xf32, #tpu.memory_space<hbm>> -> memref<1x64xf32, #tpu.memory_space<hbm>>
      tpu.enqueue_dma source(%dma_start3A_224 : memref<1x64xf32, #tpu.memory_space<hbm>>) target(%dma_start3A_222 : memref<1x64xf32, #tpu.memory_space<vmem>>) target_semaphore(%arg7 : memref<!tpu.dma_semaphore, #tpu.memory_space<semaphore_mem>>)
      %slice3A_225 = vector.extract_strided_slice %get3A_101 {offsets = [9], sizes = [1], strides = [1]} : vector<16xi32> to vector<1xi32>
      %squeeze3A_226 = vector.extract %slice3A_225[0] : i32 from vector<1xi32>
      %mul3A_227 = arith.constant 16 : i32
      %mul3A_228 = arith.muli %scan3A_97, %mul3A_227 : i32
      %add3A_229 = arith.constant 9 : i32
      %add3A_230 = arith.addi %mul3A_228, %add3A_229 : i32
      %dma_start3A_231 = arith.constant 0 : i32
      %dma_start3A_232 = tpu.memref_slice %arg6[%add3A_230, %dma_start3A_231] : memref<800x64xf32, #tpu.memory_space<vmem>> -> memref<1x64xf32, #tpu.memory_space<vmem>>
      %dma_start3A_233 = arith.constant 0 : i32
      %dma_start3A_234 = tpu.memref_slice %arg3[%squeeze3A_226, %dma_start3A_233] : memref<1000000x64xf32, #tpu.memory_space<hbm>> -> memref<1x64xf32, #tpu.memory_space<hbm>>
      %dma_start3A_235 = arith.constant 0 : i32
      %dma_start3A_236 = tpu.memref_slice %arg6[%add3A_230, %dma_start3A_235] : memref<800x64xf32, #tpu.memory_space<vmem>> -> memref<1x64xf32, #tpu.memory_space<vmem>>
      %dma_start3A_237 = arith.constant 0 : i32
      %dma_start3A_238 = tpu.memref_slice %arg3[%squeeze3A_226, %dma_start3A_237] : memref<1000000x64xf32, #tpu.memory_space<hbm>> -> memref<1x64xf32, #tpu.memory_space<hbm>>
      tpu.enqueue_dma source(%dma_start3A_238 : memref<1x64xf32, #tpu.memory_space<hbm>>) target(%dma_start3A_236 : memref<1x64xf32, #tpu.memory_space<vmem>>) target_semaphore(%arg7 : memref<!tpu.dma_semaphore, #tpu.memory_space<semaphore_mem>>)
      %slice3A_239 = vector.extract_strided_slice %get3A_101 {offsets = [10], sizes = [1], strides = [1]} : vector<16xi32> to vector<1xi32>
      %squeeze3A_240 = vector.extract %slice3A_239[0] : i32 from vector<1xi32>
      %mul3A_241 = arith.constant 16 : i32
      %mul3A_242 = arith.muli %scan3A_97, %mul3A_241 : i32
      %add3A_243 = arith.constant 10 : i32
      %add3A_244 = arith.addi %mul3A_242, %add3A_243 : i32
      %dma_start3A_245 = arith.constant 0 : i32
      %dma_start3A_246 = tpu.memref_slice %arg6[%add3A_244, %dma_start3A_245] : memref<800x64xf32, #tpu.memory_space<vmem>> -> memref<1x64xf32, #tpu.memory_space<vmem>>
      %dma_start3A_247 = arith.constant 0 : i32
      %dma_start3A_248 = tpu.memref_slice %arg3[%squeeze3A_240, %dma_start3A_247] : memref<1000000x64xf32, #tpu.memory_space<hbm>> -> memref<1x64xf32, #tpu.memory_space<hbm>>
      %dma_start3A_249 = arith.constant 0 : i32
      %dma_start3A_250 = tpu.memref_slice %arg6[%add3A_244, %dma_start3A_249] : memref<800x64xf32, #tpu.memory_space<vmem>> -> memref<1x64xf32, #tpu.memory_space<vmem>>
      %dma_start3A_251 = arith.constant 0 : i32
      %dma_start3A_252 = tpu.memref_slice %arg3[%squeeze3A_240, %dma_start3A_251] : memref<1000000x64xf32, #tpu.memory_space<hbm>> -> memref<1x64xf32, #tpu.memory_space<hbm>>
      tpu.enqueue_dma source(%dma_start3A_252 : memref<1x64xf32, #tpu.memory_space<hbm>>) target(%dma_start3A_250 : memref<1x64xf32, #tpu.memory_space<vmem>>) target_semaphore(%arg7 : memref<!tpu.dma_semaphore, #tpu.memory_space<semaphore_mem>>)
      %slice3A_253 = vector.extract_strided_slice %get3A_101 {offsets = [11], sizes = [1], strides = [1]} : vector<16xi32> to vector<1xi32>
      %squeeze3A_254 = vector.extract %slice3A_253[0] : i32 from vector<1xi32>
      %mul3A_255 = arith.constant 16 : i32
      %mul3A_256 = arith.muli %scan3A_97, %mul3A_255 : i32
      %add3A_257 = arith.constant 11 : i32
      %add3A_258 = arith.addi %mul3A_256, %add3A_257 : i32
      %dma_start3A_259 = arith.constant 0 : i32
      %dma_start3A_260 = tpu.memref_slice %arg6[%add3A_258, %dma_start3A_259] : memref<800x64xf32, #tpu.memory_space<vmem>> -> memref<1x64xf32, #tpu.memory_space<vmem>>
      %dma_start3A_261 = arith.constant 0 : i32
      %dma_start3A_262 = tpu.memref_slice %arg3[%squeeze3A_254, %dma_start3A_261] : memref<1000000x64xf32, #tpu.memory_space<hbm>> -> memref<1x64xf32, #tpu.memory_space<hbm>>
      %dma_start3A_263 = arith.constant 0 : i32
      %dma_start3A_264 = tpu.memref_slice %arg6[%add3A_258, %dma_start3A_263] : memref<800x64xf32, #tpu.memory_space<vmem>> -> memref<1x64xf32, #tpu.memory_space<vmem>>
      %dma_start3A_265 = arith.constant 0 : i32
      %dma_start3A_266 = tpu.memref_slice %arg3[%squeeze3A_254, %dma_start3A_265] : memref<1000000x64xf32, #tpu.memory_space<hbm>> -> memref<1x64xf32, #tpu.memory_space<hbm>>
      tpu.enqueue_dma source(%dma_start3A_266 : memref<1x64xf32, #tpu.memory_space<hbm>>) target(%dma_start3A_264 : memref<1x64xf32, #tpu.memory_space<vmem>>) target_semaphore(%arg7 : memref<!tpu.dma_semaphore, #tpu.memory_space<semaphore_mem>>)
      %slice3A_267 = vector.extract_strided_slice %get3A_101 {offsets = [12], sizes = [1], strides = [1]} : vector<16xi32> to vector<1xi32>
      %squeeze3A_268 = vector.extract %slice3A_267[0] : i32 from vector<1xi32>
      %mul3A_269 = arith.constant 16 : i32
      %mul3A_270 = arith.muli %scan3A_97, %mul3A_269 : i32
      %add3A_271 = arith.constant 12 : i32
      %add3A_272 = arith.addi %mul3A_270, %add3A_271 : i32
      %dma_start3A_273 = arith.constant 0 : i32
      %dma_start3A_274 = tpu.memref_slice %arg6[%add3A_272, %dma_start3A_273] : memref<800x64xf32, #tpu.memory_space<vmem>> -> memref<1x64xf32, #tpu.memory_space<vmem>>
      %dma_start3A_275 = arith.constant 0 : i32
      %dma_start3A_276 = tpu.memref_slice %arg3[%squeeze3A_268, %dma_start3A_275] : memref<1000000x64xf32, #tpu.memory_space<hbm>> -> memref<1x64xf32, #tpu.memory_space<hbm>>
      %dma_start3A_277 = arith.constant 0 : i32
      %dma_start3A_278 = tpu.memref_slice %arg6[%add3A_272, %dma_start3A_277] : memref<800x64xf32, #tpu.memory_space<vmem>> -> memref<1x64xf32, #tpu.memory_space<vmem>>
      %dma_start3A_279 = arith.constant 0 : i32
      %dma_start3A_280 = tpu.memref_slice %arg3[%squeeze3A_268, %dma_start3A_279] : memref<1000000x64xf32, #tpu.memory_space<hbm>> -> memref<1x64xf32, #tpu.memory_space<hbm>>
      tpu.enqueue_dma source(%dma_start3A_280 : memref<1x64xf32, #tpu.memory_space<hbm>>) target(%dma_start3A_278 : memref<1x64xf32, #tpu.memory_space<vmem>>) target_semaphore(%arg7 : memref<!tpu.dma_semaphore, #tpu.memory_space<semaphore_mem>>)
      %slice3A_281 = vector.extract_strided_slice %get3A_101 {offsets = [13], sizes = [1], strides = [1]} : vector<16xi32> to vector<1xi32>
      %squeeze3A_282 = vector.extract %slice3A_281[0] : i32 from vector<1xi32>
      %mul3A_283 = arith.constant 16 : i32
      %mul3A_284 = arith.muli %scan3A_97, %mul3A_283 : i32
      %add3A_285 = arith.constant 13 : i32
      %add3A_286 = arith.addi %mul3A_284, %add3A_285 : i32
      %dma_start3A_287 = arith.constant 0 : i32
      %dma_start3A_288 = tpu.memref_slice %arg6[%add3A_286, %dma_start3A_287] : memref<800x64xf32, #tpu.memory_space<vmem>> -> memref<1x64xf32, #tpu.memory_space<vmem>>
      %dma_start3A_289 = arith.constant 0 : i32
      %dma_start3A_290 = tpu.memref_slice %arg3[%squeeze3A_282, %dma_start3A_289] : memref<1000000x64xf32, #tpu.memory_space<hbm>> -> memref<1x64xf32, #tpu.memory_space<hbm>>
      %dma_start3A_291 = arith.constant 0 : i32
      %dma_start3A_292 = tpu.memref_slice %arg6[%add3A_286, %dma_start3A_291] : memref<800x64xf32, #tpu.memory_space<vmem>> -> memref<1x64xf32, #tpu.memory_space<vmem>>
      %dma_start3A_293 = arith.constant 0 : i32
      %dma_start3A_294 = tpu.memref_slice %arg3[%squeeze3A_282, %dma_start3A_293] : memref<1000000x64xf32, #tpu.memory_space<hbm>> -> memref<1x64xf32, #tpu.memory_space<hbm>>
      tpu.enqueue_dma source(%dma_start3A_294 : memref<1x64xf32, #tpu.memory_space<hbm>>) target(%dma_start3A_292 : memref<1x64xf32, #tpu.memory_space<vmem>>) target_semaphore(%arg7 : memref<!tpu.dma_semaphore, #tpu.memory_space<semaphore_mem>>)
      %slice3A_295 = vector.extract_strided_slice %get3A_101 {offsets = [14], sizes = [1], strides = [1]} : vector<16xi32> to vector<1xi32>
      %squeeze3A_296 = vector.extract %slice3A_295[0] : i32 from vector<1xi32>
      %mul3A_297 = arith.constant 16 : i32
      %mul3A_298 = arith.muli %scan3A_97, %mul3A_297 : i32
      %add3A_299 = arith.constant 14 : i32
      %add3A_300 = arith.addi %mul3A_298, %add3A_299 : i32
      %dma_start3A_301 = arith.constant 0 : i32
      %dma_start3A_302 = tpu.memref_slice %arg6[%add3A_300, %dma_start3A_301] : memref<800x64xf32, #tpu.memory_space<vmem>> -> memref<1x64xf32, #tpu.memory_space<vmem>>
      %dma_start3A_303 = arith.constant 0 : i32
      %dma_start3A_304 = tpu.memref_slice %arg3[%squeeze3A_296, %dma_start3A_303] : memref<1000000x64xf32, #tpu.memory_space<hbm>> -> memref<1x64xf32, #tpu.memory_space<hbm>>
      %dma_start3A_305 = arith.constant 0 : i32
      %dma_start3A_306 = tpu.memref_slice %arg6[%add3A_300, %dma_start3A_305] : memref<800x64xf32, #tpu.memory_space<vmem>> -> memref<1x64xf32, #tpu.memory_space<vmem>>
      %dma_start3A_307 = arith.constant 0 : i32
      %dma_start3A_308 = tpu.memref_slice %arg3[%squeeze3A_296, %dma_start3A_307] : memref<1000000x64xf32, #tpu.memory_space<hbm>> -> memref<1x64xf32, #tpu.memory_space<hbm>>
      tpu.enqueue_dma source(%dma_start3A_308 : memref<1x64xf32, #tpu.memory_space<hbm>>) target(%dma_start3A_306 : memref<1x64xf32, #tpu.memory_space<vmem>>) target_semaphore(%arg7 : memref<!tpu.dma_semaphore, #tpu.memory_space<semaphore_mem>>)
      %slice3A_309 = vector.extract_strided_slice %get3A_101 {offsets = [15], sizes = [1], strides = [1]} : vector<16xi32> to vector<1xi32>
      %squeeze3A_310 = vector.extract %slice3A_309[0] : i32 from vector<1xi32>
      %mul3A_311 = arith.constant 16 : i32
      %mul3A_312 = arith.muli %scan3A_97, %mul3A_311 : i32
      %add3A_313 = arith.constant 15 : i32
      %add3A_314 = arith.addi %mul3A_312, %add3A_313 : i32
      %dma_start3A_315 = arith.constant 0 : i32
      %dma_start3A_316 = tpu.memref_slice %arg6[%add3A_314, %dma_start3A_315] : memref<800x64xf32, #tpu.memory_space<vmem>> -> memref<1x64xf32, #tpu.memory_space<vmem>>
      %dma_start3A_317 = arith.constant 0 : i32
      %dma_start3A_318 = tpu.memref_slice %arg3[%squeeze3A_310, %dma_start3A_317] : memref<1000000x64xf32, #tpu.memory_space<hbm>> -> memref<1x64xf32, #tpu.memory_space<hbm>>
      %dma_start3A_319 = arith.constant 0 : i32
      %dma_start3A_320 = tpu.memref_slice %arg6[%add3A_314, %dma_start3A_319] : memref<800x64xf32, #tpu.memory_space<vmem>> -> memref<1x64xf32, #tpu.memory_space<vmem>>
      %dma_start3A_321 = arith.constant 0 : i32
      %dma_start3A_322 = tpu.memref_slice %arg3[%squeeze3A_310, %dma_start3A_321] : memref<1000000x64xf32, #tpu.memory_space<hbm>> -> memref<1x64xf32, #tpu.memory_space<hbm>>
      tpu.enqueue_dma source(%dma_start3A_322 : memref<1x64xf32, #tpu.memory_space<hbm>>) target(%dma_start3A_320 : memref<1x64xf32, #tpu.memory_space<vmem>>) target_semaphore(%arg7 : memref<!tpu.dma_semaphore, #tpu.memory_space<semaphore_mem>>)
    }
    %scan3A_68 = arith.constant 50 : i32
    %dma_wait3A_69 = arith.constant 0 : i32
    %dma_wait3A_70 = tpu.memref_slice %arg4[%add3A_62, %dma_wait3A_69] : memref<204800x64xf32, #tpu.memory_space<hbm>> -> memref<800x64xf32, #tpu.memory_space<hbm>>
    %dma_wait3A_71 = arith.constant 0 : i32
    %dma_wait3A_72 = tpu.memref_slice %arg4[%add3A_62, %dma_wait3A_71] : memref<204800x64xf32, #tpu.memory_space<hbm>> -> memref<800x64xf32, #tpu.memory_space<hbm>>
    tpu.wait_dma2 semaphore(%arg7 : memref<!tpu.dma_semaphore, #tpu.memory_space<semaphore_mem>>) src(%dma_wait3A_72 : memref<800x64xf32, #tpu.memory_space<hbm>>) dst(%arg6 : memref<800x64xf32, #tpu.memory_space<vmem>>)
    "tpu.region"() ({
      %run_scoped3A = tpu.sem_alloc : memref<!tpu.dma_semaphore, #tpu.memory_space<semaphore_mem>>
      %dma_start3A = arith.constant 0 : i32
      %dma_start3A_97 = tpu.memref_slice %arg4[%add3A_62, %dma_start3A] : memref<204800x64xf32, #tpu.memory_space<hbm>> -> memref<800x64xf32, #tpu.memory_space<hbm>>
      %dma_start3A_98 = arith.constant 0 : i32
      %dma_start3A_99 = tpu.memref_slice %arg4[%add3A_62, %dma_start3A_98] : memref<204800x64xf32, #tpu.memory_space<hbm>> -> memref<800x64xf32, #tpu.memory_space<hbm>>
      tpu.enqueue_dma source(%arg6 : memref<800x64xf32, #tpu.memory_space<vmem>>) target(%dma_start3A_99 : memref<800x64xf32, #tpu.memory_space<hbm>>) target_semaphore(%run_scoped3A : memref<!tpu.dma_semaphore, #tpu.memory_space<semaphore_mem>>)
      %dma_wait3A_100 = arith.constant 0 : i32
      %dma_wait3A_101 = tpu.memref_slice %arg4[%add3A_62, %dma_wait3A_100] : memref<204800x64xf32, #tpu.memory_space<hbm>> -> memref<800x64xf32, #tpu.memory_space<hbm>>
      %dma_wait3A_102 = arith.constant 0 : i32
      %dma_wait3A_103 = tpu.memref_slice %arg4[%add3A_62, %dma_wait3A_102] : memref<204800x64xf32, #tpu.memory_space<hbm>> -> memref<800x64xf32, #tpu.memory_space<hbm>>
      tpu.wait_dma2 semaphore(%run_scoped3A : memref<!tpu.dma_semaphore, #tpu.memory_space<semaphore_mem>>) src(%arg6 : memref<800x64xf32, #tpu.memory_space<vmem>>) dst(%dma_wait3A_103 : memref<800x64xf32, #tpu.memory_space<hbm>>)
      tpu.yield
    }) : () -> ()
    %add3A_73 = arith.constant 4800 : i32
    %add3A_74 = arith.addi %mul3A_2, %add3A_73 : i32
    "tpu.region"() ({
      %run_scoped3A = tpu.sem_alloc : memref<!tpu.dma_semaphore, #tpu.memory_space<semaphore_mem>>
      %dma_start3A = tpu.memref_slice %arg2[%add3A_74] : memref<204800xi32, #tpu.memory_space<hbm>> -> memref<800xi32, #tpu.memory_space<hbm>>
      %dma_start3A_97 = tpu.memref_slice %arg2[%add3A_74] : memref<204800xi32, #tpu.memory_space<hbm>> -> memref<800xi32, #tpu.memory_space<hbm>>
      tpu.enqueue_dma source(%dma_start3A_97 : memref<800xi32, #tpu.memory_space<hbm>>) target(%arg5 : memref<800xi32, #tpu.memory_space<vmem>>) target_semaphore(%run_scoped3A : memref<!tpu.dma_semaphore, #tpu.memory_space<semaphore_mem>>)
      %dma_wait3A_98 = tpu.memref_slice %arg2[%add3A_74] : memref<204800xi32, #tpu.memory_space<hbm>> -> memref<800xi32, #tpu.memory_space<hbm>>
      %dma_wait3A_99 = tpu.memref_slice %arg2[%add3A_74] : memref<204800xi32, #tpu.memory_space<hbm>> -> memref<800xi32, #tpu.memory_space<hbm>>
      tpu.wait_dma2 semaphore(%run_scoped3A : memref<!tpu.dma_semaphore, #tpu.memory_space<semaphore_mem>>) src(%dma_wait3A_99 : memref<800xi32, #tpu.memory_space<hbm>>) dst(%arg5 : memref<800xi32, #tpu.memory_space<vmem>>)
      tpu.yield
    }) : () -> ()
    %scan3A_75 = arith.constant 0 : i32
    %scan3A_76 = arith.constant 0 : i32
    %scan3A_77 = arith.constant 50 : i32
    %scan3A_78 = arith.addi %scan3A_76, %scan3A_77 : i32
    %scan3A_79 = arith.constant 1 : i32
    scf.for %scan3A_97 = %scan3A_76 to %scan3A_78 step %scan3A_79  : i32 {
      %mul3A_98 = arith.constant 16 : i32
      %mul3A_99 = arith.muli %scan3A_97, %mul3A_98 : i32
      %get3A = arith.index_cast %mul3A_99 : i32 to index
      %get3A_100 = tpu.vector_load %arg5[%get3A] {strides = array<i32>} : memref<800xi32, #tpu.memory_space<vmem>>, vector<16xi32>,
      %get3A_101 = vector.shape_cast %get3A_100 : vector<16xi32> to vector<16xi32>
      %slice3A = vector.extract_strided_slice %get3A_101 {offsets = [0], sizes = [1], strides = [1]} : vector<16xi32> to vector<1xi32>
      %squeeze3A = vector.extract %slice3A[0] : i32 from vector<1xi32>
      %mul3A_102 = arith.constant 16 : i32
      %mul3A_103 = arith.muli %scan3A_97, %mul3A_102 : i32
      %add3A_104 = arith.constant 0 : i32
      %add3A_105 = arith.addi %mul3A_103, %add3A_104 : i32
      %dma_start3A = arith.constant 0 : i32
      %dma_start3A_106 = tpu.memref_slice %arg6[%add3A_105, %dma_start3A] : memref<800x64xf32, #tpu.memory_space<vmem>> -> memref<1x64xf32, #tpu.memory_space<vmem>>
      %dma_start3A_107 = arith.constant 0 : i32
      %dma_start3A_108 = tpu.memref_slice %arg3[%squeeze3A, %dma_start3A_107] : memref<1000000x64xf32, #tpu.memory_space<hbm>> -> memref<1x64xf32, #tpu.memory_space<hbm>>
      %dma_start3A_109 = arith.constant 0 : i32
      %dma_start3A_110 = tpu.memref_slice %arg6[%add3A_105, %dma_start3A_109] : memref<800x64xf32, #tpu.memory_space<vmem>> -> memref<1x64xf32, #tpu.memory_space<vmem>>
      %dma_start3A_111 = arith.constant 0 : i32
      %dma_start3A_112 = tpu.memref_slice %arg3[%squeeze3A, %dma_start3A_111] : memref<1000000x64xf32, #tpu.memory_space<hbm>> -> memref<1x64xf32, #tpu.memory_space<hbm>>
      tpu.enqueue_dma source(%dma_start3A_112 : memref<1x64xf32, #tpu.memory_space<hbm>>) target(%dma_start3A_110 : memref<1x64xf32, #tpu.memory_space<vmem>>) target_semaphore(%arg7 : memref<!tpu.dma_semaphore, #tpu.memory_space<semaphore_mem>>)
      %slice3A_113 = vector.extract_strided_slice %get3A_101 {offsets = [1], sizes = [1], strides = [1]} : vector<16xi32> to vector<1xi32>
      %squeeze3A_114 = vector.extract %slice3A_113[0] : i32 from vector<1xi32>
      %mul3A_115 = arith.constant 16 : i32
      %mul3A_116 = arith.muli %scan3A_97, %mul3A_115 : i32
      %add3A_117 = arith.constant 1 : i32
      %add3A_118 = arith.addi %mul3A_116, %add3A_117 : i32
      %dma_start3A_119 = arith.constant 0 : i32
      %dma_start3A_120 = tpu.memref_slice %arg6[%add3A_118, %dma_start3A_119] : memref<800x64xf32, #tpu.memory_space<vmem>> -> memref<1x64xf32, #tpu.memory_space<vmem>>
      %dma_start3A_121 = arith.constant 0 : i32
      %dma_start3A_122 = tpu.memref_slice %arg3[%squeeze3A_114, %dma_start3A_121] : memref<1000000x64xf32, #tpu.memory_space<hbm>> -> memref<1x64xf32, #tpu.memory_space<hbm>>
      %dma_start3A_123 = arith.constant 0 : i32
      %dma_start3A_124 = tpu.memref_slice %arg6[%add3A_118, %dma_start3A_123] : memref<800x64xf32, #tpu.memory_space<vmem>> -> memref<1x64xf32, #tpu.memory_space<vmem>>
      %dma_start3A_125 = arith.constant 0 : i32
      %dma_start3A_126 = tpu.memref_slice %arg3[%squeeze3A_114, %dma_start3A_125] : memref<1000000x64xf32, #tpu.memory_space<hbm>> -> memref<1x64xf32, #tpu.memory_space<hbm>>
      tpu.enqueue_dma source(%dma_start3A_126 : memref<1x64xf32, #tpu.memory_space<hbm>>) target(%dma_start3A_124 : memref<1x64xf32, #tpu.memory_space<vmem>>) target_semaphore(%arg7 : memref<!tpu.dma_semaphore, #tpu.memory_space<semaphore_mem>>)
      %slice3A_127 = vector.extract_strided_slice %get3A_101 {offsets = [2], sizes = [1], strides = [1]} : vector<16xi32> to vector<1xi32>
      %squeeze3A_128 = vector.extract %slice3A_127[0] : i32 from vector<1xi32>
      %mul3A_129 = arith.constant 16 : i32
      %mul3A_130 = arith.muli %scan3A_97, %mul3A_129 : i32
      %add3A_131 = arith.constant 2 : i32
      %add3A_132 = arith.addi %mul3A_130, %add3A_131 : i32
      %dma_start3A_133 = arith.constant 0 : i32
      %dma_start3A_134 = tpu.memref_slice %arg6[%add3A_132, %dma_start3A_133] : memref<800x64xf32, #tpu.memory_space<vmem>> -> memref<1x64xf32, #tpu.memory_space<vmem>>
      %dma_start3A_135 = arith.constant 0 : i32
      %dma_start3A_136 = tpu.memref_slice %arg3[%squeeze3A_128, %dma_start3A_135] : memref<1000000x64xf32, #tpu.memory_space<hbm>> -> memref<1x64xf32, #tpu.memory_space<hbm>>
      %dma_start3A_137 = arith.constant 0 : i32
      %dma_start3A_138 = tpu.memref_slice %arg6[%add3A_132, %dma_start3A_137] : memref<800x64xf32, #tpu.memory_space<vmem>> -> memref<1x64xf32, #tpu.memory_space<vmem>>
      %dma_start3A_139 = arith.constant 0 : i32
      %dma_start3A_140 = tpu.memref_slice %arg3[%squeeze3A_128, %dma_start3A_139] : memref<1000000x64xf32, #tpu.memory_space<hbm>> -> memref<1x64xf32, #tpu.memory_space<hbm>>
      tpu.enqueue_dma source(%dma_start3A_140 : memref<1x64xf32, #tpu.memory_space<hbm>>) target(%dma_start3A_138 : memref<1x64xf32, #tpu.memory_space<vmem>>) target_semaphore(%arg7 : memref<!tpu.dma_semaphore, #tpu.memory_space<semaphore_mem>>)
      %slice3A_141 = vector.extract_strided_slice %get3A_101 {offsets = [3], sizes = [1], strides = [1]} : vector<16xi32> to vector<1xi32>
      %squeeze3A_142 = vector.extract %slice3A_141[0] : i32 from vector<1xi32>
      %mul3A_143 = arith.constant 16 : i32
      %mul3A_144 = arith.muli %scan3A_97, %mul3A_143 : i32
      %add3A_145 = arith.constant 3 : i32
      %add3A_146 = arith.addi %mul3A_144, %add3A_145 : i32
      %dma_start3A_147 = arith.constant 0 : i32
      %dma_start3A_148 = tpu.memref_slice %arg6[%add3A_146, %dma_start3A_147] : memref<800x64xf32, #tpu.memory_space<vmem>> -> memref<1x64xf32, #tpu.memory_space<vmem>>
      %dma_start3A_149 = arith.constant 0 : i32
      %dma_start3A_150 = tpu.memref_slice %arg3[%squeeze3A_142, %dma_start3A_149] : memref<1000000x64xf32, #tpu.memory_space<hbm>> -> memref<1x64xf32, #tpu.memory_space<hbm>>
      %dma_start3A_151 = arith.constant 0 : i32
      %dma_start3A_152 = tpu.memref_slice %arg6[%add3A_146, %dma_start3A_151] : memref<800x64xf32, #tpu.memory_space<vmem>> -> memref<1x64xf32, #tpu.memory_space<vmem>>
      %dma_start3A_153 = arith.constant 0 : i32
      %dma_start3A_154 = tpu.memref_slice %arg3[%squeeze3A_142, %dma_start3A_153] : memref<1000000x64xf32, #tpu.memory_space<hbm>> -> memref<1x64xf32, #tpu.memory_space<hbm>>
      tpu.enqueue_dma source(%dma_start3A_154 : memref<1x64xf32, #tpu.memory_space<hbm>>) target(%dma_start3A_152 : memref<1x64xf32, #tpu.memory_space<vmem>>) target_semaphore(%arg7 : memref<!tpu.dma_semaphore, #tpu.memory_space<semaphore_mem>>)
      %slice3A_155 = vector.extract_strided_slice %get3A_101 {offsets = [4], sizes = [1], strides = [1]} : vector<16xi32> to vector<1xi32>
      %squeeze3A_156 = vector.extract %slice3A_155[0] : i32 from vector<1xi32>
      %mul3A_157 = arith.constant 16 : i32
      %mul3A_158 = arith.muli %scan3A_97, %mul3A_157 : i32
      %add3A_159 = arith.constant 4 : i32
      %add3A_160 = arith.addi %mul3A_158, %add3A_159 : i32
      %dma_start3A_161 = arith.constant 0 : i32
      %dma_start3A_162 = tpu.memref_slice %arg6[%add3A_160, %dma_start3A_161] : memref<800x64xf32, #tpu.memory_space<vmem>> -> memref<1x64xf32, #tpu.memory_space<vmem>>
      %dma_start3A_163 = arith.constant 0 : i32
      %dma_start3A_164 = tpu.memref_slice %arg3[%squeeze3A_156, %dma_start3A_163] : memref<1000000x64xf32, #tpu.memory_space<hbm>> -> memref<1x64xf32, #tpu.memory_space<hbm>>
      %dma_start3A_165 = arith.constant 0 : i32
      %dma_start3A_166 = tpu.memref_slice %arg6[%add3A_160, %dma_start3A_165] : memref<800x64xf32, #tpu.memory_space<vmem>> -> memref<1x64xf32, #tpu.memory_space<vmem>>
      %dma_start3A_167 = arith.constant 0 : i32
      %dma_start3A_168 = tpu.memref_slice %arg3[%squeeze3A_156, %dma_start3A_167] : memref<1000000x64xf32, #tpu.memory_space<hbm>> -> memref<1x64xf32, #tpu.memory_space<hbm>>
      tpu.enqueue_dma source(%dma_start3A_168 : memref<1x64xf32, #tpu.memory_space<hbm>>) target(%dma_start3A_166 : memref<1x64xf32, #tpu.memory_space<vmem>>) target_semaphore(%arg7 : memref<!tpu.dma_semaphore, #tpu.memory_space<semaphore_mem>>)
      %slice3A_169 = vector.extract_strided_slice %get3A_101 {offsets = [5], sizes = [1], strides = [1]} : vector<16xi32> to vector<1xi32>
      %squeeze3A_170 = vector.extract %slice3A_169[0] : i32 from vector<1xi32>
      %mul3A_171 = arith.constant 16 : i32
      %mul3A_172 = arith.muli %scan3A_97, %mul3A_171 : i32
      %add3A_173 = arith.constant 5 : i32
      %add3A_174 = arith.addi %mul3A_172, %add3A_173 : i32
      %dma_start3A_175 = arith.constant 0 : i32
      %dma_start3A_176 = tpu.memref_slice %arg6[%add3A_174, %dma_start3A_175] : memref<800x64xf32, #tpu.memory_space<vmem>> -> memref<1x64xf32, #tpu.memory_space<vmem>>
      %dma_start3A_177 = arith.constant 0 : i32
      %dma_start3A_178 = tpu.memref_slice %arg3[%squeeze3A_170, %dma_start3A_177] : memref<1000000x64xf32, #tpu.memory_space<hbm>> -> memref<1x64xf32, #tpu.memory_space<hbm>>
      %dma_start3A_179 = arith.constant 0 : i32
      %dma_start3A_180 = tpu.memref_slice %arg6[%add3A_174, %dma_start3A_179] : memref<800x64xf32, #tpu.memory_space<vmem>> -> memref<1x64xf32, #tpu.memory_space<vmem>>
      %dma_start3A_181 = arith.constant 0 : i32
      %dma_start3A_182 = tpu.memref_slice %arg3[%squeeze3A_170, %dma_start3A_181] : memref<1000000x64xf32, #tpu.memory_space<hbm>> -> memref<1x64xf32, #tpu.memory_space<hbm>>
      tpu.enqueue_dma source(%dma_start3A_182 : memref<1x64xf32, #tpu.memory_space<hbm>>) target(%dma_start3A_180 : memref<1x64xf32, #tpu.memory_space<vmem>>) target_semaphore(%arg7 : memref<!tpu.dma_semaphore, #tpu.memory_space<semaphore_mem>>)
      %slice3A_183 = vector.extract_strided_slice %get3A_101 {offsets = [6], sizes = [1], strides = [1]} : vector<16xi32> to vector<1xi32>
      %squeeze3A_184 = vector.extract %slice3A_183[0] : i32 from vector<1xi32>
      %mul3A_185 = arith.constant 16 : i32
      %mul3A_186 = arith.muli %scan3A_97, %mul3A_185 : i32
      %add3A_187 = arith.constant 6 : i32
      %add3A_188 = arith.addi %mul3A_186, %add3A_187 : i32
      %dma_start3A_189 = arith.constant 0 : i32
      %dma_start3A_190 = tpu.memref_slice %arg6[%add3A_188, %dma_start3A_189] : memref<800x64xf32, #tpu.memory_space<vmem>> -> memref<1x64xf32, #tpu.memory_space<vmem>>
      %dma_start3A_191 = arith.constant 0 : i32
      %dma_start3A_192 = tpu.memref_slice %arg3[%squeeze3A_184, %dma_start3A_191] : memref<1000000x64xf32, #tpu.memory_space<hbm>> -> memref<1x64xf32, #tpu.memory_space<hbm>>
      %dma_start3A_193 = arith.constant 0 : i32
      %dma_start3A_194 = tpu.memref_slice %arg6[%add3A_188, %dma_start3A_193] : memref<800x64xf32, #tpu.memory_space<vmem>> -> memref<1x64xf32, #tpu.memory_space<vmem>>
      %dma_start3A_195 = arith.constant 0 : i32
      %dma_start3A_196 = tpu.memref_slice %arg3[%squeeze3A_184, %dma_start3A_195] : memref<1000000x64xf32, #tpu.memory_space<hbm>> -> memref<1x64xf32, #tpu.memory_space<hbm>>
      tpu.enqueue_dma source(%dma_start3A_196 : memref<1x64xf32, #tpu.memory_space<hbm>>) target(%dma_start3A_194 : memref<1x64xf32, #tpu.memory_space<vmem>>) target_semaphore(%arg7 : memref<!tpu.dma_semaphore, #tpu.memory_space<semaphore_mem>>)
      %slice3A_197 = vector.extract_strided_slice %get3A_101 {offsets = [7], sizes = [1], strides = [1]} : vector<16xi32> to vector<1xi32>
      %squeeze3A_198 = vector.extract %slice3A_197[0] : i32 from vector<1xi32>
      %mul3A_199 = arith.constant 16 : i32
      %mul3A_200 = arith.muli %scan3A_97, %mul3A_199 : i32
      %add3A_201 = arith.constant 7 : i32
      %add3A_202 = arith.addi %mul3A_200, %add3A_201 : i32
      %dma_start3A_203 = arith.constant 0 : i32
      %dma_start3A_204 = tpu.memref_slice %arg6[%add3A_202, %dma_start3A_203] : memref<800x64xf32, #tpu.memory_space<vmem>> -> memref<1x64xf32, #tpu.memory_space<vmem>>
      %dma_start3A_205 = arith.constant 0 : i32
      %dma_start3A_206 = tpu.memref_slice %arg3[%squeeze3A_198, %dma_start3A_205] : memref<1000000x64xf32, #tpu.memory_space<hbm>> -> memref<1x64xf32, #tpu.memory_space<hbm>>
      %dma_start3A_207 = arith.constant 0 : i32
      %dma_start3A_208 = tpu.memref_slice %arg6[%add3A_202, %dma_start3A_207] : memref<800x64xf32, #tpu.memory_space<vmem>> -> memref<1x64xf32, #tpu.memory_space<vmem>>
      %dma_start3A_209 = arith.constant 0 : i32
      %dma_start3A_210 = tpu.memref_slice %arg3[%squeeze3A_198, %dma_start3A_209] : memref<1000000x64xf32, #tpu.memory_space<hbm>> -> memref<1x64xf32, #tpu.memory_space<hbm>>
      tpu.enqueue_dma source(%dma_start3A_210 : memref<1x64xf32, #tpu.memory_space<hbm>>) target(%dma_start3A_208 : memref<1x64xf32, #tpu.memory_space<vmem>>) target_semaphore(%arg7 : memref<!tpu.dma_semaphore, #tpu.memory_space<semaphore_mem>>)
      %slice3A_211 = vector.extract_strided_slice %get3A_101 {offsets = [8], sizes = [1], strides = [1]} : vector<16xi32> to vector<1xi32>
      %squeeze3A_212 = vector.extract %slice3A_211[0] : i32 from vector<1xi32>
      %mul3A_213 = arith.constant 16 : i32
      %mul3A_214 = arith.muli %scan3A_97, %mul3A_213 : i32
      %add3A_215 = arith.constant 8 : i32
      %add3A_216 = arith.addi %mul3A_214, %add3A_215 : i32
      %dma_start3A_217 = arith.constant 0 : i32
      %dma_start3A_218 = tpu.memref_slice %arg6[%add3A_216, %dma_start3A_217] : memref<800x64xf32, #tpu.memory_space<vmem>> -> memref<1x64xf32, #tpu.memory_space<vmem>>
      %dma_start3A_219 = arith.constant 0 : i32
      %dma_start3A_220 = tpu.memref_slice %arg3[%squeeze3A_212, %dma_start3A_219] : memref<1000000x64xf32, #tpu.memory_space<hbm>> -> memref<1x64xf32, #tpu.memory_space<hbm>>
      %dma_start3A_221 = arith.constant 0 : i32
      %dma_start3A_222 = tpu.memref_slice %arg6[%add3A_216, %dma_start3A_221] : memref<800x64xf32, #tpu.memory_space<vmem>> -> memref<1x64xf32, #tpu.memory_space<vmem>>
      %dma_start3A_223 = arith.constant 0 : i32
      %dma_start3A_224 = tpu.memref_slice %arg3[%squeeze3A_212, %dma_start3A_223] : memref<1000000x64xf32, #tpu.memory_space<hbm>> -> memref<1x64xf32, #tpu.memory_space<hbm>>
      tpu.enqueue_dma source(%dma_start3A_224 : memref<1x64xf32, #tpu.memory_space<hbm>>) target(%dma_start3A_222 : memref<1x64xf32, #tpu.memory_space<vmem>>) target_semaphore(%arg7 : memref<!tpu.dma_semaphore, #tpu.memory_space<semaphore_mem>>)
      %slice3A_225 = vector.extract_strided_slice %get3A_101 {offsets = [9], sizes = [1], strides = [1]} : vector<16xi32> to vector<1xi32>
      %squeeze3A_226 = vector.extract %slice3A_225[0] : i32 from vector<1xi32>
      %mul3A_227 = arith.constant 16 : i32
      %mul3A_228 = arith.muli %scan3A_97, %mul3A_227 : i32
      %add3A_229 = arith.constant 9 : i32
      %add3A_230 = arith.addi %mul3A_228, %add3A_229 : i32
      %dma_start3A_231 = arith.constant 0 : i32
      %dma_start3A_232 = tpu.memref_slice %arg6[%add3A_230, %dma_start3A_231] : memref<800x64xf32, #tpu.memory_space<vmem>> -> memref<1x64xf32, #tpu.memory_space<vmem>>
      %dma_start3A_233 = arith.constant 0 : i32
      %dma_start3A_234 = tpu.memref_slice %arg3[%squeeze3A_226, %dma_start3A_233] : memref<1000000x64xf32, #tpu.memory_space<hbm>> -> memref<1x64xf32, #tpu.memory_space<hbm>>
      %dma_start3A_235 = arith.constant 0 : i32
      %dma_start3A_236 = tpu.memref_slice %arg6[%add3A_230, %dma_start3A_235] : memref<800x64xf32, #tpu.memory_space<vmem>> -> memref<1x64xf32, #tpu.memory_space<vmem>>
      %dma_start3A_237 = arith.constant 0 : i32
      %dma_start3A_238 = tpu.memref_slice %arg3[%squeeze3A_226, %dma_start3A_237] : memref<1000000x64xf32, #tpu.memory_space<hbm>> -> memref<1x64xf32, #tpu.memory_space<hbm>>
      tpu.enqueue_dma source(%dma_start3A_238 : memref<1x64xf32, #tpu.memory_space<hbm>>) target(%dma_start3A_236 : memref<1x64xf32, #tpu.memory_space<vmem>>) target_semaphore(%arg7 : memref<!tpu.dma_semaphore, #tpu.memory_space<semaphore_mem>>)
      %slice3A_239 = vector.extract_strided_slice %get3A_101 {offsets = [10], sizes = [1], strides = [1]} : vector<16xi32> to vector<1xi32>
      %squeeze3A_240 = vector.extract %slice3A_239[0] : i32 from vector<1xi32>
      %mul3A_241 = arith.constant 16 : i32
      %mul3A_242 = arith.muli %scan3A_97, %mul3A_241 : i32
      %add3A_243 = arith.constant 10 : i32
      %add3A_244 = arith.addi %mul3A_242, %add3A_243 : i32
      %dma_start3A_245 = arith.constant 0 : i32
      %dma_start3A_246 = tpu.memref_slice %arg6[%add3A_244, %dma_start3A_245] : memref<800x64xf32, #tpu.memory_space<vmem>> -> memref<1x64xf32, #tpu.memory_space<vmem>>
      %dma_start3A_247 = arith.constant 0 : i32
      %dma_start3A_248 = tpu.memref_slice %arg3[%squeeze3A_240, %dma_start3A_247] : memref<1000000x64xf32, #tpu.memory_space<hbm>> -> memref<1x64xf32, #tpu.memory_space<hbm>>
      %dma_start3A_249 = arith.constant 0 : i32
      %dma_start3A_250 = tpu.memref_slice %arg6[%add3A_244, %dma_start3A_249] : memref<800x64xf32, #tpu.memory_space<vmem>> -> memref<1x64xf32, #tpu.memory_space<vmem>>
      %dma_start3A_251 = arith.constant 0 : i32
      %dma_start3A_252 = tpu.memref_slice %arg3[%squeeze3A_240, %dma_start3A_251] : memref<1000000x64xf32, #tpu.memory_space<hbm>> -> memref<1x64xf32, #tpu.memory_space<hbm>>
      tpu.enqueue_dma source(%dma_start3A_252 : memref<1x64xf32, #tpu.memory_space<hbm>>) target(%dma_start3A_250 : memref<1x64xf32, #tpu.memory_space<vmem>>) target_semaphore(%arg7 : memref<!tpu.dma_semaphore, #tpu.memory_space<semaphore_mem>>)
      %slice3A_253 = vector.extract_strided_slice %get3A_101 {offsets = [11], sizes = [1], strides = [1]} : vector<16xi32> to vector<1xi32>
      %squeeze3A_254 = vector.extract %slice3A_253[0] : i32 from vector<1xi32>
      %mul3A_255 = arith.constant 16 : i32
      %mul3A_256 = arith.muli %scan3A_97, %mul3A_255 : i32
      %add3A_257 = arith.constant 11 : i32
      %add3A_258 = arith.addi %mul3A_256, %add3A_257 : i32
      %dma_start3A_259 = arith.constant 0 : i32
      %dma_start3A_260 = tpu.memref_slice %arg6[%add3A_258, %dma_start3A_259] : memref<800x64xf32, #tpu.memory_space<vmem>> -> memref<1x64xf32, #tpu.memory_space<vmem>>
      %dma_start3A_261 = arith.constant 0 : i32
      %dma_start3A_262 = tpu.memref_slice %arg3[%squeeze3A_254, %dma_start3A_261] : memref<1000000x64xf32, #tpu.memory_space<hbm>> -> memref<1x64xf32, #tpu.memory_space<hbm>>
      %dma_start3A_263 = arith.constant 0 : i32
      %dma_start3A_264 = tpu.memref_slice %arg6[%add3A_258, %dma_start3A_263] : memref<800x64xf32, #tpu.memory_space<vmem>> -> memref<1x64xf32, #tpu.memory_space<vmem>>
      %dma_start3A_265 = arith.constant 0 : i32
      %dma_start3A_266 = tpu.memref_slice %arg3[%squeeze3A_254, %dma_start3A_265] : memref<1000000x64xf32, #tpu.memory_space<hbm>> -> memref<1x64xf32, #tpu.memory_space<hbm>>
      tpu.enqueue_dma source(%dma_start3A_266 : memref<1x64xf32, #tpu.memory_space<hbm>>) target(%dma_start3A_264 : memref<1x64xf32, #tpu.memory_space<vmem>>) target_semaphore(%arg7 : memref<!tpu.dma_semaphore, #tpu.memory_space<semaphore_mem>>)
      %slice3A_267 = vector.extract_strided_slice %get3A_101 {offsets = [12], sizes = [1], strides = [1]} : vector<16xi32> to vector<1xi32>
      %squeeze3A_268 = vector.extract %slice3A_267[0] : i32 from vector<1xi32>
      %mul3A_269 = arith.constant 16 : i32
      %mul3A_270 = arith.muli %scan3A_97, %mul3A_269 : i32
      %add3A_271 = arith.constant 12 : i32
      %add3A_272 = arith.addi %mul3A_270, %add3A_271 : i32
      %dma_start3A_273 = arith.constant 0 : i32
      %dma_start3A_274 = tpu.memref_slice %arg6[%add3A_272, %dma_start3A_273] : memref<800x64xf32, #tpu.memory_space<vmem>> -> memref<1x64xf32, #tpu.memory_space<vmem>>
      %dma_start3A_275 = arith.constant 0 : i32
      %dma_start3A_276 = tpu.memref_slice %arg3[%squeeze3A_268, %dma_start3A_275] : memref<1000000x64xf32, #tpu.memory_space<hbm>> -> memref<1x64xf32, #tpu.memory_space<hbm>>
      %dma_start3A_277 = arith.constant 0 : i32
      %dma_start3A_278 = tpu.memref_slice %arg6[%add3A_272, %dma_start3A_277] : memref<800x64xf32, #tpu.memory_space<vmem>> -> memref<1x64xf32, #tpu.memory_space<vmem>>
      %dma_start3A_279 = arith.constant 0 : i32
      %dma_start3A_280 = tpu.memref_slice %arg3[%squeeze3A_268, %dma_start3A_279] : memref<1000000x64xf32, #tpu.memory_space<hbm>> -> memref<1x64xf32, #tpu.memory_space<hbm>>
      tpu.enqueue_dma source(%dma_start3A_280 : memref<1x64xf32, #tpu.memory_space<hbm>>) target(%dma_start3A_278 : memref<1x64xf32, #tpu.memory_space<vmem>>) target_semaphore(%arg7 : memref<!tpu.dma_semaphore, #tpu.memory_space<semaphore_mem>>)
      %slice3A_281 = vector.extract_strided_slice %get3A_101 {offsets = [13], sizes = [1], strides = [1]} : vector<16xi32> to vector<1xi32>
      %squeeze3A_282 = vector.extract %slice3A_281[0] : i32 from vector<1xi32>
      %mul3A_283 = arith.constant 16 : i32
      %mul3A_284 = arith.muli %scan3A_97, %mul3A_283 : i32
      %add3A_285 = arith.constant 13 : i32
      %add3A_286 = arith.addi %mul3A_284, %add3A_285 : i32
      %dma_start3A_287 = arith.constant 0 : i32
      %dma_start3A_288 = tpu.memref_slice %arg6[%add3A_286, %dma_start3A_287] : memref<800x64xf32, #tpu.memory_space<vmem>> -> memref<1x64xf32, #tpu.memory_space<vmem>>
      %dma_start3A_289 = arith.constant 0 : i32
      %dma_start3A_290 = tpu.memref_slice %arg3[%squeeze3A_282, %dma_start3A_289] : memref<1000000x64xf32, #tpu.memory_space<hbm>> -> memref<1x64xf32, #tpu.memory_space<hbm>>
      %dma_start3A_291 = arith.constant 0 : i32
      %dma_start3A_292 = tpu.memref_slice %arg6[%add3A_286, %dma_start3A_291] : memref<800x64xf32, #tpu.memory_space<vmem>> -> memref<1x64xf32, #tpu.memory_space<vmem>>
      %dma_start3A_293 = arith.constant 0 : i32
      %dma_start3A_294 = tpu.memref_slice %arg3[%squeeze3A_282, %dma_start3A_293] : memref<1000000x64xf32, #tpu.memory_space<hbm>> -> memref<1x64xf32, #tpu.memory_space<hbm>>
      tpu.enqueue_dma source(%dma_start3A_294 : memref<1x64xf32, #tpu.memory_space<hbm>>) target(%dma_start3A_292 : memref<1x64xf32, #tpu.memory_space<vmem>>) target_semaphore(%arg7 : memref<!tpu.dma_semaphore, #tpu.memory_space<semaphore_mem>>)
      %slice3A_295 = vector.extract_strided_slice %get3A_101 {offsets = [14], sizes = [1], strides = [1]} : vector<16xi32> to vector<1xi32>
      %squeeze3A_296 = vector.extract %slice3A_295[0] : i32 from vector<1xi32>
      %mul3A_297 = arith.constant 16 : i32
      %mul3A_298 = arith.muli %scan3A_97, %mul3A_297 : i32
      %add3A_299 = arith.constant 14 : i32
      %add3A_300 = arith.addi %mul3A_298, %add3A_299 : i32
      %dma_start3A_301 = arith.constant 0 : i32
      %dma_start3A_302 = tpu.memref_slice %arg6[%add3A_300, %dma_start3A_301] : memref<800x64xf32, #tpu.memory_space<vmem>> -> memref<1x64xf32, #tpu.memory_space<vmem>>
      %dma_start3A_303 = arith.constant 0 : i32
      %dma_start3A_304 = tpu.memref_slice %arg3[%squeeze3A_296, %dma_start3A_303] : memref<1000000x64xf32, #tpu.memory_space<hbm>> -> memref<1x64xf32, #tpu.memory_space<hbm>>
      %dma_start3A_305 = arith.constant 0 : i32
      %dma_start3A_306 = tpu.memref_slice %arg6[%add3A_300, %dma_start3A_305] : memref<800x64xf32, #tpu.memory_space<vmem>> -> memref<1x64xf32, #tpu.memory_space<vmem>>
      %dma_start3A_307 = arith.constant 0 : i32
      %dma_start3A_308 = tpu.memref_slice %arg3[%squeeze3A_296, %dma_start3A_307] : memref<1000000x64xf32, #tpu.memory_space<hbm>> -> memref<1x64xf32, #tpu.memory_space<hbm>>
      tpu.enqueue_dma source(%dma_start3A_308 : memref<1x64xf32, #tpu.memory_space<hbm>>) target(%dma_start3A_306 : memref<1x64xf32, #tpu.memory_space<vmem>>) target_semaphore(%arg7 : memref<!tpu.dma_semaphore, #tpu.memory_space<semaphore_mem>>)
      %slice3A_309 = vector.extract_strided_slice %get3A_101 {offsets = [15], sizes = [1], strides = [1]} : vector<16xi32> to vector<1xi32>
      %squeeze3A_310 = vector.extract %slice3A_309[0] : i32 from vector<1xi32>
      %mul3A_311 = arith.constant 16 : i32
      %mul3A_312 = arith.muli %scan3A_97, %mul3A_311 : i32
      %add3A_313 = arith.constant 15 : i32
      %add3A_314 = arith.addi %mul3A_312, %add3A_313 : i32
      %dma_start3A_315 = arith.constant 0 : i32
      %dma_start3A_316 = tpu.memref_slice %arg6[%add3A_314, %dma_start3A_315] : memref<800x64xf32, #tpu.memory_space<vmem>> -> memref<1x64xf32, #tpu.memory_space<vmem>>
      %dma_start3A_317 = arith.constant 0 : i32
      %dma_start3A_318 = tpu.memref_slice %arg3[%squeeze3A_310, %dma_start3A_317] : memref<1000000x64xf32, #tpu.memory_space<hbm>> -> memref<1x64xf32, #tpu.memory_space<hbm>>
      %dma_start3A_319 = arith.constant 0 : i32
      %dma_start3A_320 = tpu.memref_slice %arg6[%add3A_314, %dma_start3A_319] : memref<800x64xf32, #tpu.memory_space<vmem>> -> memref<1x64xf32, #tpu.memory_space<vmem>>
      %dma_start3A_321 = arith.constant 0 : i32
      %dma_start3A_322 = tpu.memref_slice %arg3[%squeeze3A_310, %dma_start3A_321] : memref<1000000x64xf32, #tpu.memory_space<hbm>> -> memref<1x64xf32, #tpu.memory_space<hbm>>
      tpu.enqueue_dma source(%dma_start3A_322 : memref<1x64xf32, #tpu.memory_space<hbm>>) target(%dma_start3A_320 : memref<1x64xf32, #tpu.memory_space<vmem>>) target_semaphore(%arg7 : memref<!tpu.dma_semaphore, #tpu.memory_space<semaphore_mem>>)
    }
    %scan3A_80 = arith.constant 50 : i32
    %dma_wait3A_81 = arith.constant 0 : i32
    %dma_wait3A_82 = tpu.memref_slice %arg4[%add3A_74, %dma_wait3A_81] : memref<204800x64xf32, #tpu.memory_space<hbm>> -> memref<800x64xf32, #tpu.memory_space<hbm>>
    %dma_wait3A_83 = arith.constant 0 : i32
    %dma_wait3A_84 = tpu.memref_slice %arg4[%add3A_74, %dma_wait3A_83] : memref<204800x64xf32, #tpu.memory_space<hbm>> -> memref<800x64xf32, #tpu.memory_space<hbm>>
    tpu.wait_dma2 semaphore(%arg7 : memref<!tpu.dma_semaphore, #tpu.memory_space<semaphore_mem>>) src(%dma_wait3A_84 : memref<800x64xf32, #tpu.memory_space<hbm>>) dst(%arg6 : memref<800x64xf32, #tpu.memory_space<vmem>>)
    "tpu.region"() ({
      %run_scoped3A = tpu.sem_alloc : memref<!tpu.dma_semaphore, #tpu.memory_space<semaphore_mem>>
      %dma_start3A = arith.constant 0 : i32
      %dma_start3A_97 = tpu.memref_slice %arg4[%add3A_74, %dma_start3A] : memref<204800x64xf32, #tpu.memory_space<hbm>> -> memref<800x64xf32, #tpu.memory_space<hbm>>
      %dma_start3A_98 = arith.constant 0 : i32
      %dma_start3A_99 = tpu.memref_slice %arg4[%add3A_74, %dma_start3A_98] : memref<204800x64xf32, #tpu.memory_space<hbm>> -> memref<800x64xf32, #tpu.memory_space<hbm>>
      tpu.enqueue_dma source(%arg6 : memref<800x64xf32, #tpu.memory_space<vmem>>) target(%dma_start3A_99 : memref<800x64xf32, #tpu.memory_space<hbm>>) target_semaphore(%run_scoped3A : memref<!tpu.dma_semaphore, #tpu.memory_space<semaphore_mem>>)
      %dma_wait3A_100 = arith.constant 0 : i32
      %dma_wait3A_101 = tpu.memref_slice %arg4[%add3A_74, %dma_wait3A_100] : memref<204800x64xf32, #tpu.memory_space<hbm>> -> memref<800x64xf32, #tpu.memory_space<hbm>>
      %dma_wait3A_102 = arith.constant 0 : i32
      %dma_wait3A_103 = tpu.memref_slice %arg4[%add3A_74, %dma_wait3A_102] : memref<204800x64xf32, #tpu.memory_space<hbm>> -> memref<800x64xf32, #tpu.memory_space<hbm>>
      tpu.wait_dma2 semaphore(%run_scoped3A : memref<!tpu.dma_semaphore, #tpu.memory_space<semaphore_mem>>) src(%arg6 : memref<800x64xf32, #tpu.memory_space<vmem>>) dst(%dma_wait3A_103 : memref<800x64xf32, #tpu.memory_space<hbm>>)
      tpu.yield
    }) : () -> ()
    %add3A_85 = arith.constant 5600 : i32
    %add3A_86 = arith.addi %mul3A_2, %add3A_85 : i32
    "tpu.region"() ({
      %run_scoped3A = tpu.sem_alloc : memref<!tpu.dma_semaphore, #tpu.memory_space<semaphore_mem>>
      %dma_start3A = tpu.memref_slice %arg2[%add3A_86] : memref<204800xi32, #tpu.memory_space<hbm>> -> memref<800xi32, #tpu.memory_space<hbm>>
      %dma_start3A_97 = tpu.memref_slice %arg2[%add3A_86] : memref<204800xi32, #tpu.memory_space<hbm>> -> memref<800xi32, #tpu.memory_space<hbm>>
      tpu.enqueue_dma source(%dma_start3A_97 : memref<800xi32, #tpu.memory_space<hbm>>) target(%arg5 : memref<800xi32, #tpu.memory_space<vmem>>) target_semaphore(%run_scoped3A : memref<!tpu.dma_semaphore, #tpu.memory_space<semaphore_mem>>)
      %dma_wait3A_98 = tpu.memref_slice %arg2[%add3A_86] : memref<204800xi32, #tpu.memory_space<hbm>> -> memref<800xi32, #tpu.memory_space<hbm>>
      %dma_wait3A_99 = tpu.memref_slice %arg2[%add3A_86] : memref<204800xi32, #tpu.memory_space<hbm>> -> memref<800xi32, #tpu.memory_space<hbm>>
      tpu.wait_dma2 semaphore(%run_scoped3A : memref<!tpu.dma_semaphore, #tpu.memory_space<semaphore_mem>>) src(%dma_wait3A_99 : memref<800xi32, #tpu.memory_space<hbm>>) dst(%arg5 : memref<800xi32, #tpu.memory_space<vmem>>)
      tpu.yield
    }) : () -> ()
    %scan3A_87 = arith.constant 0 : i32
    %scan3A_88 = arith.constant 0 : i32
    %scan3A_89 = arith.constant 50 : i32
    %scan3A_90 = arith.addi %scan3A_88, %scan3A_89 : i32
    %scan3A_91 = arith.constant 1 : i32
    scf.for %scan3A_97 = %scan3A_88 to %scan3A_90 step %scan3A_91  : i32 {
      %mul3A_98 = arith.constant 16 : i32
      %mul3A_99 = arith.muli %scan3A_97, %mul3A_98 : i32
      %get3A = arith.index_cast %mul3A_99 : i32 to index
      %get3A_100 = tpu.vector_load %arg5[%get3A] {strides = array<i32>} : memref<800xi32, #tpu.memory_space<vmem>>, vector<16xi32>,
      %get3A_101 = vector.shape_cast %get3A_100 : vector<16xi32> to vector<16xi32>
      %slice3A = vector.extract_strided_slice %get3A_101 {offsets = [0], sizes = [1], strides = [1]} : vector<16xi32> to vector<1xi32>
      %squeeze3A = vector.extract %slice3A[0] : i32 from vector<1xi32>
      %mul3A_102 = arith.constant 16 : i32
      %mul3A_103 = arith.muli %scan3A_97, %mul3A_102 : i32
      %add3A_104 = arith.constant 0 : i32
      %add3A_105 = arith.addi %mul3A_103, %add3A_104 : i32
      %dma_start3A = arith.constant 0 : i32
      %dma_start3A_106 = tpu.memref_slice %arg6[%add3A_105, %dma_start3A] : memref<800x64xf32, #tpu.memory_space<vmem>> -> memref<1x64xf32, #tpu.memory_space<vmem>>
      %dma_start3A_107 = arith.constant 0 : i32
      %dma_start3A_108 = tpu.memref_slice %arg3[%squeeze3A, %dma_start3A_107] : memref<1000000x64xf32, #tpu.memory_space<hbm>> -> memref<1x64xf32, #tpu.memory_space<hbm>>
      %dma_start3A_109 = arith.constant 0 : i32
      %dma_start3A_110 = tpu.memref_slice %arg6[%add3A_105, %dma_start3A_109] : memref<800x64xf32, #tpu.memory_space<vmem>> -> memref<1x64xf32, #tpu.memory_space<vmem>>
      %dma_start3A_111 = arith.constant 0 : i32
      %dma_start3A_112 = tpu.memref_slice %arg3[%squeeze3A, %dma_start3A_111] : memref<1000000x64xf32, #tpu.memory_space<hbm>> -> memref<1x64xf32, #tpu.memory_space<hbm>>
      tpu.enqueue_dma source(%dma_start3A_112 : memref<1x64xf32, #tpu.memory_space<hbm>>) target(%dma_start3A_110 : memref<1x64xf32, #tpu.memory_space<vmem>>) target_semaphore(%arg7 : memref<!tpu.dma_semaphore, #tpu.memory_space<semaphore_mem>>)
      %slice3A_113 = vector.extract_strided_slice %get3A_101 {offsets = [1], sizes = [1], strides = [1]} : vector<16xi32> to vector<1xi32>
      %squeeze3A_114 = vector.extract %slice3A_113[0] : i32 from vector<1xi32>
      %mul3A_115 = arith.constant 16 : i32
      %mul3A_116 = arith.muli %scan3A_97, %mul3A_115 : i32
      %add3A_117 = arith.constant 1 : i32
      %add3A_118 = arith.addi %mul3A_116, %add3A_117 : i32
      %dma_start3A_119 = arith.constant 0 : i32
      %dma_start3A_120 = tpu.memref_slice %arg6[%add3A_118, %dma_start3A_119] : memref<800x64xf32, #tpu.memory_space<vmem>> -> memref<1x64xf32, #tpu.memory_space<vmem>>
      %dma_start3A_121 = arith.constant 0 : i32
      %dma_start3A_122 = tpu.memref_slice %arg3[%squeeze3A_114, %dma_start3A_121] : memref<1000000x64xf32, #tpu.memory_space<hbm>> -> memref<1x64xf32, #tpu.memory_space<hbm>>
      %dma_start3A_123 = arith.constant 0 : i32
      %dma_start3A_124 = tpu.memref_slice %arg6[%add3A_118, %dma_start3A_123] : memref<800x64xf32, #tpu.memory_space<vmem>> -> memref<1x64xf32, #tpu.memory_space<vmem>>
      %dma_start3A_125 = arith.constant 0 : i32
      %dma_start3A_126 = tpu.memref_slice %arg3[%squeeze3A_114, %dma_start3A_125] : memref<1000000x64xf32, #tpu.memory_space<hbm>> -> memref<1x64xf32, #tpu.memory_space<hbm>>
      tpu.enqueue_dma source(%dma_start3A_126 : memref<1x64xf32, #tpu.memory_space<hbm>>) target(%dma_start3A_124 : memref<1x64xf32, #tpu.memory_space<vmem>>) target_semaphore(%arg7 : memref<!tpu.dma_semaphore, #tpu.memory_space<semaphore_mem>>)
      %slice3A_127 = vector.extract_strided_slice %get3A_101 {offsets = [2], sizes = [1], strides = [1]} : vector<16xi32> to vector<1xi32>
      %squeeze3A_128 = vector.extract %slice3A_127[0] : i32 from vector<1xi32>
      %mul3A_129 = arith.constant 16 : i32
      %mul3A_130 = arith.muli %scan3A_97, %mul3A_129 : i32
      %add3A_131 = arith.constant 2 : i32
      %add3A_132 = arith.addi %mul3A_130, %add3A_131 : i32
      %dma_start3A_133 = arith.constant 0 : i32
      %dma_start3A_134 = tpu.memref_slice %arg6[%add3A_132, %dma_start3A_133] : memref<800x64xf32, #tpu.memory_space<vmem>> -> memref<1x64xf32, #tpu.memory_space<vmem>>
      %dma_start3A_135 = arith.constant 0 : i32
      %dma_start3A_136 = tpu.memref_slice %arg3[%squeeze3A_128, %dma_start3A_135] : memref<1000000x64xf32, #tpu.memory_space<hbm>> -> memref<1x64xf32, #tpu.memory_space<hbm>>
      %dma_start3A_137 = arith.constant 0 : i32
      %dma_start3A_138 = tpu.memref_slice %arg6[%add3A_132, %dma_start3A_137] : memref<800x64xf32, #tpu.memory_space<vmem>> -> memref<1x64xf32, #tpu.memory_space<vmem>>
      %dma_start3A_139 = arith.constant 0 : i32
      %dma_start3A_140 = tpu.memref_slice %arg3[%squeeze3A_128, %dma_start3A_139] : memref<1000000x64xf32, #tpu.memory_space<hbm>> -> memref<1x64xf32, #tpu.memory_space<hbm>>
      tpu.enqueue_dma source(%dma_start3A_140 : memref<1x64xf32, #tpu.memory_space<hbm>>) target(%dma_start3A_138 : memref<1x64xf32, #tpu.memory_space<vmem>>) target_semaphore(%arg7 : memref<!tpu.dma_semaphore, #tpu.memory_space<semaphore_mem>>)
      %slice3A_141 = vector.extract_strided_slice %get3A_101 {offsets = [3], sizes = [1], strides = [1]} : vector<16xi32> to vector<1xi32>
      %squeeze3A_142 = vector.extract %slice3A_141[0] : i32 from vector<1xi32>
      %mul3A_143 = arith.constant 16 : i32
      %mul3A_144 = arith.muli %scan3A_97, %mul3A_143 : i32
      %add3A_145 = arith.constant 3 : i32
      %add3A_146 = arith.addi %mul3A_144, %add3A_145 : i32
      %dma_start3A_147 = arith.constant 0 : i32
      %dma_start3A_148 = tpu.memref_slice %arg6[%add3A_146, %dma_start3A_147] : memref<800x64xf32, #tpu.memory_space<vmem>> -> memref<1x64xf32, #tpu.memory_space<vmem>>
      %dma_start3A_149 = arith.constant 0 : i32
      %dma_start3A_150 = tpu.memref_slice %arg3[%squeeze3A_142, %dma_start3A_149] : memref<1000000x64xf32, #tpu.memory_space<hbm>> -> memref<1x64xf32, #tpu.memory_space<hbm>>
      %dma_start3A_151 = arith.constant 0 : i32
      %dma_start3A_152 = tpu.memref_slice %arg6[%add3A_146, %dma_start3A_151] : memref<800x64xf32, #tpu.memory_space<vmem>> -> memref<1x64xf32, #tpu.memory_space<vmem>>
      %dma_start3A_153 = arith.constant 0 : i32
      %dma_start3A_154 = tpu.memref_slice %arg3[%squeeze3A_142, %dma_start3A_153] : memref<1000000x64xf32, #tpu.memory_space<hbm>> -> memref<1x64xf32, #tpu.memory_space<hbm>>
      tpu.enqueue_dma source(%dma_start3A_154 : memref<1x64xf32, #tpu.memory_space<hbm>>) target(%dma_start3A_152 : memref<1x64xf32, #tpu.memory_space<vmem>>) target_semaphore(%arg7 : memref<!tpu.dma_semaphore, #tpu.memory_space<semaphore_mem>>)
      %slice3A_155 = vector.extract_strided_slice %get3A_101 {offsets = [4], sizes = [1], strides = [1]} : vector<16xi32> to vector<1xi32>
      %squeeze3A_156 = vector.extract %slice3A_155[0] : i32 from vector<1xi32>
      %mul3A_157 = arith.constant 16 : i32
      %mul3A_158 = arith.muli %scan3A_97, %mul3A_157 : i32
      %add3A_159 = arith.constant 4 : i32
      %add3A_160 = arith.addi %mul3A_158, %add3A_159 : i32
      %dma_start3A_161 = arith.constant 0 : i32
      %dma_start3A_162 = tpu.memref_slice %arg6[%add3A_160, %dma_start3A_161] : memref<800x64xf32, #tpu.memory_space<vmem>> -> memref<1x64xf32, #tpu.memory_space<vmem>>
      %dma_start3A_163 = arith.constant 0 : i32
      %dma_start3A_164 = tpu.memref_slice %arg3[%squeeze3A_156, %dma_start3A_163] : memref<1000000x64xf32, #tpu.memory_space<hbm>> -> memref<1x64xf32, #tpu.memory_space<hbm>>
      %dma_start3A_165 = arith.constant 0 : i32
      %dma_start3A_166 = tpu.memref_slice %arg6[%add3A_160, %dma_start3A_165] : memref<800x64xf32, #tpu.memory_space<vmem>> -> memref<1x64xf32, #tpu.memory_space<vmem>>
      %dma_start3A_167 = arith.constant 0 : i32
      %dma_start3A_168 = tpu.memref_slice %arg3[%squeeze3A_156, %dma_start3A_167] : memref<1000000x64xf32, #tpu.memory_space<hbm>> -> memref<1x64xf32, #tpu.memory_space<hbm>>
      tpu.enqueue_dma source(%dma_start3A_168 : memref<1x64xf32, #tpu.memory_space<hbm>>) target(%dma_start3A_166 : memref<1x64xf32, #tpu.memory_space<vmem>>) target_semaphore(%arg7 : memref<!tpu.dma_semaphore, #tpu.memory_space<semaphore_mem>>)
      %slice3A_169 = vector.extract_strided_slice %get3A_101 {offsets = [5], sizes = [1], strides = [1]} : vector<16xi32> to vector<1xi32>
      %squeeze3A_170 = vector.extract %slice3A_169[0] : i32 from vector<1xi32>
      %mul3A_171 = arith.constant 16 : i32
      %mul3A_172 = arith.muli %scan3A_97, %mul3A_171 : i32
      %add3A_173 = arith.constant 5 : i32
      %add3A_174 = arith.addi %mul3A_172, %add3A_173 : i32
      %dma_start3A_175 = arith.constant 0 : i32
      %dma_start3A_176 = tpu.memref_slice %arg6[%add3A_174, %dma_start3A_175] : memref<800x64xf32, #tpu.memory_space<vmem>> -> memref<1x64xf32, #tpu.memory_space<vmem>>
      %dma_start3A_177 = arith.constant 0 : i32
      %dma_start3A_178 = tpu.memref_slice %arg3[%squeeze3A_170, %dma_start3A_177] : memref<1000000x64xf32, #tpu.memory_space<hbm>> -> memref<1x64xf32, #tpu.memory_space<hbm>>
      %dma_start3A_179 = arith.constant 0 : i32
      %dma_start3A_180 = tpu.memref_slice %arg6[%add3A_174, %dma_start3A_179] : memref<800x64xf32, #tpu.memory_space<vmem>> -> memref<1x64xf32, #tpu.memory_space<vmem>>
      %dma_start3A_181 = arith.constant 0 : i32
      %dma_start3A_182 = tpu.memref_slice %arg3[%squeeze3A_170, %dma_start3A_181] : memref<1000000x64xf32, #tpu.memory_space<hbm>> -> memref<1x64xf32, #tpu.memory_space<hbm>>
      tpu.enqueue_dma source(%dma_start3A_182 : memref<1x64xf32, #tpu.memory_space<hbm>>) target(%dma_start3A_180 : memref<1x64xf32, #tpu.memory_space<vmem>>) target_semaphore(%arg7 : memref<!tpu.dma_semaphore, #tpu.memory_space<semaphore_mem>>)
      %slice3A_183 = vector.extract_strided_slice %get3A_101 {offsets = [6], sizes = [1], strides = [1]} : vector<16xi32> to vector<1xi32>
      %squeeze3A_184 = vector.extract %slice3A_183[0] : i32 from vector<1xi32>
      %mul3A_185 = arith.constant 16 : i32
      %mul3A_186 = arith.muli %scan3A_97, %mul3A_185 : i32
      %add3A_187 = arith.constant 6 : i32
      %add3A_188 = arith.addi %mul3A_186, %add3A_187 : i32
      %dma_start3A_189 = arith.constant 0 : i32
      %dma_start3A_190 = tpu.memref_slice %arg6[%add3A_188, %dma_start3A_189] : memref<800x64xf32, #tpu.memory_space<vmem>> -> memref<1x64xf32, #tpu.memory_space<vmem>>
      %dma_start3A_191 = arith.constant 0 : i32
      %dma_start3A_192 = tpu.memref_slice %arg3[%squeeze3A_184, %dma_start3A_191] : memref<1000000x64xf32, #tpu.memory_space<hbm>> -> memref<1x64xf32, #tpu.memory_space<hbm>>
      %dma_start3A_193 = arith.constant 0 : i32
      %dma_start3A_194 = tpu.memref_slice %arg6[%add3A_188, %dma_start3A_193] : memref<800x64xf32, #tpu.memory_space<vmem>> -> memref<1x64xf32, #tpu.memory_space<vmem>>
      %dma_start3A_195 = arith.constant 0 : i32
      %dma_start3A_196 = tpu.memref_slice %arg3[%squeeze3A_184, %dma_start3A_195] : memref<1000000x64xf32, #tpu.memory_space<hbm>> -> memref<1x64xf32, #tpu.memory_space<hbm>>
      tpu.enqueue_dma source(%dma_start3A_196 : memref<1x64xf32, #tpu.memory_space<hbm>>) target(%dma_start3A_194 : memref<1x64xf32, #tpu.memory_space<vmem>>) target_semaphore(%arg7 : memref<!tpu.dma_semaphore, #tpu.memory_space<semaphore_mem>>)
      %slice3A_197 = vector.extract_strided_slice %get3A_101 {offsets = [7], sizes = [1], strides = [1]} : vector<16xi32> to vector<1xi32>
      %squeeze3A_198 = vector.extract %slice3A_197[0] : i32 from vector<1xi32>
      %mul3A_199 = arith.constant 16 : i32
      %mul3A_200 = arith.muli %scan3A_97, %mul3A_199 : i32
      %add3A_201 = arith.constant 7 : i32
      %add3A_202 = arith.addi %mul3A_200, %add3A_201 : i32
      %dma_start3A_203 = arith.constant 0 : i32
      %dma_start3A_204 = tpu.memref_slice %arg6[%add3A_202, %dma_start3A_203] : memref<800x64xf32, #tpu.memory_space<vmem>> -> memref<1x64xf32, #tpu.memory_space<vmem>>
      %dma_start3A_205 = arith.constant 0 : i32
      %dma_start3A_206 = tpu.memref_slice %arg3[%squeeze3A_198, %dma_start3A_205] : memref<1000000x64xf32, #tpu.memory_space<hbm>> -> memref<1x64xf32, #tpu.memory_space<hbm>>
      %dma_start3A_207 = arith.constant 0 : i32
      %dma_start3A_208 = tpu.memref_slice %arg6[%add3A_202, %dma_start3A_207] : memref<800x64xf32, #tpu.memory_space<vmem>> -> memref<1x64xf32, #tpu.memory_space<vmem>>
      %dma_start3A_209 = arith.constant 0 : i32
      %dma_start3A_210 = tpu.memref_slice %arg3[%squeeze3A_198, %dma_start3A_209] : memref<1000000x64xf32, #tpu.memory_space<hbm>> -> memref<1x64xf32, #tpu.memory_space<hbm>>
      tpu.enqueue_dma source(%dma_start3A_210 : memref<1x64xf32, #tpu.memory_space<hbm>>) target(%dma_start3A_208 : memref<1x64xf32, #tpu.memory_space<vmem>>) target_semaphore(%arg7 : memref<!tpu.dma_semaphore, #tpu.memory_space<semaphore_mem>>)
      %slice3A_211 = vector.extract_strided_slice %get3A_101 {offsets = [8], sizes = [1], strides = [1]} : vector<16xi32> to vector<1xi32>
      %squeeze3A_212 = vector.extract %slice3A_211[0] : i32 from vector<1xi32>
      %mul3A_213 = arith.constant 16 : i32
      %mul3A_214 = arith.muli %scan3A_97, %mul3A_213 : i32
      %add3A_215 = arith.constant 8 : i32
      %add3A_216 = arith.addi %mul3A_214, %add3A_215 : i32
      %dma_start3A_217 = arith.constant 0 : i32
      %dma_start3A_218 = tpu.memref_slice %arg6[%add3A_216, %dma_start3A_217] : memref<800x64xf32, #tpu.memory_space<vmem>> -> memref<1x64xf32, #tpu.memory_space<vmem>>
      %dma_start3A_219 = arith.constant 0 : i32
      %dma_start3A_220 = tpu.memref_slice %arg3[%squeeze3A_212, %dma_start3A_219] : memref<1000000x64xf32, #tpu.memory_space<hbm>> -> memref<1x64xf32, #tpu.memory_space<hbm>>
      %dma_start3A_221 = arith.constant 0 : i32
      %dma_start3A_222 = tpu.memref_slice %arg6[%add3A_216, %dma_start3A_221] : memref<800x64xf32, #tpu.memory_space<vmem>> -> memref<1x64xf32, #tpu.memory_space<vmem>>
      %dma_start3A_223 = arith.constant 0 : i32
      %dma_start3A_224 = tpu.memref_slice %arg3[%squeeze3A_212, %dma_start3A_223] : memref<1000000x64xf32, #tpu.memory_space<hbm>> -> memref<1x64xf32, #tpu.memory_space<hbm>>
      tpu.enqueue_dma source(%dma_start3A_224 : memref<1x64xf32, #tpu.memory_space<hbm>>) target(%dma_start3A_222 : memref<1x64xf32, #tpu.memory_space<vmem>>) target_semaphore(%arg7 : memref<!tpu.dma_semaphore, #tpu.memory_space<semaphore_mem>>)
      %slice3A_225 = vector.extract_strided_slice %get3A_101 {offsets = [9], sizes = [1], strides = [1]} : vector<16xi32> to vector<1xi32>
      %squeeze3A_226 = vector.extract %slice3A_225[0] : i32 from vector<1xi32>
      %mul3A_227 = arith.constant 16 : i32
      %mul3A_228 = arith.muli %scan3A_97, %mul3A_227 : i32
      %add3A_229 = arith.constant 9 : i32
      %add3A_230 = arith.addi %mul3A_228, %add3A_229 : i32
      %dma_start3A_231 = arith.constant 0 : i32
      %dma_start3A_232 = tpu.memref_slice %arg6[%add3A_230, %dma_start3A_231] : memref<800x64xf32, #tpu.memory_space<vmem>> -> memref<1x64xf32, #tpu.memory_space<vmem>>
      %dma_start3A_233 = arith.constant 0 : i32
      %dma_start3A_234 = tpu.memref_slice %arg3[%squeeze3A_226, %dma_start3A_233] : memref<1000000x64xf32, #tpu.memory_space<hbm>> -> memref<1x64xf32, #tpu.memory_space<hbm>>
      %dma_start3A_235 = arith.constant 0 : i32
      %dma_start3A_236 = tpu.memref_slice %arg6[%add3A_230, %dma_start3A_235] : memref<800x64xf32, #tpu.memory_space<vmem>> -> memref<1x64xf32, #tpu.memory_space<vmem>>
      %dma_start3A_237 = arith.constant 0 : i32
      %dma_start3A_238 = tpu.memref_slice %arg3[%squeeze3A_226, %dma_start3A_237] : memref<1000000x64xf32, #tpu.memory_space<hbm>> -> memref<1x64xf32, #tpu.memory_space<hbm>>
      tpu.enqueue_dma source(%dma_start3A_238 : memref<1x64xf32, #tpu.memory_space<hbm>>) target(%dma_start3A_236 : memref<1x64xf32, #tpu.memory_space<vmem>>) target_semaphore(%arg7 : memref<!tpu.dma_semaphore, #tpu.memory_space<semaphore_mem>>)
      %slice3A_239 = vector.extract_strided_slice %get3A_101 {offsets = [10], sizes = [1], strides = [1]} : vector<16xi32> to vector<1xi32>
      %squeeze3A_240 = vector.extract %slice3A_239[0] : i32 from vector<1xi32>
      %mul3A_241 = arith.constant 16 : i32
      %mul3A_242 = arith.muli %scan3A_97, %mul3A_241 : i32
      %add3A_243 = arith.constant 10 : i32
      %add3A_244 = arith.addi %mul3A_242, %add3A_243 : i32
      %dma_start3A_245 = arith.constant 0 : i32
      %dma_start3A_246 = tpu.memref_slice %arg6[%add3A_244, %dma_start3A_245] : memref<800x64xf32, #tpu.memory_space<vmem>> -> memref<1x64xf32, #tpu.memory_space<vmem>>
      %dma_start3A_247 = arith.constant 0 : i32
      %dma_start3A_248 = tpu.memref_slice %arg3[%squeeze3A_240, %dma_start3A_247] : memref<1000000x64xf32, #tpu.memory_space<hbm>> -> memref<1x64xf32, #tpu.memory_space<hbm>>
      %dma_start3A_249 = arith.constant 0 : i32
      %dma_start3A_250 = tpu.memref_slice %arg6[%add3A_244, %dma_start3A_249] : memref<800x64xf32, #tpu.memory_space<vmem>> -> memref<1x64xf32, #tpu.memory_space<vmem>>
      %dma_start3A_251 = arith.constant 0 : i32
      %dma_start3A_252 = tpu.memref_slice %arg3[%squeeze3A_240, %dma_start3A_251] : memref<1000000x64xf32, #tpu.memory_space<hbm>> -> memref<1x64xf32, #tpu.memory_space<hbm>>
      tpu.enqueue_dma source(%dma_start3A_252 : memref<1x64xf32, #tpu.memory_space<hbm>>) target(%dma_start3A_250 : memref<1x64xf32, #tpu.memory_space<vmem>>) target_semaphore(%arg7 : memref<!tpu.dma_semaphore, #tpu.memory_space<semaphore_mem>>)
      %slice3A_253 = vector.extract_strided_slice %get3A_101 {offsets = [11], sizes = [1], strides = [1]} : vector<16xi32> to vector<1xi32>
      %squeeze3A_254 = vector.extract %slice3A_253[0] : i32 from vector<1xi32>
      %mul3A_255 = arith.constant 16 : i32
      %mul3A_256 = arith.muli %scan3A_97, %mul3A_255 : i32
      %add3A_257 = arith.constant 11 : i32
      %add3A_258 = arith.addi %mul3A_256, %add3A_257 : i32
      %dma_start3A_259 = arith.constant 0 : i32
      %dma_start3A_260 = tpu.memref_slice %arg6[%add3A_258, %dma_start3A_259] : memref<800x64xf32, #tpu.memory_space<vmem>> -> memref<1x64xf32, #tpu.memory_space<vmem>>
      %dma_start3A_261 = arith.constant 0 : i32
      %dma_start3A_262 = tpu.memref_slice %arg3[%squeeze3A_254, %dma_start3A_261] : memref<1000000x64xf32, #tpu.memory_space<hbm>> -> memref<1x64xf32, #tpu.memory_space<hbm>>
      %dma_start3A_263 = arith.constant 0 : i32
      %dma_start3A_264 = tpu.memref_slice %arg6[%add3A_258, %dma_start3A_263] : memref<800x64xf32, #tpu.memory_space<vmem>> -> memref<1x64xf32, #tpu.memory_space<vmem>>
      %dma_start3A_265 = arith.constant 0 : i32
      %dma_start3A_266 = tpu.memref_slice %arg3[%squeeze3A_254, %dma_start3A_265] : memref<1000000x64xf32, #tpu.memory_space<hbm>> -> memref<1x64xf32, #tpu.memory_space<hbm>>
      tpu.enqueue_dma source(%dma_start3A_266 : memref<1x64xf32, #tpu.memory_space<hbm>>) target(%dma_start3A_264 : memref<1x64xf32, #tpu.memory_space<vmem>>) target_semaphore(%arg7 : memref<!tpu.dma_semaphore, #tpu.memory_space<semaphore_mem>>)
      %slice3A_267 = vector.extract_strided_slice %get3A_101 {offsets = [12], sizes = [1], strides = [1]} : vector<16xi32> to vector<1xi32>
      %squeeze3A_268 = vector.extract %slice3A_267[0] : i32 from vector<1xi32>
      %mul3A_269 = arith.constant 16 : i32
      %mul3A_270 = arith.muli %scan3A_97, %mul3A_269 : i32
      %add3A_271 = arith.constant 12 : i32
      %add3A_272 = arith.addi %mul3A_270, %add3A_271 : i32
      %dma_start3A_273 = arith.constant 0 : i32
      %dma_start3A_274 = tpu.memref_slice %arg6[%add3A_272, %dma_start3A_273] : memref<800x64xf32, #tpu.memory_space<vmem>> -> memref<1x64xf32, #tpu.memory_space<vmem>>
      %dma_start3A_275 = arith.constant 0 : i32
      %dma_start3A_276 = tpu.memref_slice %arg3[%squeeze3A_268, %dma_start3A_275] : memref<1000000x64xf32, #tpu.memory_space<hbm>> -> memref<1x64xf32, #tpu.memory_space<hbm>>
      %dma_start3A_277 = arith.constant 0 : i32
      %dma_start3A_278 = tpu.memref_slice %arg6[%add3A_272, %dma_start3A_277] : memref<800x64xf32, #tpu.memory_space<vmem>> -> memref<1x64xf32, #tpu.memory_space<vmem>>
      %dma_start3A_279 = arith.constant 0 : i32
      %dma_start3A_280 = tpu.memref_slice %arg3[%squeeze3A_268, %dma_start3A_279] : memref<1000000x64xf32, #tpu.memory_space<hbm>> -> memref<1x64xf32, #tpu.memory_space<hbm>>
      tpu.enqueue_dma source(%dma_start3A_280 : memref<1x64xf32, #tpu.memory_space<hbm>>) target(%dma_start3A_278 : memref<1x64xf32, #tpu.memory_space<vmem>>) target_semaphore(%arg7 : memref<!tpu.dma_semaphore, #tpu.memory_space<semaphore_mem>>)
      %slice3A_281 = vector.extract_strided_slice %get3A_101 {offsets = [13], sizes = [1], strides = [1]} : vector<16xi32> to vector<1xi32>
      %squeeze3A_282 = vector.extract %slice3A_281[0] : i32 from vector<1xi32>
      %mul3A_283 = arith.constant 16 : i32
      %mul3A_284 = arith.muli %scan3A_97, %mul3A_283 : i32
      %add3A_285 = arith.constant 13 : i32
      %add3A_286 = arith.addi %mul3A_284, %add3A_285 : i32
      %dma_start3A_287 = arith.constant 0 : i32
      %dma_start3A_288 = tpu.memref_slice %arg6[%add3A_286, %dma_start3A_287] : memref<800x64xf32, #tpu.memory_space<vmem>> -> memref<1x64xf32, #tpu.memory_space<vmem>>
      %dma_start3A_289 = arith.constant 0 : i32
      %dma_start3A_290 = tpu.memref_slice %arg3[%squeeze3A_282, %dma_start3A_289] : memref<1000000x64xf32, #tpu.memory_space<hbm>> -> memref<1x64xf32, #tpu.memory_space<hbm>>
      %dma_start3A_291 = arith.constant 0 : i32
      %dma_start3A_292 = tpu.memref_slice %arg6[%add3A_286, %dma_start3A_291] : memref<800x64xf32, #tpu.memory_space<vmem>> -> memref<1x64xf32, #tpu.memory_space<vmem>>
      %dma_start3A_293 = arith.constant 0 : i32
      %dma_start3A_294 = tpu.memref_slice %arg3[%squeeze3A_282, %dma_start3A_293] : memref<1000000x64xf32, #tpu.memory_space<hbm>> -> memref<1x64xf32, #tpu.memory_space<hbm>>
      tpu.enqueue_dma source(%dma_start3A_294 : memref<1x64xf32, #tpu.memory_space<hbm>>) target(%dma_start3A_292 : memref<1x64xf32, #tpu.memory_space<vmem>>) target_semaphore(%arg7 : memref<!tpu.dma_semaphore, #tpu.memory_space<semaphore_mem>>)
      %slice3A_295 = vector.extract_strided_slice %get3A_101 {offsets = [14], sizes = [1], strides = [1]} : vector<16xi32> to vector<1xi32>
      %squeeze3A_296 = vector.extract %slice3A_295[0] : i32 from vector<1xi32>
      %mul3A_297 = arith.constant 16 : i32
      %mul3A_298 = arith.muli %scan3A_97, %mul3A_297 : i32
      %add3A_299 = arith.constant 14 : i32
      %add3A_300 = arith.addi %mul3A_298, %add3A_299 : i32
      %dma_start3A_301 = arith.constant 0 : i32
      %dma_start3A_302 = tpu.memref_slice %arg6[%add3A_300, %dma_start3A_301] : memref<800x64xf32, #tpu.memory_space<vmem>> -> memref<1x64xf32, #tpu.memory_space<vmem>>
      %dma_start3A_303 = arith.constant 0 : i32
      %dma_start3A_304 = tpu.memref_slice %arg3[%squeeze3A_296, %dma_start3A_303] : memref<1000000x64xf32, #tpu.memory_space<hbm>> -> memref<1x64xf32, #tpu.memory_space<hbm>>
      %dma_start3A_305 = arith.constant 0 : i32
      %dma_start3A_306 = tpu.memref_slice %arg6[%add3A_300, %dma_start3A_305] : memref<800x64xf32, #tpu.memory_space<vmem>> -> memref<1x64xf32, #tpu.memory_space<vmem>>
      %dma_start3A_307 = arith.constant 0 : i32
      %dma_start3A_308 = tpu.memref_slice %arg3[%squeeze3A_296, %dma_start3A_307] : memref<1000000x64xf32, #tpu.memory_space<hbm>> -> memref<1x64xf32, #tpu.memory_space<hbm>>
      tpu.enqueue_dma source(%dma_start3A_308 : memref<1x64xf32, #tpu.memory_space<hbm>>) target(%dma_start3A_306 : memref<1x64xf32, #tpu.memory_space<vmem>>) target_semaphore(%arg7 : memref<!tpu.dma_semaphore, #tpu.memory_space<semaphore_mem>>)
      %slice3A_309 = vector.extract_strided_slice %get3A_101 {offsets = [15], sizes = [1], strides = [1]} : vector<16xi32> to vector<1xi32>
      %squeeze3A_310 = vector.extract %slice3A_309[0] : i32 from vector<1xi32>
      %mul3A_311 = arith.constant 16 : i32
      %mul3A_312 = arith.muli %scan3A_97, %mul3A_311 : i32
      %add3A_313 = arith.constant 15 : i32
      %add3A_314 = arith.addi %mul3A_312, %add3A_313 : i32
      %dma_start3A_315 = arith.constant 0 : i32
      %dma_start3A_316 = tpu.memref_slice %arg6[%add3A_314, %dma_start3A_315] : memref<800x64xf32, #tpu.memory_space<vmem>> -> memref<1x64xf32, #tpu.memory_space<vmem>>
      %dma_start3A_317 = arith.constant 0 : i32
      %dma_start3A_318 = tpu.memref_slice %arg3[%squeeze3A_310, %dma_start3A_317] : memref<1000000x64xf32, #tpu.memory_space<hbm>> -> memref<1x64xf32, #tpu.memory_space<hbm>>
      %dma_start3A_319 = arith.constant 0 : i32
      %dma_start3A_320 = tpu.memref_slice %arg6[%add3A_314, %dma_start3A_319] : memref<800x64xf32, #tpu.memory_space<vmem>> -> memref<1x64xf32, #tpu.memory_space<vmem>>
      %dma_start3A_321 = arith.constant 0 : i32
      %dma_start3A_322 = tpu.memref_slice %arg3[%squeeze3A_310, %dma_start3A_321] : memref<1000000x64xf32, #tpu.memory_space<hbm>> -> memref<1x64xf32, #tpu.memory_space<hbm>>
      tpu.enqueue_dma source(%dma_start3A_322 : memref<1x64xf32, #tpu.memory_space<hbm>>) target(%dma_start3A_320 : memref<1x64xf32, #tpu.memory_space<vmem>>) target_semaphore(%arg7 : memref<!tpu.dma_semaphore, #tpu.memory_space<semaphore_mem>>)
    }
    %scan3A_92 = arith.constant 50 : i32
    %dma_wait3A_93 = arith.constant 0 : i32
    %dma_wait3A_94 = tpu.memref_slice %arg4[%add3A_86, %dma_wait3A_93] : memref<204800x64xf32, #tpu.memory_space<hbm>> -> memref<800x64xf32, #tpu.memory_space<hbm>>
    %dma_wait3A_95 = arith.constant 0 : i32
    %dma_wait3A_96 = tpu.memref_slice %arg4[%add3A_86, %dma_wait3A_95] : memref<204800x64xf32, #tpu.memory_space<hbm>> -> memref<800x64xf32, #tpu.memory_space<hbm>>
    tpu.wait_dma2 semaphore(%arg7 : memref<!tpu.dma_semaphore, #tpu.memory_space<semaphore_mem>>) src(%dma_wait3A_96 : memref<800x64xf32, #tpu.memory_space<hbm>>) dst(%arg6 : memref<800x64xf32, #tpu.memory_space<vmem>>)
    "tpu.region"() ({
      %run_scoped3A = tpu.sem_alloc : memref<!tpu.dma_semaphore, #tpu.memory_space<semaphore_mem>>
      %dma_start3A = arith.constant 0 : i32
      %dma_start3A_97 = tpu.memref_slice %arg4[%add3A_86, %dma_start3A] : memref<204800x64xf32, #tpu.memory_space<hbm>> -> memref<800x64xf32, #tpu.memory_space<hbm>>
      %dma_start3A_98 = arith.constant 0 : i32
      %dma_start3A_99 = tpu.memref_slice %arg4[%add3A_86, %dma_start3A_98] : memref<204800x64xf32, #tpu.memory_space<hbm>> -> memref<800x64xf32, #tpu.memory_space<hbm>>
      tpu.enqueue_dma source(%arg6 : memref<800x64xf32, #tpu.memory_space<vmem>>) target(%dma_start3A_99 : memref<800x64xf32, #tpu.memory_space<hbm>>) target_semaphore(%run_scoped3A : memref<!tpu.dma_semaphore, #tpu.memory_space<semaphore_mem>>)
      %dma_wait3A_100 = arith.constant 0 : i32
      %dma_wait3A_101 = tpu.memref_slice %arg4[%add3A_86, %dma_wait3A_100] : memref<204800x64xf32, #tpu.memory_space<hbm>> -> memref<800x64xf32, #tpu.memory_space<hbm>>
      %dma_wait3A_102 = arith.constant 0 : i32
      %dma_wait3A_103 = tpu.memref_slice %arg4[%add3A_86, %dma_wait3A_102] : memref<204800x64xf32, #tpu.memory_space<hbm>> -> memref<800x64xf32, #tpu.memory_space<hbm>>
      tpu.wait_dma2 semaphore(%run_scoped3A : memref<!tpu.dma_semaphore, #tpu.memory_space<semaphore_mem>>) src(%arg6 : memref<800x64xf32, #tpu.memory_space<vmem>>) dst(%dma_wait3A_103 : memref<800x64xf32, #tpu.memory_space<hbm>>)
      tpu.yield
    }) : () -> ()
    return
  }
}

</mosaic_0001>

<sc_bundles>
// kernel: kernel.3.cloned.1.call-start
scs
__scs_entry_jumppad:
0x0: {  	(pc) =	sbr.rel $0x88, $3  }
0x1: {  	(tag) =	ssettag $0x0;
	lr =	simm.s32 $0x1  }
0x2: {  	[smem:$0x3F9F] =	sst lr;
	_ =	strace $0xD0000000  }
0x3: {  	_ = 	snop  }
0x4: {  	_ = 	snop  }
0x5: {  	_ = 	snop  }
0x6: {  	_ = 	snop  }
0x7: {  	_ = 	snop  }
__scs_overlays_trampoline_lowered:
0x8: {  	[smem:$0x3FAE] =	sst s0  }
0x9: {  	[smem:$0x3FAF] =	sst s1  }
0xa: {  	[smem:$0x3FB0] =	sst s2  }
0xb: {  	[smem:$0x3FB1] =	sst s3  }
0xc: {  	[smem:$0x3FB2] =	sst s4  }
0xd: {  	[smem:$0x3FB3] =	sst s5  }
0xe: {  	[smem:$0x3FB4] =	sst s6  }
0xf: {  	[smem:$0x3FB5] =	sst s7  }
0x10: {  	[smem:$0x3FB6] =	sst s8  }
0x11: {  	[smem:$0x3FB7] =	sst s9;
	s0 =	simm.s32 @!p0 $0x0  }
0x12: {  	s1 =	sld [smem:$0x3F9D];
	s0 =	simm.s32 @p0 $0x1  }
0x13: {  	[smem:$0x3FB8] =	sst s0;
	s0 =	simm.s32 @!p1 $0x0  }
0x14: {  	s2 =	sld [smem:$0x3F9C];
	s0 =	simm.s32 @p1 $0x1  }
0x15: {  	[smem:$0x3FB9] =	sst s0;
	s0 =	simm.s32 @!p2 $0x0  }
0x16: {  	s3 =	sld [smem:$0x3FDB];
	s0 =	simm.s32 @p2 $0x1  }
0x17: {  	s4 =	simm.s32 $0x1BF5;
	[smem:$0x3FBB] =	sst s0  }
0x18: {  	s0 =	sld [smem:$0x3F9E];
	_ =	swait.ge [sflag:s4], $0x0  }
0x19: {  	s7 =	sld [smem:$0x3F9F]  }
0x1a: {  	s8 =	sadd.s32 $0xFFFFE003, lr  }
0x1b: {  	s9 =	sadd.s32 $0xFFFFFEF7, lr;
	s5 =	simm.s32 $0xFFFFFFFF;
	p2 =	slt.u32 s8, $0xFFFFF086  }
0x1c: {  	p1 =	slt.u32 s9, $0xF7A;
	s5 =	simm.s32 @!p2 $0x0  }
0x1d: {  	s5 =	simm.s32 @p1 $0x1;
	p0 =	seq.s32 s7, s2  }
0x1e: {  	s7 =	smul.u32 @!p0 $0xF7A, s2;
	p2 =	seq.s32 @!p0 s5, $0x0  }
0x1f: {  	s9 =	smul.u32 $0xF7A, s1;
	s8 =	simm.s32 @!p0 $0x1BF5;
	p2 =	por !p2, p0  }
0x20: {  	[sflag:s8] =	ssyncset.s32 @!p0 $0xFFFFF086;
	s6 =	sadd.s32 @!p0 s3, s7;
	s7 =	simm.s32 @!p0 $0x108  }
0x21: {  	s3 =	sadd.s32 s3, s9;
	s6 =	sadd.s32 @!p0 $0x88, s6;
	s7 =	simm.s32 @p2 $0x1082  }
0x22: {  	[simem:s7], [sflag:s8] =	dma.local @!p0 [hbm:s6], $0xF7A  }
0x23: {  	s9 =	sor.u32 $0xD0000000, s2;
	s6 =	simm.s32 $0x108;
	_ =	swait.ge @!p0 [sflag:s8], $0x0  }
0x24: {  	s3 =	sadd.s32 $0x88, s3;
	s6 =	simm.s32 @!p1 $0x1082;
	[sflag:s4] =	ssyncset.s32 $0xFFFFF086  }
0x25: {  	[simem:s6], [sflag:s4] =	dma.local [hbm:s3], $0xF7A  }
0x26: {  	[smem:$0x3F9F] =	sst s1;
	(tag) =	ssettag s2;
	_ =	strace s9  }
0x27: {  	s1 =	sld [smem:$0x3FAF]  }
0x28: {  	s2 =	sld [smem:$0x3FB0]  }
0x29: {  	s4 =	sld [smem:$0x3FB2]  }
0x2a: {  	p0 =	seq.s32 s5, $0x0;
	s5 =	sld [smem:$0x3FB3]  }
0x2b: {  	s6 =	sld [smem:$0x3FB4]  }
0x2c: {  	s7 =	sld [smem:$0x3FB5]  }
0x2d: {  	s3 =	simm.s32 $0x108;
	s8 =	sld [smem:$0x3FB6]  }
0x2e: {  	s3 =	simm.s32 @!p0 $0x1082;
	s9 =	sld [smem:$0x3FB7]  }
0x2f: {  	lr =	sadd.s32 s0, s3;
	s0 =	sld [smem:$0x3FAE]  }
0x30: {  	s3 =	sld [smem:$0x3FB1]  }
0x31: {  	[smem:$0x3FBA] =	sst s10  }
0x32: {  	s10 =	sld [smem:$0x3FB8];
	_ =	sdelay $0x3  }
0x33: {  	p0 =	seq.s32 s10, $0x1;
	s10 =	sld [smem:$0x3FBA];
	_ =	sdelay $0x3  }
0x34: {  	[smem:$0x3FBA] =	sst s10  }
0x35: {  	s10 =	sld [smem:$0x3FB9];
	_ =	sdelay $0x3  }
0x36: {  	p1 =	seq.s32 s10, $0x1;
	s10 =	sld [smem:$0x3FBA];
	_ =	sdelay $0x3  }
0x37: {  	[smem:$0x3FBA] =	sst s10  }
0x38: {  	s10 =	sld [smem:$0x3FBB]  }
0x39: {  	_ = 	snop;
	(pc) =	sbr.ind lr, $3  }
0x3a: {  	_ = 	snop  }
0x3b: {  	_ = 	snop  }
0x3c: {  	p2 =	seq.s32 s10, $0x1;
	s10 =	sld [smem:$0x3FBA]  }
0x3d: {  	_ =	shalt  }
0x3e: {  	_ =	shalt  }
0x3f: {  	_ =	shalt  }
0x40: {  	_ =	shalt  }
0x41: {  	_ =	shalt  }
0x42: {  	_ =	shalt  }
0x43: {  	_ =	shalt  }
0x44: {  	_ =	shalt  }
0x45: {  	_ =	shalt  }
0x46: {  	_ =	shalt  }
0x47: {  	_ =	shalt  }
0x48: {  	_ =	shalt  }
0x49: {  	_ =	shalt  }
0x4a: {  	_ =	shalt  }
0x4b: {  	_ =	shalt  }
0x4c: {  	_ =	shalt  }
0x4d: {  	_ =	shalt  }
0x4e: {  	_ =	shalt  }
0x4f: {  	_ =	shalt  }
0x50: {  	_ =	shalt  }
0x51: {  	_ =	shalt  }
0x52: {  	_ =	shalt  }
0x53: {  	_ =	shalt  }
0x54: {  	_ =	shalt  }
0x55: {  	_ =	shalt  }
0x56: {  	_ =	shalt  }
0x57: {  	_ =	shalt  }
0x58: {  	_ =	shalt  }
0x59: {  	_ =	shalt  }
0x5a: {  	_ =	shalt  }
0x5b: {  	_ =	shalt  }
0x5c: {  	_ =	shalt  }
0x5d: {  	_ =	shalt  }
0x5e: {  	_ =	shalt  }
0x5f: {  	_ =	shalt  }
0x60: {  	_ =	shalt  }
0x61: {  	_ =	shalt  }
0x62: {  	_ =	shalt  }
0x63: {  	_ =	shalt  }
0x64: {  	_ =	shalt  }
0x65: {  	_ =	shalt  }
0x66: {  	_ =	shalt  }
0x67: {  	_ =	shalt  }
0x68: {  	_ =	shalt  }
0x69: {  	_ =	shalt  }
0x6a: {  	_ =	shalt  }
0x6b: {  	_ =	shalt  }
0x6c: {  	_ =	shalt  }
0x6d: {  	_ =	shalt  }
0x6e: {  	_ =	shalt  }
0x6f: {  	_ =	shalt  }
0x70: {  	_ =	shalt  }
0x71: {  	_ =	shalt  }
0x72: {  	_ =	shalt  }
0x73: {  	_ =	shalt  }
0x74: {  	_ =	shalt  }
0x75: {  	_ =	shalt  }
0x76: {  	_ =	shalt  }
0x77: {  	_ =	shalt  }
0x78: {  	_ =	shalt  }
0x79: {  	_ =	shalt  }
0x7a: {  	_ =	shalt  }
0x7b: {  	_ =	shalt  }
0x7c: {  	_ =	shalt  }
0x7d: {  	_ =	shalt  }
0x7e: {  	_ =	shalt  }
0x7f: {  	_ =	shalt  }
0x80: {  	_ =	shalt  }
0x81: {  	_ =	shalt  }
0x82: {  	_ =	shalt  }
0x83: {  	_ =	shalt  }
0x84: {  	_ =	shalt  }
0x85: {  	_ =	shalt  }
0x86: {  	_ =	shalt  }
0x87: {  	_ =	shalt  }
.Lfunc_end0:
.L_simem_size_0:
called_computation.1_lowered:
.L_overlay_start_0:
0x88: {  	s2 =	sld [smem:$0x3FD9]  }
0x89: {  	s3 =	sld [smem:$0x3FFE];
	_ =	sdelay $0x1  }
0x8a: {  	s1 =	srdreg.scid  }
0x8b: {  	s0 =	sand.u32 $0x1, s1  }
0x8c: {  	s17 =	sshll.u32 s0, $0xA;
	s2 =	sadd.s32 s3, s2  }
0x8d: {  	s2 =	sadd.s32 s2, s17  }
0x8e: {  	[smem:$0x3FC6] =	sst s2  }
0x8f: {  	_ = 	snop  }
0x90: {  	s2 =	sld [smem:$0x3FD0];
	(tm) =	ssettm $0x1  }
0x91: {  	s18 =	sld [smem:$0x3FFB];
	_ =	sdelay $0x3  }
0x92: {  	_ =	strace s18  }
0x93: {  	s3 =	sld [smem:$0x3FFC];
	_ =	sdelay $0x3  }
0x94: {  	_ =	strace s3  }
0x95: {  	s3 =	sld [smem:$0x3FFD];
	_ =	sdelay $0x3  }
0x96: {  	_ =	strace s3  }
0x97: {  	_ =	strace $0x8FFFFFFF  }
0x98: {  	s19 =	sld [smem:$0x3FDB];
	_ =	sdelay $0x1  }
0x99: {  	s4 =	simm.s32 $_scs_section_size  }
0x9a: {  	s5 =	simm.s32 $_size__tile_overlayer_lowered;
	s6 =	simm.s32 $_tile_overlayer_lowered  }
0x9b: {  	s22 =	simm.s32 $0x1BFF;
	s21 =	sshll.u32 s6, $0x1;
	s3 =	sadd.s32 s4, s19  }
0x9c: {  	s7 =	simm.s32 $0x0;
	s20 =	sshll.u32 s5, $0x1;
	s5 =	sadd.s32 s21, s3  }
0x9d: {  	[timem:s7], [sflag:s22] =	dma.local [hbm:s5], s20  }
0x9e: {  	_ =	swait.ge [sflag:s22], s20  }
0x9f: {  	s4 =	ssub.s32 $0x0, s20;
	[sflag:s22] =	ssyncset.done $0x0  }
0xa0: {  	[sflag:s22] =	ssyncadd.s32 s4;
	_ =	sdelay $0x1  }
0xa1: {  	s23 =	simm.s32 $0x1B8B  }
0xa2: {  	_ =	swait.ge [sflag:s23], $0x1  }
0xa3: {  	[sflag:s23] =	ssyncset.done $0x0  }
0xa4: {  	s25 =	simm.s32 $0x1B8E;
	s24 =	sld [smem:$0x3FFE];
	[sflag:s23] =	ssyncadd.s32 $0xFFFFFFFF  }
0xa5: {  	s26 =	simm.s32 $execute0_lowered;
	[smem:$0x3FD2] =	sst s25  }
0xa6: {  	s5 =	sshll.u32 s26, $0x1;
	_ =	strace $0x80000046;
	[dreg:$0x1] =	wrdreg $0xFFFFFFFF  }
0xa7: {  	s28 =	simm.s32 $_size_execute0_lowered;
	s3 =	sadd.s32 s3, s5;
	[dreg:$0x0] =	wrdreg $0x0  }
0xa8: {  	s5 =	sshll.u32 s28, $0x1;
	[dreg:$0x2] =	wrdreg s3  }
0xa9: {  	[dreg:$0x3] =	wrdreg s5  }
0xaa: {  	[dreg:$0x4] =	wrdreg $0xC0  }
0xab: {  	_ =	task [dreg:s7], $0x5FFFF  }
0xac: {  	[dreg:$0x1] =	wrdreg $0xFFFFFFFF  }
0xad: {  	[dreg:$0x0] =	wrdreg $0x60  }
0xae: {  	[dreg:$0x2] =	wrdreg s2  }
0xaf: {  	[dreg:$0x3] =	wrdreg s24  }
0xb0: {  	[dreg:$0x4] =	wrdreg $0x9  }
0xb1: {  	_ =	task.clear_ibuf [dreg:s7], $0x5FFFF;
	_ =	strace $0x90000046  }
0xb2: {  	s29 =	simm.s32 $0x9;
	_ =	strace $0x80000048  }
0xb3: {  	_ =	swait.ge [sflag:s29], $0x1  }
0xb4: {  	[sflag:s29] =	ssyncadd.s32 $0xFFFFFFFF  }
0xb5: {  	_ =	strace $0x90000048  }
0xb6: {  	_ =	sfence  }
0xb7: {  	s30 =	sld [smem:$0x0];
	_ =	sdelay $0x2  }
0xb8: {  	s31 =	sshll.u32 s1, $0xD;
	s1 =	sshrl.u32 s1, $0x2  }
0xb9: {  	s3 =	sand.u32 $0x4000, s31;
	s1 =	sadd.s32 s1, s30  }
0xba: {  	s0 =	sor.u32 s3, s0;
	s1 =	sshll.u32 s1, $0x11  }
0xbb: {  	s0 =	sor.u32 s1, s0  }
0xbc: {  	s0 =	sadd.s32 $0x8F2B, s0  }
0xbd: {  	[sflag:s0] =	ssyncadd.remote.s32 $0x1  }
0xbe: {  	_ =	sfence.sel $0xFFFF  }
0xbf: {  	[dreg:$0x0] =	wrdreg $0xFFFFFFFF;
	(pc) =	sbr.abs _section_cstart, $3  }
0xc0: {  	[dreg:$0x1] =	wrdreg $0xFFFFFFFF  }
0xc1: {  	_ =	task.clear_ibuf [dreg:s7], $0x2FFFF;
	_ =	strace $0x9FFFFFFF  }
0xc2: {  	(tm) =	ssettm $0x7FFFFFFF  }
0xc3: {  	_ =	shalt  }
tec
execute0_lowered:
.L_overlay_start_1:
0x0: {  	(tag) =	ssettag $0x1  }
0x1: {  	s0 =	rddreg [dreg:$0x0]  }
0x2: {  	s1 =	rddreg [dreg:$0x1]  }
0x3: {  	s3 =	srdreg.scid;
	s4 =	stileid.u32  }
0x4: {  	s2 =	simm.s32 $0x0;
	s3 =	sand.u32 $0x1, s3;
	s4 =	sshll.u32 s4, $0x1  }
0x5: {  	[smem:$0x7FF] =	sst s2;
	s4 =	sor.u32 s3, s4  }
0x6: {  	_ =	strace $0x80000047;
	s5 =	ssub.s32 $0x2, s3;
	s6 =	smul.u32 $0x1900, s4  }
0x7: {  	s3 =	sadd.s32 $0x800, s1;
	s7 =	sshrl.u32 s5, $0x1;
	s4 =	smul.u32 $0x19000, s4  }
0x8: {  	s1 =	sadd.s32 $0xF42C00, s1;
	s5 =	ssub.s32 s5, s7;
	s14 =	sshrl.u32 s6, $0x3  }
0x9: {  	s4 =	sadd.s32 s1, s4;
	s15 =	sadd.s32 $0x320, s6;
	s9 =	sadd.s32 $0x640, s6  }
0xa: {  	s19 =	sadd.s32 $0x960, s6;
	s22 =	sadd.s32 $0xC80, s6;
	s26 =	sadd.s32 $0x12C0, s6  }
0xb: {  	s7 =	sadd.s32 s0, s14;
	[dreg:$0x4] =	wrdreg s4;
	s16 =	sshrl.u32 s15, $0x3  }
0xc: {  	s4 =	sshll.u32 s15, $0x4;
	s17 =	sshrl.u32 s9, $0x3;
	s18 =	sshll.u32 s9, $0x4  }
0xd: {  	s20 =	sshrl.u32 s19, $0x3;
	s23 =	sshrl.u32 s22, $0x3;
	s15 =	sadd.s32 $0xFA0, s6  }
0xe: {  	s28 =	sshrl.u32 s26, $0x3;
	s6 =	sadd.s32 $0x15E0, s6;
	s29 =	sshll.u32 s26, $0x4  }
0xf: {  	[dreg:$0x3] =	wrdreg s7;
	s7 =	sadd.s32 s0, s16;
	s4 =	sadd.s32 s1, s4  }
0x10: {  	s24 =	sshrl.u32 s15, $0x3;
	s25 =	sshll.u32 s15, $0x4;
	s16 =	sadd.s32 s0, s28  }
0x11: {  	s30 =	sshrl.u32 s6, $0x3;
	s31 =	sshll.u32 s6, $0x4;
	[dreg:$0x5] =	wrdreg s7  }
0x12: {  	[dreg:$0x6] =	wrdreg s4;
	s4 =	sadd.s32 s0, s17;
	s7 =	sshll.u32 s19, $0x4  }
0x13: {  	s17 =	sadd.s32 s1, s29;
	[dreg:$0x7] =	wrdreg s4;
	s4 =	sadd.s32 s1, s18  }
0x14: {  	s19 =	sadd.s32 s1, s31;
	s21 =	sadd.s32 s1, s7;
	[dreg:$0x8] =	wrdreg s4  }
0x15: {  	s7 =	sadd.s32 s0, s23;
	s4 =	sadd.s32 s0, s20;
	[dreg:$0xa] =	wrdreg s21  }
0x16: {  	s18 =	sadd.s32 s0, s30;
	[dreg:$0x9] =	wrdreg s4;
	s4 =	sshll.u32 s22, $0x4  }
0x17: {  	s23 =	simm.s32 $0x380;
	[dreg:$0xb] =	wrdreg s7;
	s4 =	sadd.s32 s1, s4  }
0x18: {  	s20 =	smax.u32 s5, $0x1;
	[dreg:$0xc] =	wrdreg s4;
	s4 =	sadd.s32 s0, s24  }
0x19: {  	s21 =	simm.s32 $0x2;
	[dreg:$0xd] =	wrdreg s4;
	s4 =	sadd.s32 s1, s25  }
0x1a: {  	s22 =	simm.s32 $0x1;
	s24 =	simm.s32 $0x0;
	[dreg:$0xe] =	wrdreg s4  }
.LBB2_1:
0x1b: {  	s0 =	rddreg [dreg:$0x3]  }
0x1c: {  	[tilespmem:s2], [sflag:$0x2] =	stream.linear.gather [hbm4b:s0+s2], $0x320, $0x38;
	[tilespmem:$0x19380] =	vst v63  }
0x1d: {  	_ =	swait.ge [sflag:s21], $0x320  }
0x1e: {  	[sflag:s21] =	ssyncset.done $0x0  }
0x1f: {  	[sflag:s21] =	ssyncadd.s32 $0xFFFFFCE0  }
0x20: {  	v0 =	vld [tilespmem:s2+$0x0];
	_ =	sdelay $0x4  }
0x21: {  	v0 =	vshll.u32 v0, $0x4  }
0x22: {  	(v2sf) =	vpush v0, $0x0  }
0x23: {  	(v2sf) =	vpush v0, $0x1  }
0x24: {  	(v2sf) =	vpush v0, $0x2;
	_ =	sdelay $0x1  }
0x25: {  	(v2sf) =	vpush v0, $0x4;
	_ =	sdelay $0x1  }
0x26: {  	(v2sf) =	vpush v0, $0x3  }
0x27: {  	(v2sf) =	vpush v0, $0x5  }
0x28: {  	s26 =	simm.s32 $0x2000;
	s25 =	simm.s32 $0x0;
	s28 =	simm.s32 $0x0;
	(v2sf) =	vpush v0, $0x6  }
.LBB2_2:
0x29: {  	p0 =	sne.s32 s26, $0x62000  }
0x2a: {  	s8 =	sadd.s32 $0x400, s25;
	s0 =	sadd.s32 $0x900, s25;
	s29 =	smov.u32 s26  }
0x2b: {  	s26 =	sadd.s32 $0x2000, s26;
	s5 =	sadd.s32 $0x700, s25;
	s30 =	sadd.s32 $0x980, s25;
	(v2sf) =	vpush v0, $0x7  }
0x2c: {  	s7 =	sadd.s32 $0x600, s25;
	s4 =	sadd.s32 $0x780, s25;
	s31 =	sadd.s32 $0xA00, s25  }
0x2d: {  	s9 =	sadd.s32 $0x380, s25;
	s10 =	sadd.s32 $0x580, s25;
	(v2sf) =	vpush v0, $0x8  }
0x2e: {  	s11 =	sadd.s32 $0x680, s25;
	s28 =	sadd.s32 $0x10, s28  }
0x2f: {  	s12 =	sadd.s32 $0x480, s25;
	s1 =	sadd.s32 $0x880, s25;
	s6 =	spop (v2sf);
	(v2sf) =	vpush v0, $0x9  }
0x30: {  	s13 =	sand.u32 $0x1FFFFFF0, s6;
	s6 =	sadd.s32 $0x800, s25;
	s14 =	spop (v2sf)  }
0x31: {  	s13 =	sadd.s32 s3, s13;
	s14 =	sand.u32 $0x1FFFFFF0, s14;
	s15 =	spop (v2sf);
	(v2sf) =	vpush v0, $0xA  }
0x32: {  	[tilespmem:s9], [sflag:$0x1] =	stream.linear.gather [hbm4b:s13+s2], $0x80, $0x38;
	[tilespmem:$0x19380] =	vst v63  }
0x33: {  	s9 =	sadd.s32 s3, s14;
	s13 =	sadd.s32 $0x500, s25;
	s14 =	spop (v2sf);
	(v2sf) =	vpush v0, $0xB  }
0x34: {  	[tilespmem:s8], [sflag:$0x1] =	stream.linear.gather [hbm4b:s9+s2], $0x80, $0x38;
	[tilespmem:$0x19380] =	vst v63  }
0x35: {  	s8 =	sand.u32 $0x1FFFFFF0, s15;
	s9 =	sand.u32 $0x1FFFFFF0, s14;
	s14 =	spop (v2sf);
	(v2sf) =	vpush v0, $0xC  }
0x36: {  	s8 =	sadd.s32 s3, s8;
	s14 =	sand.u32 $0x1FFFFFF0, s14;
	s15 =	spop (v2sf)  }
0x37: {  	[tilespmem:s12], [sflag:$0x1] =	stream.linear.gather [hbm4b:s8+s2], $0x80, $0x38;
	(v2sf) =	vpush v0, $0xD;
	[tilespmem:$0x19380] =	vst v63  }
0x38: {  	s8 =	sadd.s32 s3, s14;
	s12 =	sand.u32 $0x1FFFFFF0, s15;
	s14 =	spop (v2sf)  }
0x39: {  	[tilespmem:s13], [sflag:$0x1] =	stream.linear.gather [hbm4b:s8+s2], $0x80, $0x38;
	(v2sf) =	vpush v0, $0xE;
	[tilespmem:$0x19380] =	vst v63  }
0x3a: {  	s8 =	sadd.s32 s3, s9;
	s9 =	sand.u32 $0x1FFFFFF0, s14;
	s13 =	spop (v2sf)  }
0x3b: {  	[tilespmem:s10], [sflag:$0x1] =	stream.linear.gather [hbm4b:s8+s2], $0x80, $0x38;
	(v2sf) =	vpush v0, $0xF;
	[tilespmem:$0x19380] =	vst v63  }
0x3c: {  	s8 =	sadd.s32 s3, s12;
	s10 =	sand.u32 $0x1FFFFFF0, s13;
	s12 =	spop (v2sf)  }
0x3d: {  	[tilespmem:s7], [sflag:$0x1] =	stream.linear.gather [hbm4b:s8+s2], $0x80, $0x38;
	[tilespmem:$0x19380] =	vst v63  }
0x3e: {  	s7 =	sadd.s32 s3, s9;
	s8 =	sand.u32 $0x1FFFFFF0, s12;
	s9 =	spop (v2sf)  }
0x3f: {  	[tilespmem:s11], [sflag:$0x1] =	stream.linear.gather [hbm4b:s7+s2], $0x80, $0x38;
	[tilespmem:$0x19380] =	vst v63  }
0x40: {  	s7 =	sadd.s32 s3, s10;
	s9 =	sand.u32 $0x1FFFFFF0, s9;
	s10 =	spop (v2sf)  }
0x41: {  	[tilespmem:s5], [sflag:$0x1] =	stream.linear.gather [hbm4b:s7+s2], $0x80, $0x38;
	[tilespmem:$0x19380] =	vst v63  }
0x42: {  	s5 =	sadd.s32 s3, s8;
	s7 =	sand.u32 $0x1FFFFFF0, s10;
	s8 =	spop (v2sf)  }
0x43: {  	[tilespmem:s4], [sflag:$0x1] =	stream.linear.gather [hbm4b:s5+s2], $0x80, $0x38;
	[tilespmem:$0x19380] =	vst v63  }
0x44: {  	s4 =	sadd.s32 s3, s9;
	s5 =	sand.u32 $0x1FFFFFF0, s8;
	s8 =	spop (v2sf)  }
0x45: {  	[tilespmem:s6], [sflag:$0x1] =	stream.linear.gather [hbm4b:s4+s2], $0x80, $0x38;
	[tilespmem:$0x19380] =	vst v63  }
0x46: {  	s4 =	sadd.s32 s3, s7;
	s6 =	sand.u32 $0x1FFFFFF0, s8;
	s7 =	spop (v2sf)  }
0x47: {  	[tilespmem:s1], [sflag:$0x1] =	stream.linear.gather [hbm4b:s4+s2], $0x80, $0x38;
	[tilespmem:$0x19380] =	vst v63  }
0x48: {  	s1 =	sadd.s32 s3, s5;
	s4 =	sand.u32 $0x1FFFFFF0, s7;
	s5 =	spop (v2sf)  }
0x49: {  	[tilespmem:s0], [sflag:$0x1] =	stream.linear.gather [hbm4b:s1+s2], $0x80, $0x38;
	[tilespmem:$0x19380] =	vst v63  }
0x4a: {  	s0 =	sadd.s32 s3, s6;
	s1 =	sand.u32 $0x1FFFFFF0, s5;
	s5 =	spop (v2sf)  }
0x4b: {  	[tilespmem:s30], [sflag:$0x1] =	stream.linear.gather [hbm4b:s0+s2], $0x80, $0x38;
	[tilespmem:$0x19380] =	vst v63  }
0x4c: {  	s0 =	sadd.s32 s3, s4;
	s4 =	sand.u32 $0x1FFFFFF0, s5  }
0x4d: {  	[tilespmem:s31], [sflag:$0x1] =	stream.linear.gather [hbm4b:s0+s2], $0x80, $0x38;
	[tilespmem:$0x19380] =	vst v63  }
0x4e: {  	s1 =	sadd.s32 s3, s1;
	s0 =	sadd.s32 $0xA80, s25  }
0x4f: {  	[tilespmem:s0], [sflag:$0x1] =	stream.linear.gather [hbm4b:s1+s2], $0x80, $0x38;
	[tilespmem:$0x19380] =	vst v63  }
0x50: {  	s0 =	sadd.s32 $0xB00, s25;
	s1 =	sadd.s32 s3, s4  }
0x51: {  	[tilespmem:s0], [sflag:$0x1] =	stream.linear.gather [hbm4b:s1+s2], $0x80, $0x38;
	[tilespmem:$0x19380] =	vst v63  }
0x52: {  	v0 =	vld [tilespmem:s28+$0x0];
	_ =	sdelay $0x4  }
0x53: {  	v0 =	vshll.u32 v0, $0x4  }
0x54: {  	(v2sf) =	vpush v0, $0x0  }
0x55: {  	(v2sf) =	vpush v0, $0x1  }
0x56: {  	(v2sf) =	vpush v0, $0x2;
	_ =	sdelay $0x1  }
0x57: {  	(v2sf) =	vpush v0, $0x4  }
.Ltmp0:
0x58: {  	(pc) =	sbr.rel @p0 .LBB2_2-.Ltmp0, $3  }
0x59: {  	(v2sf) =	vpush v0, $0x3  }
0x5a: {  	(v2sf) =	vpush v0, $0x5;
	_ =	sdelay $0x1  }
0x5b: {  	s25 =	sshra.s32 s29, $0x2;
	(v2sf) =	vpush v0, $0x6  }
0x5c: {  	_ =	sdelay $0x1  }
0x5d: {  	s5 =	sadd.s32 $0x400, s25;
	s4 =	sadd.s32 $0x900, s25  }
0x5e: {  	s6 =	sadd.s32 $0x700, s25;
	s0 =	sadd.s32 $0x980, s25;
	(v2sf) =	vpush v0, $0x7;
	s7 =	sadd.s32 $0x600, s25  }
0x5f: {  	s8 =	sadd.s32 $0x780, s25;
	s1 =	sadd.s32 $0xA00, s25;
	s9 =	sadd.s32 $0x380, s25  }
0x60: {  	s10 =	sadd.s32 $0x580, s25;
	s11 =	sadd.s32 $0x680, s25;
	(v2sf) =	vpush v0, $0x8;
	s12 =	spop (v2sf)  }
0x61: {  	s13 =	sadd.s32 $0x480, s25;
	s12 =	sand.u32 $0x1FFFFFF0, s12;
	s14 =	spop (v2sf)  }
0x62: {  	(v2sf) =	vpush v0, $0x9;
	s12 =	sadd.s32 s3, s12;
	s14 =	sand.u32 $0x1FFFFFF0, s14;
	s15 =	spop (v2sf)  }
0x63: {  	[tilespmem:s9], [sflag:$0x1] =	stream.linear.gather [hbm4b:s12+s2], $0x80, $0x38;
	[tilespmem:$0x19380] =	vst v63  }
0x64: {  	s26 =	sadd.s32 $0x500, s25;
	(v2sf) =	vpush v0, $0xA;
	s30 =	sadd.s32 s3, s14;
	s31 =	spop (v2sf)  }
0x65: {  	[tilespmem:s5], [sflag:$0x1] =	stream.linear.gather [hbm4b:s30+s2], $0x80, $0x38;
	[tilespmem:$0x19380] =	vst v63  }
0x66: {  	s9 =	sadd.s32 $0x880, s25;
	s15 =	sand.u32 $0x1FFFFFF0, s15;
	(v2sf) =	vpush v0, $0xB;
	s29 =	spop (v2sf)  }
0x67: {  	s12 =	sadd.s32 s3, s15;
	s5 =	sadd.s32 $0x800, s25;
	s15 =	sand.u32 $0x1FFFFFF0, s29  }
0x68: {  	(v2sf) =	vpush v0, $0xC;
	[tilespmem:s13], [sflag:$0x1] =	stream.linear.gather [hbm4b:s12+s2], $0x80, $0x38;
	[tilespmem:$0x19380] =	vst v63  }
0x69: {  	s30 =	sand.u32 $0x1FFFFFF0, s31;
	s31 =	spop (v2sf);
	s15 =	sadd.s32 s3, s15  }
0x6a: {  	(v2sf) =	vpush v0, $0xD;
	[tilespmem:s26], [sflag:$0x1] =	stream.linear.gather [hbm4b:s15+s2], $0x80, $0x38;
	[tilespmem:$0x19380] =	vst v63  }
0x6b: {  	s12 =	sadd.s32 s3, s30;
	s13 =	sand.u32 $0x1FFFFFF0, s31;
	s26 =	spop (v2sf)  }
0x6c: {  	(v2sf) =	vpush v0, $0xE;
	[tilespmem:s10], [sflag:$0x1] =	stream.linear.gather [hbm4b:s12+s2], $0x80, $0x38;
	[tilespmem:$0x19380] =	vst v63  }
0x6d: {  	s13 =	sadd.s32 s3, s13;
	s29 =	sand.u32 $0x1FFFFFF0, s26;
	s30 =	spop (v2sf)  }
0x6e: {  	(v2sf) =	vpush v0, $0xF;
	[tilespmem:s7], [sflag:$0x1] =	stream.linear.gather [hbm4b:s13+s2], $0x80, $0x38;
	[tilespmem:$0x19380] =	vst v63  }
0x6f: {  	s31 =	sand.u32 $0x1FFFFFF0, s30;
	s10 =	sadd.s32 s3, s29;
	s13 =	spop (v2sf)  }
0x70: {  	[tilespmem:s11], [sflag:$0x1] =	stream.linear.gather [hbm4b:s10+s2], $0x80, $0x38;
	[tilespmem:$0x19380] =	vst v63  }
0x71: {  	s7 =	sadd.s32 s3, s31;
	s14 =	sand.u32 $0x1FFFFFF0, s13;
	s15 =	spop (v2sf)  }
0x72: {  	[tilespmem:s6], [sflag:$0x1] =	stream.linear.gather [hbm4b:s7+s2], $0x80, $0x38;
	[tilespmem:$0x19380] =	vst v63  }
0x73: {  	s10 =	sadd.s32 s3, s14;
	s26 =	sand.u32 $0x1FFFFFF0, s15;
	s29 =	spop (v2sf)  }
0x74: {  	[tilespmem:s8], [sflag:$0x1] =	stream.linear.gather [hbm4b:s10+s2], $0x80, $0x38;
	[tilespmem:$0x19380] =	vst v63  }
0x75: {  	s7 =	sand.u32 $0x1FFFFFF0, s29;
	s6 =	sadd.s32 s3, s26;
	s30 =	spop (v2sf)  }
0x76: {  	[tilespmem:s5], [sflag:$0x1] =	stream.linear.gather [hbm4b:s6+s2], $0x80, $0x38;
	[tilespmem:$0x19380] =	vst v63  }
0x77: {  	s7 =	sadd.s32 s3, s7;
	s31 =	sand.u32 $0x1FFFFFF0, s30;
	s8 =	spop (v2sf)  }
0x78: {  	[tilespmem:s9], [sflag:$0x1] =	stream.linear.gather [hbm4b:s7+s2], $0x80, $0x38;
	[tilespmem:$0x19380] =	vst v63  }
0x79: {  	s5 =	sadd.s32 s3, s31;
	s6 =	sand.u32 $0x1FFFFFF0, s8;
	s10 =	spop (v2sf)  }
0x7a: {  	[tilespmem:s4], [sflag:$0x1] =	stream.linear.gather [hbm4b:s5+s2], $0x80, $0x38;
	[tilespmem:$0x19380] =	vst v63  }
0x7b: {  	s11 =	sand.u32 $0x1FFFFFF0, s10;
	s6 =	sadd.s32 s3, s6;
	s12 =	spop (v2sf)  }
0x7c: {  	[tilespmem:s0], [sflag:$0x1] =	stream.linear.gather [hbm4b:s6+s2], $0x80, $0x38;
	[tilespmem:$0x19380] =	vst v63  }
0x7d: {  	s13 =	sand.u32 $0x1FFFFFF0, s12;
	s14 =	spop (v2sf);
	s4 =	sadd.s32 s3, s11  }
0x7e: {  	[tilespmem:s1], [sflag:$0x1] =	stream.linear.gather [hbm4b:s4+s2], $0x80, $0x38;
	[tilespmem:$0x19380] =	vst v63  }
0x7f: {  	s26 =	sadd.s32 $0xA80, s25;
	s15 =	sand.u32 $0x1FFFFFF0, s14;
	s0 =	sadd.s32 s3, s13  }
0x80: {  	[tilespmem:s26], [sflag:$0x1] =	stream.linear.gather [hbm4b:s0+s2], $0x80, $0x38;
	[tilespmem:$0x19380] =	vst v63  }
0x81: {  	s29 =	sadd.s32 $0xB00, s25;
	s1 =	sadd.s32 s3, s15  }
0x82: {  	[tilespmem:s29], [sflag:$0x1] =	stream.linear.gather [hbm4b:s1+s2], $0x80, $0x38;
	[tilespmem:$0x19380] =	vst v63  }
0x83: {  	_ =	swait.ge [sflag:s22], $0x19000  }
0x84: {  	[sflag:s22] =	ssyncset.done $0x0  }
0x85: {  	s26 =	simm.s32 $0x0;
	s30 =	rddreg [dreg:$0x4];
	[sflag:s22] =	ssyncadd.s32 $0xFFFE7000  }
0x86: {  	[hbm4b:s30+s26] =	stream.linear.scatter [tilespmem:s23], [sflag:$0x2], $0x19000, $0x38;
	[tilespmem:$0x19380] =	vst v63  }
0x87: {  	_ =	swait.ge [sflag:s21], $0x19000  }
0x88: {  	[sflag:s21] =	ssyncset.done $0x0  }
0x89: {  	s31 =	rddreg [dreg:$0x5];
	[sflag:s21] =	ssyncadd.s32 $0xFFFE7000  }
0x8a: {  	[tilespmem:s26], [sflag:$0x2] =	stream.linear.gather [hbm4b:s31+s26], $0x320, $0x38;
	[tilespmem:$0x19380] =	vst v63  }
0x8b: {  	_ =	swait.ge [sflag:s21], $0x320  }
0x8c: {  	[sflag:s21] =	ssyncset.done $0x0  }
0x8d: {  	[sflag:s21] =	ssyncadd.s32 $0xFFFFFCE0  }
0x8e: {  	v0 =	vld [tilespmem:s26+$0x0];
	_ =	sdelay $0x4  }
0x8f: {  	v0 =	vshll.u32 v0, $0x4  }
0x90: {  	(v2sf) =	vpush v0, $0x0  }
0x91: {  	(v2sf) =	vpush v0, $0x1  }
0x92: {  	(v2sf) =	vpush v0, $0x2;
	_ =	sdelay $0x1  }
0x93: {  	(v2sf) =	vpush v0, $0x4;
	_ =	sdelay $0x1  }
0x94: {  	(v2sf) =	vpush v0, $0x3  }
0x95: {  	(v2sf) =	vpush v0, $0x5  }
0x96: {  	s28 =	simm.s32 $0x2000;
	s25 =	simm.s32 $0x0;
	(v2sf) =	vpush v0, $0x6  }
.LBB2_4:
0x97: {  	p0 =	sne.s32 s28, $0x62000  }
0x98: {  	s8 =	sadd.s32 $0x400, s25;
	s0 =	sadd.s32 $0x900, s25;
	s29 =	smov.u32 s28  }
0x99: {  	s28 =	sadd.s32 $0x2000, s28;
	s5 =	sadd.s32 $0x700, s25;
	s30 =	sadd.s32 $0x980, s25;
	(v2sf) =	vpush v0, $0x7  }
0x9a: {  	s7 =	sadd.s32 $0x600, s25;
	s4 =	sadd.s32 $0x780, s25;
	s31 =	sadd.s32 $0xA00, s25  }
0x9b: {  	s9 =	sadd.s32 $0x380, s25;
	s10 =	sadd.s32 $0x580, s25;
	(v2sf) =	vpush v0, $0x8  }
0x9c: {  	s11 =	sadd.s32 $0x680, s25;
	s26 =	sadd.s32 $0x10, s26  }
0x9d: {  	s12 =	sadd.s32 $0x480, s25;
	s1 =	sadd.s32 $0x880, s25;
	s6 =	spop (v2sf);
	(v2sf) =	vpush v0, $0x9  }
0x9e: {  	s13 =	sand.u32 $0x1FFFFFF0, s6;
	s6 =	sadd.s32 $0x800, s25;
	s14 =	spop (v2sf)  }
0x9f: {  	s13 =	sadd.s32 s3, s13;
	s14 =	sand.u32 $0x1FFFFFF0, s14;
	s15 =	spop (v2sf);
	(v2sf) =	vpush v0, $0xA  }
0xa0: {  	[tilespmem:s9], [sflag:$0x1] =	stream.linear.gather [hbm4b:s13+s2], $0x80, $0x38;
	[tilespmem:$0x19380] =	vst v63  }
0xa1: {  	s9 =	sadd.s32 s3, s14;
	s13 =	sadd.s32 $0x500, s25;
	s14 =	spop (v2sf);
	(v2sf) =	vpush v0, $0xB  }
0xa2: {  	[tilespmem:s8], [sflag:$0x1] =	stream.linear.gather [hbm4b:s9+s2], $0x80, $0x38;
	[tilespmem:$0x19380] =	vst v63  }
0xa3: {  	s8 =	sand.u32 $0x1FFFFFF0, s15;
	s9 =	sand.u32 $0x1FFFFFF0, s14;
	s14 =	spop (v2sf);
	(v2sf) =	vpush v0, $0xC  }
0xa4: {  	s8 =	sadd.s32 s3, s8;
	s14 =	sand.u32 $0x1FFFFFF0, s14;
	s15 =	spop (v2sf)  }
0xa5: {  	[tilespmem:s12], [sflag:$0x1] =	stream.linear.gather [hbm4b:s8+s2], $0x80, $0x38;
	(v2sf) =	vpush v0, $0xD;
	[tilespmem:$0x19380] =	vst v63  }
0xa6: {  	s8 =	sadd.s32 s3, s14;
	s12 =	sand.u32 $0x1FFFFFF0, s15;
	s14 =	spop (v2sf)  }
0xa7: {  	[tilespmem:s13], [sflag:$0x1] =	stream.linear.gather [hbm4b:s8+s2], $0x80, $0x38;
	(v2sf) =	vpush v0, $0xE;
	[tilespmem:$0x19380] =	vst v63  }
0xa8: {  	s8 =	sadd.s32 s3, s9;
	s9 =	sand.u32 $0x1FFFFFF0, s14;
	s13 =	spop (v2sf)  }
0xa9: {  	[tilespmem:s10], [sflag:$0x1] =	stream.linear.gather [hbm4b:s8+s2], $0x80, $0x38;
	(v2sf) =	vpush v0, $0xF;
	[tilespmem:$0x19380] =	vst v63  }
0xaa: {  	s8 =	sadd.s32 s3, s12;
	s10 =	sand.u32 $0x1FFFFFF0, s13;
	s12 =	spop (v2sf)  }
0xab: {  	[tilespmem:s7], [sflag:$0x1] =	stream.linear.gather [hbm4b:s8+s2], $0x80, $0x38;
	[tilespmem:$0x19380] =	vst v63  }
0xac: {  	s7 =	sadd.s32 s3, s9;
	s8 =	sand.u32 $0x1FFFFFF0, s12;
	s9 =	spop (v2sf)  }
0xad: {  	[tilespmem:s11], [sflag:$0x1] =	stream.linear.gather [hbm4b:s7+s2], $0x80, $0x38;
	[tilespmem:$0x19380] =	vst v63  }
0xae: {  	s7 =	sadd.s32 s3, s10;
	s9 =	sand.u32 $0x1FFFFFF0, s9;
	s10 =	spop (v2sf)  }
0xaf: {  	[tilespmem:s5], [sflag:$0x1] =	stream.linear.gather [hbm4b:s7+s2], $0x80, $0x38;
	[tilespmem:$0x19380] =	vst v63  }
0xb0: {  	s5 =	sadd.s32 s3, s8;
	s7 =	sand.u32 $0x1FFFFFF0, s10;
	s8 =	spop (v2sf)  }
0xb1: {  	[tilespmem:s4], [sflag:$0x1] =	stream.linear.gather [hbm4b:s5+s2], $0x80, $0x38;
	[tilespmem:$0x19380] =	vst v63  }
0xb2: {  	s4 =	sadd.s32 s3, s9;
	s5 =	sand.u32 $0x1FFFFFF0, s8;
	s8 =	spop (v2sf)  }
0xb3: {  	[tilespmem:s6], [sflag:$0x1] =	stream.linear.gather [hbm4b:s4+s2], $0x80, $0x38;
	[tilespmem:$0x19380] =	vst v63  }
0xb4: {  	s4 =	sadd.s32 s3, s7;
	s6 =	sand.u32 $0x1FFFFFF0, s8;
	s7 =	spop (v2sf)  }
0xb5: {  	[tilespmem:s1], [sflag:$0x1] =	stream.linear.gather [hbm4b:s4+s2], $0x80, $0x38;
	[tilespmem:$0x19380] =	vst v63  }
0xb6: {  	s1 =	sadd.s32 s3, s5;
	s4 =	sand.u32 $0x1FFFFFF0, s7;
	s5 =	spop (v2sf)  }
0xb7: {  	[tilespmem:s0], [sflag:$0x1] =	stream.linear.gather [hbm4b:s1+s2], $0x80, $0x38;
	[tilespmem:$0x19380] =	vst v63  }
0xb8: {  	s0 =	sadd.s32 s3, s6;
	s1 =	sand.u32 $0x1FFFFFF0, s5;
	s5 =	spop (v2sf)  }
0xb9: {  	[tilespmem:s30], [sflag:$0x1] =	stream.linear.gather [hbm4b:s0+s2], $0x80, $0x38;
	[tilespmem:$0x19380] =	vst v63  }
0xba: {  	s0 =	sadd.s32 s3, s4;
	s4 =	sand.u32 $0x1FFFFFF0, s5  }
0xbb: {  	[tilespmem:s31], [sflag:$0x1] =	stream.linear.gather [hbm4b:s0+s2], $0x80, $0x38;
	[tilespmem:$0x19380] =	vst v63  }
0xbc: {  	s1 =	sadd.s32 s3, s1;
	s0 =	sadd.s32 $0xA80, s25  }
0xbd: {  	[tilespmem:s0], [sflag:$0x1] =	stream.linear.gather [hbm4b:s1+s2], $0x80, $0x38;
	[tilespmem:$0x19380] =	vst v63  }
0xbe: {  	s0 =	sadd.s32 $0xB00, s25;
	s1 =	sadd.s32 s3, s4  }
0xbf: {  	[tilespmem:s0], [sflag:$0x1] =	stream.linear.gather [hbm4b:s1+s2], $0x80, $0x38;
	[tilespmem:$0x19380] =	vst v63  }
0xc0: {  	v0 =	vld [tilespmem:s26+$0x0];
	_ =	sdelay $0x4  }
0xc1: {  	v0 =	vshll.u32 v0, $0x4  }
0xc2: {  	(v2sf) =	vpush v0, $0x0  }
0xc3: {  	(v2sf) =	vpush v0, $0x1  }
0xc4: {  	(v2sf) =	vpush v0, $0x2;
	_ =	sdelay $0x1  }
0xc5: {  	(v2sf) =	vpush v0, $0x4  }
.Ltmp1:
0xc6: {  	(pc) =	sbr.rel @p0 .LBB2_4-.Ltmp1, $3  }
0xc7: {  	(v2sf) =	vpush v0, $0x3  }
0xc8: {  	(v2sf) =	vpush v0, $0x5;
	_ =	sdelay $0x1  }
0xc9: {  	s25 =	sshra.s32 s29, $0x2;
	(v2sf) =	vpush v0, $0x6  }
0xca: {  	_ =	sdelay $0x1  }
0xcb: {  	s5 =	sadd.s32 $0x400, s25;
	s4 =	sadd.s32 $0x900, s25  }
0xcc: {  	s6 =	sadd.s32 $0x700, s25;
	s0 =	sadd.s32 $0x980, s25;
	(v2sf) =	vpush v0, $0x7;
	s7 =	sadd.s32 $0x600, s25  }
0xcd: {  	s8 =	sadd.s32 $0x780, s25;
	s1 =	sadd.s32 $0xA00, s25;
	s9 =	sadd.s32 $0x380, s25  }
0xce: {  	s10 =	sadd.s32 $0x580, s25;
	s11 =	sadd.s32 $0x680, s25;
	(v2sf) =	vpush v0, $0x8;
	s12 =	spop (v2sf)  }
0xcf: {  	s13 =	sadd.s32 $0x480, s25;
	s12 =	sand.u32 $0x1FFFFFF0, s12;
	s14 =	spop (v2sf)  }
0xd0: {  	(v2sf) =	vpush v0, $0x9;
	s12 =	sadd.s32 s3, s12;
	s14 =	sand.u32 $0x1FFFFFF0, s14;
	s15 =	spop (v2sf)  }
0xd1: {  	[tilespmem:s9], [sflag:$0x1] =	stream.linear.gather [hbm4b:s12+s2], $0x80, $0x38;
	[tilespmem:$0x19380] =	vst v63  }
0xd2: {  	s26 =	sadd.s32 $0x500, s25;
	(v2sf) =	vpush v0, $0xA;
	s30 =	sadd.s32 s3, s14;
	s31 =	spop (v2sf)  }
0xd3: {  	[tilespmem:s5], [sflag:$0x1] =	stream.linear.gather [hbm4b:s30+s2], $0x80, $0x38;
	[tilespmem:$0x19380] =	vst v63  }
0xd4: {  	s9 =	sadd.s32 $0x880, s25;
	s15 =	sand.u32 $0x1FFFFFF0, s15;
	(v2sf) =	vpush v0, $0xB;
	s29 =	spop (v2sf)  }
0xd5: {  	s12 =	sadd.s32 s3, s15;
	s5 =	sadd.s32 $0x800, s25;
	s15 =	sand.u32 $0x1FFFFFF0, s29  }
0xd6: {  	(v2sf) =	vpush v0, $0xC;
	[tilespmem:s13], [sflag:$0x1] =	stream.linear.gather [hbm4b:s12+s2], $0x80, $0x38;
	[tilespmem:$0x19380] =	vst v63  }
0xd7: {  	s30 =	sand.u32 $0x1FFFFFF0, s31;
	s31 =	spop (v2sf);
	s15 =	sadd.s32 s3, s15  }
0xd8: {  	(v2sf) =	vpush v0, $0xD;
	[tilespmem:s26], [sflag:$0x1] =	stream.linear.gather [hbm4b:s15+s2], $0x80, $0x38;
	[tilespmem:$0x19380] =	vst v63  }
0xd9: {  	s12 =	sadd.s32 s3, s30;
	s13 =	sand.u32 $0x1FFFFFF0, s31;
	s26 =	spop (v2sf)  }
0xda: {  	(v2sf) =	vpush v0, $0xE;
	[tilespmem:s10], [sflag:$0x1] =	stream.linear.gather [hbm4b:s12+s2], $0x80, $0x38;
	[tilespmem:$0x19380] =	vst v63  }
0xdb: {  	s13 =	sadd.s32 s3, s13;
	s29 =	sand.u32 $0x1FFFFFF0, s26;
	s30 =	spop (v2sf)  }
0xdc: {  	(v2sf) =	vpush v0, $0xF;
	[tilespmem:s7], [sflag:$0x1] =	stream.linear.gather [hbm4b:s13+s2], $0x80, $0x38;
	[tilespmem:$0x19380] =	vst v63  }
0xdd: {  	s31 =	sand.u32 $0x1FFFFFF0, s30;
	s10 =	sadd.s32 s3, s29;
	s13 =	spop (v2sf)  }
0xde: {  	[tilespmem:s11], [sflag:$0x1] =	stream.linear.gather [hbm4b:s10+s2], $0x80, $0x38;
	[tilespmem:$0x19380] =	vst v63  }
0xdf: {  	s7 =	sadd.s32 s3, s31;
	s14 =	sand.u32 $0x1FFFFFF0, s13;
	s15 =	spop (v2sf)  }
0xe0: {  	[tilespmem:s6], [sflag:$0x1] =	stream.linear.gather [hbm4b:s7+s2], $0x80, $0x38;
	[tilespmem:$0x19380] =	vst v63  }
0xe1: {  	s10 =	sadd.s32 s3, s14;
	s26 =	sand.u32 $0x1FFFFFF0, s15;
	s29 =	spop (v2sf)  }
0xe2: {  	[tilespmem:s8], [sflag:$0x1] =	stream.linear.gather [hbm4b:s10+s2], $0x80, $0x38;
	[tilespmem:$0x19380] =	vst v63  }
0xe3: {  	s7 =	sand.u32 $0x1FFFFFF0, s29;
	s6 =	sadd.s32 s3, s26;
	s30 =	spop (v2sf)  }
0xe4: {  	[tilespmem:s5], [sflag:$0x1] =	stream.linear.gather [hbm4b:s6+s2], $0x80, $0x38;
	[tilespmem:$0x19380] =	vst v63  }
0xe5: {  	s7 =	sadd.s32 s3, s7;
	s31 =	sand.u32 $0x1FFFFFF0, s30;
	s8 =	spop (v2sf)  }
0xe6: {  	[tilespmem:s9], [sflag:$0x1] =	stream.linear.gather [hbm4b:s7+s2], $0x80, $0x38;
	[tilespmem:$0x19380] =	vst v63  }
0xe7: {  	s5 =	sadd.s32 s3, s31;
	s6 =	sand.u32 $0x1FFFFFF0, s8;
	s10 =	spop (v2sf)  }
0xe8: {  	[tilespmem:s4], [sflag:$0x1] =	stream.linear.gather [hbm4b:s5+s2], $0x80, $0x38;
	[tilespmem:$0x19380] =	vst v63  }
0xe9: {  	s11 =	sand.u32 $0x1FFFFFF0, s10;
	s6 =	sadd.s32 s3, s6;
	s12 =	spop (v2sf)  }
0xea: {  	[tilespmem:s0], [sflag:$0x1] =	stream.linear.gather [hbm4b:s6+s2], $0x80, $0x38;
	[tilespmem:$0x19380] =	vst v63  }
0xeb: {  	s13 =	sand.u32 $0x1FFFFFF0, s12;
	s14 =	spop (v2sf);
	s4 =	sadd.s32 s3, s11  }
0xec: {  	[tilespmem:s1], [sflag:$0x1] =	stream.linear.gather [hbm4b:s4+s2], $0x80, $0x38;
	[tilespmem:$0x19380] =	vst v63  }
0xed: {  	s26 =	sadd.s32 $0xA80, s25;
	s15 =	sand.u32 $0x1FFFFFF0, s14;
	s0 =	sadd.s32 s3, s13  }
0xee: {  	[tilespmem:s26], [sflag:$0x1] =	stream.linear.gather [hbm4b:s0+s2], $0x80, $0x38;
	[tilespmem:$0x19380] =	vst v63  }
0xef: {  	s29 =	sadd.s32 $0xB00, s25;
	s1 =	sadd.s32 s3, s15  }
0xf0: {  	[tilespmem:s29], [sflag:$0x1] =	stream.linear.gather [hbm4b:s1+s2], $0x80, $0x38;
	[tilespmem:$0x19380] =	vst v63  }
0xf1: {  	_ =	swait.ge [sflag:s22], $0x19000  }
0xf2: {  	[sflag:s22] =	ssyncset.done $0x0  }
0xf3: {  	s26 =	simm.s32 $0x0;
	s30 =	rddreg [dreg:$0x6];
	[sflag:s22] =	ssyncadd.s32 $0xFFFE7000  }
0xf4: {  	[hbm4b:s30+s26] =	stream.linear.scatter [tilespmem:s23], [sflag:$0x2], $0x19000, $0x38;
	[tilespmem:$0x19380] =	vst v63  }
0xf5: {  	_ =	swait.ge [sflag:s21], $0x19000  }
0xf6: {  	[sflag:s21] =	ssyncset.done $0x0  }
0xf7: {  	s31 =	rddreg [dreg:$0x7];
	[sflag:s21] =	ssyncadd.s32 $0xFFFE7000  }
0xf8: {  	[tilespmem:s26], [sflag:$0x2] =	stream.linear.gather [hbm4b:s31+s26], $0x320, $0x38;
	[tilespmem:$0x19380] =	vst v63  }
0xf9: {  	_ =	swait.ge [sflag:s21], $0x320  }
0xfa: {  	[sflag:s21] =	ssyncset.done $0x0  }
0xfb: {  	[sflag:s21] =	ssyncadd.s32 $0xFFFFFCE0  }
0xfc: {  	v0 =	vld [tilespmem:s26+$0x0];
	_ =	sdelay $0x4  }
0xfd: {  	v0 =	vshll.u32 v0, $0x4  }
0xfe: {  	(v2sf) =	vpush v0, $0x0  }
0xff: {  	(v2sf) =	vpush v0, $0x1  }
0x100: {  	(v2sf) =	vpush v0, $0x2;
	_ =	sdelay $0x1  }
0x101: {  	(v2sf) =	vpush v0, $0x4;
	_ =	sdelay $0x1  }
0x102: {  	(v2sf) =	vpush v0, $0x3  }
0x103: {  	(v2sf) =	vpush v0, $0x5  }
0x104: {  	s28 =	simm.s32 $0x2000;
	s25 =	simm.s32 $0x0;
	(v2sf) =	vpush v0, $0x6  }
.LBB2_6:
0x105: {  	p0 =	sne.s32 s28, $0x62000  }
0x106: {  	s8 =	sadd.s32 $0x400, s25;
	s0 =	sadd.s32 $0x900, s25;
	s29 =	smov.u32 s28  }
0x107: {  	s28 =	sadd.s32 $0x2000, s28;
	s5 =	sadd.s32 $0x700, s25;
	s30 =	sadd.s32 $0x980, s25;
	(v2sf) =	vpush v0, $0x7  }
0x108: {  	s7 =	sadd.s32 $0x600, s25;
	s4 =	sadd.s32 $0x780, s25;
	s31 =	sadd.s32 $0xA00, s25  }
0x109: {  	s9 =	sadd.s32 $0x380, s25;
	s10 =	sadd.s32 $0x580, s25;
	(v2sf) =	vpush v0, $0x8  }
0x10a: {  	s11 =	sadd.s32 $0x680, s25;
	s26 =	sadd.s32 $0x10, s26  }
0x10b: {  	s12 =	sadd.s32 $0x480, s25;
	s1 =	sadd.s32 $0x880, s25;
	s6 =	spop (v2sf);
	(v2sf) =	vpush v0, $0x9  }
0x10c: {  	s13 =	sand.u32 $0x1FFFFFF0, s6;
	s6 =	sadd.s32 $0x800, s25;
	s14 =	spop (v2sf)  }
0x10d: {  	s13 =	sadd.s32 s3, s13;
	s14 =	sand.u32 $0x1FFFFFF0, s14;
	s15 =	spop (v2sf);
	(v2sf) =	vpush v0, $0xA  }
0x10e: {  	[tilespmem:s9], [sflag:$0x1] =	stream.linear.gather [hbm4b:s13+s2], $0x80, $0x38;
	[tilespmem:$0x19380] =	vst v63  }
0x10f: {  	s9 =	sadd.s32 s3, s14;
	s13 =	sadd.s32 $0x500, s25;
	s14 =	spop (v2sf);
	(v2sf) =	vpush v0, $0xB  }
0x110: {  	[tilespmem:s8], [sflag:$0x1] =	stream.linear.gather [hbm4b:s9+s2], $0x80, $0x38;
	[tilespmem:$0x19380] =	vst v63  }
0x111: {  	s8 =	sand.u32 $0x1FFFFFF0, s15;
	s9 =	sand.u32 $0x1FFFFFF0, s14;
	s14 =	spop (v2sf);
	(v2sf) =	vpush v0, $0xC  }
0x112: {  	s8 =	sadd.s32 s3, s8;
	s14 =	sand.u32 $0x1FFFFFF0, s14;
	s15 =	spop (v2sf)  }
0x113: {  	[tilespmem:s12], [sflag:$0x1] =	stream.linear.gather [hbm4b:s8+s2], $0x80, $0x38;
	(v2sf) =	vpush v0, $0xD;
	[tilespmem:$0x19380] =	vst v63  }
0x114: {  	s8 =	sadd.s32 s3, s14;
	s12 =	sand.u32 $0x1FFFFFF0, s15;
	s14 =	spop (v2sf)  }
0x115: {  	[tilespmem:s13], [sflag:$0x1] =	stream.linear.gather [hbm4b:s8+s2], $0x80, $0x38;
	(v2sf) =	vpush v0, $0xE;
	[tilespmem:$0x19380] =	vst v63  }
0x116: {  	s8 =	sadd.s32 s3, s9;
	s9 =	sand.u32 $0x1FFFFFF0, s14;
	s13 =	spop (v2sf)  }
0x117: {  	[tilespmem:s10], [sflag:$0x1] =	stream.linear.gather [hbm4b:s8+s2], $0x80, $0x38;
	(v2sf) =	vpush v0, $0xF;
	[tilespmem:$0x19380] =	vst v63  }
0x118: {  	s8 =	sadd.s32 s3, s12;
	s10 =	sand.u32 $0x1FFFFFF0, s13;
	s12 =	spop (v2sf)  }
0x119: {  	[tilespmem:s7], [sflag:$0x1] =	stream.linear.gather [hbm4b:s8+s2], $0x80, $0x38;
	[tilespmem:$0x19380] =	vst v63  }
0x11a: {  	s7 =	sadd.s32 s3, s9;
	s8 =	sand.u32 $0x1FFFFFF0, s12;
	s9 =	spop (v2sf)  }
0x11b: {  	[tilespmem:s11], [sflag:$0x1] =	stream.linear.gather [hbm4b:s7+s2], $0x80, $0x38;
	[tilespmem:$0x19380] =	vst v63  }
0x11c: {  	s7 =	sadd.s32 s3, s10;
	s9 =	sand.u32 $0x1FFFFFF0, s9;
	s10 =	spop (v2sf)  }
0x11d: {  	[tilespmem:s5], [sflag:$0x1] =	stream.linear.gather [hbm4b:s7+s2], $0x80, $0x38;
	[tilespmem:$0x19380] =	vst v63  }
0x11e: {  	s5 =	sadd.s32 s3, s8;
	s7 =	sand.u32 $0x1FFFFFF0, s10;
	s8 =	spop (v2sf)  }
0x11f: {  	[tilespmem:s4], [sflag:$0x1] =	stream.linear.gather [hbm4b:s5+s2], $0x80, $0x38;
	[tilespmem:$0x19380] =	vst v63  }
0x120: {  	s4 =	sadd.s32 s3, s9;
	s5 =	sand.u32 $0x1FFFFFF0, s8;
	s8 =	spop (v2sf)  }
0x121: {  	[tilespmem:s6], [sflag:$0x1] =	stream.linear.gather [hbm4b:s4+s2], $0x80, $0x38;
	[tilespmem:$0x19380] =	vst v63  }
0x122: {  	s4 =	sadd.s32 s3, s7;
	s6 =	sand.u32 $0x1FFFFFF0, s8;
	s7 =	spop (v2sf)  }
0x123: {  	[tilespmem:s1], [sflag:$0x1] =	stream.linear.gather [hbm4b:s4+s2], $0x80, $0x38;
	[tilespmem:$0x19380] =	vst v63  }
0x124: {  	s1 =	sadd.s32 s3, s5;
	s4 =	sand.u32 $0x1FFFFFF0, s7;
	s5 =	spop (v2sf)  }
0x125: {  	[tilespmem:s0], [sflag:$0x1] =	stream.linear.gather [hbm4b:s1+s2], $0x80, $0x38;
	[tilespmem:$0x19380] =	vst v63  }
0x126: {  	s0 =	sadd.s32 s3, s6;
	s1 =	sand.u32 $0x1FFFFFF0, s5;
	s5 =	spop (v2sf)  }
0x127: {  	[tilespmem:s30], [sflag:$0x1] =	stream.linear.gather [hbm4b:s0+s2], $0x80, $0x38;
	[tilespmem:$0x19380] =	vst v63  }
0x128: {  	s0 =	sadd.s32 s3, s4;
	s4 =	sand.u32 $0x1FFFFFF0, s5  }
0x129: {  	[tilespmem:s31], [sflag:$0x1] =	stream.linear.gather [hbm4b:s0+s2], $0x80, $0x38;
	[tilespmem:$0x19380] =	vst v63  }
0x12a: {  	s1 =	sadd.s32 s3, s1;
	s0 =	sadd.s32 $0xA80, s25  }
0x12b: {  	[tilespmem:s0], [sflag:$0x1] =	stream.linear.gather [hbm4b:s1+s2], $0x80, $0x38;
	[tilespmem:$0x19380] =	vst v63  }
0x12c: {  	s0 =	sadd.s32 $0xB00, s25;
	s1 =	sadd.s32 s3, s4  }
0x12d: {  	[tilespmem:s0], [sflag:$0x1] =	stream.linear.gather [hbm4b:s1+s2], $0x80, $0x38;
	[tilespmem:$0x19380] =	vst v63  }
0x12e: {  	v0 =	vld [tilespmem:s26+$0x0];
	_ =	sdelay $0x4  }
0x12f: {  	v0 =	vshll.u32 v0, $0x4  }
0x130: {  	(v2sf) =	vpush v0, $0x0  }
0x131: {  	(v2sf) =	vpush v0, $0x1  }
0x132: {  	(v2sf) =	vpush v0, $0x2;
	_ =	sdelay $0x1  }
0x133: {  	(v2sf) =	vpush v0, $0x4  }
.Ltmp2:
0x134: {  	(pc) =	sbr.rel @p0 .LBB2_6-.Ltmp2, $3  }
0x135: {  	(v2sf) =	vpush v0, $0x3  }
0x136: {  	(v2sf) =	vpush v0, $0x5;
	_ =	sdelay $0x1  }
0x137: {  	s25 =	sshra.s32 s29, $0x2;
	(v2sf) =	vpush v0, $0x6  }
0x138: {  	_ =	sdelay $0x1  }
0x139: {  	s5 =	sadd.s32 $0x400, s25;
	s4 =	sadd.s32 $0x900, s25  }
0x13a: {  	s6 =	sadd.s32 $0x700, s25;
	s0 =	sadd.s32 $0x980, s25;
	(v2sf) =	vpush v0, $0x7;
	s7 =	sadd.s32 $0x600, s25  }
0x13b: {  	s8 =	sadd.s32 $0x780, s25;
	s1 =	sadd.s32 $0xA00, s25;
	s9 =	sadd.s32 $0x380, s25  }
0x13c: {  	s10 =	sadd.s32 $0x580, s25;
	s11 =	sadd.s32 $0x680, s25;
	(v2sf) =	vpush v0, $0x8;
	s12 =	spop (v2sf)  }
0x13d: {  	s13 =	sadd.s32 $0x480, s25;
	s12 =	sand.u32 $0x1FFFFFF0, s12;
	s14 =	spop (v2sf)  }
0x13e: {  	(v2sf) =	vpush v0, $0x9;
	s12 =	sadd.s32 s3, s12;
	s14 =	sand.u32 $0x1FFFFFF0, s14;
	s15 =	spop (v2sf)  }
0x13f: {  	[tilespmem:s9], [sflag:$0x1] =	stream.linear.gather [hbm4b:s12+s2], $0x80, $0x38;
	[tilespmem:$0x19380] =	vst v63  }
0x140: {  	s26 =	sadd.s32 $0x500, s25;
	(v2sf) =	vpush v0, $0xA;
	s30 =	sadd.s32 s3, s14;
	s31 =	spop (v2sf)  }
0x141: {  	[tilespmem:s5], [sflag:$0x1] =	stream.linear.gather [hbm4b:s30+s2], $0x80, $0x38;
	[tilespmem:$0x19380] =	vst v63  }
0x142: {  	s9 =	sadd.s32 $0x880, s25;
	s15 =	sand.u32 $0x1FFFFFF0, s15;
	(v2sf) =	vpush v0, $0xB;
	s29 =	spop (v2sf)  }
0x143: {  	s12 =	sadd.s32 s3, s15;
	s5 =	sadd.s32 $0x800, s25;
	s15 =	sand.u32 $0x1FFFFFF0, s29  }
0x144: {  	(v2sf) =	vpush v0, $0xC;
	[tilespmem:s13], [sflag:$0x1] =	stream.linear.gather [hbm4b:s12+s2], $0x80, $0x38;
	[tilespmem:$0x19380] =	vst v63  }
0x145: {  	s30 =	sand.u32 $0x1FFFFFF0, s31;
	s31 =	spop (v2sf);
	s15 =	sadd.s32 s3, s15  }
0x146: {  	(v2sf) =	vpush v0, $0xD;
	[tilespmem:s26], [sflag:$0x1] =	stream.linear.gather [hbm4b:s15+s2], $0x80, $0x38;
	[tilespmem:$0x19380] =	vst v63  }
0x147: {  	s12 =	sadd.s32 s3, s30;
	s13 =	sand.u32 $0x1FFFFFF0, s31;
	s26 =	spop (v2sf)  }
0x148: {  	(v2sf) =	vpush v0, $0xE;
	[tilespmem:s10], [sflag:$0x1] =	stream.linear.gather [hbm4b:s12+s2], $0x80, $0x38;
	[tilespmem:$0x19380] =	vst v63  }
0x149: {  	s13 =	sadd.s32 s3, s13;
	s29 =	sand.u32 $0x1FFFFFF0, s26;
	s30 =	spop (v2sf)  }
0x14a: {  	(v2sf) =	vpush v0, $0xF;
	[tilespmem:s7], [sflag:$0x1] =	stream.linear.gather [hbm4b:s13+s2], $0x80, $0x38;
	[tilespmem:$0x19380] =	vst v63  }
0x14b: {  	s31 =	sand.u32 $0x1FFFFFF0, s30;
	s10 =	sadd.s32 s3, s29;
	s13 =	spop (v2sf)  }
0x14c: {  	[tilespmem:s11], [sflag:$0x1] =	stream.linear.gather [hbm4b:s10+s2], $0x80, $0x38;
	[tilespmem:$0x19380] =	vst v63  }
0x14d: {  	s7 =	sadd.s32 s3, s31;
	s14 =	sand.u32 $0x1FFFFFF0, s13;
	s15 =	spop (v2sf)  }
0x14e: {  	[tilespmem:s6], [sflag:$0x1] =	stream.linear.gather [hbm4b:s7+s2], $0x80, $0x38;
	[tilespmem:$0x19380] =	vst v63  }
0x14f: {  	s10 =	sadd.s32 s3, s14;
	s26 =	sand.u32 $0x1FFFFFF0, s15;
	s29 =	spop (v2sf)  }
0x150: {  	[tilespmem:s8], [sflag:$0x1] =	stream.linear.gather [hbm4b:s10+s2], $0x80, $0x38;
	[tilespmem:$0x19380] =	vst v63  }
0x151: {  	s7 =	sand.u32 $0x1FFFFFF0, s29;
	s6 =	sadd.s32 s3, s26;
	s30 =	spop (v2sf)  }
0x152: {  	[tilespmem:s5], [sflag:$0x1] =	stream.linear.gather [hbm4b:s6+s2], $0x80, $0x38;
	[tilespmem:$0x19380] =	vst v63  }
0x153: {  	s7 =	sadd.s32 s3, s7;
	s31 =	sand.u32 $0x1FFFFFF0, s30;
	s8 =	spop (v2sf)  }
0x154: {  	[tilespmem:s9], [sflag:$0x1] =	stream.linear.gather [hbm4b:s7+s2], $0x80, $0x38;
	[tilespmem:$0x19380] =	vst v63  }
0x155: {  	s5 =	sadd.s32 s3, s31;
	s6 =	sand.u32 $0x1FFFFFF0, s8;
	s10 =	spop (v2sf)  }
0x156: {  	[tilespmem:s4], [sflag:$0x1] =	stream.linear.gather [hbm4b:s5+s2], $0x80, $0x38;
	[tilespmem:$0x19380] =	vst v63  }
0x157: {  	s11 =	sand.u32 $0x1FFFFFF0, s10;
	s6 =	sadd.s32 s3, s6;
	s12 =	spop (v2sf)  }
0x158: {  	[tilespmem:s0], [sflag:$0x1] =	stream.linear.gather [hbm4b:s6+s2], $0x80, $0x38;
	[tilespmem:$0x19380] =	vst v63  }
0x159: {  	s13 =	sand.u32 $0x1FFFFFF0, s12;
	s14 =	spop (v2sf);
	s4 =	sadd.s32 s3, s11  }
0x15a: {  	[tilespmem:s1], [sflag:$0x1] =	stream.linear.gather [hbm4b:s4+s2], $0x80, $0x38;
	[tilespmem:$0x19380] =	vst v63  }
0x15b: {  	s26 =	sadd.s32 $0xA80, s25;
	s15 =	sand.u32 $0x1FFFFFF0, s14;
	s0 =	sadd.s32 s3, s13  }
0x15c: {  	[tilespmem:s26], [sflag:$0x1] =	stream.linear.gather [hbm4b:s0+s2], $0x80, $0x38;
	[tilespmem:$0x19380] =	vst v63  }
0x15d: {  	s29 =	sadd.s32 $0xB00, s25;
	s1 =	sadd.s32 s3, s15  }
0x15e: {  	[tilespmem:s29], [sflag:$0x1] =	stream.linear.gather [hbm4b:s1+s2], $0x80, $0x38;
	[tilespmem:$0x19380] =	vst v63  }
0x15f: {  	_ =	swait.ge [sflag:s22], $0x19000  }
0x160: {  	[sflag:s22] =	ssyncset.done $0x0  }
0x161: {  	s26 =	simm.s32 $0x0;
	s30 =	rddreg [dreg:$0x8];
	[sflag:s22] =	ssyncadd.s32 $0xFFFE7000  }
0x162: {  	[hbm4b:s30+s26] =	stream.linear.scatter [tilespmem:s23], [sflag:$0x2], $0x19000, $0x38;
	[tilespmem:$0x19380] =	vst v63  }
0x163: {  	_ =	swait.ge [sflag:s21], $0x19000  }
0x164: {  	[sflag:s21] =	ssyncset.done $0x0  }
0x165: {  	s31 =	rddreg [dreg:$0x9];
	[sflag:s21] =	ssyncadd.s32 $0xFFFE7000  }
0x166: {  	[tilespmem:s26], [sflag:$0x2] =	stream.linear.gather [hbm4b:s31+s26], $0x320, $0x38;
	[tilespmem:$0x19380] =	vst v63  }
0x167: {  	_ =	swait.ge [sflag:s21], $0x320  }
0x168: {  	[sflag:s21] =	ssyncset.done $0x0  }
0x169: {  	[sflag:s21] =	ssyncadd.s32 $0xFFFFFCE0  }
0x16a: {  	v0 =	vld [tilespmem:s26+$0x0];
	_ =	sdelay $0x4  }
0x16b: {  	v0 =	vshll.u32 v0, $0x4  }
0x16c: {  	(v2sf) =	vpush v0, $0x0  }
0x16d: {  	(v2sf) =	vpush v0, $0x1  }
0x16e: {  	(v2sf) =	vpush v0, $0x2;
	_ =	sdelay $0x1  }
0x16f: {  	(v2sf) =	vpush v0, $0x4;
	_ =	sdelay $0x1  }
0x170: {  	(v2sf) =	vpush v0, $0x3  }
0x171: {  	(v2sf) =	vpush v0, $0x5  }
0x172: {  	s28 =	simm.s32 $0x2000;
	s25 =	simm.s32 $0x0;
	(v2sf) =	vpush v0, $0x6  }
.LBB2_8:
0x173: {  	p0 =	sne.s32 s28, $0x62000  }
0x174: {  	s8 =	sadd.s32 $0x400, s25;
	s0 =	sadd.s32 $0x900, s25;
	s29 =	smov.u32 s28  }
0x175: {  	s28 =	sadd.s32 $0x2000, s28;
	s5 =	sadd.s32 $0x700, s25;
	s30 =	sadd.s32 $0x980, s25;
	(v2sf) =	vpush v0, $0x7  }
0x176: {  	s7 =	sadd.s32 $0x600, s25;
	s4 =	sadd.s32 $0x780, s25;
	s31 =	sadd.s32 $0xA00, s25  }
0x177: {  	s9 =	sadd.s32 $0x380, s25;
	s10 =	sadd.s32 $0x580, s25;
	(v2sf) =	vpush v0, $0x8  }
0x178: {  	s11 =	sadd.s32 $0x680, s25;
	s26 =	sadd.s32 $0x10, s26  }
0x179: {  	s12 =	sadd.s32 $0x480, s25;
	s1 =	sadd.s32 $0x880, s25;
	s6 =	spop (v2sf);
	(v2sf) =	vpush v0, $0x9  }
0x17a: {  	s13 =	sand.u32 $0x1FFFFFF0, s6;
	s6 =	sadd.s32 $0x800, s25;
	s14 =	spop (v2sf)  }
0x17b: {  	s13 =	sadd.s32 s3, s13;
	s14 =	sand.u32 $0x1FFFFFF0, s14;
	s15 =	spop (v2sf);
	(v2sf) =	vpush v0, $0xA  }
0x17c: {  	[tilespmem:s9], [sflag:$0x1] =	stream.linear.gather [hbm4b:s13+s2], $0x80, $0x38;
	[tilespmem:$0x19380] =	vst v63  }
0x17d: {  	s9 =	sadd.s32 s3, s14;
	s13 =	sadd.s32 $0x500, s25;
	s14 =	spop (v2sf);
	(v2sf) =	vpush v0, $0xB  }
0x17e: {  	[tilespmem:s8], [sflag:$0x1] =	stream.linear.gather [hbm4b:s9+s2], $0x80, $0x38;
	[tilespmem:$0x19380] =	vst v63  }
0x17f: {  	s8 =	sand.u32 $0x1FFFFFF0, s15;
	s9 =	sand.u32 $0x1FFFFFF0, s14;
	s14 =	spop (v2sf);
	(v2sf) =	vpush v0, $0xC  }
0x180: {  	s8 =	sadd.s32 s3, s8;
	s14 =	sand.u32 $0x1FFFFFF0, s14;
	s15 =	spop (v2sf)  }
0x181: {  	[tilespmem:s12], [sflag:$0x1] =	stream.linear.gather [hbm4b:s8+s2], $0x80, $0x38;
	(v2sf) =	vpush v0, $0xD;
	[tilespmem:$0x19380] =	vst v63  }
0x182: {  	s8 =	sadd.s32 s3, s14;
	s12 =	sand.u32 $0x1FFFFFF0, s15;
	s14 =	spop (v2sf)  }
0x183: {  	[tilespmem:s13], [sflag:$0x1] =	stream.linear.gather [hbm4b:s8+s2], $0x80, $0x38;
	(v2sf) =	vpush v0, $0xE;
	[tilespmem:$0x19380] =	vst v63  }
0x184: {  	s8 =	sadd.s32 s3, s9;
	s9 =	sand.u32 $0x1FFFFFF0, s14;
	s13 =	spop (v2sf)  }
0x185: {  	[tilespmem:s10], [sflag:$0x1] =	stream.linear.gather [hbm4b:s8+s2], $0x80, $0x38;
	(v2sf) =	vpush v0, $0xF;
	[tilespmem:$0x19380] =	vst v63  }
0x186: {  	s8 =	sadd.s32 s3, s12;
	s10 =	sand.u32 $0x1FFFFFF0, s13;
	s12 =	spop (v2sf)  }
0x187: {  	[tilespmem:s7], [sflag:$0x1] =	stream.linear.gather [hbm4b:s8+s2], $0x80, $0x38;
	[tilespmem:$0x19380] =	vst v63  }
0x188: {  	s7 =	sadd.s32 s3, s9;
	s8 =	sand.u32 $0x1FFFFFF0, s12;
	s9 =	spop (v2sf)  }
0x189: {  	[tilespmem:s11], [sflag:$0x1] =	stream.linear.gather [hbm4b:s7+s2], $0x80, $0x38;
	[tilespmem:$0x19380] =	vst v63  }
0x18a: {  	s7 =	sadd.s32 s3, s10;
	s9 =	sand.u32 $0x1FFFFFF0, s9;
	s10 =	spop (v2sf)  }
0x18b: {  	[tilespmem:s5], [sflag:$0x1] =	stream.linear.gather [hbm4b:s7+s2], $0x80, $0x38;
	[tilespmem:$0x19380] =	vst v63  }
0x18c: {  	s5 =	sadd.s32 s3, s8;
	s7 =	sand.u32 $0x1FFFFFF0, s10;
	s8 =	spop (v2sf)  }
0x18d: {  	[tilespmem:s4], [sflag:$0x1] =	stream.linear.gather [hbm4b:s5+s2], $0x80, $0x38;
	[tilespmem:$0x19380] =	vst v63  }
0x18e: {  	s4 =	sadd.s32 s3, s9;
	s5 =	sand.u32 $0x1FFFFFF0, s8;
	s8 =	spop (v2sf)  }
0x18f: {  	[tilespmem:s6], [sflag:$0x1] =	stream.linear.gather [hbm4b:s4+s2], $0x80, $0x38;
	[tilespmem:$0x19380] =	vst v63  }
0x190: {  	s4 =	sadd.s32 s3, s7;
	s6 =	sand.u32 $0x1FFFFFF0, s8;
	s7 =	spop (v2sf)  }
0x191: {  	[tilespmem:s1], [sflag:$0x1] =	stream.linear.gather [hbm4b:s4+s2], $0x80, $0x38;
	[tilespmem:$0x19380] =	vst v63  }
0x192: {  	s1 =	sadd.s32 s3, s5;
	s4 =	sand.u32 $0x1FFFFFF0, s7;
	s5 =	spop (v2sf)  }
0x193: {  	[tilespmem:s0], [sflag:$0x1] =	stream.linear.gather [hbm4b:s1+s2], $0x80, $0x38;
	[tilespmem:$0x19380] =	vst v63  }
0x194: {  	s0 =	sadd.s32 s3, s6;
	s1 =	sand.u32 $0x1FFFFFF0, s5;
	s5 =	spop (v2sf)  }
0x195: {  	[tilespmem:s30], [sflag:$0x1] =	stream.linear.gather [hbm4b:s0+s2], $0x80, $0x38;
	[tilespmem:$0x19380] =	vst v63  }
0x196: {  	s0 =	sadd.s32 s3, s4;
	s4 =	sand.u32 $0x1FFFFFF0, s5  }
0x197: {  	[tilespmem:s31], [sflag:$0x1] =	stream.linear.gather [hbm4b:s0+s2], $0x80, $0x38;
	[tilespmem:$0x19380] =	vst v63  }
0x198: {  	s1 =	sadd.s32 s3, s1;
	s0 =	sadd.s32 $0xA80, s25  }
0x199: {  	[tilespmem:s0], [sflag:$0x1] =	stream.linear.gather [hbm4b:s1+s2], $0x80, $0x38;
	[tilespmem:$0x19380] =	vst v63  }
0x19a: {  	s0 =	sadd.s32 $0xB00, s25;
	s1 =	sadd.s32 s3, s4  }
0x19b: {  	[tilespmem:s0], [sflag:$0x1] =	stream.linear.gather [hbm4b:s1+s2], $0x80, $0x38;
	[tilespmem:$0x19380] =	vst v63  }
0x19c: {  	v0 =	vld [tilespmem:s26+$0x0];
	_ =	sdelay $0x4  }
0x19d: {  	v0 =	vshll.u32 v0, $0x4  }
0x19e: {  	(v2sf) =	vpush v0, $0x0  }
0x19f: {  	(v2sf) =	vpush v0, $0x1  }
0x1a0: {  	(v2sf) =	vpush v0, $0x2;
	_ =	sdelay $0x1  }
0x1a1: {  	(v2sf) =	vpush v0, $0x4  }
.Ltmp3:
0x1a2: {  	(pc) =	sbr.rel @p0 .LBB2_8-.Ltmp3, $3  }
0x1a3: {  	(v2sf) =	vpush v0, $0x3  }
0x1a4: {  	(v2sf) =	vpush v0, $0x5;
	_ =	sdelay $0x1  }
0x1a5: {  	s25 =	sshra.s32 s29, $0x2;
	(v2sf) =	vpush v0, $0x6  }
0x1a6: {  	_ =	sdelay $0x1  }
0x1a7: {  	s5 =	sadd.s32 $0x400, s25;
	s4 =	sadd.s32 $0x900, s25  }
0x1a8: {  	s6 =	sadd.s32 $0x700, s25;
	s0 =	sadd.s32 $0x980, s25;
	(v2sf) =	vpush v0, $0x7;
	s7 =	sadd.s32 $0x600, s25  }
0x1a9: {  	s8 =	sadd.s32 $0x780, s25;
	s1 =	sadd.s32 $0xA00, s25;
	s9 =	sadd.s32 $0x380, s25  }
0x1aa: {  	s10 =	sadd.s32 $0x580, s25;
	s11 =	sadd.s32 $0x680, s25;
	(v2sf) =	vpush v0, $0x8;
	s12 =	spop (v2sf)  }
0x1ab: {  	s13 =	sadd.s32 $0x480, s25;
	s12 =	sand.u32 $0x1FFFFFF0, s12;
	s14 =	spop (v2sf)  }
0x1ac: {  	(v2sf) =	vpush v0, $0x9;
	s12 =	sadd.s32 s3, s12;
	s14 =	sand.u32 $0x1FFFFFF0, s14;
	s15 =	spop (v2sf)  }
0x1ad: {  	[tilespmem:s9], [sflag:$0x1] =	stream.linear.gather [hbm4b:s12+s2], $0x80, $0x38;
	[tilespmem:$0x19380] =	vst v63  }
0x1ae: {  	s26 =	sadd.s32 $0x500, s25;
	(v2sf) =	vpush v0, $0xA;
	s30 =	sadd.s32 s3, s14;
	s31 =	spop (v2sf)  }
0x1af: {  	[tilespmem:s5], [sflag:$0x1] =	stream.linear.gather [hbm4b:s30+s2], $0x80, $0x38;
	[tilespmem:$0x19380] =	vst v63  }
0x1b0: {  	s9 =	sadd.s32 $0x880, s25;
	s15 =	sand.u32 $0x1FFFFFF0, s15;
	(v2sf) =	vpush v0, $0xB;
	s29 =	spop (v2sf)  }
0x1b1: {  	s12 =	sadd.s32 s3, s15;
	s5 =	sadd.s32 $0x800, s25;
	s15 =	sand.u32 $0x1FFFFFF0, s29  }
0x1b2: {  	(v2sf) =	vpush v0, $0xC;
	[tilespmem:s13], [sflag:$0x1] =	stream.linear.gather [hbm4b:s12+s2], $0x80, $0x38;
	[tilespmem:$0x19380] =	vst v63  }
0x1b3: {  	s30 =	sand.u32 $0x1FFFFFF0, s31;
	s31 =	spop (v2sf);
	s15 =	sadd.s32 s3, s15  }
0x1b4: {  	(v2sf) =	vpush v0, $0xD;
	[tilespmem:s26], [sflag:$0x1] =	stream.linear.gather [hbm4b:s15+s2], $0x80, $0x38;
	[tilespmem:$0x19380] =	vst v63  }
0x1b5: {  	s12 =	sadd.s32 s3, s30;
	s13 =	sand.u32 $0x1FFFFFF0, s31;
	s26 =	spop (v2sf)  }
0x1b6: {  	(v2sf) =	vpush v0, $0xE;
	[tilespmem:s10], [sflag:$0x1] =	stream.linear.gather [hbm4b:s12+s2], $0x80, $0x38;
	[tilespmem:$0x19380] =	vst v63  }
0x1b7: {  	s13 =	sadd.s32 s3, s13;
	s29 =	sand.u32 $0x1FFFFFF0, s26;
	s30 =	spop (v2sf)  }
0x1b8: {  	(v2sf) =	vpush v0, $0xF;
	[tilespmem:s7], [sflag:$0x1] =	stream.linear.gather [hbm4b:s13+s2], $0x80, $0x38;
	[tilespmem:$0x19380] =	vst v63  }
0x1b9: {  	s31 =	sand.u32 $0x1FFFFFF0, s30;
	s10 =	sadd.s32 s3, s29;
	s13 =	spop (v2sf)  }
0x1ba: {  	[tilespmem:s11], [sflag:$0x1] =	stream.linear.gather [hbm4b:s10+s2], $0x80, $0x38;
	[tilespmem:$0x19380] =	vst v63  }
0x1bb: {  	s7 =	sadd.s32 s3, s31;
	s14 =	sand.u32 $0x1FFFFFF0, s13;
	s15 =	spop (v2sf)  }
0x1bc: {  	[tilespmem:s6], [sflag:$0x1] =	stream.linear.gather [hbm4b:s7+s2], $0x80, $0x38;
	[tilespmem:$0x19380] =	vst v63  }
0x1bd: {  	s10 =	sadd.s32 s3, s14;
	s26 =	sand.u32 $0x1FFFFFF0, s15;
	s29 =	spop (v2sf)  }
0x1be: {  	[tilespmem:s8], [sflag:$0x1] =	stream.linear.gather [hbm4b:s10+s2], $0x80, $0x38;
	[tilespmem:$0x19380] =	vst v63  }
0x1bf: {  	s7 =	sand.u32 $0x1FFFFFF0, s29;
	s6 =	sadd.s32 s3, s26;
	s30 =	spop (v2sf)  }
0x1c0: {  	[tilespmem:s5], [sflag:$0x1] =	stream.linear.gather [hbm4b:s6+s2], $0x80, $0x38;
	[tilespmem:$0x19380] =	vst v63  }
0x1c1: {  	s7 =	sadd.s32 s3, s7;
	s31 =	sand.u32 $0x1FFFFFF0, s30;
	s8 =	spop (v2sf)  }
0x1c2: {  	[tilespmem:s9], [sflag:$0x1] =	stream.linear.gather [hbm4b:s7+s2], $0x80, $0x38;
	[tilespmem:$0x19380] =	vst v63  }
0x1c3: {  	s5 =	sadd.s32 s3, s31;
	s6 =	sand.u32 $0x1FFFFFF0, s8;
	s10 =	spop (v2sf)  }
0x1c4: {  	[tilespmem:s4], [sflag:$0x1] =	stream.linear.gather [hbm4b:s5+s2], $0x80, $0x38;
	[tilespmem:$0x19380] =	vst v63  }
0x1c5: {  	s11 =	sand.u32 $0x1FFFFFF0, s10;
	s6 =	sadd.s32 s3, s6;
	s12 =	spop (v2sf)  }
0x1c6: {  	[tilespmem:s0], [sflag:$0x1] =	stream.linear.gather [hbm4b:s6+s2], $0x80, $0x38;
	[tilespmem:$0x19380] =	vst v63  }
0x1c7: {  	s13 =	sand.u32 $0x1FFFFFF0, s12;
	s14 =	spop (v2sf);
	s4 =	sadd.s32 s3, s11  }
0x1c8: {  	[tilespmem:s1], [sflag:$0x1] =	stream.linear.gather [hbm4b:s4+s2], $0x80, $0x38;
	[tilespmem:$0x19380] =	vst v63  }
0x1c9: {  	s26 =	sadd.s32 $0xA80, s25;
	s15 =	sand.u32 $0x1FFFFFF0, s14;
	s0 =	sadd.s32 s3, s13  }
0x1ca: {  	[tilespmem:s26], [sflag:$0x1] =	stream.linear.gather [hbm4b:s0+s2], $0x80, $0x38;
	[tilespmem:$0x19380] =	vst v63  }
0x1cb: {  	s29 =	sadd.s32 $0xB00, s25;
	s1 =	sadd.s32 s3, s15  }
0x1cc: {  	[tilespmem:s29], [sflag:$0x1] =	stream.linear.gather [hbm4b:s1+s2], $0x80, $0x38;
	[tilespmem:$0x19380] =	vst v63  }
0x1cd: {  	_ =	swait.ge [sflag:s22], $0x19000  }
0x1ce: {  	[sflag:s22] =	ssyncset.done $0x0  }
0x1cf: {  	s26 =	simm.s32 $0x0;
	s30 =	rddreg [dreg:$0xa];
	[sflag:s22] =	ssyncadd.s32 $0xFFFE7000  }
0x1d0: {  	[hbm4b:s30+s26] =	stream.linear.scatter [tilespmem:s23], [sflag:$0x2], $0x19000, $0x38;
	[tilespmem:$0x19380] =	vst v63  }
0x1d1: {  	_ =	swait.ge [sflag:s21], $0x19000  }
0x1d2: {  	[sflag:s21] =	ssyncset.done $0x0  }
0x1d3: {  	s31 =	rddreg [dreg:$0xb];
	[sflag:s21] =	ssyncadd.s32 $0xFFFE7000  }
0x1d4: {  	[tilespmem:s26], [sflag:$0x2] =	stream.linear.gather [hbm4b:s31+s26], $0x320, $0x38;
	[tilespmem:$0x19380] =	vst v63  }
0x1d5: {  	_ =	swait.ge [sflag:s21], $0x320  }
0x1d6: {  	[sflag:s21] =	ssyncset.done $0x0  }
0x1d7: {  	[sflag:s21] =	ssyncadd.s32 $0xFFFFFCE0  }
0x1d8: {  	v0 =	vld [tilespmem:s26+$0x0];
	_ =	sdelay $0x4  }
0x1d9: {  	v0 =	vshll.u32 v0, $0x4  }
0x1da: {  	(v2sf) =	vpush v0, $0x0  }
0x1db: {  	(v2sf) =	vpush v0, $0x1  }
0x1dc: {  	(v2sf) =	vpush v0, $0x2;
	_ =	sdelay $0x1  }
0x1dd: {  	(v2sf) =	vpush v0, $0x4;
	_ =	sdelay $0x1  }
0x1de: {  	(v2sf) =	vpush v0, $0x3  }
0x1df: {  	(v2sf) =	vpush v0, $0x5  }
0x1e0: {  	s28 =	simm.s32 $0x2000;
	s25 =	simm.s32 $0x0;
	(v2sf) =	vpush v0, $0x6  }
.LBB2_10:
0x1e1: {  	p0 =	sne.s32 s28, $0x62000  }
0x1e2: {  	s8 =	sadd.s32 $0x400, s25;
	s0 =	sadd.s32 $0x900, s25;
	s29 =	smov.u32 s28  }
0x1e3: {  	s28 =	sadd.s32 $0x2000, s28;
	s5 =	sadd.s32 $0x700, s25;
	s30 =	sadd.s32 $0x980, s25;
	(v2sf) =	vpush v0, $0x7  }
0x1e4: {  	s7 =	sadd.s32 $0x600, s25;
	s4 =	sadd.s32 $0x780, s25;
	s31 =	sadd.s32 $0xA00, s25  }
0x1e5: {  	s9 =	sadd.s32 $0x380, s25;
	s10 =	sadd.s32 $0x580, s25;
	(v2sf) =	vpush v0, $0x8  }
0x1e6: {  	s11 =	sadd.s32 $0x680, s25;
	s26 =	sadd.s32 $0x10, s26  }
0x1e7: {  	s12 =	sadd.s32 $0x480, s25;
	s1 =	sadd.s32 $0x880, s25;
	s6 =	spop (v2sf);
	(v2sf) =	vpush v0, $0x9  }
0x1e8: {  	s13 =	sand.u32 $0x1FFFFFF0, s6;
	s6 =	sadd.s32 $0x800, s25;
	s14 =	spop (v2sf)  }
0x1e9: {  	s13 =	sadd.s32 s3, s13;
	s14 =	sand.u32 $0x1FFFFFF0, s14;
	s15 =	spop (v2sf);
	(v2sf) =	vpush v0, $0xA  }
0x1ea: {  	[tilespmem:s9], [sflag:$0x1] =	stream.linear.gather [hbm4b:s13+s2], $0x80, $0x38;
	[tilespmem:$0x19380] =	vst v63  }
0x1eb: {  	s9 =	sadd.s32 s3, s14;
	s13 =	sadd.s32 $0x500, s25;
	s14 =	spop (v2sf);
	(v2sf) =	vpush v0, $0xB  }
0x1ec: {  	[tilespmem:s8], [sflag:$0x1] =	stream.linear.gather [hbm4b:s9+s2], $0x80, $0x38;
	[tilespmem:$0x19380] =	vst v63  }
0x1ed: {  	s8 =	sand.u32 $0x1FFFFFF0, s15;
	s9 =	sand.u32 $0x1FFFFFF0, s14;
	s14 =	spop (v2sf);
	(v2sf) =	vpush v0, $0xC  }
0x1ee: {  	s8 =	sadd.s32 s3, s8;
	s14 =	sand.u32 $0x1FFFFFF0, s14;
	s15 =	spop (v2sf)  }
0x1ef: {  	[tilespmem:s12], [sflag:$0x1] =	stream.linear.gather [hbm4b:s8+s2], $0x80, $0x38;
	(v2sf) =	vpush v0, $0xD;
	[tilespmem:$0x19380] =	vst v63  }
0x1f0: {  	s8 =	sadd.s32 s3, s14;
	s12 =	sand.u32 $0x1FFFFFF0, s15;
	s14 =	spop (v2sf)  }
0x1f1: {  	[tilespmem:s13], [sflag:$0x1] =	stream.linear.gather [hbm4b:s8+s2], $0x80, $0x38;
	(v2sf) =	vpush v0, $0xE;
	[tilespmem:$0x19380] =	vst v63  }
0x1f2: {  	s8 =	sadd.s32 s3, s9;
	s9 =	sand.u32 $0x1FFFFFF0, s14;
	s13 =	spop (v2sf)  }
0x1f3: {  	[tilespmem:s10], [sflag:$0x1] =	stream.linear.gather [hbm4b:s8+s2], $0x80, $0x38;
	(v2sf) =	vpush v0, $0xF;
	[tilespmem:$0x19380] =	vst v63  }
0x1f4: {  	s8 =	sadd.s32 s3, s12;
	s10 =	sand.u32 $0x1FFFFFF0, s13;
	s12 =	spop (v2sf)  }
0x1f5: {  	[tilespmem:s7], [sflag:$0x1] =	stream.linear.gather [hbm4b:s8+s2], $0x80, $0x38;
	[tilespmem:$0x19380] =	vst v63  }
0x1f6: {  	s7 =	sadd.s32 s3, s9;
	s8 =	sand.u32 $0x1FFFFFF0, s12;
	s9 =	spop (v2sf)  }
0x1f7: {  	[tilespmem:s11], [sflag:$0x1] =	stream.linear.gather [hbm4b:s7+s2], $0x80, $0x38;
	[tilespmem:$0x19380] =	vst v63  }
0x1f8: {  	s7 =	sadd.s32 s3, s10;
	s9 =	sand.u32 $0x1FFFFFF0, s9;
	s10 =	spop (v2sf)  }
0x1f9: {  	[tilespmem:s5], [sflag:$0x1] =	stream.linear.gather [hbm4b:s7+s2], $0x80, $0x38;
	[tilespmem:$0x19380] =	vst v63  }
0x1fa: {  	s5 =	sadd.s32 s3, s8;
	s7 =	sand.u32 $0x1FFFFFF0, s10;
	s8 =	spop (v2sf)  }
0x1fb: {  	[tilespmem:s4], [sflag:$0x1] =	stream.linear.gather [hbm4b:s5+s2], $0x80, $0x38;
	[tilespmem:$0x19380] =	vst v63  }
0x1fc: {  	s4 =	sadd.s32 s3, s9;
	s5 =	sand.u32 $0x1FFFFFF0, s8;
	s8 =	spop (v2sf)  }
0x1fd: {  	[tilespmem:s6], [sflag:$0x1] =	stream.linear.gather [hbm4b:s4+s2], $0x80, $0x38;
	[tilespmem:$0x19380] =	vst v63  }
0x1fe: {  	s4 =	sadd.s32 s3, s7;
	s6 =	sand.u32 $0x1FFFFFF0, s8;
	s7 =	spop (v2sf)  }
0x1ff: {  	[tilespmem:s1], [sflag:$0x1] =	stream.linear.gather [hbm4b:s4+s2], $0x80, $0x38;
	[tilespmem:$0x19380] =	vst v63  }
0x200: {  	s1 =	sadd.s32 s3, s5;
	s4 =	sand.u32 $0x1FFFFFF0, s7;
	s5 =	spop (v2sf)  }
0x201: {  	[tilespmem:s0], [sflag:$0x1] =	stream.linear.gather [hbm4b:s1+s2], $0x80, $0x38;
	[tilespmem:$0x19380] =	vst v63  }
0x202: {  	s0 =	sadd.s32 s3, s6;
	s1 =	sand.u32 $0x1FFFFFF0, s5;
	s5 =	spop (v2sf)  }
0x203: {  	[tilespmem:s30], [sflag:$0x1] =	stream.linear.gather [hbm4b:s0+s2], $0x80, $0x38;
	[tilespmem:$0x19380] =	vst v63  }
0x204: {  	s0 =	sadd.s32 s3, s4;
	s4 =	sand.u32 $0x1FFFFFF0, s5  }
0x205: {  	[tilespmem:s31], [sflag:$0x1] =	stream.linear.gather [hbm4b:s0+s2], $0x80, $0x38;
	[tilespmem:$0x19380] =	vst v63  }
0x206: {  	s1 =	sadd.s32 s3, s1;
	s0 =	sadd.s32 $0xA80, s25  }
0x207: {  	[tilespmem:s0], [sflag:$0x1] =	stream.linear.gather [hbm4b:s1+s2], $0x80, $0x38;
	[tilespmem:$0x19380] =	vst v63  }
0x208: {  	s0 =	sadd.s32 $0xB00, s25;
	s1 =	sadd.s32 s3, s4  }
0x209: {  	[tilespmem:s0], [sflag:$0x1] =	stream.linear.gather [hbm4b:s1+s2], $0x80, $0x38;
	[tilespmem:$0x19380] =	vst v63  }
0x20a: {  	v0 =	vld [tilespmem:s26+$0x0];
	_ =	sdelay $0x4  }
0x20b: {  	v0 =	vshll.u32 v0, $0x4  }
0x20c: {  	(v2sf) =	vpush v0, $0x0  }
0x20d: {  	(v2sf) =	vpush v0, $0x1  }
0x20e: {  	(v2sf) =	vpush v0, $0x2;
	_ =	sdelay $0x1  }
0x20f: {  	(v2sf) =	vpush v0, $0x4  }
.Ltmp4:
0x210: {  	(pc) =	sbr.rel @p0 .LBB2_10-.Ltmp4, $3  }
0x211: {  	(v2sf) =	vpush v0, $0x3  }
0x212: {  	(v2sf) =	vpush v0, $0x5;
	_ =	sdelay $0x1  }
0x213: {  	s25 =	sshra.s32 s29, $0x2;
	(v2sf) =	vpush v0, $0x6  }
0x214: {  	_ =	sdelay $0x1  }
0x215: {  	s5 =	sadd.s32 $0x400, s25;
	s4 =	sadd.s32 $0x900, s25  }
0x216: {  	s6 =	sadd.s32 $0x700, s25;
	s0 =	sadd.s32 $0x980, s25;
	(v2sf) =	vpush v0, $0x7;
	s7 =	sadd.s32 $0x600, s25  }
0x217: {  	s8 =	sadd.s32 $0x780, s25;
	s1 =	sadd.s32 $0xA00, s25;
	s9 =	sadd.s32 $0x380, s25  }
0x218: {  	s10 =	sadd.s32 $0x580, s25;
	s11 =	sadd.s32 $0x680, s25;
	(v2sf) =	vpush v0, $0x8;
	s12 =	spop (v2sf)  }
0x219: {  	s13 =	sadd.s32 $0x480, s25;
	s12 =	sand.u32 $0x1FFFFFF0, s12;
	s14 =	spop (v2sf)  }
0x21a: {  	(v2sf) =	vpush v0, $0x9;
	s12 =	sadd.s32 s3, s12;
	s14 =	sand.u32 $0x1FFFFFF0, s14;
	s15 =	spop (v2sf)  }
0x21b: {  	[tilespmem:s9], [sflag:$0x1] =	stream.linear.gather [hbm4b:s12+s2], $0x80, $0x38;
	[tilespmem:$0x19380] =	vst v63  }
0x21c: {  	s26 =	sadd.s32 $0x500, s25;
	(v2sf) =	vpush v0, $0xA;
	s30 =	sadd.s32 s3, s14;
	s31 =	spop (v2sf)  }
0x21d: {  	[tilespmem:s5], [sflag:$0x1] =	stream.linear.gather [hbm4b:s30+s2], $0x80, $0x38;
	[tilespmem:$0x19380] =	vst v63  }
0x21e: {  	s9 =	sadd.s32 $0x880, s25;
	s15 =	sand.u32 $0x1FFFFFF0, s15;
	(v2sf) =	vpush v0, $0xB;
	s29 =	spop (v2sf)  }
0x21f: {  	s12 =	sadd.s32 s3, s15;
	s5 =	sadd.s32 $0x800, s25;
	s15 =	sand.u32 $0x1FFFFFF0, s29  }
0x220: {  	(v2sf) =	vpush v0, $0xC;
	[tilespmem:s13], [sflag:$0x1] =	stream.linear.gather [hbm4b:s12+s2], $0x80, $0x38;
	[tilespmem:$0x19380] =	vst v63  }
0x221: {  	s30 =	sand.u32 $0x1FFFFFF0, s31;
	s31 =	spop (v2sf);
	s15 =	sadd.s32 s3, s15  }
0x222: {  	(v2sf) =	vpush v0, $0xD;
	[tilespmem:s26], [sflag:$0x1] =	stream.linear.gather [hbm4b:s15+s2], $0x80, $0x38;
	[tilespmem:$0x19380] =	vst v63  }
0x223: {  	s12 =	sadd.s32 s3, s30;
	s13 =	sand.u32 $0x1FFFFFF0, s31;
	s26 =	spop (v2sf)  }
0x224: {  	(v2sf) =	vpush v0, $0xE;
	[tilespmem:s10], [sflag:$0x1] =	stream.linear.gather [hbm4b:s12+s2], $0x80, $0x38;
	[tilespmem:$0x19380] =	vst v63  }
0x225: {  	s13 =	sadd.s32 s3, s13;
	s29 =	sand.u32 $0x1FFFFFF0, s26;
	s30 =	spop (v2sf)  }
0x226: {  	(v2sf) =	vpush v0, $0xF;
	[tilespmem:s7], [sflag:$0x1] =	stream.linear.gather [hbm4b:s13+s2], $0x80, $0x38;
	[tilespmem:$0x19380] =	vst v63  }
0x227: {  	s31 =	sand.u32 $0x1FFFFFF0, s30;
	s10 =	sadd.s32 s3, s29;
	s13 =	spop (v2sf)  }
0x228: {  	[tilespmem:s11], [sflag:$0x1] =	stream.linear.gather [hbm4b:s10+s2], $0x80, $0x38;
	[tilespmem:$0x19380] =	vst v63  }
0x229: {  	s7 =	sadd.s32 s3, s31;
	s14 =	sand.u32 $0x1FFFFFF0, s13;
	s15 =	spop (v2sf)  }
0x22a: {  	[tilespmem:s6], [sflag:$0x1] =	stream.linear.gather [hbm4b:s7+s2], $0x80, $0x38;
	[tilespmem:$0x19380] =	vst v63  }
0x22b: {  	s10 =	sadd.s32 s3, s14;
	s26 =	sand.u32 $0x1FFFFFF0, s15;
	s29 =	spop (v2sf)  }
0x22c: {  	[tilespmem:s8], [sflag:$0x1] =	stream.linear.gather [hbm4b:s10+s2], $0x80, $0x38;
	[tilespmem:$0x19380] =	vst v63  }
0x22d: {  	s7 =	sand.u32 $0x1FFFFFF0, s29;
	s6 =	sadd.s32 s3, s26;
	s30 =	spop (v2sf)  }
0x22e: {  	[tilespmem:s5], [sflag:$0x1] =	stream.linear.gather [hbm4b:s6+s2], $0x80, $0x38;
	[tilespmem:$0x19380] =	vst v63  }
0x22f: {  	s7 =	sadd.s32 s3, s7;
	s31 =	sand.u32 $0x1FFFFFF0, s30;
	s8 =	spop (v2sf)  }
0x230: {  	[tilespmem:s9], [sflag:$0x1] =	stream.linear.gather [hbm4b:s7+s2], $0x80, $0x38;
	[tilespmem:$0x19380] =	vst v63  }
0x231: {  	s5 =	sadd.s32 s3, s31;
	s6 =	sand.u32 $0x1FFFFFF0, s8;
	s10 =	spop (v2sf)  }
0x232: {  	[tilespmem:s4], [sflag:$0x1] =	stream.linear.gather [hbm4b:s5+s2], $0x80, $0x38;
	[tilespmem:$0x19380] =	vst v63  }
0x233: {  	s11 =	sand.u32 $0x1FFFFFF0, s10;
	s6 =	sadd.s32 s3, s6;
	s12 =	spop (v2sf)  }
0x234: {  	[tilespmem:s0], [sflag:$0x1] =	stream.linear.gather [hbm4b:s6+s2], $0x80, $0x38;
	[tilespmem:$0x19380] =	vst v63  }
0x235: {  	s13 =	sand.u32 $0x1FFFFFF0, s12;
	s14 =	spop (v2sf);
	s4 =	sadd.s32 s3, s11  }
0x236: {  	[tilespmem:s1], [sflag:$0x1] =	stream.linear.gather [hbm4b:s4+s2], $0x80, $0x38;
	[tilespmem:$0x19380] =	vst v63  }
0x237: {  	s26 =	sadd.s32 $0xA80, s25;
	s15 =	sand.u32 $0x1FFFFFF0, s14;
	s0 =	sadd.s32 s3, s13  }
0x238: {  	[tilespmem:s26], [sflag:$0x1] =	stream.linear.gather [hbm4b:s0+s2], $0x80, $0x38;
	[tilespmem:$0x19380] =	vst v63  }
0x239: {  	s29 =	sadd.s32 $0xB00, s25;
	s1 =	sadd.s32 s3, s15  }
0x23a: {  	[tilespmem:s29], [sflag:$0x1] =	stream.linear.gather [hbm4b:s1+s2], $0x80, $0x38;
	[tilespmem:$0x19380] =	vst v63  }
0x23b: {  	_ =	swait.ge [sflag:s22], $0x19000  }
0x23c: {  	[sflag:s22] =	ssyncset.done $0x0  }
0x23d: {  	s26 =	simm.s32 $0x0;
	s30 =	rddreg [dreg:$0xc];
	[sflag:s22] =	ssyncadd.s32 $0xFFFE7000  }
0x23e: {  	[hbm4b:s30+s26] =	stream.linear.scatter [tilespmem:s23], [sflag:$0x2], $0x19000, $0x38;
	[tilespmem:$0x19380] =	vst v63  }
0x23f: {  	_ =	swait.ge [sflag:s21], $0x19000  }
0x240: {  	[sflag:s21] =	ssyncset.done $0x0  }
0x241: {  	s31 =	rddreg [dreg:$0xd];
	[sflag:s21] =	ssyncadd.s32 $0xFFFE7000  }
0x242: {  	[tilespmem:s26], [sflag:$0x2] =	stream.linear.gather [hbm4b:s31+s26], $0x320, $0x38;
	[tilespmem:$0x19380] =	vst v63  }
0x243: {  	_ =	swait.ge [sflag:s21], $0x320  }
0x244: {  	[sflag:s21] =	ssyncset.done $0x0  }
0x245: {  	[sflag:s21] =	ssyncadd.s32 $0xFFFFFCE0  }
0x246: {  	v0 =	vld [tilespmem:s26+$0x0];
	_ =	sdelay $0x4  }
0x247: {  	v0 =	vshll.u32 v0, $0x4  }
0x248: {  	(v2sf) =	vpush v0, $0x0  }
0x249: {  	(v2sf) =	vpush v0, $0x1  }
0x24a: {  	(v2sf) =	vpush v0, $0x2;
	_ =	sdelay $0x1  }
0x24b: {  	(v2sf) =	vpush v0, $0x4;
	_ =	sdelay $0x1  }
0x24c: {  	(v2sf) =	vpush v0, $0x3  }
0x24d: {  	(v2sf) =	vpush v0, $0x5  }
0x24e: {  	s28 =	simm.s32 $0x2000;
	s25 =	simm.s32 $0x0;
	(v2sf) =	vpush v0, $0x6  }
.LBB2_12:
0x24f: {  	p0 =	sne.s32 s28, $0x62000  }
0x250: {  	s8 =	sadd.s32 $0x400, s25;
	s0 =	sadd.s32 $0x900, s25;
	s29 =	smov.u32 s28  }
0x251: {  	s28 =	sadd.s32 $0x2000, s28;
	s5 =	sadd.s32 $0x700, s25;
	s30 =	sadd.s32 $0x980, s25;
	(v2sf) =	vpush v0, $0x7  }
0x252: {  	s7 =	sadd.s32 $0x600, s25;
	s4 =	sadd.s32 $0x780, s25;
	s31 =	sadd.s32 $0xA00, s25  }
0x253: {  	s9 =	sadd.s32 $0x380, s25;
	s10 =	sadd.s32 $0x580, s25;
	(v2sf) =	vpush v0, $0x8  }
0x254: {  	s11 =	sadd.s32 $0x680, s25;
	s26 =	sadd.s32 $0x10, s26  }
0x255: {  	s12 =	sadd.s32 $0x480, s25;
	s1 =	sadd.s32 $0x880, s25;
	s6 =	spop (v2sf);
	(v2sf) =	vpush v0, $0x9  }
0x256: {  	s13 =	sand.u32 $0x1FFFFFF0, s6;
	s6 =	sadd.s32 $0x800, s25;
	s14 =	spop (v2sf)  }
0x257: {  	s13 =	sadd.s32 s3, s13;
	s14 =	sand.u32 $0x1FFFFFF0, s14;
	s15 =	spop (v2sf);
	(v2sf) =	vpush v0, $0xA  }
0x258: {  	[tilespmem:s9], [sflag:$0x1] =	stream.linear.gather [hbm4b:s13+s2], $0x80, $0x38;
	[tilespmem:$0x19380] =	vst v63  }
0x259: {  	s9 =	sadd.s32 s3, s14;
	s13 =	sadd.s32 $0x500, s25;
	s14 =	spop (v2sf);
	(v2sf) =	vpush v0, $0xB  }
0x25a: {  	[tilespmem:s8], [sflag:$0x1] =	stream.linear.gather [hbm4b:s9+s2], $0x80, $0x38;
	[tilespmem:$0x19380] =	vst v63  }
0x25b: {  	s8 =	sand.u32 $0x1FFFFFF0, s15;
	s9 =	sand.u32 $0x1FFFFFF0, s14;
	s14 =	spop (v2sf);
	(v2sf) =	vpush v0, $0xC  }
0x25c: {  	s8 =	sadd.s32 s3, s8;
	s14 =	sand.u32 $0x1FFFFFF0, s14;
	s15 =	spop (v2sf)  }
0x25d: {  	[tilespmem:s12], [sflag:$0x1] =	stream.linear.gather [hbm4b:s8+s2], $0x80, $0x38;
	(v2sf) =	vpush v0, $0xD;
	[tilespmem:$0x19380] =	vst v63  }
0x25e: {  	s8 =	sadd.s32 s3, s14;
	s12 =	sand.u32 $0x1FFFFFF0, s15;
	s14 =	spop (v2sf)  }
0x25f: {  	[tilespmem:s13], [sflag:$0x1] =	stream.linear.gather [hbm4b:s8+s2], $0x80, $0x38;
	(v2sf) =	vpush v0, $0xE;
	[tilespmem:$0x19380] =	vst v63  }
0x260: {  	s8 =	sadd.s32 s3, s9;
	s9 =	sand.u32 $0x1FFFFFF0, s14;
	s13 =	spop (v2sf)  }
0x261: {  	[tilespmem:s10], [sflag:$0x1] =	stream.linear.gather [hbm4b:s8+s2], $0x80, $0x38;
	(v2sf) =	vpush v0, $0xF;
	[tilespmem:$0x19380] =	vst v63  }
0x262: {  	s8 =	sadd.s32 s3, s12;
	s10 =	sand.u32 $0x1FFFFFF0, s13;
	s12 =	spop (v2sf)  }
0x263: {  	[tilespmem:s7], [sflag:$0x1] =	stream.linear.gather [hbm4b:s8+s2], $0x80, $0x38;
	[tilespmem:$0x19380] =	vst v63  }
0x264: {  	s7 =	sadd.s32 s3, s9;
	s8 =	sand.u32 $0x1FFFFFF0, s12;
	s9 =	spop (v2sf)  }
0x265: {  	[tilespmem:s11], [sflag:$0x1] =	stream.linear.gather [hbm4b:s7+s2], $0x80, $0x38;
	[tilespmem:$0x19380] =	vst v63  }
0x266: {  	s7 =	sadd.s32 s3, s10;
	s9 =	sand.u32 $0x1FFFFFF0, s9;
	s10 =	spop (v2sf)  }
0x267: {  	[tilespmem:s5], [sflag:$0x1] =	stream.linear.gather [hbm4b:s7+s2], $0x80, $0x38;
	[tilespmem:$0x19380] =	vst v63  }
0x268: {  	s5 =	sadd.s32 s3, s8;
	s7 =	sand.u32 $0x1FFFFFF0, s10;
	s8 =	spop (v2sf)  }
0x269: {  	[tilespmem:s4], [sflag:$0x1] =	stream.linear.gather [hbm4b:s5+s2], $0x80, $0x38;
	[tilespmem:$0x19380] =	vst v63  }
0x26a: {  	s4 =	sadd.s32 s3, s9;
	s5 =	sand.u32 $0x1FFFFFF0, s8;
	s8 =	spop (v2sf)  }
0x26b: {  	[tilespmem:s6], [sflag:$0x1] =	stream.linear.gather [hbm4b:s4+s2], $0x80, $0x38;
	[tilespmem:$0x19380] =	vst v63  }
0x26c: {  	s4 =	sadd.s32 s3, s7;
	s6 =	sand.u32 $0x1FFFFFF0, s8;
	s7 =	spop (v2sf)  }
0x26d: {  	[tilespmem:s1], [sflag:$0x1] =	stream.linear.gather [hbm4b:s4+s2], $0x80, $0x38;
	[tilespmem:$0x19380] =	vst v63  }
0x26e: {  	s1 =	sadd.s32 s3, s5;
	s4 =	sand.u32 $0x1FFFFFF0, s7;
	s5 =	spop (v2sf)  }
0x26f: {  	[tilespmem:s0], [sflag:$0x1] =	stream.linear.gather [hbm4b:s1+s2], $0x80, $0x38;
	[tilespmem:$0x19380] =	vst v63  }
0x270: {  	s0 =	sadd.s32 s3, s6;
	s1 =	sand.u32 $0x1FFFFFF0, s5;
	s5 =	spop (v2sf)  }
0x271: {  	[tilespmem:s30], [sflag:$0x1] =	stream.linear.gather [hbm4b:s0+s2], $0x80, $0x38;
	[tilespmem:$0x19380] =	vst v63  }
0x272: {  	s0 =	sadd.s32 s3, s4;
	s4 =	sand.u32 $0x1FFFFFF0, s5  }
0x273: {  	[tilespmem:s31], [sflag:$0x1] =	stream.linear.gather [hbm4b:s0+s2], $0x80, $0x38;
	[tilespmem:$0x19380] =	vst v63  }
0x274: {  	s1 =	sadd.s32 s3, s1;
	s0 =	sadd.s32 $0xA80, s25  }
0x275: {  	[tilespmem:s0], [sflag:$0x1] =	stream.linear.gather [hbm4b:s1+s2], $0x80, $0x38;
	[tilespmem:$0x19380] =	vst v63  }
0x276: {  	s0 =	sadd.s32 $0xB00, s25;
	s1 =	sadd.s32 s3, s4  }
0x277: {  	[tilespmem:s0], [sflag:$0x1] =	stream.linear.gather [hbm4b:s1+s2], $0x80, $0x38;
	[tilespmem:$0x19380] =	vst v63  }
0x278: {  	v0 =	vld [tilespmem:s26+$0x0];
	_ =	sdelay $0x4  }
0x279: {  	v0 =	vshll.u32 v0, $0x4  }
0x27a: {  	(v2sf) =	vpush v0, $0x0  }
0x27b: {  	(v2sf) =	vpush v0, $0x1  }
0x27c: {  	(v2sf) =	vpush v0, $0x2;
	_ =	sdelay $0x1  }
0x27d: {  	(v2sf) =	vpush v0, $0x4  }
.Ltmp5:
0x27e: {  	(pc) =	sbr.rel @p0 .LBB2_12-.Ltmp5, $3  }
0x27f: {  	(v2sf) =	vpush v0, $0x3  }
0x280: {  	(v2sf) =	vpush v0, $0x5;
	_ =	sdelay $0x1  }
0x281: {  	s25 =	sshra.s32 s29, $0x2;
	(v2sf) =	vpush v0, $0x6  }
0x282: {  	_ =	sdelay $0x1  }
0x283: {  	s5 =	sadd.s32 $0x400, s25;
	s4 =	sadd.s32 $0x900, s25  }
0x284: {  	s6 =	sadd.s32 $0x700, s25;
	s0 =	sadd.s32 $0x980, s25;
	(v2sf) =	vpush v0, $0x7;
	s7 =	sadd.s32 $0x600, s25  }
0x285: {  	s8 =	sadd.s32 $0x780, s25;
	s1 =	sadd.s32 $0xA00, s25;
	s9 =	sadd.s32 $0x380, s25  }
0x286: {  	s10 =	sadd.s32 $0x580, s25;
	s11 =	sadd.s32 $0x680, s25;
	(v2sf) =	vpush v0, $0x8;
	s12 =	spop (v2sf)  }
0x287: {  	s13 =	sadd.s32 $0x480, s25;
	s12 =	sand.u32 $0x1FFFFFF0, s12;
	s14 =	spop (v2sf)  }
0x288: {  	(v2sf) =	vpush v0, $0x9;
	s12 =	sadd.s32 s3, s12;
	s14 =	sand.u32 $0x1FFFFFF0, s14;
	s15 =	spop (v2sf)  }
0x289: {  	[tilespmem:s9], [sflag:$0x1] =	stream.linear.gather [hbm4b:s12+s2], $0x80, $0x38;
	[tilespmem:$0x19380] =	vst v63  }
0x28a: {  	s26 =	sadd.s32 $0x500, s25;
	(v2sf) =	vpush v0, $0xA;
	s30 =	sadd.s32 s3, s14;
	s31 =	spop (v2sf)  }
0x28b: {  	[tilespmem:s5], [sflag:$0x1] =	stream.linear.gather [hbm4b:s30+s2], $0x80, $0x38;
	[tilespmem:$0x19380] =	vst v63  }
0x28c: {  	s9 =	sadd.s32 $0x880, s25;
	s15 =	sand.u32 $0x1FFFFFF0, s15;
	(v2sf) =	vpush v0, $0xB;
	s29 =	spop (v2sf)  }
0x28d: {  	s12 =	sadd.s32 s3, s15;
	s5 =	sadd.s32 $0x800, s25;
	s15 =	sand.u32 $0x1FFFFFF0, s29  }
0x28e: {  	(v2sf) =	vpush v0, $0xC;
	[tilespmem:s13], [sflag:$0x1] =	stream.linear.gather [hbm4b:s12+s2], $0x80, $0x38;
	[tilespmem:$0x19380] =	vst v63  }
0x28f: {  	s30 =	sand.u32 $0x1FFFFFF0, s31;
	s31 =	spop (v2sf);
	s15 =	sadd.s32 s3, s15  }
0x290: {  	(v2sf) =	vpush v0, $0xD;
	[tilespmem:s26], [sflag:$0x1] =	stream.linear.gather [hbm4b:s15+s2], $0x80, $0x38;
	[tilespmem:$0x19380] =	vst v63  }
0x291: {  	s12 =	sadd.s32 s3, s30;
	s13 =	sand.u32 $0x1FFFFFF0, s31;
	s29 =	spop (v2sf)  }
0x292: {  	(v2sf) =	vpush v0, $0xE;
	[tilespmem:s10], [sflag:$0x1] =	stream.linear.gather [hbm4b:s12+s2], $0x80, $0x38;
	[tilespmem:$0x19380] =	vst v63  }
0x293: {  	s13 =	sadd.s32 s3, s13;
	s30 =	sand.u32 $0x1FFFFFF0, s29;
	s31 =	spop (v2sf)  }
0x294: {  	(v2sf) =	vpush v0, $0xF;
	[tilespmem:s7], [sflag:$0x1] =	stream.linear.gather [hbm4b:s13+s2], $0x80, $0x38;
	[tilespmem:$0x19380] =	vst v63  }
0x295: {  	s14 =	spop (v2sf);
	s10 =	sadd.s32 s3, s30;
	s13 =	sand.u32 $0x1FFFFFF0, s31  }
0x296: {  	[tilespmem:s11], [sflag:$0x1] =	stream.linear.gather [hbm4b:s10+s2], $0x80, $0x38;
	[tilespmem:$0x19380] =	vst v63  }
0x297: {  	s15 =	sand.u32 $0x1FFFFFF0, s14;
	s7 =	sadd.s32 s3, s13;
	s26 =	spop (v2sf)  }
0x298: {  	[tilespmem:s6], [sflag:$0x1] =	stream.linear.gather [hbm4b:s7+s2], $0x80, $0x38;
	[tilespmem:$0x19380] =	vst v63  }
0x299: {  	s10 =	sadd.s32 s3, s15;
	s29 =	sand.u32 $0x1FFFFFF0, s26;
	s30 =	spop (v2sf)  }
0x29a: {  	[tilespmem:s8], [sflag:$0x1] =	stream.linear.gather [hbm4b:s10+s2], $0x80, $0x38;
	[tilespmem:$0x19380] =	vst v63  }
0x29b: {  	s7 =	sand.u32 $0x1FFFFFF0, s30;
	s6 =	sadd.s32 s3, s29;
	s31 =	spop (v2sf)  }
0x29c: {  	[tilespmem:s5], [sflag:$0x1] =	stream.linear.gather [hbm4b:s6+s2], $0x80, $0x38;
	[tilespmem:$0x19380] =	vst v63  }
0x29d: {  	s7 =	sadd.s32 s3, s7;
	s8 =	sand.u32 $0x1FFFFFF0, s31;
	s10 =	spop (v2sf)  }
0x29e: {  	[tilespmem:s9], [sflag:$0x1] =	stream.linear.gather [hbm4b:s7+s2], $0x80, $0x38;
	[tilespmem:$0x19380] =	vst v63  }
0x29f: {  	s5 =	sadd.s32 s3, s8;
	s6 =	sand.u32 $0x1FFFFFF0, s10;
	s11 =	spop (v2sf)  }
0x2a0: {  	[tilespmem:s4], [sflag:$0x1] =	stream.linear.gather [hbm4b:s5+s2], $0x80, $0x38;
	[tilespmem:$0x19380] =	vst v63  }
0x2a1: {  	s12 =	sand.u32 $0x1FFFFFF0, s11;
	s6 =	sadd.s32 s3, s6;
	s13 =	spop (v2sf)  }
0x2a2: {  	[tilespmem:s0], [sflag:$0x1] =	stream.linear.gather [hbm4b:s6+s2], $0x80, $0x38;
	[tilespmem:$0x19380] =	vst v63  }
0x2a3: {  	s14 =	sand.u32 $0x1FFFFFF0, s13;
	s15 =	spop (v2sf);
	s4 =	sadd.s32 s3, s12  }
0x2a4: {  	[tilespmem:s1], [sflag:$0x1] =	stream.linear.gather [hbm4b:s4+s2], $0x80, $0x38;
	[tilespmem:$0x19380] =	vst v63  }
0x2a5: {  	s29 =	sadd.s32 $0xA80, s25;
	s26 =	sand.u32 $0x1FFFFFF0, s15;
	s0 =	sadd.s32 s3, s14  }
0x2a6: {  	[tilespmem:s29], [sflag:$0x1] =	stream.linear.gather [hbm4b:s0+s2], $0x80, $0x38;
	[tilespmem:$0x19380] =	vst v63  }
0x2a7: {  	s30 =	sadd.s32 $0xB00, s25;
	s1 =	sadd.s32 s3, s26  }
0x2a8: {  	[tilespmem:s30], [sflag:$0x1] =	stream.linear.gather [hbm4b:s1+s2], $0x80, $0x38;
	[tilespmem:$0x19380] =	vst v63  }
0x2a9: {  	_ =	swait.ge [sflag:s22], $0x19000  }
0x2aa: {  	[sflag:s22] =	ssyncset.done $0x0  }
0x2ab: {  	s26 =	simm.s32 $0x0;
	s31 =	rddreg [dreg:$0xe];
	[sflag:s22] =	ssyncadd.s32 $0xFFFE7000  }
0x2ac: {  	[hbm4b:s31+s26] =	stream.linear.scatter [tilespmem:s23], [sflag:$0x2], $0x19000, $0x38;
	[tilespmem:$0x19380] =	vst v63  }
0x2ad: {  	_ =	swait.ge [sflag:s21], $0x19000  }
0x2ae: {  	[sflag:s21] =	ssyncset.done $0x0  }
0x2af: {  	[sflag:s21] =	ssyncadd.s32 $0xFFFE7000  }
0x2b0: {  	[tilespmem:s26], [sflag:$0x2] =	stream.linear.gather [hbm4b:s16+s26], $0x320, $0x38;
	[tilespmem:$0x19380] =	vst v63  }
0x2b1: {  	_ =	swait.ge [sflag:s21], $0x320  }
0x2b2: {  	[sflag:s21] =	ssyncset.done $0x0  }
0x2b3: {  	[sflag:s21] =	ssyncadd.s32 $0xFFFFFCE0  }
0x2b4: {  	v0 =	vld [tilespmem:s26+$0x0];
	_ =	sdelay $0x4  }
0x2b5: {  	v0 =	vshll.u32 v0, $0x4  }
0x2b6: {  	(v2sf) =	vpush v0, $0x0  }
0x2b7: {  	(v2sf) =	vpush v0, $0x1  }
0x2b8: {  	(v2sf) =	vpush v0, $0x2;
	_ =	sdelay $0x1  }
0x2b9: {  	(v2sf) =	vpush v0, $0x4;
	_ =	sdelay $0x1  }
0x2ba: {  	(v2sf) =	vpush v0, $0x3  }
0x2bb: {  	(v2sf) =	vpush v0, $0x5  }
0x2bc: {  	s28 =	simm.s32 $0x2000;
	s25 =	simm.s32 $0x0;
	(v2sf) =	vpush v0, $0x6  }
.LBB2_14:
0x2bd: {  	p0 =	sne.s32 s28, $0x62000  }
0x2be: {  	s8 =	sadd.s32 $0x400, s25;
	s0 =	sadd.s32 $0x900, s25;
	s29 =	smov.u32 s28  }
0x2bf: {  	s28 =	sadd.s32 $0x2000, s28;
	s5 =	sadd.s32 $0x700, s25;
	s30 =	sadd.s32 $0x980, s25;
	(v2sf) =	vpush v0, $0x7  }
0x2c0: {  	s7 =	sadd.s32 $0x600, s25;
	s4 =	sadd.s32 $0x780, s25;
	s31 =	sadd.s32 $0xA00, s25  }
0x2c1: {  	s9 =	sadd.s32 $0x380, s25;
	s10 =	sadd.s32 $0x580, s25;
	(v2sf) =	vpush v0, $0x8  }
0x2c2: {  	s11 =	sadd.s32 $0x680, s25;
	s26 =	sadd.s32 $0x10, s26  }
0x2c3: {  	s12 =	sadd.s32 $0x480, s25;
	s1 =	sadd.s32 $0x880, s25;
	s6 =	spop (v2sf);
	(v2sf) =	vpush v0, $0x9  }
0x2c4: {  	s13 =	sand.u32 $0x1FFFFFF0, s6;
	s6 =	sadd.s32 $0x800, s25;
	s14 =	spop (v2sf)  }
0x2c5: {  	s13 =	sadd.s32 s3, s13;
	s14 =	sand.u32 $0x1FFFFFF0, s14;
	s15 =	spop (v2sf);
	(v2sf) =	vpush v0, $0xA  }
0x2c6: {  	[tilespmem:s9], [sflag:$0x1] =	stream.linear.gather [hbm4b:s13+s2], $0x80, $0x38;
	[tilespmem:$0x19380] =	vst v63  }
0x2c7: {  	s9 =	sadd.s32 s3, s14;
	s13 =	sadd.s32 $0x500, s25;
	s14 =	spop (v2sf);
	(v2sf) =	vpush v0, $0xB  }
0x2c8: {  	[tilespmem:s8], [sflag:$0x1] =	stream.linear.gather [hbm4b:s9+s2], $0x80, $0x38;
	[tilespmem:$0x19380] =	vst v63  }
0x2c9: {  	s8 =	sand.u32 $0x1FFFFFF0, s15;
	s9 =	sand.u32 $0x1FFFFFF0, s14;
	s14 =	spop (v2sf);
	(v2sf) =	vpush v0, $0xC  }
0x2ca: {  	s8 =	sadd.s32 s3, s8;
	s14 =	sand.u32 $0x1FFFFFF0, s14;
	s15 =	spop (v2sf)  }
0x2cb: {  	[tilespmem:s12], [sflag:$0x1] =	stream.linear.gather [hbm4b:s8+s2], $0x80, $0x38;
	(v2sf) =	vpush v0, $0xD;
	[tilespmem:$0x19380] =	vst v63  }
0x2cc: {  	s8 =	sadd.s32 s3, s14;
	s12 =	sand.u32 $0x1FFFFFF0, s15;
	s14 =	spop (v2sf)  }
0x2cd: {  	[tilespmem:s13], [sflag:$0x1] =	stream.linear.gather [hbm4b:s8+s2], $0x80, $0x38;
	(v2sf) =	vpush v0, $0xE;
	[tilespmem:$0x19380] =	vst v63  }
0x2ce: {  	s8 =	sadd.s32 s3, s9;
	s9 =	sand.u32 $0x1FFFFFF0, s14;
	s13 =	spop (v2sf)  }
0x2cf: {  	[tilespmem:s10], [sflag:$0x1] =	stream.linear.gather [hbm4b:s8+s2], $0x80, $0x38;
	(v2sf) =	vpush v0, $0xF;
	[tilespmem:$0x19380] =	vst v63  }
0x2d0: {  	s8 =	sadd.s32 s3, s12;
	s10 =	sand.u32 $0x1FFFFFF0, s13;
	s12 =	spop (v2sf)  }
0x2d1: {  	[tilespmem:s7], [sflag:$0x1] =	stream.linear.gather [hbm4b:s8+s2], $0x80, $0x38;
	[tilespmem:$0x19380] =	vst v63  }
0x2d2: {  	s7 =	sadd.s32 s3, s9;
	s8 =	sand.u32 $0x1FFFFFF0, s12;
	s9 =	spop (v2sf)  }
0x2d3: {  	[tilespmem:s11], [sflag:$0x1] =	stream.linear.gather [hbm4b:s7+s2], $0x80, $0x38;
	[tilespmem:$0x19380] =	vst v63  }
0x2d4: {  	s7 =	sadd.s32 s3, s10;
	s9 =	sand.u32 $0x1FFFFFF0, s9;
	s10 =	spop (v2sf)  }
0x2d5: {  	[tilespmem:s5], [sflag:$0x1] =	stream.linear.gather [hbm4b:s7+s2], $0x80, $0x38;
	[tilespmem:$0x19380] =	vst v63  }
0x2d6: {  	s5 =	sadd.s32 s3, s8;
	s7 =	sand.u32 $0x1FFFFFF0, s10;
	s8 =	spop (v2sf)  }
0x2d7: {  	[tilespmem:s4], [sflag:$0x1] =	stream.linear.gather [hbm4b:s5+s2], $0x80, $0x38;
	[tilespmem:$0x19380] =	vst v63  }
0x2d8: {  	s4 =	sadd.s32 s3, s9;
	s5 =	sand.u32 $0x1FFFFFF0, s8;
	s8 =	spop (v2sf)  }
0x2d9: {  	[tilespmem:s6], [sflag:$0x1] =	stream.linear.gather [hbm4b:s4+s2], $0x80, $0x38;
	[tilespmem:$0x19380] =	vst v63  }
0x2da: {  	s4 =	sadd.s32 s3, s7;
	s6 =	sand.u32 $0x1FFFFFF0, s8;
	s7 =	spop (v2sf)  }
0x2db: {  	[tilespmem:s1], [sflag:$0x1] =	stream.linear.gather [hbm4b:s4+s2], $0x80, $0x38;
	[tilespmem:$0x19380] =	vst v63  }
0x2dc: {  	s1 =	sadd.s32 s3, s5;
	s4 =	sand.u32 $0x1FFFFFF0, s7;
	s5 =	spop (v2sf)  }
0x2dd: {  	[tilespmem:s0], [sflag:$0x1] =	stream.linear.gather [hbm4b:s1+s2], $0x80, $0x38;
	[tilespmem:$0x19380] =	vst v63  }
0x2de: {  	s0 =	sadd.s32 s3, s6;
	s1 =	sand.u32 $0x1FFFFFF0, s5;
	s5 =	spop (v2sf)  }
0x2df: {  	[tilespmem:s30], [sflag:$0x1] =	stream.linear.gather [hbm4b:s0+s2], $0x80, $0x38;
	[tilespmem:$0x19380] =	vst v63  }
0x2e0: {  	s0 =	sadd.s32 s3, s4;
	s4 =	sand.u32 $0x1FFFFFF0, s5  }
0x2e1: {  	[tilespmem:s31], [sflag:$0x1] =	stream.linear.gather [hbm4b:s0+s2], $0x80, $0x38;
	[tilespmem:$0x19380] =	vst v63  }
0x2e2: {  	s1 =	sadd.s32 s3, s1;
	s0 =	sadd.s32 $0xA80, s25  }
0x2e3: {  	[tilespmem:s0], [sflag:$0x1] =	stream.linear.gather [hbm4b:s1+s2], $0x80, $0x38;
	[tilespmem:$0x19380] =	vst v63  }
0x2e4: {  	s0 =	sadd.s32 $0xB00, s25;
	s1 =	sadd.s32 s3, s4  }
0x2e5: {  	[tilespmem:s0], [sflag:$0x1] =	stream.linear.gather [hbm4b:s1+s2], $0x80, $0x38;
	[tilespmem:$0x19380] =	vst v63  }
0x2e6: {  	v0 =	vld [tilespmem:s26+$0x0];
	_ =	sdelay $0x4  }
0x2e7: {  	v0 =	vshll.u32 v0, $0x4  }
0x2e8: {  	(v2sf) =	vpush v0, $0x0  }
0x2e9: {  	(v2sf) =	vpush v0, $0x1  }
0x2ea: {  	(v2sf) =	vpush v0, $0x2;
	_ =	sdelay $0x1  }
0x2eb: {  	(v2sf) =	vpush v0, $0x4  }
.Ltmp6:
0x2ec: {  	(pc) =	sbr.rel @p0 .LBB2_14-.Ltmp6, $3  }
0x2ed: {  	(v2sf) =	vpush v0, $0x3  }
0x2ee: {  	(v2sf) =	vpush v0, $0x5;
	_ =	sdelay $0x1  }
0x2ef: {  	s25 =	sshra.s32 s29, $0x2;
	(v2sf) =	vpush v0, $0x6  }
0x2f0: {  	_ =	sdelay $0x1  }
0x2f1: {  	s5 =	sadd.s32 $0x400, s25;
	s4 =	sadd.s32 $0x900, s25  }
0x2f2: {  	s6 =	sadd.s32 $0x700, s25;
	s0 =	sadd.s32 $0x980, s25;
	(v2sf) =	vpush v0, $0x7;
	s7 =	sadd.s32 $0x600, s25  }
0x2f3: {  	s8 =	sadd.s32 $0x780, s25;
	s1 =	sadd.s32 $0xA00, s25;
	s9 =	sadd.s32 $0x380, s25  }
0x2f4: {  	s10 =	sadd.s32 $0x580, s25;
	s11 =	sadd.s32 $0x680, s25;
	(v2sf) =	vpush v0, $0x8;
	s12 =	spop (v2sf)  }
0x2f5: {  	s13 =	sadd.s32 $0x480, s25;
	s12 =	sand.u32 $0x1FFFFFF0, s12;
	s14 =	spop (v2sf)  }
0x2f6: {  	(v2sf) =	vpush v0, $0x9;
	s12 =	sadd.s32 s3, s12;
	s14 =	sand.u32 $0x1FFFFFF0, s14;
	s15 =	spop (v2sf)  }
0x2f7: {  	[tilespmem:s9], [sflag:$0x1] =	stream.linear.gather [hbm4b:s12+s2], $0x80, $0x38;
	[tilespmem:$0x19380] =	vst v63  }
0x2f8: {  	s26 =	sadd.s32 $0x500, s25;
	(v2sf) =	vpush v0, $0xA;
	s30 =	sadd.s32 s3, s14;
	s31 =	spop (v2sf)  }
0x2f9: {  	[tilespmem:s5], [sflag:$0x1] =	stream.linear.gather [hbm4b:s30+s2], $0x80, $0x38;
	[tilespmem:$0x19380] =	vst v63  }
0x2fa: {  	s9 =	sadd.s32 $0x880, s25;
	s15 =	sand.u32 $0x1FFFFFF0, s15;
	(v2sf) =	vpush v0, $0xB;
	s29 =	spop (v2sf)  }
0x2fb: {  	s12 =	sadd.s32 s3, s15;
	s5 =	sadd.s32 $0x800, s25;
	s15 =	sand.u32 $0x1FFFFFF0, s29  }
0x2fc: {  	(v2sf) =	vpush v0, $0xC;
	[tilespmem:s13], [sflag:$0x1] =	stream.linear.gather [hbm4b:s12+s2], $0x80, $0x38;
	[tilespmem:$0x19380] =	vst v63  }
0x2fd: {  	s30 =	sand.u32 $0x1FFFFFF0, s31;
	s31 =	spop (v2sf);
	s15 =	sadd.s32 s3, s15  }
0x2fe: {  	(v2sf) =	vpush v0, $0xD;
	[tilespmem:s26], [sflag:$0x1] =	stream.linear.gather [hbm4b:s15+s2], $0x80, $0x38;
	[tilespmem:$0x19380] =	vst v63  }
0x2ff: {  	s12 =	sadd.s32 s3, s30;
	s13 =	sand.u32 $0x1FFFFFF0, s31;
	s29 =	spop (v2sf)  }
0x300: {  	(v2sf) =	vpush v0, $0xE;
	[tilespmem:s10], [sflag:$0x1] =	stream.linear.gather [hbm4b:s12+s2], $0x80, $0x38;
	[tilespmem:$0x19380] =	vst v63  }
0x301: {  	s13 =	sadd.s32 s3, s13;
	s30 =	sand.u32 $0x1FFFFFF0, s29;
	s31 =	spop (v2sf)  }
0x302: {  	(v2sf) =	vpush v0, $0xF;
	[tilespmem:s7], [sflag:$0x1] =	stream.linear.gather [hbm4b:s13+s2], $0x80, $0x38;
	[tilespmem:$0x19380] =	vst v63  }
0x303: {  	s14 =	spop (v2sf);
	s10 =	sadd.s32 s3, s30;
	s13 =	sand.u32 $0x1FFFFFF0, s31  }
0x304: {  	[tilespmem:s11], [sflag:$0x1] =	stream.linear.gather [hbm4b:s10+s2], $0x80, $0x38;
	[tilespmem:$0x19380] =	vst v63  }
0x305: {  	s15 =	sand.u32 $0x1FFFFFF0, s14;
	s7 =	sadd.s32 s3, s13;
	s26 =	spop (v2sf)  }
0x306: {  	[tilespmem:s6], [sflag:$0x1] =	stream.linear.gather [hbm4b:s7+s2], $0x80, $0x38;
	[tilespmem:$0x19380] =	vst v63  }
0x307: {  	s10 =	sadd.s32 s3, s15;
	s29 =	sand.u32 $0x1FFFFFF0, s26;
	s30 =	spop (v2sf)  }
0x308: {  	[tilespmem:s8], [sflag:$0x1] =	stream.linear.gather [hbm4b:s10+s2], $0x80, $0x38;
	[tilespmem:$0x19380] =	vst v63  }
0x309: {  	s7 =	sand.u32 $0x1FFFFFF0, s30;
	s6 =	sadd.s32 s3, s29;
	s31 =	spop (v2sf)  }
0x30a: {  	[tilespmem:s5], [sflag:$0x1] =	stream.linear.gather [hbm4b:s6+s2], $0x80, $0x38;
	[tilespmem:$0x19380] =	vst v63  }
0x30b: {  	s7 =	sadd.s32 s3, s7;
	s10 =	sand.u32 $0x1FFFFFF0, s31;
	s11 =	spop (v2sf)  }
0x30c: {  	[tilespmem:s9], [sflag:$0x1] =	stream.linear.gather [hbm4b:s7+s2], $0x80, $0x38;
	[tilespmem:$0x19380] =	vst v63  }
0x30d: {  	s5 =	sadd.s32 s3, s10;
	s6 =	sand.u32 $0x1FFFFFF0, s11;
	s12 =	spop (v2sf)  }
0x30e: {  	[tilespmem:s4], [sflag:$0x1] =	stream.linear.gather [hbm4b:s5+s2], $0x80, $0x38;
	[tilespmem:$0x19380] =	vst v63  }
0x30f: {  	s13 =	sand.u32 $0x1FFFFFF0, s12;
	s6 =	sadd.s32 s3, s6;
	s14 =	spop (v2sf)  }
0x310: {  	[tilespmem:s0], [sflag:$0x1] =	stream.linear.gather [hbm4b:s6+s2], $0x80, $0x38;
	[tilespmem:$0x19380] =	vst v63  }
0x311: {  	s15 =	sand.u32 $0x1FFFFFF0, s14;
	s26 =	spop (v2sf);
	s4 =	sadd.s32 s3, s13  }
0x312: {  	[tilespmem:s1], [sflag:$0x1] =	stream.linear.gather [hbm4b:s4+s2], $0x80, $0x38;
	[tilespmem:$0x19380] =	vst v63  }
0x313: {  	s30 =	sadd.s32 $0xA80, s25;
	s29 =	sand.u32 $0x1FFFFFF0, s26;
	s0 =	sadd.s32 s3, s15  }
0x314: {  	[tilespmem:s30], [sflag:$0x1] =	stream.linear.gather [hbm4b:s0+s2], $0x80, $0x38;
	[tilespmem:$0x19380] =	vst v63  }
0x315: {  	s31 =	sadd.s32 $0xB00, s25;
	s1 =	sadd.s32 s3, s29  }
0x316: {  	[tilespmem:s31], [sflag:$0x1] =	stream.linear.gather [hbm4b:s1+s2], $0x80, $0x38;
	[tilespmem:$0x19380] =	vst v63  }
0x317: {  	_ =	swait.ge [sflag:s22], $0x19000  }
0x318: {  	[sflag:s22] =	ssyncset.done $0x0  }
0x319: {  	s26 =	simm.s32 $0x0;
	[sflag:s22] =	ssyncadd.s32 $0xFFFE7000  }
0x31a: {  	[hbm4b:s17+s26] =	stream.linear.scatter [tilespmem:s23], [sflag:$0x2], $0x19000, $0x38;
	[tilespmem:$0x19380] =	vst v63  }
0x31b: {  	_ =	swait.ge [sflag:s21], $0x19000  }
0x31c: {  	[sflag:s21] =	ssyncset.done $0x0  }
0x31d: {  	[sflag:s21] =	ssyncadd.s32 $0xFFFE7000  }
0x31e: {  	[tilespmem:s26], [sflag:$0x2] =	stream.linear.gather [hbm4b:s18+s26], $0x320, $0x38;
	[tilespmem:$0x19380] =	vst v63  }
0x31f: {  	_ =	swait.ge [sflag:s21], $0x320  }
0x320: {  	[sflag:s21] =	ssyncset.done $0x0  }
0x321: {  	[sflag:s21] =	ssyncadd.s32 $0xFFFFFCE0  }
0x322: {  	v0 =	vld [tilespmem:s26+$0x0];
	_ =	sdelay $0x4  }
0x323: {  	v0 =	vshll.u32 v0, $0x4  }
0x324: {  	(v2sf) =	vpush v0, $0x0  }
0x325: {  	(v2sf) =	vpush v0, $0x1  }
0x326: {  	(v2sf) =	vpush v0, $0x2;
	_ =	sdelay $0x1  }
0x327: {  	(v2sf) =	vpush v0, $0x4;
	_ =	sdelay $0x1  }
0x328: {  	(v2sf) =	vpush v0, $0x3  }
0x329: {  	(v2sf) =	vpush v0, $0x5  }
0x32a: {  	s28 =	simm.s32 $0x2000;
	s25 =	simm.s32 $0x0;
	(v2sf) =	vpush v0, $0x6  }
.LBB2_16:
0x32b: {  	p0 =	sne.s32 s28, $0x62000  }
0x32c: {  	s8 =	sadd.s32 $0x400, s25;
	s0 =	sadd.s32 $0x900, s25;
	s29 =	smov.u32 s28  }
0x32d: {  	s28 =	sadd.s32 $0x2000, s28;
	s5 =	sadd.s32 $0x700, s25;
	s30 =	sadd.s32 $0x980, s25;
	(v2sf) =	vpush v0, $0x7  }
0x32e: {  	s7 =	sadd.s32 $0x600, s25;
	s4 =	sadd.s32 $0x780, s25;
	s31 =	sadd.s32 $0xA00, s25  }
0x32f: {  	s9 =	sadd.s32 $0x380, s25;
	s10 =	sadd.s32 $0x580, s25;
	(v2sf) =	vpush v0, $0x8  }
0x330: {  	s11 =	sadd.s32 $0x680, s25;
	s26 =	sadd.s32 $0x10, s26  }
0x331: {  	s12 =	sadd.s32 $0x480, s25;
	s1 =	sadd.s32 $0x880, s25;
	s6 =	spop (v2sf);
	(v2sf) =	vpush v0, $0x9  }
0x332: {  	s13 =	sand.u32 $0x1FFFFFF0, s6;
	s6 =	sadd.s32 $0x800, s25;
	s14 =	spop (v2sf)  }
0x333: {  	s13 =	sadd.s32 s3, s13;
	s14 =	sand.u32 $0x1FFFFFF0, s14;
	s15 =	spop (v2sf);
	(v2sf) =	vpush v0, $0xA  }
0x334: {  	[tilespmem:s9], [sflag:$0x1] =	stream.linear.gather [hbm4b:s13+s2], $0x80, $0x38;
	[tilespmem:$0x19380] =	vst v63  }
0x335: {  	s9 =	sadd.s32 s3, s14;
	s13 =	sadd.s32 $0x500, s25;
	s14 =	spop (v2sf);
	(v2sf) =	vpush v0, $0xB  }
0x336: {  	[tilespmem:s8], [sflag:$0x1] =	stream.linear.gather [hbm4b:s9+s2], $0x80, $0x38;
	[tilespmem:$0x19380] =	vst v63  }
0x337: {  	s8 =	sand.u32 $0x1FFFFFF0, s15;
	s9 =	sand.u32 $0x1FFFFFF0, s14;
	s14 =	spop (v2sf);
	(v2sf) =	vpush v0, $0xC  }
0x338: {  	s8 =	sadd.s32 s3, s8;
	s14 =	sand.u32 $0x1FFFFFF0, s14;
	s15 =	spop (v2sf)  }
0x339: {  	[tilespmem:s12], [sflag:$0x1] =	stream.linear.gather [hbm4b:s8+s2], $0x80, $0x38;
	(v2sf) =	vpush v0, $0xD;
	[tilespmem:$0x19380] =	vst v63  }
0x33a: {  	s8 =	sadd.s32 s3, s14;
	s12 =	sand.u32 $0x1FFFFFF0, s15;
	s14 =	spop (v2sf)  }
0x33b: {  	[tilespmem:s13], [sflag:$0x1] =	stream.linear.gather [hbm4b:s8+s2], $0x80, $0x38;
	(v2sf) =	vpush v0, $0xE;
	[tilespmem:$0x19380] =	vst v63  }
0x33c: {  	s8 =	sadd.s32 s3, s9;
	s9 =	sand.u32 $0x1FFFFFF0, s14;
	s13 =	spop (v2sf)  }
0x33d: {  	[tilespmem:s10], [sflag:$0x1] =	stream.linear.gather [hbm4b:s8+s2], $0x80, $0x38;
	(v2sf) =	vpush v0, $0xF;
	[tilespmem:$0x19380] =	vst v63  }
0x33e: {  	s8 =	sadd.s32 s3, s12;
	s10 =	sand.u32 $0x1FFFFFF0, s13;
	s12 =	spop (v2sf)  }
0x33f: {  	[tilespmem:s7], [sflag:$0x1] =	stream.linear.gather [hbm4b:s8+s2], $0x80, $0x38;
	[tilespmem:$0x19380] =	vst v63  }
0x340: {  	s7 =	sadd.s32 s3, s9;
	s8 =	sand.u32 $0x1FFFFFF0, s12;
	s9 =	spop (v2sf)  }
0x341: {  	[tilespmem:s11], [sflag:$0x1] =	stream.linear.gather [hbm4b:s7+s2], $0x80, $0x38;
	[tilespmem:$0x19380] =	vst v63  }
0x342: {  	s7 =	sadd.s32 s3, s10;
	s9 =	sand.u32 $0x1FFFFFF0, s9;
	s10 =	spop (v2sf)  }
0x343: {  	[tilespmem:s5], [sflag:$0x1] =	stream.linear.gather [hbm4b:s7+s2], $0x80, $0x38;
	[tilespmem:$0x19380] =	vst v63  }
0x344: {  	s5 =	sadd.s32 s3, s8;
	s7 =	sand.u32 $0x1FFFFFF0, s10;
	s8 =	spop (v2sf)  }
0x345: {  	[tilespmem:s4], [sflag:$0x1] =	stream.linear.gather [hbm4b:s5+s2], $0x80, $0x38;
	[tilespmem:$0x19380] =	vst v63  }
0x346: {  	s4 =	sadd.s32 s3, s9;
	s5 =	sand.u32 $0x1FFFFFF0, s8;
	s8 =	spop (v2sf)  }
0x347: {  	[tilespmem:s6], [sflag:$0x1] =	stream.linear.gather [hbm4b:s4+s2], $0x80, $0x38;
	[tilespmem:$0x19380] =	vst v63  }
0x348: {  	s4 =	sadd.s32 s3, s7;
	s6 =	sand.u32 $0x1FFFFFF0, s8;
	s7 =	spop (v2sf)  }
0x349: {  	[tilespmem:s1], [sflag:$0x1] =	stream.linear.gather [hbm4b:s4+s2], $0x80, $0x38;
	[tilespmem:$0x19380] =	vst v63  }
0x34a: {  	s1 =	sadd.s32 s3, s5;
	s4 =	sand.u32 $0x1FFFFFF0, s7;
	s5 =	spop (v2sf)  }
0x34b: {  	[tilespmem:s0], [sflag:$0x1] =	stream.linear.gather [hbm4b:s1+s2], $0x80, $0x38;
	[tilespmem:$0x19380] =	vst v63  }
0x34c: {  	s0 =	sadd.s32 s3, s6;
	s1 =	sand.u32 $0x1FFFFFF0, s5;
	s5 =	spop (v2sf)  }
0x34d: {  	[tilespmem:s30], [sflag:$0x1] =	stream.linear.gather [hbm4b:s0+s2], $0x80, $0x38;
	[tilespmem:$0x19380] =	vst v63  }
0x34e: {  	s0 =	sadd.s32 s3, s4;
	s4 =	sand.u32 $0x1FFFFFF0, s5  }
0x34f: {  	[tilespmem:s31], [sflag:$0x1] =	stream.linear.gather [hbm4b:s0+s2], $0x80, $0x38;
	[tilespmem:$0x19380] =	vst v63  }
0x350: {  	s1 =	sadd.s32 s3, s1;
	s0 =	sadd.s32 $0xA80, s25  }
0x351: {  	[tilespmem:s0], [sflag:$0x1] =	stream.linear.gather [hbm4b:s1+s2], $0x80, $0x38;
	[tilespmem:$0x19380] =	vst v63  }
0x352: {  	s0 =	sadd.s32 $0xB00, s25;
	s1 =	sadd.s32 s3, s4  }
0x353: {  	[tilespmem:s0], [sflag:$0x1] =	stream.linear.gather [hbm4b:s1+s2], $0x80, $0x38;
	[tilespmem:$0x19380] =	vst v63  }
0x354: {  	v0 =	vld [tilespmem:s26+$0x0];
	_ =	sdelay $0x4  }
0x355: {  	v0 =	vshll.u32 v0, $0x4  }
0x356: {  	(v2sf) =	vpush v0, $0x0  }
0x357: {  	(v2sf) =	vpush v0, $0x1  }
0x358: {  	(v2sf) =	vpush v0, $0x2;
	_ =	sdelay $0x1  }
0x359: {  	(v2sf) =	vpush v0, $0x4  }
.Ltmp7:
0x35a: {  	(pc) =	sbr.rel @p0 .LBB2_16-.Ltmp7, $3  }
0x35b: {  	(v2sf) =	vpush v0, $0x3  }
0x35c: {  	(v2sf) =	vpush v0, $0x5;
	_ =	sdelay $0x1  }
0x35d: {  	s25 =	sshra.s32 s29, $0x2;
	(v2sf) =	vpush v0, $0x6  }
0x35e: {  	_ =	sdelay $0x1  }
0x35f: {  	s5 =	sadd.s32 $0x400, s25;
	s4 =	sadd.s32 $0x900, s25  }
0x360: {  	s6 =	sadd.s32 $0x700, s25;
	s0 =	sadd.s32 $0x980, s25;
	(v2sf) =	vpush v0, $0x7;
	s7 =	sadd.s32 $0x600, s25  }
0x361: {  	s8 =	sadd.s32 $0x780, s25;
	s1 =	sadd.s32 $0xA00, s25;
	s9 =	sadd.s32 $0x380, s25  }
0x362: {  	s10 =	sadd.s32 $0x580, s25;
	s11 =	sadd.s32 $0x680, s25;
	(v2sf) =	vpush v0, $0x8;
	s12 =	spop (v2sf)  }
0x363: {  	s13 =	sadd.s32 $0x480, s25;
	s12 =	sand.u32 $0x1FFFFFF0, s12;
	s14 =	spop (v2sf)  }
0x364: {  	(v2sf) =	vpush v0, $0x9;
	s12 =	sadd.s32 s3, s12;
	s14 =	sand.u32 $0x1FFFFFF0, s14;
	s15 =	spop (v2sf)  }
0x365: {  	[tilespmem:s9], [sflag:$0x1] =	stream.linear.gather [hbm4b:s12+s2], $0x80, $0x38;
	[tilespmem:$0x19380] =	vst v63  }
0x366: {  	(v2sf) =	vpush v0, $0xA;
	s26 =	sadd.s32 s3, s14;
	s29 =	sand.u32 $0x1FFFFFF0, s15;
	s28 =	spop (v2sf)  }
0x367: {  	[tilespmem:s5], [sflag:$0x1] =	stream.linear.gather [hbm4b:s26+s2], $0x80, $0x38;
	[tilespmem:$0x19380] =	vst v63  }
0x368: {  	s9 =	sadd.s32 $0x880, s25;
	(v2sf) =	vpush v0, $0xB;
	s12 =	sadd.s32 s3, s29;
	s30 =	spop (v2sf)  }
0x369: {  	s5 =	sadd.s32 $0x800, s25;
	s26 =	sadd.s32 $0x500, s25;
	s15 =	sand.u32 $0x1FFFFFF0, s30  }
0x36a: {  	(v2sf) =	vpush v0, $0xC;
	[tilespmem:s13], [sflag:$0x1] =	stream.linear.gather [hbm4b:s12+s2], $0x80, $0x38;
	[tilespmem:$0x19380] =	vst v63  }
0x36b: {  	s31 =	sand.u32 $0x1FFFFFF0, s28;
	s28 =	spop (v2sf);
	s29 =	sadd.s32 s3, s15  }
0x36c: {  	(v2sf) =	vpush v0, $0xD;
	[tilespmem:s26], [sflag:$0x1] =	stream.linear.gather [hbm4b:s29+s2], $0x80, $0x38;
	[tilespmem:$0x19380] =	vst v63  }
0x36d: {  	s12 =	sadd.s32 s3, s31;
	s13 =	sand.u32 $0x1FFFFFF0, s28;
	s30 =	spop (v2sf)  }
0x36e: {  	(v2sf) =	vpush v0, $0xE;
	[tilespmem:s10], [sflag:$0x1] =	stream.linear.gather [hbm4b:s12+s2], $0x80, $0x38;
	[tilespmem:$0x19380] =	vst v63  }
0x36f: {  	s13 =	sadd.s32 s3, s13;
	s31 =	sand.u32 $0x1FFFFFF0, s30;
	s14 =	spop (v2sf)  }
0x370: {  	(v2sf) =	vpush v0, $0xF;
	[tilespmem:s7], [sflag:$0x1] =	stream.linear.gather [hbm4b:s13+s2], $0x80, $0x38;
	[tilespmem:$0x19380] =	vst v63  }
0x371: {  	s15 =	sand.u32 $0x1FFFFFF0, s14;
	s26 =	spop (v2sf);
	s10 =	sadd.s32 s3, s31  }
0x372: {  	[tilespmem:s11], [sflag:$0x1] =	stream.linear.gather [hbm4b:s10+s2], $0x80, $0x38;
	[tilespmem:$0x19380] =	vst v63  }
0x373: {  	s28 =	sand.u32 $0x1FFFFFF0, s26;
	s7 =	sadd.s32 s3, s15;
	s29 =	spop (v2sf)  }
0x374: {  	[tilespmem:s6], [sflag:$0x1] =	stream.linear.gather [hbm4b:s7+s2], $0x80, $0x38;
	[tilespmem:$0x19380] =	vst v63  }
0x375: {  	s10 =	sadd.s32 s3, s28;
	s30 =	sand.u32 $0x1FFFFFF0, s29;
	s31 =	spop (v2sf)  }
0x376: {  	[tilespmem:s8], [sflag:$0x1] =	stream.linear.gather [hbm4b:s10+s2], $0x80, $0x38;
	[tilespmem:$0x19380] =	vst v63  }
0x377: {  	s7 =	sand.u32 $0x1FFFFFF0, s31;
	s6 =	sadd.s32 s3, s30;
	s10 =	spop (v2sf)  }
0x378: {  	[tilespmem:s5], [sflag:$0x1] =	stream.linear.gather [hbm4b:s6+s2], $0x80, $0x38;
	[tilespmem:$0x19380] =	vst v63  }
0x379: {  	s7 =	sadd.s32 s3, s7;
	s11 =	sand.u32 $0x1FFFFFF0, s10;
	s12 =	spop (v2sf)  }
0x37a: {  	[tilespmem:s9], [sflag:$0x1] =	stream.linear.gather [hbm4b:s7+s2], $0x80, $0x38;
	[tilespmem:$0x19380] =	vst v63  }
0x37b: {  	s5 =	sadd.s32 s3, s11;
	s6 =	sand.u32 $0x1FFFFFF0, s12;
	s13 =	spop (v2sf)  }
0x37c: {  	[tilespmem:s4], [sflag:$0x1] =	stream.linear.gather [hbm4b:s5+s2], $0x80, $0x38;
	[tilespmem:$0x19380] =	vst v63  }
0x37d: {  	s14 =	sand.u32 $0x1FFFFFF0, s13;
	s6 =	sadd.s32 s3, s6;
	s15 =	spop (v2sf)  }
0x37e: {  	[tilespmem:s0], [sflag:$0x1] =	stream.linear.gather [hbm4b:s6+s2], $0x80, $0x38;
	[tilespmem:$0x19380] =	vst v63  }
0x37f: {  	s26 =	sand.u32 $0x1FFFFFF0, s15;
	s28 =	spop (v2sf);
	s4 =	sadd.s32 s3, s14  }
0x380: {  	[tilespmem:s1], [sflag:$0x1] =	stream.linear.gather [hbm4b:s4+s2], $0x80, $0x38;
	[tilespmem:$0x19380] =	vst v63  }
0x381: {  	s30 =	sadd.s32 $0xA80, s25;
	s29 =	sand.u32 $0x1FFFFFF0, s28;
	s0 =	sadd.s32 s3, s26  }
0x382: {  	[tilespmem:s30], [sflag:$0x1] =	stream.linear.gather [hbm4b:s0+s2], $0x80, $0x38;
	[tilespmem:$0x19380] =	vst v63  }
0x383: {  	s31 =	sadd.s32 $0xB00, s25;
	s1 =	sadd.s32 s3, s29  }
0x384: {  	[tilespmem:s31], [sflag:$0x1] =	stream.linear.gather [hbm4b:s1+s2], $0x80, $0x38;
	[tilespmem:$0x19380] =	vst v63  }
0x385: {  	s24 =	sadd.s32 $0x1, s24;
	_ =	swait.ge [sflag:s22], $0x19000  }
0x386: {  	p0 =	sne.s32 s24, s20;
	[sflag:s22] =	ssyncset.done $0x0  }
.Ltmp8:
0x387: {  	[sflag:s22] =	ssyncadd.s32 $0xFFFE7000;
	(pc) =	sbr.rel @p0 .LBB2_1-.Ltmp8, $4  }
0x388: {  	[hbm4b:s19+s2] =	stream.linear.scatter [tilespmem:s23], [sflag:$0x2], $0x19000, $0x38;
	[tilespmem:$0x19380] =	vst v63  }
0x389: {  	_ =	swait.ge [sflag:s21], $0x19000  }
0x38a: {  	[sflag:s21] =	ssyncset.done $0x0  }
0x38b: {  	[sflag:s21] =	ssyncadd.s32 $0xFFFE7000  }
0x38c: {  	_ =	sfence.sel $0x180000  }
0x38d: {  	[bflag:$0x0] =	sbarrier.arrive $0xFFFF  }
0x38e: {  	_ =	strace $0x90000047  }
0x38f: {  	s0 =	stileid.u32;
	[bflag:$0x2] =	sbarrier.arrive $0xFFFF  }
0x390: {  	p0 =	sne.s32 s0, $0x0;
	s0 =	rddreg [dreg:$0x2]  }
0x391: {  	s0 =	sadd.s32 @!p0 $0x100000, s0  }
0x392: {  	[sflag:s0] =	ssyncadd.tile.s32 @!p0 $0x1;
	_ =	shalt  }
.Lfunc_end2:
_tile_overlayer_lowered:
.L_overlay_start_2:
0x393: {  	(tag) =	ssettag $0x2  }
0x394: {  	s0 =	rddreg [dreg:$0x0];
	s2 =	stileid.u32  }
0x395: {  	s1 =	rddreg [dreg:$0x1];
	p0 =	sne.s32 s2, $0x0  }
0x396: {  	s3 =	rddreg [dreg:$0x2];
	[bflag:$0x3] =	sbarrier.arrive $0xFFFF;
	s2 =	simm.s32 @!p0 $0x1C02  }
0x397: {  	[timem:s3], [sflag:s2] =	dma.local @!p0 [hbm:s0], s1  }
0x398: {  	s0 =	simm.s32 @!p0 $0x2  }
0x399: {  	_ =	swait.ge @!p0 [sflag:s0], s1  }
0x39a: {  	s1 =	ssub.s32 @!p0 $0x0, s1;
	[sflag:s0] =	ssyncset.done @!p0 $0x0  }
0x39b: {  	[sflag:s0] =	ssyncadd.s32 @!p0 s1  }
0x39c: {  	[bflag:$0x3] =	sbarrier.arrive $0xFFFF  }
0x39d: {  	_ =	shalt  }

// kernel: sparse-core-data-format-call.cloned.1.call-start
scs
called_computation_lowered:
.L_overlay_start_0:
0x0: {  	s2 =	sld [smem:$0x3FD9]  }
0x1: {  	s3 =	sld [smem:$0x3FFE];
	_ =	sdelay $0x1  }
0x2: {  	s1 =	srdreg.scid  }
0x3: {  	s0 =	sand.u32 $0x1, s1  }
0x4: {  	s18 =	sshll.u32 s0, $0xA;
	s2 =	sadd.s32 s3, s2  }
0x5: {  	s2 =	sadd.s32 s2, s18  }
0x6: {  	[smem:$0x3FC6] =	sst s2  }
0x7: {  	_ = 	snop  }
0x8: {  	s2 =	sld [smem:$0x3FD0];
	(tm) =	ssettm $0x1  }
0x9: {  	s19 =	sld [smem:$0x3FFB];
	_ =	sdelay $0x3  }
0xa: {  	_ =	strace s19  }
0xb: {  	s3 =	sld [smem:$0x3FFC];
	_ =	sdelay $0x3  }
0xc: {  	_ =	strace s3  }
0xd: {  	s3 =	sld [smem:$0x3FFD];
	_ =	sdelay $0x3  }
0xe: {  	_ =	strace s3  }
0xf: {  	_ =	strace $0x8FFFFFFF  }
0x10: {  	s20 =	sld [smem:$0x3FDB];
	_ =	sdelay $0x1  }
0x11: {  	s4 =	simm.s32 $_scs_section_size  }
0x12: {  	s5 =	simm.s32 $_size__tile_overlayer_lowered;
	s6 =	simm.s32 $_tile_overlayer_lowered  }
0x13: {  	s23 =	simm.s32 $0x1BFF;
	s22 =	sshll.u32 s6, $0x1;
	s3 =	sadd.s32 s4, s20  }
0x14: {  	s7 =	simm.s32 $0x0;
	s21 =	sshll.u32 s5, $0x1;
	s5 =	sadd.s32 s22, s3  }
0x15: {  	[timem:s7], [sflag:s23] =	dma.local [hbm:s5], s21  }
0x16: {  	_ =	swait.ge [sflag:s23], s21  }
0x17: {  	s4 =	ssub.s32 $0x0, s21;
	[sflag:s23] =	ssyncset.done $0x0  }
0x18: {  	[sflag:s23] =	ssyncadd.s32 s4;
	_ =	sdelay $0x1  }
0x19: {  	s24 =	simm.s32 $0x1B8B  }
0x1a: {  	_ =	swait.ge [sflag:s24], $0x1  }
0x1b: {  	[sflag:s24] =	ssyncset.done $0x0  }
0x1c: {  	s26 =	simm.s32 $0x1B8E;
	s25 =	sld [smem:$0x3FFE];
	[sflag:s24] =	ssyncadd.s32 $0xFFFFFFFF  }
0x1d: {  	s27 =	simm.s32 $execute0_lowered;
	[smem:$0x3FD2] =	sst s26  }
0x1e: {  	s5 =	sshll.u32 s27, $0x1;
	_ =	strace $0x80000049;
	[dreg:$0x1] =	wrdreg $0xFFFFFFFF  }
0x1f: {  	s28 =	simm.s32 $_size_execute0_lowered;
	s3 =	sadd.s32 s3, s5;
	[dreg:$0x0] =	wrdreg $0x0  }
0x20: {  	s5 =	sshll.u32 s28, $0x1;
	[dreg:$0x2] =	wrdreg s3  }
0x21: {  	[dreg:$0x3] =	wrdreg s5  }
0x22: {  	[dreg:$0x4] =	wrdreg $0xC0  }
0x23: {  	_ =	task [dreg:s7], $0x5FFFF  }
0x24: {  	[dreg:$0x1] =	wrdreg $0xFFFFFFFF  }
0x25: {  	[dreg:$0x0] =	wrdreg $0x60  }
0x26: {  	[dreg:$0x2] =	wrdreg s25  }
0x27: {  	[dreg:$0x3] =	wrdreg s2  }
0x28: {  	[dreg:$0x4] =	wrdreg $0x9  }
0x29: {  	_ =	task.clear_ibuf [dreg:s7], $0x5FFFF;
	_ =	strace $0x90000049  }
0x2a: {  	s29 =	simm.s32 $0x9;
	_ =	strace $0x8000004B  }
0x2b: {  	_ =	swait.ge [sflag:s29], $0x1  }
0x2c: {  	[sflag:s29] =	ssyncadd.s32 $0xFFFFFFFF  }
0x2d: {  	_ =	strace $0x9000004B  }
0x2e: {  	_ =	sfence  }
0x2f: {  	s30 =	sld [smem:$0x0];
	_ =	sdelay $0x2  }
0x30: {  	s31 =	sshll.u32 s1, $0xD;
	s1 =	sshrl.u32 s1, $0x2  }
0x31: {  	s3 =	sand.u32 $0x4000, s31;
	s1 =	sadd.s32 s1, s30  }
0x32: {  	s0 =	sor.u32 s3, s0;
	s1 =	sshll.u32 s1, $0x11  }
0x33: {  	s0 =	sor.u32 s1, s0  }
0x34: {  	s0 =	sadd.s32 $0x8F2B, s0  }
0x35: {  	[sflag:s0] =	ssyncadd.remote.s32 $0x1  }
0x36: {  	_ =	sfence.sel $0xFFFF  }
0x37: {  	[dreg:$0x0] =	wrdreg $0xFFFFFFFF;
	(pc) =	sbr.abs _section_cstart, $3  }
0x38: {  	[dreg:$0x1] =	wrdreg $0xFFFFFFFF  }
0x39: {  	_ =	task.clear_ibuf [dreg:s7], $0x2FFFF;
	_ =	strace $0x9FFFFFFF  }
0x3a: {  	(tm) =	ssettm $0x7FFFFFFF  }
0x3b: {  	_ =	shalt  }
tec
execute0_lowered:
.L_overlay_start_1:
0x0: {  	(tag) =	ssettag $0x1  }
0x1: {  	s0 =	srdreg.scid  }
0x2: {  	s1 =	sshll.u32 s0, $0x4  }
0x3: {  	s0 =	stileid.u32;
	s1 =	sand.u32 $0x10, s1  }
0x4: {  	s1 =	sor.u32 s0, s1  }
0x5: {  	s6 =	rddreg [dreg:$0x0];
	s4 =	simm.s32 $0x1;
	s2 =	sshll.u32 s1, $0x7  }
0x6: {  	s7 =	simm.s32 $0x2;
	s12 =	simm.s32 $0x0;
	s1 =	ssub.s32 $0x1000, s2  }
0x7: {  	s8 =	simm.s32 $0x8000;
	s13 =	simm.s32 $0x0;
	s3 =	sand.u32 $0xF80, s1  }
0x8: {  	s9 =	simm.s32 $0x0;
	s5 =	sshrl.u32 s1, $0xC;
	p0 =	sne.s32 s3, $0x0  }
.Ltmp0:
0x9: {  	s1 =	rddreg [dreg:$0x2];
	s4 =	simm.s32 @!p0 $0x0;
	(pc) =	sbr.rel .LBB1_1-.Ltmp0, $4  }
0xa: {  	s11 =	simm.s32 $0x0;
	s3 =	rddreg [dreg:$0x1];
	s5 =	sadd.s32 s4, s5  }
0xb: {  	_ =	strace $0x8000004A;
	s4 =	simm.s32 $0x1;
	s5 =	smul.u32 $0x32, s5  }
0xc: {  	s6 =	sadd.s32 $0x800, s6;
	s10 =	smov.u32 s2;
	[sflag:s4] =	ssyncpa.u1 $0x0  }
0xd: {  	p0 =	por $0x0, $0x0;
	[sflag:s7] =	ssyncpa.u1 $0x0;
	s7 =	sor.u32 $0x1, s5  }
.LBB1_4:
0xe: {  	s16 =	sshll.u32 s13, $0x3;
	s17 =	sand.u32 $0x78, s13  }
0xf: {  	s30 =	sand.u32 $0x7E00, s13;
	s12 =	sshll.u32 s12, $0xF;
	s16 =	sand.u32 $0xC00, s16  }
0x10: {  	[tilespmem:s15+$0x810 ss:$0x81] =	vst.msk $0xffff, v2;
	s31 =	sand.u32 $0x7, s13;
	s16 =	sor.u32 s17, s16;
	s17 =	sadd.s32 s3, s30  }
0x11: {  	[tilespmem:s15+$0x1020 ss:$0x81] =	vst.msk $0xffff, v0;
	s13 =	sshll.u32 s31, $0x12;
	s12 =	sadd.s32 s12, s17;
	s16 =	sshrl.u32 s16, $0x3  }
0x12: {  	[tilespmem:s15+$0x0 ss:$0x81] =	vst.msk $0xffff, v1;
	s13 =	sor.u32 $0x400, s13;
	s12 =	sadd.s32 s16, s12  }
0x13: {  	[hbm4b:s12+s13] =	stream.strided.scatter [tilespmem:s14], [sflag:$0x2], $0x2000, s8, s13, $0x20;
	[tilespmem:$0x8080] =	vst v63  }
.LBB1_5:
0x14: {  	s14 =	sadd.s32 $0x1, s9  }
0x15: {  	s12 =	sadd.s32 $0x1000, s10;
	s16 =	smov.u32 s10;
	p2 =	sgt.s32 s14, $0x31  }
0x16: {  	s16 =	smov.u32 @p2 s12  }
0x17: {  	s14 =	simm.s32 @p2 $0x0;
	p2 =	sgt.s32 s16, $0xFFF  }
0x18: {  	s16 =	smov.u32 @p2 s2;
	p2 =	sne.s32 s11, s7  }
.Ltmp1:
0x19: {  	p1 =	slt.u32 s11, $0x2;
	(pc) =	sbr.rel @!p2 .LBB1_6-.Ltmp1, $4  }
0x1a: {  	s15 =	simm.s32 @!p1 $0x2  }
0x1b: {  	s13 =	smov.u32 s10;
	p0 =	por !p0, !p0;
	_ =	swait.ge @!p1 [sflag:s15], $0x2000  }
0x1c: {  	s12 =	smov.u32 s9;
	[sflag:s15] =	ssyncset.done @!p1 $0x0;
	s9 =	smov.u32 s14  }
0x1d: {  	s11 =	sadd.s32 $0x1, s11;
	[sflag:s15] =	ssyncadd.s32 @!p1 $0xFFFFE000;
	s10 =	smov.u32 s16  }
.LBB1_1:
0x1e: {  	p1 =	sge.u32 s11, s5  }
0x1f: {  	s14 =	sand.u32 @!p1 $0x1FFFFFF, s9  }
0x20: {  	s15 =	smulhi.u32 @!p1 $0x4924925, s14;
	_ =	sdelay $0x1  }
0x21: {  	s15 =	smul.u32 @!p1 $0x38, s15  }
0x22: {  	s16 =	sxor.u32 @!p1 $0xFFFFFFFF, s11;
	s17 =	smul.u32 @!p1 $0x380, s10  }
0x23: {  	s31 =	sadd.s32 $0xFFFFFFFF, s11;
	s16 =	sshll.u32 @!p1 s16, $0xD;
	s14 =	ssub.s32 @!p1 s14, s15  }
0x24: {  	s15 =	sand.u32 @!p1 $0x2000, s16;
	s16 =	sadd.s32 @!p1 s6, s17;
	s14 =	sshll.u32 @!p1 s14, $0x4  }
0x25: {  	s17 =	simm.s32 @!p1 $0x1C00;
	s14 =	sadd.s32 @!p1 s14, s16;
	s16 =	simm.s32 @!p1 $0x40  }
0x26: {  	[tilespmem:s15], [sflag:$0x1] =	stream.strided.gather @!p1 [hbm4b:s14+s16], $0x2000, s17, s16, $0x38;
	[tilespmem:$0x8080] =	vst v63  }
0x27: {  	p1 =	sge.u32 s31, s5  }
.Ltmp2:
0x28: {  	_ = 	snop;
	(pc) =	sbr.rel @p1 .LBB1_5-.Ltmp2, $1  }
0x29: {  	_ =	sdelay $0x3  }
0x2a: {  	s14 =	simm.s32 $0x1  }
0x2b: {  	_ =	swait.ge [sflag:s4], $0x2000;
	s14 =	simm.s32 @!p0 $0x0  }
0x2c: {  	[sflag:s4] =	ssyncset.done $0x0;
	s15 =	sshll.u32 s14, $0xD  }
0x2d: {  	[sflag:s4] =	ssyncadd.s32 $0xFFFFE000;
	s18 =	sor.u32 $0x20, s15  }
0x2e: {  	s14 =	smul.u32 $0x8100, s14;
	v3 =	vld [tilespmem:s18+$0x10]  }
0x2f: {  	s30 =	sand.u32 $0x1, s11;
	v2 =	vld [tilespmem:s18+$0xFFFFFFF0]  }
0x30: {  	s15 =	smul.u32 $0x8100, s30;
	s14 =	sshrl.u32 s14, $0x2;
	v0 =	vld [tilespmem:s18+$0x0]  }
0x31: {  	v1 =	vld [tilespmem:s18+$0xFFFFFFE0];
	s16 =	sor.u32 $0x4000, s14  }
0x32: {  	s31 =	sshrl.u32 s15, $0x2;
	s15 =	sadd.s32 $0x0, s16  }
0x33: {  	s17 =	simm.s32 $0x4;
	s18 =	sadd.s32 $0x40, s18;
	s14 =	sor.u32 $0x4000, s31;
	[tilespmem:s15+$0x1830 ss:$0x81] =	vst.msk $0xffff, v3  }
.LBB1_3:
0x34: {  	v3 =	vld [tilespmem:s18+$0x10];
	p1 =	sne.s32 s17, $0x1FC;
	[tilespmem:s15+$0x810 ss:$0x81] =	vst.msk $0xffff, v2;
	s19 =	smov.u32 s17;
	s17 =	sadd.s32 $0x4, s17  }
.Ltmp3:
0x35: {  	v2 =	vld [tilespmem:s18+$0xFFFFFFF0];
	[tilespmem:s15+$0x1020 ss:$0x81] =	vst.msk $0xffff, v0;
	(pc) =	sbr.rel @p1 .LBB1_3-.Ltmp3, $4  }
0x36: {  	v0 =	vld [tilespmem:s18+$0x0];
	[tilespmem:s15+$0x0 ss:$0x81] =	vst.msk $0xffff, v1  }
0x37: {  	s15 =	sshra.s32 s19, $0x2;
	v1 =	vld [tilespmem:s18+$0xFFFFFFE0]  }
0x38: {  	s15 =	sadd.s32 s15, s16  }
0x39: {  	s18 =	sadd.s32 $0x40, s18;
	[tilespmem:s15+$0x1830 ss:$0x81] =	vst.msk $0xffff, v3  }
.Ltmp4:
0x3a: {  	_ = 	snop;
	(pc) =	sbr.rel .LBB1_4-.Ltmp4, $1  }
0x3b: {  	_ =	sdelay $0x3  }
.LBB1_6:
0x3c: {  	_ =	sfence.sel $0x180000  }
0x3d: {  	s2 =	simm.s32 $0x1;
	[bflag:$0x0] =	sbarrier.arrive $0xFFFF  }
0x3e: {  	s31 =	simm.s32 $0x2;
	[sflag:s2] =	ssyncpa.u1 $0x1  }
0x3f: {  	[sflag:s31] =	ssyncpa.u1 $0x1  }
0x40: {  	p0 =	sne.s32 s0, $0x0;
	_ =	strace $0x9000004A  }
0x41: {  	s0 =	sadd.s32 @!p0 $0x100000, s1;
	[bflag:$0x2] =	sbarrier.arrive $0xFFFF  }
0x42: {  	[sflag:s0] =	ssyncadd.tile.s32 @!p0 $0x1;
	_ =	shalt  }
.Lfunc_end1:
_tile_overlayer_lowered:
.L_overlay_start_2:
0x43: {  	(tag) =	ssettag $0x2  }
0x44: {  	s0 =	rddreg [dreg:$0x0];
	s2 =	stileid.u32  }
0x45: {  	s1 =	rddreg [dreg:$0x1];
	p0 =	sne.s32 s2, $0x0  }
0x46: {  	s3 =	rddreg [dreg:$0x2];
	[bflag:$0x3] =	sbarrier.arrive $0xFFFF;
	s2 =	simm.s32 @!p0 $0x1C01  }
0x47: {  	[timem:s3], [sflag:s2] =	dma.local @!p0 [hbm:s0], s1  }
0x48: {  	s0 =	simm.s32 @!p0 $0x1  }
0x49: {  	_ =	swait.ge @!p0 [sflag:s0], s1  }
0x4a: {  	s1 =	ssub.s32 @!p0 $0x0, s1;
	[sflag:s0] =	ssyncset.done @!p0 $0x0  }
0x4b: {  	[sflag:s0] =	ssyncadd.s32 @!p0 s1  }
0x4c: {  	[bflag:$0x3] =	sbarrier.arrive $0xFFFF  }
0x4d: {  	_ =	shalt  }

</sc_bundles>
